<compile_context>
chip_gen: v7x
topology: tpu7x:2x2x1
jax: 0.10.2.dev20260603
libtpu: 0.0.44.dev20260713+nightly
codegen_flags: <defaults>
</compile_context>

<pallas_src>
import functools

import jax
import jax.numpy as jnp
from jax import lax
from jax.experimental import pallas as pl
from jax.experimental.pallas import tpu as pltpu
from jax.experimental.pallas import tpu_sc as plsc

N = 50000
NREL = 41
NT = 20
E = 800000
H = 400000
D = 64
DO = 128
B = 4096

EPD = 409600
PAD = EPD - H
PER_SUB = 25600
K = 1024
CHUNKS = PER_SUB // K
KC = 320
CCHUNKS = PER_SUB // KC
NPAD = 51200
ZROWS = 3200
NTG = 5
NBG = NT // NTG
BFLAT = NPAD * NTG
BSUB = BFLAT // 16
BCH = 3200
BTRASH = BFLAT - 1
NPASS = 5
PROWS = 10240
RR = 10368
RSUB = 648
RZCH = 216
OSUB = 640
OCH = 320
TRASH = 10240

_mesh = plsc.VectorSubcoreMesh(core_axis_name="c", subcore_axis_name="s")


@functools.partial(
    pl.kernel, mesh=_mesh,
    out_type=jax.ShapeDtypeStruct((2 * NPAD,), jnp.float32),
    scratch_types=[
        pltpu.VMEM((K,), jnp.int32),
        pltpu.VMEM((K,), jnp.float32),
        pltpu.VMEM_SHARED((NPAD,), jnp.float32),
    ],
)
def _deg_kernel(rows_hbm, zeros_hbm, deg_hbm, idx_v, ones_v, deg_sp):
    c = lax.axis_index("c")
    s = lax.axis_index("s")
    zoff = pl.multiple_of(s * ZROWS, 8)
    pltpu.sync_copy(zeros_hbm.at[pl.ds(0, ZROWS)], deg_sp.at[pl.ds(zoff, ZROWS)])
    for i in range(K // 16):
        ones_v[pl.ds(i * 16, 16)] = jnp.full((16,), 1.0, jnp.float32)
    plsc.subcore_barrier()

    base = pl.multiple_of(c * EPD + s * PER_SUB, 8)

    def chunk(k, carry):
        off = pl.multiple_of(base + k * K, 8)
        pltpu.sync_copy(rows_hbm.at[pl.ds(off, K)], idx_v)
        pltpu.sync_copy(ones_v, deg_sp.at[idx_v], add=True)
        return carry

    lax.fori_loop(0, CHUNKS, chunk, 0)
    plsc.subcore_barrier()
    ooff = pl.multiple_of(c * NPAD + s * ZROWS, 8)
    pltpu.sync_copy(deg_sp.at[pl.ds(zoff, ZROWS)], deg_hbm.at[pl.ds(ooff, ZROWS)])


@functools.partial(
    pl.kernel, mesh=_mesh,
    out_type=jax.ShapeDtypeStruct((2 * NPASS * PROWS, DO), jnp.float32),
    scratch_types=[
        pltpu.VMEM((KC,), jnp.int32),
        pltpu.VMEM((KC,), jnp.int32),
        pltpu.VMEM((KC, DO), jnp.float32),
        pltpu.VMEM_SHARED((RR, DO), jnp.float32),
        pltpu.SemaphoreType.DMA,
    ],
)
def _conv_kernel(rowsb_hbm, colp_hbm, m_hbm, zeros_hbm, acc_hbm,
                 rows_v, cols_v, xg_v, acc_sp, sem):
    c = lax.axis_index("c")
    s = lax.axis_index("s")

    for p in range(NPASS):
        for i in range(RSUB // RZCH):
            zo = pl.multiple_of(s * RSUB + i * RZCH, 8)
            pltpu.sync_copy(zeros_hbm, acc_sp.at[pl.ds(zo, RZCH)])
        plsc.subcore_barrier()

        rbase = pl.multiple_of(c * EPD + s * PER_SUB, 8)
        cbase = pl.multiple_of(p * (2 * EPD) + c * EPD + s * PER_SUB, 8)

        def chunk(k, carry):
            roff = pl.multiple_of(rbase + k * KC, 8)
            coff = pl.multiple_of(cbase + k * KC, 8)
            pltpu.sync_copy(rowsb_hbm.at[pl.ds(roff, KC)], rows_v)
            pltpu.sync_copy(colp_hbm.at[pl.ds(coff, KC)], cols_v)
            pltpu.async_copy(m_hbm.at[rows_v], xg_v, sem).wait()
            pltpu.sync_copy(xg_v, acc_sp.at[cols_v], add=True)
            return carry

        lax.fori_loop(0, CCHUNKS, chunk, 0)
        plsc.subcore_barrier()
        obase = c * (NPASS * PROWS) + p * PROWS + s * OSUB
        for i in range(OSUB // OCH):
            so = pl.multiple_of(s * OSUB + i * OCH, 8)
            oo = pl.multiple_of(obase + i * OCH, 8)
            pltpu.sync_copy(acc_sp.at[pl.ds(so, OCH)],
                            acc_hbm.at[pl.ds(oo, OCH)])


@functools.partial(
    pl.kernel, mesh=_mesh,
    out_type=jax.ShapeDtypeStruct((NBG * 2 * BFLAT,), jnp.float32),
    scratch_types=[
        pltpu.VMEM((K,), jnp.int32),
        pltpu.VMEM((K,), jnp.int32),
        pltpu.VMEM((K,), jnp.float32),
        pltpu.VMEM_SHARED((BFLAT,), jnp.float32),
        pltpu.SemaphoreType.DMA,
    ],
)
def _bmat_kernel(rowsb_hbm, flat_hbm, dinv_hbm, zeros_hbm, b_hbm,
                 roff_v, flat_v, dg_v, b_sp, sem):
    c = lax.axis_index("c")
    s = lax.axis_index("s")
    zoff = pl.multiple_of(s * BSUB, 8)

    for g in range(NBG):
        for i in range(BSUB // BCH):
            pltpu.sync_copy(zeros_hbm.at[pl.ds(0, BCH)],
                            b_sp.at[pl.ds(zoff + i * BCH, BCH)])
        plsc.subcore_barrier()

        base = pl.multiple_of(g * (2 * EPD) + c * EPD + s * PER_SUB, 8)

        def chunk(k, carry):
            off = pl.multiple_of(base + k * K, 8)
            pltpu.sync_copy(rowsb_hbm.at[pl.ds(off, K)], roff_v)
            pltpu.sync_copy(flat_hbm.at[pl.ds(off, K)], flat_v)
            pltpu.async_copy(dinv_hbm.at[roff_v], dg_v, sem).wait()
            pltpu.sync_copy(dg_v, b_sp.at[flat_v], add=True)
            return carry

        lax.fori_loop(0, CHUNKS, chunk, 0)
        plsc.subcore_barrier()
        for i in range(BSUB // BCH):
            oo = pl.multiple_of(g * (2 * BFLAT) + c * BFLAT
                                + zoff + i * BCH, 8)
            pltpu.sync_copy(b_sp.at[pl.ds(zoff + i * BCH, BCH)],
                            b_hbm.at[pl.ds(oo, BCH)])


@functools.partial(
    pl.kernel, mesh=_mesh,
    out_type=[jax.ShapeDtypeStruct((B, DO), jnp.float32),
              jax.ShapeDtypeStruct((B, DO), jnp.float32)],
    scratch_types=[
        pltpu.VMEM((B // 32,), jnp.int32),
        pltpu.VMEM((B // 32, DO), jnp.float32),
        pltpu.SemaphoreType.DMA,
    ],
)
def _gather_kernel(x_hbm, r_hbm, sub_hbm, rel_hbm, sub_out, rel_out,
                   idx_v, rows_v, sem):
    c = lax.axis_index("c")
    s = lax.axis_index("s")
    nb = B // 32
    base = pl.multiple_of((s * 2 + c) * nb, 8)
    pltpu.sync_copy(sub_hbm.at[pl.ds(base, nb)], idx_v)
    pltpu.async_copy(x_hbm.at[idx_v], rows_v, sem).wait()
    pltpu.sync_copy(rows_v, sub_out.at[pl.ds(base, nb)])
    pltpu.sync_copy(rel_hbm.at[pl.ds(base, nb)], idx_v)
    pltpu.async_copy(r_hbm.at[idx_v], rows_v, sem).wait()
    pltpu.sync_copy(rows_v, rel_out.at[pl.ds(base, nb)])


_R = 2000


def _init_body(feat_ref, id_ref, g_ref, a_ref, l_ref, out_ref):
    feat = feat_ref[...]
    iota = lax.broadcasted_iota(jnp.int32, (_R, 16), 1)

    def lut(tab, col):
        oh = (feat[:, col:col + 1] == iota).astype(jnp.float32)
        return jnp.dot(oh, tab, preferred_element_type=jnp.float32)

    out_ref[...] = jnp.concatenate(
        [id_ref[...], lut(g_ref[...], 0), lut(a_ref[...], 1),
         lut(l_ref[...], 2)], axis=1)


def _m_body(degi_ref, dego_ref, x_ref, wi_ref, wo_ref,
            dvi_ref, dvo_ref, mi_ref, mo_ref):
    x = x_ref[...]
    di = degi_ref[...]
    do = dego_ref[...]
    dvi = jnp.where(di > 0, lax.rsqrt(di), 0.0)
    dvo = jnp.where(do > 0, lax.rsqrt(do), 0.0)
    dvi_ref[...] = dvi
    dvo_ref[...] = dvo
    mi_ref[...] = jnp.dot(x * dvi, wi_ref[...],
                          preferred_element_type=jnp.float32)
    mo_ref[...] = jnp.dot(x * dvo, wo_ref[...],
                          preferred_element_type=jnp.float32)


def _final_body(ai_ref, ao_ref, bi_ref, bo_ref, dvi_ref, dvo_ref, x_ref,
                lr_ref, ri_ref, ro_ref, wi_ref, wo_ref, wl_ref, b_ref,
                ir_ref, wr_ref, xo_ref, rlo_ref):
    rw_i = jnp.dot(ri_ref[...], wi_ref[...],
                   preferred_element_type=jnp.float32)
    rw_o = jnp.dot(ro_ref[...], wo_ref[...],
                   preferred_element_type=jnp.float32)
    h_in = (ai_ref[...] - jnp.dot(bi_ref[...], rw_i,
                                  preferred_element_type=jnp.float32)
            ) * dvi_ref[...]
    h_out = (ao_ref[...] - jnp.dot(bo_ref[...], rw_o,
                                   preferred_element_type=jnp.float32)
             ) * dvo_ref[...]
    hsum = h_in + h_out + jnp.dot(x_ref[...] - lr_ref[...], wl_ref[...],
                                  preferred_element_type=jnp.float32)
    xo_ref[...] = jnp.tanh(hsum * (1.0 / 3.0) + b_ref[...])
    rlo_ref[...] = jnp.dot(ir_ref[...], wr_ref[...],
                           preferred_element_type=jnp.float32)


def _row_spec(cols):
    return pl.BlockSpec((_R, cols), lambda i: (i, 0))


def _full_spec(r, cols):
    return pl.BlockSpec((r, cols), lambda i: (0, 0))


def kernel(sub, rel, edge_index, edge_type, ent_feature, id_embed,
           gender_table, age_table, level_table, init_rel, loop_rel,
           w_in, w_out, w_loop, w_rel, b_conv):
    i32 = jnp.int32
    f32 = jnp.float32
    sub = sub.astype(i32)
    rel = rel.astype(i32)
    rows = edge_index[0].astype(i32)
    cols = edge_index[1].astype(i32)
    et = edge_type.astype(i32)

    spread = jnp.tile(jnp.arange(1200, dtype=i32), 8)
    pad_hi = N + spread
    rows_deg = jnp.concatenate([rows[:H], pad_hi, rows[H:], pad_hi])
    cols_m = jnp.concatenate([cols[:H], pad_hi, cols[H:], pad_hi])
    r0 = jnp.concatenate([rows[:H], spread])
    r1 = jnp.concatenate([rows[H:], spread])
    rowsb = jnp.concatenate([r0, r1 + N])
    colps = []
    for p in range(NPASS):
        lo = p * PROWS
        cshift = cols_m - lo
        colps.append(jnp.where((cshift >= 0) & (cshift < PROWS),
                               cshift, TRASH))
    colp_all = jnp.concatenate(colps)
    et2 = jnp.concatenate([et[:H], jnp.zeros((PAD,), i32),
                           et[H:] - NT, jnp.zeros((PAD,), i32)])
    rowsb_gs = []
    flat_gs = []
    for g in range(NBG):
        ing = (et2 >= g * NTG) & (et2 < (g + 1) * NTG)
        rowsb_gs.append(jnp.where(ing, rowsb, 0))
        flat_gs.append(jnp.where(ing, cols_m * NTG + (et2 - g * NTG),
                                 BTRASH))
    rowsb_g = jnp.concatenate(rowsb_gs)
    flat_g = jnp.concatenate(flat_gs)

    featp = jnp.pad(ent_feature.astype(i32), ((0, 0), (0, 5)))
    gpad = jnp.pad(gender_table, ((0, 13), (0, 0)))
    apad = jnp.pad(age_table, ((0, 7), (0, 0)))
    lpad = jnp.pad(level_table, ((0, 5), (0, 0)))
    x0 = pl.pallas_call(
        _init_body,
        grid=(N // _R,),
        in_specs=[pl.BlockSpec((_R, 8), lambda i: (i, 0)),
                  _row_spec(16), _full_spec(16, 16), _full_spec(16, 16),
                  _full_spec(16, 16)],
        out_specs=_row_spec(D),
        out_shape=jax.ShapeDtypeStruct((N, D), f32),
    )(featp, id_embed, gpad, apad, lpad)

    zeros1 = jnp.zeros((ZROWS,), f32)
    deg_flat = _deg_kernel(rows_deg, zeros1)
    deg_i = deg_flat[:N].reshape(N, 1)
    deg_o = deg_flat[NPAD:NPAD + N].reshape(N, 1)

    dvi, dvo, m_i, m_o = pl.pallas_call(
        _m_body,
        grid=(N // _R,),
        in_specs=[_row_spec(1), _row_spec(1), _row_spec(D),
                  _full_spec(D, DO), _full_spec(D, DO)],
        out_specs=[_row_spec(1), _row_spec(1), _row_spec(DO), _row_spec(DO)],
        out_shape=[jax.ShapeDtypeStruct((N, 1), f32),
                   jax.ShapeDtypeStruct((N, 1), f32),
                   jax.ShapeDtypeStruct((N, DO), f32),
                   jax.ShapeDtypeStruct((N, DO), f32)],
    )(deg_i, deg_o, x0, w_in, w_out)
    m_stack = jnp.concatenate([m_i, m_o], axis=0)

    zeros2 = jnp.zeros((RZCH, DO), f32)
    acc_flat = _conv_kernel(rowsb, colp_all, m_stack, zeros2)
    a_in = acc_flat[:N]
    a_out = acc_flat[NPASS * PROWS:NPASS * PROWS + N]

    dinv_stack = jnp.concatenate([dvi.reshape(N), dvo.reshape(N)])
    zerosb = jnp.zeros((BCH,), f32)
    b_flat = _bmat_kernel(rowsb_g, flat_g, dinv_stack, zerosb)
    bmat = b_flat.reshape(NBG, 2, NPAD, NTG)
    bi = jnp.concatenate([bmat[g, 0, :N] for g in range(NBG)], axis=1)
    bo = jnp.concatenate([bmat[g, 1, :N] for g in range(NBG)], axis=1)

    bb = b_conv.reshape(1, DO)
    rel_in = init_rel[:NT]
    rel_out = init_rel[NT:]
    x_out, r_out = pl.pallas_call(
        _final_body,
        grid=(N // _R,),
        in_specs=[_row_spec(DO), _row_spec(DO),
                  _row_spec(NT), _row_spec(NT),
                  _row_spec(1), _row_spec(1), _row_spec(D),
                  _full_spec(1, D), _full_spec(NT, D), _full_spec(NT, D),
                  _full_spec(D, DO), _full_spec(D, DO),
                  _full_spec(D, DO), _full_spec(1, DO), _full_spec(40, D),
                  _full_spec(D, DO)],
        out_specs=[_row_spec(DO), _full_spec(40, DO)],
        out_shape=[jax.ShapeDtypeStruct((N, DO), f32),
                   jax.ShapeDtypeStruct((40, DO), f32)],
    )(a_in, a_out, bi, bo, dvi, dvo, x0, loop_rel, rel_in, rel_out,
      w_in, w_out, w_loop, bb, init_rel, w_rel)

    sub_emb, rel_emb = _gather_kernel(x_out, r_out, sub, rel)
    return (sub_emb, rel_emb, x_out)

# --- scband reference (transcript-rebuilt; emitter-appended) ---
"""Pipeline reference for scband-comp-gcnbase-28054726377497 (READ-ONLY COPY).

The authoritative reference and input builder live on the scoring server;
editing this copy changes nothing except your own understanding.
"""

import jax, jax.numpy as jnp
import numpy as np

NUM_ENT = 50000
NUM_REL = 20
NUM_EDGES = 800000
INIT_DIM = 16
IN_DIM = 64   # init_dim * 4 after 'concat' feature_method
OUT_DIM = 128
BATCH = 4096


def _glorot(k, shape):
    std = np.sqrt(2.0 / (shape[0] + shape[1]))
    return jax.random.normal(k, shape, dtype=jnp.float32) * std


def setup_inputs(seed: int = 0) -> dict:
    key = jax.random.key(seed)
    ks = jax.random.split(key, 18)
    inp = {}
    inp['sub'] = jax.random.randint(ks[0], (BATCH,), 0, NUM_ENT)
    inp['rel'] = jax.random.randint(ks[1], (BATCH,), 0, 2 * NUM_REL)
    inp['edge_index'] = jax.random.randint(ks[2], (2, NUM_EDGES), 0, NUM_ENT)
    half = NUM_EDGES // 2
    inp['edge_type'] = jnp.concatenate([
        jax.random.randint(ks[3], (half,), 0, NUM_REL),
        jax.random.randint(ks[4], (half,), NUM_REL, 2 * NUM_REL)])
    inp['ent_feature'] = jnp.stack([
        jax.random.randint(ks[5], (NUM_ENT,), 0, 3),
        jax.random.randint(ks[6], (NUM_ENT,), 0, 9),
        jax.random.randint(ks[7], (NUM_ENT,), 0, 11)], axis=1)
    # learned params
    inp['id_embed'] = _glorot(ks[8], (NUM_ENT, INIT_DIM))
    inp['gender_table'] = _glorot(ks[9], (3, INIT_DIM))
    inp['age_table'] = _glorot(ks[10], (9, INIT_DIM))
    inp['level_table'] = _glorot(ks[11], (11, INIT_DIM))
    inp['init_rel'] = _glorot(ks[12], (2 * NUM_REL, IN_DIM))
    inp['loop_rel'] = _glorot(ks[13], (1, IN_DIM))
    inp['w_in'] = _glorot(ks[14], (IN_DIM, OUT_DIM))
    inp['w_out'] = _glorot(ks[15], (IN_DIM, OUT_DIM))
    inp['w_loop'] = _glorot(ks[16], (IN_DIM, OUT_DIM))
    inp['w_rel'] = _glorot(ks[17], (IN_DIM, OUT_DIM))
    inp['b_conv'] = jnp.zeros((OUT_DIM,), dtype=jnp.float32)
    return inp


def _compgcn_conv(x, edge_index, edge_type, rel_embed, loop_rel, w_in, w_out, w_loop, w_rel, b):
    num_ent = x.shape[0]
    rel_all = jnp.concatenate([rel_embed, loop_rel], axis=0)
    E = edge_index.shape[1]
    half = E // 2

    def direction(idx, etype, w):
        row, col = idx[0], idx[1]
        deg = jnp.zeros((num_ent,), dtype=x.dtype).at[row].add(1.0)
        dinv = jnp.where(deg > 0, deg ** -0.5, 0.0)
        norm = dinv[row] * dinv[col]
        # composition op 'sub': x_j - rel_emb, then linear transform
        msg = (jnp.take(x, row, axis=0) - jnp.take(rel_all, etype, axis=0)) @ w
        msg = msg * norm[:, None]
        return jnp.zeros((num_ent, w.shape[1]), dtype=x.dtype).at[col].add(msg)

    in_res = direction(edge_index[:, :half], edge_type[:half], w_in)
    out_res = direction(edge_index[:, half:], edge_type[half:], w_out)
    loop_res = (x - loop_rel) @ w_loop
    out = (in_res + out_res + loop_res) * (1.0 / 3.0) + b
    return jnp.tanh(out), rel_all[:-1] @ w_rel


def reference(sub, rel, edge_index, edge_type, ent_feature, id_embed,
              gender_table, age_table, level_table, init_rel, loop_rel,
              w_in, w_out, w_loop, w_rel, b_conv):
    # feature_method == 'concat'
    x1 = jnp.take(gender_table, ent_feature[:, 0], axis=0)
    x2 = jnp.take(age_table, ent_feature[:, 1], axis=0)
    x3 = jnp.take(level_table, ent_feature[:, 2], axis=0)
    init_embed = jnp.concatenate([id_embed, x1, x2, x3], axis=1)
    r = init_rel  # score_func != 'transe'
    x, r = _compgcn_conv(init_embed, edge_index, edge_type, r, loop_rel,
                         w_in, w_out, w_loop, w_rel, b_conv)
    # gcn_layer == 1 -> no conv2; drop1/drop2 identity in eval mode
    sub_emb = jnp.take(x, sub, axis=0)
    rel_emb = jnp.take(r, rel, axis=0)
    return (sub_emb, rel_emb, x)

if __name__ == "__main__":
    import jax
    _d = setup_inputs()
    print(jax.jit(kernel)(*tuple(_d.values())))

</pallas_src>

<mosaic_0001>
#map = affine_map<(d0, d1) -> (0, 0)>
#map1 = affine_map<(d0, d1) -> (0)>
module attributes {stable_mosaic.version = 14 : i64} {
  func.func @_gather_kernel(%arg0: i32, %arg1: i32, %arg2: memref<50000x128xf32, #tpu.memory_space<hbm>>, %arg3: memref<40x128xf32, #tpu.memory_space<hbm>>, %arg4: memref<4096xi32, #tpu.memory_space<hbm>>, %arg5: memref<4096xi32, #tpu.memory_space<hbm>>, %arg6: memref<4096x128xf32, #tpu.memory_space<hbm>>, %arg7: memref<4096x128xf32, #tpu.memory_space<hbm>>, %arg8: memref<128xi32, #tpu.memory_space<vmem>>, %arg9: memref<128x128xf32, #tpu.memory_space<vmem>>, %arg10: memref<!tpu.dma_semaphore, #tpu.memory_space<semaphore_mem>>) attributes {dimension_semantics = [#tpu.dimension_semantics<core_parallel>, #tpu.dimension_semantics<subcore_parallel>], iteration_bounds = array<i64: 2, 16>, scalar_prefetch = 0 : i64, scratch_operands = 3 : i64, tpu.core_type = #tpu.core_type<sc_vector_subcore>, window_params = [{transform_indices = #map}, {transform_indices = #map}, {transform_indices = #map1}, {transform_indices = #map1}, {transform_indices = #map}, {transform_indices = #map}]} {
    %mul3A = arith.constant 2 : i32
    %mul3A_0 = arith.muli %arg1, %mul3A : i32
    %add3A = arith.addi %mul3A_0, %arg0 : i32
    %mul3A_1 = arith.constant 128 : i32
    %mul3A_2 = arith.muli %add3A, %mul3A_1 : i32
    %multiple_of3A = tpu.assume_multiple %mul3A_2, 8 : i32
    "tpu.region"() ({
      %run_scoped3A = tpu.sem_alloc : memref<!tpu.dma_semaphore, #tpu.memory_space<semaphore_mem>>
      %dma_start3A_13 = tpu.memref_slice %arg4[%multiple_of3A] : memref<4096xi32, #tpu.memory_space<hbm>> -> memref<128xi32, #tpu.memory_space<hbm>>
      %dma_start3A_14 = tpu.memref_slice %arg4[%multiple_of3A] : memref<4096xi32, #tpu.memory_space<hbm>> -> memref<128xi32, #tpu.memory_space<hbm>>
      tpu.enqueue_dma source(%dma_start3A_14 : memref<128xi32, #tpu.memory_space<hbm>>) target(%arg8 : memref<128xi32, #tpu.memory_space<vmem>>) target_semaphore(%run_scoped3A : memref<!tpu.dma_semaphore, #tpu.memory_space<semaphore_mem>>)
      %dma_wait3A_15 = tpu.memref_slice %arg4[%multiple_of3A] : memref<4096xi32, #tpu.memory_space<hbm>> -> memref<128xi32, #tpu.memory_space<hbm>>
      %dma_wait3A_16 = tpu.memref_slice %arg4[%multiple_of3A] : memref<4096xi32, #tpu.memory_space<hbm>> -> memref<128xi32, #tpu.memory_space<hbm>>
      tpu.wait_dma2 semaphore(%run_scoped3A : memref<!tpu.dma_semaphore, #tpu.memory_space<semaphore_mem>>) src(%dma_wait3A_16 : memref<128xi32, #tpu.memory_space<hbm>>) dst(%arg8 : memref<128xi32, #tpu.memory_space<vmem>>)
      tpu.yield
    }) : () -> ()
    %dma_start3A = arith.constant 0 : i32
    %dma_start3A_3 = arith.constant 0 : i32
    %dma_start3A_4 = tpu.memref_slice %arg2[%dma_start3A, %dma_start3A_3] : memref<50000x128xf32, #tpu.memory_space<hbm>> -> memref<50000x128xf32, #tpu.memory_space<hbm>>
    tpu.enqueue_indirect_dma source(%dma_start3A_4 : memref<50000x128xf32, #tpu.memory_space<hbm>>) target(%arg9 : memref<128x128xf32, #tpu.memory_space<vmem>>) offsets(%arg8 : memref<128xi32, #tpu.memory_space<vmem>>) semaphore(%arg10 : memref<!tpu.dma_semaphore, #tpu.memory_space<semaphore_mem>>)
    %dma_wait3A = arith.constant 0 : i32
    %dma_wait3A_5 = arith.constant 0 : i32
    %dma_wait3A_6 = tpu.memref_slice %arg2[%dma_wait3A, %dma_wait3A_5] : memref<50000x128xf32, #tpu.memory_space<hbm>> -> memref<50000x128xf32, #tpu.memory_space<hbm>>
    tpu.wait_indirect_dma semaphore(%arg10 : memref<!tpu.dma_semaphore, #tpu.memory_space<semaphore_mem>>) src(%dma_wait3A_6 : memref<50000x128xf32, #tpu.memory_space<hbm>>) dst(%arg9 : memref<128x128xf32, #tpu.memory_space<vmem>>)
    "tpu.region"() ({
      %run_scoped3A = tpu.sem_alloc : memref<!tpu.dma_semaphore, #tpu.memory_space<semaphore_mem>>
      %dma_start3A_13 = arith.constant 0 : i32
      %dma_start3A_14 = tpu.memref_slice %arg6[%multiple_of3A, %dma_start3A_13] : memref<4096x128xf32, #tpu.memory_space<hbm>> -> memref<128x128xf32, #tpu.memory_space<hbm>>
      %dma_start3A_15 = arith.constant 0 : i32
      %dma_start3A_16 = tpu.memref_slice %arg6[%multiple_of3A, %dma_start3A_15] : memref<4096x128xf32, #tpu.memory_space<hbm>> -> memref<128x128xf32, #tpu.memory_space<hbm>>
      tpu.enqueue_dma source(%arg9 : memref<128x128xf32, #tpu.memory_space<vmem>>) target(%dma_start3A_16 : memref<128x128xf32, #tpu.memory_space<hbm>>) target_semaphore(%run_scoped3A : memref<!tpu.dma_semaphore, #tpu.memory_space<semaphore_mem>>)
      %dma_wait3A_17 = arith.constant 0 : i32
      %dma_wait3A_18 = tpu.memref_slice %arg6[%multiple_of3A, %dma_wait3A_17] : memref<4096x128xf32, #tpu.memory_space<hbm>> -> memref<128x128xf32, #tpu.memory_space<hbm>>
      %dma_wait3A_19 = arith.constant 0 : i32
      %dma_wait3A_20 = tpu.memref_slice %arg6[%multiple_of3A, %dma_wait3A_19] : memref<4096x128xf32, #tpu.memory_space<hbm>> -> memref<128x128xf32, #tpu.memory_space<hbm>>
      tpu.wait_dma2 semaphore(%run_scoped3A : memref<!tpu.dma_semaphore, #tpu.memory_space<semaphore_mem>>) src(%arg9 : memref<128x128xf32, #tpu.memory_space<vmem>>) dst(%dma_wait3A_20 : memref<128x128xf32, #tpu.memory_space<hbm>>)
      tpu.yield
    }) : () -> ()
    "tpu.region"() ({
      %run_scoped3A = tpu.sem_alloc : memref<!tpu.dma_semaphore, #tpu.memory_space<semaphore_mem>>
      %dma_start3A_13 = tpu.memref_slice %arg5[%multiple_of3A] : memref<4096xi32, #tpu.memory_space<hbm>> -> memref<128xi32, #tpu.memory_space<hbm>>
      %dma_start3A_14 = tpu.memref_slice %arg5[%multiple_of3A] : memref<4096xi32, #tpu.memory_space<hbm>> -> memref<128xi32, #tpu.memory_space<hbm>>
      tpu.enqueue_dma source(%dma_start3A_14 : memref<128xi32, #tpu.memory_space<hbm>>) target(%arg8 : memref<128xi32, #tpu.memory_space<vmem>>) target_semaphore(%run_scoped3A : memref<!tpu.dma_semaphore, #tpu.memory_space<semaphore_mem>>)
      %dma_wait3A_15 = tpu.memref_slice %arg5[%multiple_of3A] : memref<4096xi32, #tpu.memory_space<hbm>> -> memref<128xi32, #tpu.memory_space<hbm>>
      %dma_wait3A_16 = tpu.memref_slice %arg5[%multiple_of3A] : memref<4096xi32, #tpu.memory_space<hbm>> -> memref<128xi32, #tpu.memory_space<hbm>>
      tpu.wait_dma2 semaphore(%run_scoped3A : memref<!tpu.dma_semaphore, #tpu.memory_space<semaphore_mem>>) src(%dma_wait3A_16 : memref<128xi32, #tpu.memory_space<hbm>>) dst(%arg8 : memref<128xi32, #tpu.memory_space<vmem>>)
      tpu.yield
    }) : () -> ()
    %dma_start3A_7 = arith.constant 0 : i32
    %dma_start3A_8 = arith.constant 0 : i32
    %dma_start3A_9 = tpu.memref_slice %arg3[%dma_start3A_7, %dma_start3A_8] : memref<40x128xf32, #tpu.memory_space<hbm>> -> memref<40x128xf32, #tpu.memory_space<hbm>>
    tpu.enqueue_indirect_dma source(%dma_start3A_9 : memref<40x128xf32, #tpu.memory_space<hbm>>) target(%arg9 : memref<128x128xf32, #tpu.memory_space<vmem>>) offsets(%arg8 : memref<128xi32, #tpu.memory_space<vmem>>) semaphore(%arg10 : memref<!tpu.dma_semaphore, #tpu.memory_space<semaphore_mem>>)
    %dma_wait3A_10 = arith.constant 0 : i32
    %dma_wait3A_11 = arith.constant 0 : i32
    %dma_wait3A_12 = tpu.memref_slice %arg3[%dma_wait3A_10, %dma_wait3A_11] : memref<40x128xf32, #tpu.memory_space<hbm>> -> memref<40x128xf32, #tpu.memory_space<hbm>>
    tpu.wait_indirect_dma semaphore(%arg10 : memref<!tpu.dma_semaphore, #tpu.memory_space<semaphore_mem>>) src(%dma_wait3A_12 : memref<40x128xf32, #tpu.memory_space<hbm>>) dst(%arg9 : memref<128x128xf32, #tpu.memory_space<vmem>>)
    "tpu.region"() ({
      %run_scoped3A = tpu.sem_alloc : memref<!tpu.dma_semaphore, #tpu.memory_space<semaphore_mem>>
      %dma_start3A_13 = arith.constant 0 : i32
      %dma_start3A_14 = tpu.memref_slice %arg7[%multiple_of3A, %dma_start3A_13] : memref<4096x128xf32, #tpu.memory_space<hbm>> -> memref<128x128xf32, #tpu.memory_space<hbm>>
      %dma_start3A_15 = arith.constant 0 : i32
      %dma_start3A_16 = tpu.memref_slice %arg7[%multiple_of3A, %dma_start3A_15] : memref<4096x128xf32, #tpu.memory_space<hbm>> -> memref<128x128xf32, #tpu.memory_space<hbm>>
      tpu.enqueue_dma source(%arg9 : memref<128x128xf32, #tpu.memory_space<vmem>>) target(%dma_start3A_16 : memref<128x128xf32, #tpu.memory_space<hbm>>) target_semaphore(%run_scoped3A : memref<!tpu.dma_semaphore, #tpu.memory_space<semaphore_mem>>)
      %dma_wait3A_17 = arith.constant 0 : i32
      %dma_wait3A_18 = tpu.memref_slice %arg7[%multiple_of3A, %dma_wait3A_17] : memref<4096x128xf32, #tpu.memory_space<hbm>> -> memref<128x128xf32, #tpu.memory_space<hbm>>
      %dma_wait3A_19 = arith.constant 0 : i32
      %dma_wait3A_20 = tpu.memref_slice %arg7[%multiple_of3A, %dma_wait3A_19] : memref<4096x128xf32, #tpu.memory_space<hbm>> -> memref<128x128xf32, #tpu.memory_space<hbm>>
      tpu.wait_dma2 semaphore(%run_scoped3A : memref<!tpu.dma_semaphore, #tpu.memory_space<semaphore_mem>>) src(%arg9 : memref<128x128xf32, #tpu.memory_space<vmem>>) dst(%dma_wait3A_20 : memref<128x128xf32, #tpu.memory_space<hbm>>)
      tpu.yield
    }) : () -> ()
    return
  }
}

#map = affine_map<(d0, d1) -> (0)>
module attributes {stable_mosaic.version = 14 : i64} {
  func.func @_deg_kernel(%arg0: i32, %arg1: i32, %arg2: memref<819200xi32, #tpu.memory_space<hbm>>, %arg3: memref<3200xf32, #tpu.memory_space<hbm>>, %arg4: memref<102400xf32, #tpu.memory_space<hbm>>, %arg5: memref<1024xi32, #tpu.memory_space<vmem>>, %arg6: memref<1024xf32, #tpu.memory_space<vmem>>, %arg7: memref<51200xf32, #tpu.memory_space<vmem_shared>>) attributes {dimension_semantics = [#tpu.dimension_semantics<core_parallel>, #tpu.dimension_semantics<subcore_parallel>], iteration_bounds = array<i64: 2, 16>, scalar_prefetch = 0 : i64, scratch_operands = 3 : i64, tpu.core_type = #tpu.core_type<sc_vector_subcore>, window_params = [{transform_indices = #map}, {transform_indices = #map}, {transform_indices = #map}]} {
    %mul3A = arith.constant 3200 : i32
    %mul3A_0 = arith.muli %arg1, %mul3A : i32
    %multiple_of3A = tpu.assume_multiple %mul3A_0, 8 : i32
    "tpu.region"() ({
      %run_scoped3A = tpu.sem_alloc : memref<!tpu.dma_semaphore, #tpu.memory_space<semaphore_mem>>
      %dma_start3A = tpu.memref_slice %arg7[%multiple_of3A] : memref<51200xf32, #tpu.memory_space<vmem_shared>> -> memref<3200xf32, #tpu.memory_space<vmem_shared>>
      %dma_start3A_400 = arith.constant 0 : i32
      %dma_start3A_401 = tpu.memref_slice %arg3[%dma_start3A_400] : memref<3200xf32, #tpu.memory_space<hbm>> -> memref<3200xf32, #tpu.memory_space<hbm>>
      tpu.enqueue_dma source(%dma_start3A_401 : memref<3200xf32, #tpu.memory_space<hbm>>) target(%dma_start3A : memref<3200xf32, #tpu.memory_space<vmem_shared>>) target_semaphore(%run_scoped3A : memref<!tpu.dma_semaphore, #tpu.memory_space<semaphore_mem>>)
      %dma_wait3A = tpu.memref_slice %arg7[%multiple_of3A] : memref<51200xf32, #tpu.memory_space<vmem_shared>> -> memref<3200xf32, #tpu.memory_space<vmem_shared>>
      %dma_wait3A_402 = arith.constant 0 : i32
      %dma_wait3A_403 = tpu.memref_slice %arg3[%dma_wait3A_402] : memref<3200xf32, #tpu.memory_space<hbm>> -> memref<3200xf32, #tpu.memory_space<hbm>>
      tpu.wait_dma2 semaphore(%run_scoped3A : memref<!tpu.dma_semaphore, #tpu.memory_space<semaphore_mem>>) src(%dma_wait3A_403 : memref<3200xf32, #tpu.memory_space<hbm>>) dst(%dma_wait3A : memref<3200xf32, #tpu.memory_space<vmem_shared>>)
      tpu.yield
    }) : () -> ()
    %broadcast_in_dim3A = arith.constant 1.000000e+00 : f32
    %broadcast_in_dim3A_1 = vector.broadcast %broadcast_in_dim3A : f32 to vector<16xf32>
    %swap3A = arith.constant 0 : index
    %swap3A_2 = tpu.vector_load %arg6[%swap3A] {strides = array<i32>} : memref<1024xf32, #tpu.memory_space<vmem>>, vector<16xf32>,
    %swap3A_3 = vector.shape_cast %swap3A_2 : vector<16xf32> to vector<16xf32>
    %swap3A_4 = vector.shape_cast %broadcast_in_dim3A_1 : vector<16xf32> to vector<16xf32>
    tpu.vector_store %arg6[%swap3A], %swap3A_4 {strides = array<i32>} : memref<1024xf32, #tpu.memory_space<vmem>>, vector<16xf32>,
    %broadcast_in_dim3A_5 = arith.constant 1.000000e+00 : f32
    %broadcast_in_dim3A_6 = vector.broadcast %broadcast_in_dim3A_5 : f32 to vector<16xf32>
    %swap3A_7 = arith.constant 16 : index
    %swap3A_8 = tpu.vector_load %arg6[%swap3A_7] {strides = array<i32>} : memref<1024xf32, #tpu.memory_space<vmem>>, vector<16xf32>,
    %swap3A_9 = vector.shape_cast %swap3A_8 : vector<16xf32> to vector<16xf32>
    %swap3A_10 = vector.shape_cast %broadcast_in_dim3A_6 : vector<16xf32> to vector<16xf32>
    tpu.vector_store %arg6[%swap3A_7], %swap3A_10 {strides = array<i32>} : memref<1024xf32, #tpu.memory_space<vmem>>, vector<16xf32>,
    %broadcast_in_dim3A_11 = arith.constant 1.000000e+00 : f32
    %broadcast_in_dim3A_12 = vector.broadcast %broadcast_in_dim3A_11 : f32 to vector<16xf32>
    %swap3A_13 = arith.constant 32 : index
    %swap3A_14 = tpu.vector_load %arg6[%swap3A_13] {strides = array<i32>} : memref<1024xf32, #tpu.memory_space<vmem>>, vector<16xf32>,
    %swap3A_15 = vector.shape_cast %swap3A_14 : vector<16xf32> to vector<16xf32>
    %swap3A_16 = vector.shape_cast %broadcast_in_dim3A_12 : vector<16xf32> to vector<16xf32>
    tpu.vector_store %arg6[%swap3A_13], %swap3A_16 {strides = array<i32>} : memref<1024xf32, #tpu.memory_space<vmem>>, vector<16xf32>,
    %broadcast_in_dim3A_17 = arith.constant 1.000000e+00 : f32
    %broadcast_in_dim3A_18 = vector.broadcast %broadcast_in_dim3A_17 : f32 to vector<16xf32>
    %swap3A_19 = arith.constant 48 : index
    %swap3A_20 = tpu.vector_load %arg6[%swap3A_19] {strides = array<i32>} : memref<1024xf32, #tpu.memory_space<vmem>>, vector<16xf32>,
    %swap3A_21 = vector.shape_cast %swap3A_20 : vector<16xf32> to vector<16xf32>
    %swap3A_22 = vector.shape_cast %broadcast_in_dim3A_18 : vector<16xf32> to vector<16xf32>
    tpu.vector_store %arg6[%swap3A_19], %swap3A_22 {strides = array<i32>} : memref<1024xf32, #tpu.memory_space<vmem>>, vector<16xf32>,
    %broadcast_in_dim3A_23 = arith.constant 1.000000e+00 : f32
    %broadcast_in_dim3A_24 = vector.broadcast %broadcast_in_dim3A_23 : f32 to vector<16xf32>
    %swap3A_25 = arith.constant 64 : index
    %swap3A_26 = tpu.vector_load %arg6[%swap3A_25] {strides = array<i32>} : memref<1024xf32, #tpu.memory_space<vmem>>, vector<16xf32>,
    %swap3A_27 = vector.shape_cast %swap3A_26 : vector<16xf32> to vector<16xf32>
    %swap3A_28 = vector.shape_cast %broadcast_in_dim3A_24 : vector<16xf32> to vector<16xf32>
    tpu.vector_store %arg6[%swap3A_25], %swap3A_28 {strides = array<i32>} : memref<1024xf32, #tpu.memory_space<vmem>>, vector<16xf32>,
    %broadcast_in_dim3A_29 = arith.constant 1.000000e+00 : f32
    %broadcast_in_dim3A_30 = vector.broadcast %broadcast_in_dim3A_29 : f32 to vector<16xf32>
    %swap3A_31 = arith.constant 80 : index
    %swap3A_32 = tpu.vector_load %arg6[%swap3A_31] {strides = array<i32>} : memref<1024xf32, #tpu.memory_space<vmem>>, vector<16xf32>,
    %swap3A_33 = vector.shape_cast %swap3A_32 : vector<16xf32> to vector<16xf32>
    %swap3A_34 = vector.shape_cast %broadcast_in_dim3A_30 : vector<16xf32> to vector<16xf32>
    tpu.vector_store %arg6[%swap3A_31], %swap3A_34 {strides = array<i32>} : memref<1024xf32, #tpu.memory_space<vmem>>, vector<16xf32>,
    %broadcast_in_dim3A_35 = arith.constant 1.000000e+00 : f32
    %broadcast_in_dim3A_36 = vector.broadcast %broadcast_in_dim3A_35 : f32 to vector<16xf32>
    %swap3A_37 = arith.constant 96 : index
    %swap3A_38 = tpu.vector_load %arg6[%swap3A_37] {strides = array<i32>} : memref<1024xf32, #tpu.memory_space<vmem>>, vector<16xf32>,
    %swap3A_39 = vector.shape_cast %swap3A_38 : vector<16xf32> to vector<16xf32>
    %swap3A_40 = vector.shape_cast %broadcast_in_dim3A_36 : vector<16xf32> to vector<16xf32>
    tpu.vector_store %arg6[%swap3A_37], %swap3A_40 {strides = array<i32>} : memref<1024xf32, #tpu.memory_space<vmem>>, vector<16xf32>,
    %broadcast_in_dim3A_41 = arith.constant 1.000000e+00 : f32
    %broadcast_in_dim3A_42 = vector.broadcast %broadcast_in_dim3A_41 : f32 to vector<16xf32>
    %swap3A_43 = arith.constant 112 : index
    %swap3A_44 = tpu.vector_load %arg6[%swap3A_43] {strides = array<i32>} : memref<1024xf32, #tpu.memory_space<vmem>>, vector<16xf32>,
    %swap3A_45 = vector.shape_cast %swap3A_44 : vector<16xf32> to vector<16xf32>
    %swap3A_46 = vector.shape_cast %broadcast_in_dim3A_42 : vector<16xf32> to vector<16xf32>
    tpu.vector_store %arg6[%swap3A_43], %swap3A_46 {strides = array<i32>} : memref<1024xf32, #tpu.memory_space<vmem>>, vector<16xf32>,
    %broadcast_in_dim3A_47 = arith.constant 1.000000e+00 : f32
    %broadcast_in_dim3A_48 = vector.broadcast %broadcast_in_dim3A_47 : f32 to vector<16xf32>
    %swap3A_49 = arith.constant 128 : index
    %swap3A_50 = tpu.vector_load %arg6[%swap3A_49] {strides = array<i32>} : memref<1024xf32, #tpu.memory_space<vmem>>, vector<16xf32>,
    %swap3A_51 = vector.shape_cast %swap3A_50 : vector<16xf32> to vector<16xf32>
    %swap3A_52 = vector.shape_cast %broadcast_in_dim3A_48 : vector<16xf32> to vector<16xf32>
    tpu.vector_store %arg6[%swap3A_49], %swap3A_52 {strides = array<i32>} : memref<1024xf32, #tpu.memory_space<vmem>>, vector<16xf32>,
    %broadcast_in_dim3A_53 = arith.constant 1.000000e+00 : f32
    %broadcast_in_dim3A_54 = vector.broadcast %broadcast_in_dim3A_53 : f32 to vector<16xf32>
    %swap3A_55 = arith.constant 144 : index
    %swap3A_56 = tpu.vector_load %arg6[%swap3A_55] {strides = array<i32>} : memref<1024xf32, #tpu.memory_space<vmem>>, vector<16xf32>,
    %swap3A_57 = vector.shape_cast %swap3A_56 : vector<16xf32> to vector<16xf32>
    %swap3A_58 = vector.shape_cast %broadcast_in_dim3A_54 : vector<16xf32> to vector<16xf32>
    tpu.vector_store %arg6[%swap3A_55], %swap3A_58 {strides = array<i32>} : memref<1024xf32, #tpu.memory_space<vmem>>, vector<16xf32>,
    %broadcast_in_dim3A_59 = arith.constant 1.000000e+00 : f32
    %broadcast_in_dim3A_60 = vector.broadcast %broadcast_in_dim3A_59 : f32 to vector<16xf32>
    %swap3A_61 = arith.constant 160 : index
    %swap3A_62 = tpu.vector_load %arg6[%swap3A_61] {strides = array<i32>} : memref<1024xf32, #tpu.memory_space<vmem>>, vector<16xf32>,
    %swap3A_63 = vector.shape_cast %swap3A_62 : vector<16xf32> to vector<16xf32>
    %swap3A_64 = vector.shape_cast %broadcast_in_dim3A_60 : vector<16xf32> to vector<16xf32>
    tpu.vector_store %arg6[%swap3A_61], %swap3A_64 {strides = array<i32>} : memref<1024xf32, #tpu.memory_space<vmem>>, vector<16xf32>,
    %broadcast_in_dim3A_65 = arith.constant 1.000000e+00 : f32
    %broadcast_in_dim3A_66 = vector.broadcast %broadcast_in_dim3A_65 : f32 to vector<16xf32>
    %swap3A_67 = arith.constant 176 : index
    %swap3A_68 = tpu.vector_load %arg6[%swap3A_67] {strides = array<i32>} : memref<1024xf32, #tpu.memory_space<vmem>>, vector<16xf32>,
    %swap3A_69 = vector.shape_cast %swap3A_68 : vector<16xf32> to vector<16xf32>
    %swap3A_70 = vector.shape_cast %broadcast_in_dim3A_66 : vector<16xf32> to vector<16xf32>
    tpu.vector_store %arg6[%swap3A_67], %swap3A_70 {strides = array<i32>} : memref<1024xf32, #tpu.memory_space<vmem>>, vector<16xf32>,
    %broadcast_in_dim3A_71 = arith.constant 1.000000e+00 : f32
    %broadcast_in_dim3A_72 = vector.broadcast %broadcast_in_dim3A_71 : f32 to vector<16xf32>
    %swap3A_73 = arith.constant 192 : index
    %swap3A_74 = tpu.vector_load %arg6[%swap3A_73] {strides = array<i32>} : memref<1024xf32, #tpu.memory_space<vmem>>, vector<16xf32>,
    %swap3A_75 = vector.shape_cast %swap3A_74 : vector<16xf32> to vector<16xf32>
    %swap3A_76 = vector.shape_cast %broadcast_in_dim3A_72 : vector<16xf32> to vector<16xf32>
    tpu.vector_store %arg6[%swap3A_73], %swap3A_76 {strides = array<i32>} : memref<1024xf32, #tpu.memory_space<vmem>>, vector<16xf32>,
    %broadcast_in_dim3A_77 = arith.constant 1.000000e+00 : f32
    %broadcast_in_dim3A_78 = vector.broadcast %broadcast_in_dim3A_77 : f32 to vector<16xf32>
    %swap3A_79 = arith.constant 208 : index
    %swap3A_80 = tpu.vector_load %arg6[%swap3A_79] {strides = array<i32>} : memref<1024xf32, #tpu.memory_space<vmem>>, vector<16xf32>,
    %swap3A_81 = vector.shape_cast %swap3A_80 : vector<16xf32> to vector<16xf32>
    %swap3A_82 = vector.shape_cast %broadcast_in_dim3A_78 : vector<16xf32> to vector<16xf32>
    tpu.vector_store %arg6[%swap3A_79], %swap3A_82 {strides = array<i32>} : memref<1024xf32, #tpu.memory_space<vmem>>, vector<16xf32>,
    %broadcast_in_dim3A_83 = arith.constant 1.000000e+00 : f32
    %broadcast_in_dim3A_84 = vector.broadcast %broadcast_in_dim3A_83 : f32 to vector<16xf32>
    %swap3A_85 = arith.constant 224 : index
    %swap3A_86 = tpu.vector_load %arg6[%swap3A_85] {strides = array<i32>} : memref<1024xf32, #tpu.memory_space<vmem>>, vector<16xf32>,
    %swap3A_87 = vector.shape_cast %swap3A_86 : vector<16xf32> to vector<16xf32>
    %swap3A_88 = vector.shape_cast %broadcast_in_dim3A_84 : vector<16xf32> to vector<16xf32>
    tpu.vector_store %arg6[%swap3A_85], %swap3A_88 {strides = array<i32>} : memref<1024xf32, #tpu.memory_space<vmem>>, vector<16xf32>,
    %broadcast_in_dim3A_89 = arith.constant 1.000000e+00 : f32
    %broadcast_in_dim3A_90 = vector.broadcast %broadcast_in_dim3A_89 : f32 to vector<16xf32>
    %swap3A_91 = arith.constant 240 : index
    %swap3A_92 = tpu.vector_load %arg6[%swap3A_91] {strides = array<i32>} : memref<1024xf32, #tpu.memory_space<vmem>>, vector<16xf32>,
    %swap3A_93 = vector.shape_cast %swap3A_92 : vector<16xf32> to vector<16xf32>
    %swap3A_94 = vector.shape_cast %broadcast_in_dim3A_90 : vector<16xf32> to vector<16xf32>
    tpu.vector_store %arg6[%swap3A_91], %swap3A_94 {strides = array<i32>} : memref<1024xf32, #tpu.memory_space<vmem>>, vector<16xf32>,
    %broadcast_in_dim3A_95 = arith.constant 1.000000e+00 : f32
    %broadcast_in_dim3A_96 = vector.broadcast %broadcast_in_dim3A_95 : f32 to vector<16xf32>
    %swap3A_97 = arith.constant 256 : index
    %swap3A_98 = tpu.vector_load %arg6[%swap3A_97] {strides = array<i32>} : memref<1024xf32, #tpu.memory_space<vmem>>, vector<16xf32>,
    %swap3A_99 = vector.shape_cast %swap3A_98 : vector<16xf32> to vector<16xf32>
    %swap3A_100 = vector.shape_cast %broadcast_in_dim3A_96 : vector<16xf32> to vector<16xf32>
    tpu.vector_store %arg6[%swap3A_97], %swap3A_100 {strides = array<i32>} : memref<1024xf32, #tpu.memory_space<vmem>>, vector<16xf32>,
    %broadcast_in_dim3A_101 = arith.constant 1.000000e+00 : f32
    %broadcast_in_dim3A_102 = vector.broadcast %broadcast_in_dim3A_101 : f32 to vector<16xf32>
    %swap3A_103 = arith.constant 272 : index
    %swap3A_104 = tpu.vector_load %arg6[%swap3A_103] {strides = array<i32>} : memref<1024xf32, #tpu.memory_space<vmem>>, vector<16xf32>,
    %swap3A_105 = vector.shape_cast %swap3A_104 : vector<16xf32> to vector<16xf32>
    %swap3A_106 = vector.shape_cast %broadcast_in_dim3A_102 : vector<16xf32> to vector<16xf32>
    tpu.vector_store %arg6[%swap3A_103], %swap3A_106 {strides = array<i32>} : memref<1024xf32, #tpu.memory_space<vmem>>, vector<16xf32>,
    %broadcast_in_dim3A_107 = arith.constant 1.000000e+00 : f32
    %broadcast_in_dim3A_108 = vector.broadcast %broadcast_in_dim3A_107 : f32 to vector<16xf32>
    %swap3A_109 = arith.constant 288 : index
    %swap3A_110 = tpu.vector_load %arg6[%swap3A_109] {strides = array<i32>} : memref<1024xf32, #tpu.memory_space<vmem>>, vector<16xf32>,
    %swap3A_111 = vector.shape_cast %swap3A_110 : vector<16xf32> to vector<16xf32>
    %swap3A_112 = vector.shape_cast %broadcast_in_dim3A_108 : vector<16xf32> to vector<16xf32>
    tpu.vector_store %arg6[%swap3A_109], %swap3A_112 {strides = array<i32>} : memref<1024xf32, #tpu.memory_space<vmem>>, vector<16xf32>,
    %broadcast_in_dim3A_113 = arith.constant 1.000000e+00 : f32
    %broadcast_in_dim3A_114 = vector.broadcast %broadcast_in_dim3A_113 : f32 to vector<16xf32>
    %swap3A_115 = arith.constant 304 : index
    %swap3A_116 = tpu.vector_load %arg6[%swap3A_115] {strides = array<i32>} : memref<1024xf32, #tpu.memory_space<vmem>>, vector<16xf32>,
    %swap3A_117 = vector.shape_cast %swap3A_116 : vector<16xf32> to vector<16xf32>
    %swap3A_118 = vector.shape_cast %broadcast_in_dim3A_114 : vector<16xf32> to vector<16xf32>
    tpu.vector_store %arg6[%swap3A_115], %swap3A_118 {strides = array<i32>} : memref<1024xf32, #tpu.memory_space<vmem>>, vector<16xf32>,
    %broadcast_in_dim3A_119 = arith.constant 1.000000e+00 : f32
    %broadcast_in_dim3A_120 = vector.broadcast %broadcast_in_dim3A_119 : f32 to vector<16xf32>
    %swap3A_121 = arith.constant 320 : index
    %swap3A_122 = tpu.vector_load %arg6[%swap3A_121] {strides = array<i32>} : memref<1024xf32, #tpu.memory_space<vmem>>, vector<16xf32>,
    %swap3A_123 = vector.shape_cast %swap3A_122 : vector<16xf32> to vector<16xf32>
    %swap3A_124 = vector.shape_cast %broadcast_in_dim3A_120 : vector<16xf32> to vector<16xf32>
    tpu.vector_store %arg6[%swap3A_121], %swap3A_124 {strides = array<i32>} : memref<1024xf32, #tpu.memory_space<vmem>>, vector<16xf32>,
    %broadcast_in_dim3A_125 = arith.constant 1.000000e+00 : f32
    %broadcast_in_dim3A_126 = vector.broadcast %broadcast_in_dim3A_125 : f32 to vector<16xf32>
    %swap3A_127 = arith.constant 336 : index
    %swap3A_128 = tpu.vector_load %arg6[%swap3A_127] {strides = array<i32>} : memref<1024xf32, #tpu.memory_space<vmem>>, vector<16xf32>,
    %swap3A_129 = vector.shape_cast %swap3A_128 : vector<16xf32> to vector<16xf32>
    %swap3A_130 = vector.shape_cast %broadcast_in_dim3A_126 : vector<16xf32> to vector<16xf32>
    tpu.vector_store %arg6[%swap3A_127], %swap3A_130 {strides = array<i32>} : memref<1024xf32, #tpu.memory_space<vmem>>, vector<16xf32>,
    %broadcast_in_dim3A_131 = arith.constant 1.000000e+00 : f32
    %broadcast_in_dim3A_132 = vector.broadcast %broadcast_in_dim3A_131 : f32 to vector<16xf32>
    %swap3A_133 = arith.constant 352 : index
    %swap3A_134 = tpu.vector_load %arg6[%swap3A_133] {strides = array<i32>} : memref<1024xf32, #tpu.memory_space<vmem>>, vector<16xf32>,
    %swap3A_135 = vector.shape_cast %swap3A_134 : vector<16xf32> to vector<16xf32>
    %swap3A_136 = vector.shape_cast %broadcast_in_dim3A_132 : vector<16xf32> to vector<16xf32>
    tpu.vector_store %arg6[%swap3A_133], %swap3A_136 {strides = array<i32>} : memref<1024xf32, #tpu.memory_space<vmem>>, vector<16xf32>,
    %broadcast_in_dim3A_137 = arith.constant 1.000000e+00 : f32
    %broadcast_in_dim3A_138 = vector.broadcast %broadcast_in_dim3A_137 : f32 to vector<16xf32>
    %swap3A_139 = arith.constant 368 : index
    %swap3A_140 = tpu.vector_load %arg6[%swap3A_139] {strides = array<i32>} : memref<1024xf32, #tpu.memory_space<vmem>>, vector<16xf32>,
    %swap3A_141 = vector.shape_cast %swap3A_140 : vector<16xf32> to vector<16xf32>
    %swap3A_142 = vector.shape_cast %broadcast_in_dim3A_138 : vector<16xf32> to vector<16xf32>
    tpu.vector_store %arg6[%swap3A_139], %swap3A_142 {strides = array<i32>} : memref<1024xf32, #tpu.memory_space<vmem>>, vector<16xf32>,
    %broadcast_in_dim3A_143 = arith.constant 1.000000e+00 : f32
    %broadcast_in_dim3A_144 = vector.broadcast %broadcast_in_dim3A_143 : f32 to vector<16xf32>
    %swap3A_145 = arith.constant 384 : index
    %swap3A_146 = tpu.vector_load %arg6[%swap3A_145] {strides = array<i32>} : memref<1024xf32, #tpu.memory_space<vmem>>, vector<16xf32>,
    %swap3A_147 = vector.shape_cast %swap3A_146 : vector<16xf32> to vector<16xf32>
    %swap3A_148 = vector.shape_cast %broadcast_in_dim3A_144 : vector<16xf32> to vector<16xf32>
    tpu.vector_store %arg6[%swap3A_145], %swap3A_148 {strides = array<i32>} : memref<1024xf32, #tpu.memory_space<vmem>>, vector<16xf32>,
    %broadcast_in_dim3A_149 = arith.constant 1.000000e+00 : f32
    %broadcast_in_dim3A_150 = vector.broadcast %broadcast_in_dim3A_149 : f32 to vector<16xf32>
    %swap3A_151 = arith.constant 400 : index
    %swap3A_152 = tpu.vector_load %arg6[%swap3A_151] {strides = array<i32>} : memref<1024xf32, #tpu.memory_space<vmem>>, vector<16xf32>,
    %swap3A_153 = vector.shape_cast %swap3A_152 : vector<16xf32> to vector<16xf32>
    %swap3A_154 = vector.shape_cast %broadcast_in_dim3A_150 : vector<16xf32> to vector<16xf32>
    tpu.vector_store %arg6[%swap3A_151], %swap3A_154 {strides = array<i32>} : memref<1024xf32, #tpu.memory_space<vmem>>, vector<16xf32>,
    %broadcast_in_dim3A_155 = arith.constant 1.000000e+00 : f32
    %broadcast_in_dim3A_156 = vector.broadcast %broadcast_in_dim3A_155 : f32 to vector<16xf32>
    %swap3A_157 = arith.constant 416 : index
    %swap3A_158 = tpu.vector_load %arg6[%swap3A_157] {strides = array<i32>} : memref<1024xf32, #tpu.memory_space<vmem>>, vector<16xf32>,
    %swap3A_159 = vector.shape_cast %swap3A_158 : vector<16xf32> to vector<16xf32>
    %swap3A_160 = vector.shape_cast %broadcast_in_dim3A_156 : vector<16xf32> to vector<16xf32>
    tpu.vector_store %arg6[%swap3A_157], %swap3A_160 {strides = array<i32>} : memref<1024xf32, #tpu.memory_space<vmem>>, vector<16xf32>,
    %broadcast_in_dim3A_161 = arith.constant 1.000000e+00 : f32
    %broadcast_in_dim3A_162 = vector.broadcast %broadcast_in_dim3A_161 : f32 to vector<16xf32>
    %swap3A_163 = arith.constant 432 : index
    %swap3A_164 = tpu.vector_load %arg6[%swap3A_163] {strides = array<i32>} : memref<1024xf32, #tpu.memory_space<vmem>>, vector<16xf32>,
    %swap3A_165 = vector.shape_cast %swap3A_164 : vector<16xf32> to vector<16xf32>
    %swap3A_166 = vector.shape_cast %broadcast_in_dim3A_162 : vector<16xf32> to vector<16xf32>
    tpu.vector_store %arg6[%swap3A_163], %swap3A_166 {strides = array<i32>} : memref<1024xf32, #tpu.memory_space<vmem>>, vector<16xf32>,
    %broadcast_in_dim3A_167 = arith.constant 1.000000e+00 : f32
    %broadcast_in_dim3A_168 = vector.broadcast %broadcast_in_dim3A_167 : f32 to vector<16xf32>
    %swap3A_169 = arith.constant 448 : index
    %swap3A_170 = tpu.vector_load %arg6[%swap3A_169] {strides = array<i32>} : memref<1024xf32, #tpu.memory_space<vmem>>, vector<16xf32>,
    %swap3A_171 = vector.shape_cast %swap3A_170 : vector<16xf32> to vector<16xf32>
    %swap3A_172 = vector.shape_cast %broadcast_in_dim3A_168 : vector<16xf32> to vector<16xf32>
    tpu.vector_store %arg6[%swap3A_169], %swap3A_172 {strides = array<i32>} : memref<1024xf32, #tpu.memory_space<vmem>>, vector<16xf32>,
    %broadcast_in_dim3A_173 = arith.constant 1.000000e+00 : f32
    %broadcast_in_dim3A_174 = vector.broadcast %broadcast_in_dim3A_173 : f32 to vector<16xf32>
    %swap3A_175 = arith.constant 464 : index
    %swap3A_176 = tpu.vector_load %arg6[%swap3A_175] {strides = array<i32>} : memref<1024xf32, #tpu.memory_space<vmem>>, vector<16xf32>,
    %swap3A_177 = vector.shape_cast %swap3A_176 : vector<16xf32> to vector<16xf32>
    %swap3A_178 = vector.shape_cast %broadcast_in_dim3A_174 : vector<16xf32> to vector<16xf32>
    tpu.vector_store %arg6[%swap3A_175], %swap3A_178 {strides = array<i32>} : memref<1024xf32, #tpu.memory_space<vmem>>, vector<16xf32>,
    %broadcast_in_dim3A_179 = arith.constant 1.000000e+00 : f32
    %broadcast_in_dim3A_180 = vector.broadcast %broadcast_in_dim3A_179 : f32 to vector<16xf32>
    %swap3A_181 = arith.constant 480 : index
    %swap3A_182 = tpu.vector_load %arg6[%swap3A_181] {strides = array<i32>} : memref<1024xf32, #tpu.memory_space<vmem>>, vector<16xf32>,
    %swap3A_183 = vector.shape_cast %swap3A_182 : vector<16xf32> to vector<16xf32>
    %swap3A_184 = vector.shape_cast %broadcast_in_dim3A_180 : vector<16xf32> to vector<16xf32>
    tpu.vector_store %arg6[%swap3A_181], %swap3A_184 {strides = array<i32>} : memref<1024xf32, #tpu.memory_space<vmem>>, vector<16xf32>,
    %broadcast_in_dim3A_185 = arith.constant 1.000000e+00 : f32
    %broadcast_in_dim3A_186 = vector.broadcast %broadcast_in_dim3A_185 : f32 to vector<16xf32>
    %swap3A_187 = arith.constant 496 : index
    %swap3A_188 = tpu.vector_load %arg6[%swap3A_187] {strides = array<i32>} : memref<1024xf32, #tpu.memory_space<vmem>>, vector<16xf32>,
    %swap3A_189 = vector.shape_cast %swap3A_188 : vector<16xf32> to vector<16xf32>
    %swap3A_190 = vector.shape_cast %broadcast_in_dim3A_186 : vector<16xf32> to vector<16xf32>
    tpu.vector_store %arg6[%swap3A_187], %swap3A_190 {strides = array<i32>} : memref<1024xf32, #tpu.memory_space<vmem>>, vector<16xf32>,
    %broadcast_in_dim3A_191 = arith.constant 1.000000e+00 : f32
    %broadcast_in_dim3A_192 = vector.broadcast %broadcast_in_dim3A_191 : f32 to vector<16xf32>
    %swap3A_193 = arith.constant 512 : index
    %swap3A_194 = tpu.vector_load %arg6[%swap3A_193] {strides = array<i32>} : memref<1024xf32, #tpu.memory_space<vmem>>, vector<16xf32>,
    %swap3A_195 = vector.shape_cast %swap3A_194 : vector<16xf32> to vector<16xf32>
    %swap3A_196 = vector.shape_cast %broadcast_in_dim3A_192 : vector<16xf32> to vector<16xf32>
    tpu.vector_store %arg6[%swap3A_193], %swap3A_196 {strides = array<i32>} : memref<1024xf32, #tpu.memory_space<vmem>>, vector<16xf32>,
    %broadcast_in_dim3A_197 = arith.constant 1.000000e+00 : f32
    %broadcast_in_dim3A_198 = vector.broadcast %broadcast_in_dim3A_197 : f32 to vector<16xf32>
    %swap3A_199 = arith.constant 528 : index
    %swap3A_200 = tpu.vector_load %arg6[%swap3A_199] {strides = array<i32>} : memref<1024xf32, #tpu.memory_space<vmem>>, vector<16xf32>,
    %swap3A_201 = vector.shape_cast %swap3A_200 : vector<16xf32> to vector<16xf32>
    %swap3A_202 = vector.shape_cast %broadcast_in_dim3A_198 : vector<16xf32> to vector<16xf32>
    tpu.vector_store %arg6[%swap3A_199], %swap3A_202 {strides = array<i32>} : memref<1024xf32, #tpu.memory_space<vmem>>, vector<16xf32>,
    %broadcast_in_dim3A_203 = arith.constant 1.000000e+00 : f32
    %broadcast_in_dim3A_204 = vector.broadcast %broadcast_in_dim3A_203 : f32 to vector<16xf32>
    %swap3A_205 = arith.constant 544 : index
    %swap3A_206 = tpu.vector_load %arg6[%swap3A_205] {strides = array<i32>} : memref<1024xf32, #tpu.memory_space<vmem>>, vector<16xf32>,
    %swap3A_207 = vector.shape_cast %swap3A_206 : vector<16xf32> to vector<16xf32>
    %swap3A_208 = vector.shape_cast %broadcast_in_dim3A_204 : vector<16xf32> to vector<16xf32>
    tpu.vector_store %arg6[%swap3A_205], %swap3A_208 {strides = array<i32>} : memref<1024xf32, #tpu.memory_space<vmem>>, vector<16xf32>,
    %broadcast_in_dim3A_209 = arith.constant 1.000000e+00 : f32
    %broadcast_in_dim3A_210 = vector.broadcast %broadcast_in_dim3A_209 : f32 to vector<16xf32>
    %swap3A_211 = arith.constant 560 : index
    %swap3A_212 = tpu.vector_load %arg6[%swap3A_211] {strides = array<i32>} : memref<1024xf32, #tpu.memory_space<vmem>>, vector<16xf32>,
    %swap3A_213 = vector.shape_cast %swap3A_212 : vector<16xf32> to vector<16xf32>
    %swap3A_214 = vector.shape_cast %broadcast_in_dim3A_210 : vector<16xf32> to vector<16xf32>
    tpu.vector_store %arg6[%swap3A_211], %swap3A_214 {strides = array<i32>} : memref<1024xf32, #tpu.memory_space<vmem>>, vector<16xf32>,
    %broadcast_in_dim3A_215 = arith.constant 1.000000e+00 : f32
    %broadcast_in_dim3A_216 = vector.broadcast %broadcast_in_dim3A_215 : f32 to vector<16xf32>
    %swap3A_217 = arith.constant 576 : index
    %swap3A_218 = tpu.vector_load %arg6[%swap3A_217] {strides = array<i32>} : memref<1024xf32, #tpu.memory_space<vmem>>, vector<16xf32>,
    %swap3A_219 = vector.shape_cast %swap3A_218 : vector<16xf32> to vector<16xf32>
    %swap3A_220 = vector.shape_cast %broadcast_in_dim3A_216 : vector<16xf32> to vector<16xf32>
    tpu.vector_store %arg6[%swap3A_217], %swap3A_220 {strides = array<i32>} : memref<1024xf32, #tpu.memory_space<vmem>>, vector<16xf32>,
    %broadcast_in_dim3A_221 = arith.constant 1.000000e+00 : f32
    %broadcast_in_dim3A_222 = vector.broadcast %broadcast_in_dim3A_221 : f32 to vector<16xf32>
    %swap3A_223 = arith.constant 592 : index
    %swap3A_224 = tpu.vector_load %arg6[%swap3A_223] {strides = array<i32>} : memref<1024xf32, #tpu.memory_space<vmem>>, vector<16xf32>,
    %swap3A_225 = vector.shape_cast %swap3A_224 : vector<16xf32> to vector<16xf32>
    %swap3A_226 = vector.shape_cast %broadcast_in_dim3A_222 : vector<16xf32> to vector<16xf32>
    tpu.vector_store %arg6[%swap3A_223], %swap3A_226 {strides = array<i32>} : memref<1024xf32, #tpu.memory_space<vmem>>, vector<16xf32>,
    %broadcast_in_dim3A_227 = arith.constant 1.000000e+00 : f32
    %broadcast_in_dim3A_228 = vector.broadcast %broadcast_in_dim3A_227 : f32 to vector<16xf32>
    %swap3A_229 = arith.constant 608 : index
    %swap3A_230 = tpu.vector_load %arg6[%swap3A_229] {strides = array<i32>} : memref<1024xf32, #tpu.memory_space<vmem>>, vector<16xf32>,
    %swap3A_231 = vector.shape_cast %swap3A_230 : vector<16xf32> to vector<16xf32>
    %swap3A_232 = vector.shape_cast %broadcast_in_dim3A_228 : vector<16xf32> to vector<16xf32>
    tpu.vector_store %arg6[%swap3A_229], %swap3A_232 {strides = array<i32>} : memref<1024xf32, #tpu.memory_space<vmem>>, vector<16xf32>,
    %broadcast_in_dim3A_233 = arith.constant 1.000000e+00 : f32
    %broadcast_in_dim3A_234 = vector.broadcast %broadcast_in_dim3A_233 : f32 to vector<16xf32>
    %swap3A_235 = arith.constant 624 : index
    %swap3A_236 = tpu.vector_load %arg6[%swap3A_235] {strides = array<i32>} : memref<1024xf32, #tpu.memory_space<vmem>>, vector<16xf32>,
    %swap3A_237 = vector.shape_cast %swap3A_236 : vector<16xf32> to vector<16xf32>
    %swap3A_238 = vector.shape_cast %broadcast_in_dim3A_234 : vector<16xf32> to vector<16xf32>
    tpu.vector_store %arg6[%swap3A_235], %swap3A_238 {strides = array<i32>} : memref<1024xf32, #tpu.memory_space<vmem>>, vector<16xf32>,
    %broadcast_in_dim3A_239 = arith.constant 1.000000e+00 : f32
    %broadcast_in_dim3A_240 = vector.broadcast %broadcast_in_dim3A_239 : f32 to vector<16xf32>
    %swap3A_241 = arith.constant 640 : index
    %swap3A_242 = tpu.vector_load %arg6[%swap3A_241] {strides = array<i32>} : memref<1024xf32, #tpu.memory_space<vmem>>, vector<16xf32>,
    %swap3A_243 = vector.shape_cast %swap3A_242 : vector<16xf32> to vector<16xf32>
    %swap3A_244 = vector.shape_cast %broadcast_in_dim3A_240 : vector<16xf32> to vector<16xf32>
    tpu.vector_store %arg6[%swap3A_241], %swap3A_244 {strides = array<i32>} : memref<1024xf32, #tpu.memory_space<vmem>>, vector<16xf32>,
    %broadcast_in_dim3A_245 = arith.constant 1.000000e+00 : f32
    %broadcast_in_dim3A_246 = vector.broadcast %broadcast_in_dim3A_245 : f32 to vector<16xf32>
    %swap3A_247 = arith.constant 656 : index
    %swap3A_248 = tpu.vector_load %arg6[%swap3A_247] {strides = array<i32>} : memref<1024xf32, #tpu.memory_space<vmem>>, vector<16xf32>,
    %swap3A_249 = vector.shape_cast %swap3A_248 : vector<16xf32> to vector<16xf32>
    %swap3A_250 = vector.shape_cast %broadcast_in_dim3A_246 : vector<16xf32> to vector<16xf32>
    tpu.vector_store %arg6[%swap3A_247], %swap3A_250 {strides = array<i32>} : memref<1024xf32, #tpu.memory_space<vmem>>, vector<16xf32>,
    %broadcast_in_dim3A_251 = arith.constant 1.000000e+00 : f32
    %broadcast_in_dim3A_252 = vector.broadcast %broadcast_in_dim3A_251 : f32 to vector<16xf32>
    %swap3A_253 = arith.constant 672 : index
    %swap3A_254 = tpu.vector_load %arg6[%swap3A_253] {strides = array<i32>} : memref<1024xf32, #tpu.memory_space<vmem>>, vector<16xf32>,
    %swap3A_255 = vector.shape_cast %swap3A_254 : vector<16xf32> to vector<16xf32>
    %swap3A_256 = vector.shape_cast %broadcast_in_dim3A_252 : vector<16xf32> to vector<16xf32>
    tpu.vector_store %arg6[%swap3A_253], %swap3A_256 {strides = array<i32>} : memref<1024xf32, #tpu.memory_space<vmem>>, vector<16xf32>,
    %broadcast_in_dim3A_257 = arith.constant 1.000000e+00 : f32
    %broadcast_in_dim3A_258 = vector.broadcast %broadcast_in_dim3A_257 : f32 to vector<16xf32>
    %swap3A_259 = arith.constant 688 : index
    %swap3A_260 = tpu.vector_load %arg6[%swap3A_259] {strides = array<i32>} : memref<1024xf32, #tpu.memory_space<vmem>>, vector<16xf32>,
    %swap3A_261 = vector.shape_cast %swap3A_260 : vector<16xf32> to vector<16xf32>
    %swap3A_262 = vector.shape_cast %broadcast_in_dim3A_258 : vector<16xf32> to vector<16xf32>
    tpu.vector_store %arg6[%swap3A_259], %swap3A_262 {strides = array<i32>} : memref<1024xf32, #tpu.memory_space<vmem>>, vector<16xf32>,
    %broadcast_in_dim3A_263 = arith.constant 1.000000e+00 : f32
    %broadcast_in_dim3A_264 = vector.broadcast %broadcast_in_dim3A_263 : f32 to vector<16xf32>
    %swap3A_265 = arith.constant 704 : index
    %swap3A_266 = tpu.vector_load %arg6[%swap3A_265] {strides = array<i32>} : memref<1024xf32, #tpu.memory_space<vmem>>, vector<16xf32>,
    %swap3A_267 = vector.shape_cast %swap3A_266 : vector<16xf32> to vector<16xf32>
    %swap3A_268 = vector.shape_cast %broadcast_in_dim3A_264 : vector<16xf32> to vector<16xf32>
    tpu.vector_store %arg6[%swap3A_265], %swap3A_268 {strides = array<i32>} : memref<1024xf32, #tpu.memory_space<vmem>>, vector<16xf32>,
    %broadcast_in_dim3A_269 = arith.constant 1.000000e+00 : f32
    %broadcast_in_dim3A_270 = vector.broadcast %broadcast_in_dim3A_269 : f32 to vector<16xf32>
    %swap3A_271 = arith.constant 720 : index
    %swap3A_272 = tpu.vector_load %arg6[%swap3A_271] {strides = array<i32>} : memref<1024xf32, #tpu.memory_space<vmem>>, vector<16xf32>,
    %swap3A_273 = vector.shape_cast %swap3A_272 : vector<16xf32> to vector<16xf32>
    %swap3A_274 = vector.shape_cast %broadcast_in_dim3A_270 : vector<16xf32> to vector<16xf32>
    tpu.vector_store %arg6[%swap3A_271], %swap3A_274 {strides = array<i32>} : memref<1024xf32, #tpu.memory_space<vmem>>, vector<16xf32>,
    %broadcast_in_dim3A_275 = arith.constant 1.000000e+00 : f32
    %broadcast_in_dim3A_276 = vector.broadcast %broadcast_in_dim3A_275 : f32 to vector<16xf32>
    %swap3A_277 = arith.constant 736 : index
    %swap3A_278 = tpu.vector_load %arg6[%swap3A_277] {strides = array<i32>} : memref<1024xf32, #tpu.memory_space<vmem>>, vector<16xf32>,
    %swap3A_279 = vector.shape_cast %swap3A_278 : vector<16xf32> to vector<16xf32>
    %swap3A_280 = vector.shape_cast %broadcast_in_dim3A_276 : vector<16xf32> to vector<16xf32>
    tpu.vector_store %arg6[%swap3A_277], %swap3A_280 {strides = array<i32>} : memref<1024xf32, #tpu.memory_space<vmem>>, vector<16xf32>,
    %broadcast_in_dim3A_281 = arith.constant 1.000000e+00 : f32
    %broadcast_in_dim3A_282 = vector.broadcast %broadcast_in_dim3A_281 : f32 to vector<16xf32>
    %swap3A_283 = arith.constant 752 : index
    %swap3A_284 = tpu.vector_load %arg6[%swap3A_283] {strides = array<i32>} : memref<1024xf32, #tpu.memory_space<vmem>>, vector<16xf32>,
    %swap3A_285 = vector.shape_cast %swap3A_284 : vector<16xf32> to vector<16xf32>
    %swap3A_286 = vector.shape_cast %broadcast_in_dim3A_282 : vector<16xf32> to vector<16xf32>
    tpu.vector_store %arg6[%swap3A_283], %swap3A_286 {strides = array<i32>} : memref<1024xf32, #tpu.memory_space<vmem>>, vector<16xf32>,
    %broadcast_in_dim3A_287 = arith.constant 1.000000e+00 : f32
    %broadcast_in_dim3A_288 = vector.broadcast %broadcast_in_dim3A_287 : f32 to vector<16xf32>
    %swap3A_289 = arith.constant 768 : index
    %swap3A_290 = tpu.vector_load %arg6[%swap3A_289] {strides = array<i32>} : memref<1024xf32, #tpu.memory_space<vmem>>, vector<16xf32>,
    %swap3A_291 = vector.shape_cast %swap3A_290 : vector<16xf32> to vector<16xf32>
    %swap3A_292 = vector.shape_cast %broadcast_in_dim3A_288 : vector<16xf32> to vector<16xf32>
    tpu.vector_store %arg6[%swap3A_289], %swap3A_292 {strides = array<i32>} : memref<1024xf32, #tpu.memory_space<vmem>>, vector<16xf32>,
    %broadcast_in_dim3A_293 = arith.constant 1.000000e+00 : f32
    %broadcast_in_dim3A_294 = vector.broadcast %broadcast_in_dim3A_293 : f32 to vector<16xf32>
    %swap3A_295 = arith.constant 784 : index
    %swap3A_296 = tpu.vector_load %arg6[%swap3A_295] {strides = array<i32>} : memref<1024xf32, #tpu.memory_space<vmem>>, vector<16xf32>,
    %swap3A_297 = vector.shape_cast %swap3A_296 : vector<16xf32> to vector<16xf32>
    %swap3A_298 = vector.shape_cast %broadcast_in_dim3A_294 : vector<16xf32> to vector<16xf32>
    tpu.vector_store %arg6[%swap3A_295], %swap3A_298 {strides = array<i32>} : memref<1024xf32, #tpu.memory_space<vmem>>, vector<16xf32>,
    %broadcast_in_dim3A_299 = arith.constant 1.000000e+00 : f32
    %broadcast_in_dim3A_300 = vector.broadcast %broadcast_in_dim3A_299 : f32 to vector<16xf32>
    %swap3A_301 = arith.constant 800 : index
    %swap3A_302 = tpu.vector_load %arg6[%swap3A_301] {strides = array<i32>} : memref<1024xf32, #tpu.memory_space<vmem>>, vector<16xf32>,
    %swap3A_303 = vector.shape_cast %swap3A_302 : vector<16xf32> to vector<16xf32>
    %swap3A_304 = vector.shape_cast %broadcast_in_dim3A_300 : vector<16xf32> to vector<16xf32>
    tpu.vector_store %arg6[%swap3A_301], %swap3A_304 {strides = array<i32>} : memref<1024xf32, #tpu.memory_space<vmem>>, vector<16xf32>,
    %broadcast_in_dim3A_305 = arith.constant 1.000000e+00 : f32
    %broadcast_in_dim3A_306 = vector.broadcast %broadcast_in_dim3A_305 : f32 to vector<16xf32>
    %swap3A_307 = arith.constant 816 : index
    %swap3A_308 = tpu.vector_load %arg6[%swap3A_307] {strides = array<i32>} : memref<1024xf32, #tpu.memory_space<vmem>>, vector<16xf32>,
    %swap3A_309 = vector.shape_cast %swap3A_308 : vector<16xf32> to vector<16xf32>
    %swap3A_310 = vector.shape_cast %broadcast_in_dim3A_306 : vector<16xf32> to vector<16xf32>
    tpu.vector_store %arg6[%swap3A_307], %swap3A_310 {strides = array<i32>} : memref<1024xf32, #tpu.memory_space<vmem>>, vector<16xf32>,
    %broadcast_in_dim3A_311 = arith.constant 1.000000e+00 : f32
    %broadcast_in_dim3A_312 = vector.broadcast %broadcast_in_dim3A_311 : f32 to vector<16xf32>
    %swap3A_313 = arith.constant 832 : index
    %swap3A_314 = tpu.vector_load %arg6[%swap3A_313] {strides = array<i32>} : memref<1024xf32, #tpu.memory_space<vmem>>, vector<16xf32>,
    %swap3A_315 = vector.shape_cast %swap3A_314 : vector<16xf32> to vector<16xf32>
    %swap3A_316 = vector.shape_cast %broadcast_in_dim3A_312 : vector<16xf32> to vector<16xf32>
    tpu.vector_store %arg6[%swap3A_313], %swap3A_316 {strides = array<i32>} : memref<1024xf32, #tpu.memory_space<vmem>>, vector<16xf32>,
    %broadcast_in_dim3A_317 = arith.constant 1.000000e+00 : f32
    %broadcast_in_dim3A_318 = vector.broadcast %broadcast_in_dim3A_317 : f32 to vector<16xf32>
    %swap3A_319 = arith.constant 848 : index
    %swap3A_320 = tpu.vector_load %arg6[%swap3A_319] {strides = array<i32>} : memref<1024xf32, #tpu.memory_space<vmem>>, vector<16xf32>,
    %swap3A_321 = vector.shape_cast %swap3A_320 : vector<16xf32> to vector<16xf32>
    %swap3A_322 = vector.shape_cast %broadcast_in_dim3A_318 : vector<16xf32> to vector<16xf32>
    tpu.vector_store %arg6[%swap3A_319], %swap3A_322 {strides = array<i32>} : memref<1024xf32, #tpu.memory_space<vmem>>, vector<16xf32>,
    %broadcast_in_dim3A_323 = arith.constant 1.000000e+00 : f32
    %broadcast_in_dim3A_324 = vector.broadcast %broadcast_in_dim3A_323 : f32 to vector<16xf32>
    %swap3A_325 = arith.constant 864 : index
    %swap3A_326 = tpu.vector_load %arg6[%swap3A_325] {strides = array<i32>} : memref<1024xf32, #tpu.memory_space<vmem>>, vector<16xf32>,
    %swap3A_327 = vector.shape_cast %swap3A_326 : vector<16xf32> to vector<16xf32>
    %swap3A_328 = vector.shape_cast %broadcast_in_dim3A_324 : vector<16xf32> to vector<16xf32>
    tpu.vector_store %arg6[%swap3A_325], %swap3A_328 {strides = array<i32>} : memref<1024xf32, #tpu.memory_space<vmem>>, vector<16xf32>,
    %broadcast_in_dim3A_329 = arith.constant 1.000000e+00 : f32
    %broadcast_in_dim3A_330 = vector.broadcast %broadcast_in_dim3A_329 : f32 to vector<16xf32>
    %swap3A_331 = arith.constant 880 : index
    %swap3A_332 = tpu.vector_load %arg6[%swap3A_331] {strides = array<i32>} : memref<1024xf32, #tpu.memory_space<vmem>>, vector<16xf32>,
    %swap3A_333 = vector.shape_cast %swap3A_332 : vector<16xf32> to vector<16xf32>
    %swap3A_334 = vector.shape_cast %broadcast_in_dim3A_330 : vector<16xf32> to vector<16xf32>
    tpu.vector_store %arg6[%swap3A_331], %swap3A_334 {strides = array<i32>} : memref<1024xf32, #tpu.memory_space<vmem>>, vector<16xf32>,
    %broadcast_in_dim3A_335 = arith.constant 1.000000e+00 : f32
    %broadcast_in_dim3A_336 = vector.broadcast %broadcast_in_dim3A_335 : f32 to vector<16xf32>
    %swap3A_337 = arith.constant 896 : index
    %swap3A_338 = tpu.vector_load %arg6[%swap3A_337] {strides = array<i32>} : memref<1024xf32, #tpu.memory_space<vmem>>, vector<16xf32>,
    %swap3A_339 = vector.shape_cast %swap3A_338 : vector<16xf32> to vector<16xf32>
    %swap3A_340 = vector.shape_cast %broadcast_in_dim3A_336 : vector<16xf32> to vector<16xf32>
    tpu.vector_store %arg6[%swap3A_337], %swap3A_340 {strides = array<i32>} : memref<1024xf32, #tpu.memory_space<vmem>>, vector<16xf32>,
    %broadcast_in_dim3A_341 = arith.constant 1.000000e+00 : f32
    %broadcast_in_dim3A_342 = vector.broadcast %broadcast_in_dim3A_341 : f32 to vector<16xf32>
    %swap3A_343 = arith.constant 912 : index
    %swap3A_344 = tpu.vector_load %arg6[%swap3A_343] {strides = array<i32>} : memref<1024xf32, #tpu.memory_space<vmem>>, vector<16xf32>,
    %swap3A_345 = vector.shape_cast %swap3A_344 : vector<16xf32> to vector<16xf32>
    %swap3A_346 = vector.shape_cast %broadcast_in_dim3A_342 : vector<16xf32> to vector<16xf32>
    tpu.vector_store %arg6[%swap3A_343], %swap3A_346 {strides = array<i32>} : memref<1024xf32, #tpu.memory_space<vmem>>, vector<16xf32>,
    %broadcast_in_dim3A_347 = arith.constant 1.000000e+00 : f32
    %broadcast_in_dim3A_348 = vector.broadcast %broadcast_in_dim3A_347 : f32 to vector<16xf32>
    %swap3A_349 = arith.constant 928 : index
    %swap3A_350 = tpu.vector_load %arg6[%swap3A_349] {strides = array<i32>} : memref<1024xf32, #tpu.memory_space<vmem>>, vector<16xf32>,
    %swap3A_351 = vector.shape_cast %swap3A_350 : vector<16xf32> to vector<16xf32>
    %swap3A_352 = vector.shape_cast %broadcast_in_dim3A_348 : vector<16xf32> to vector<16xf32>
    tpu.vector_store %arg6[%swap3A_349], %swap3A_352 {strides = array<i32>} : memref<1024xf32, #tpu.memory_space<vmem>>, vector<16xf32>,
    %broadcast_in_dim3A_353 = arith.constant 1.000000e+00 : f32
    %broadcast_in_dim3A_354 = vector.broadcast %broadcast_in_dim3A_353 : f32 to vector<16xf32>
    %swap3A_355 = arith.constant 944 : index
    %swap3A_356 = tpu.vector_load %arg6[%swap3A_355] {strides = array<i32>} : memref<1024xf32, #tpu.memory_space<vmem>>, vector<16xf32>,
    %swap3A_357 = vector.shape_cast %swap3A_356 : vector<16xf32> to vector<16xf32>
    %swap3A_358 = vector.shape_cast %broadcast_in_dim3A_354 : vector<16xf32> to vector<16xf32>
    tpu.vector_store %arg6[%swap3A_355], %swap3A_358 {strides = array<i32>} : memref<1024xf32, #tpu.memory_space<vmem>>, vector<16xf32>,
    %broadcast_in_dim3A_359 = arith.constant 1.000000e+00 : f32
    %broadcast_in_dim3A_360 = vector.broadcast %broadcast_in_dim3A_359 : f32 to vector<16xf32>
    %swap3A_361 = arith.constant 960 : index
    %swap3A_362 = tpu.vector_load %arg6[%swap3A_361] {strides = array<i32>} : memref<1024xf32, #tpu.memory_space<vmem>>, vector<16xf32>,
    %swap3A_363 = vector.shape_cast %swap3A_362 : vector<16xf32> to vector<16xf32>
    %swap3A_364 = vector.shape_cast %broadcast_in_dim3A_360 : vector<16xf32> to vector<16xf32>
    tpu.vector_store %arg6[%swap3A_361], %swap3A_364 {strides = array<i32>} : memref<1024xf32, #tpu.memory_space<vmem>>, vector<16xf32>,
    %broadcast_in_dim3A_365 = arith.constant 1.000000e+00 : f32
    %broadcast_in_dim3A_366 = vector.broadcast %broadcast_in_dim3A_365 : f32 to vector<16xf32>
    %swap3A_367 = arith.constant 976 : index
    %swap3A_368 = tpu.vector_load %arg6[%swap3A_367] {strides = array<i32>} : memref<1024xf32, #tpu.memory_space<vmem>>, vector<16xf32>,
    %swap3A_369 = vector.shape_cast %swap3A_368 : vector<16xf32> to vector<16xf32>
    %swap3A_370 = vector.shape_cast %broadcast_in_dim3A_366 : vector<16xf32> to vector<16xf32>
    tpu.vector_store %arg6[%swap3A_367], %swap3A_370 {strides = array<i32>} : memref<1024xf32, #tpu.memory_space<vmem>>, vector<16xf32>,
    %broadcast_in_dim3A_371 = arith.constant 1.000000e+00 : f32
    %broadcast_in_dim3A_372 = vector.broadcast %broadcast_in_dim3A_371 : f32 to vector<16xf32>
    %swap3A_373 = arith.constant 992 : index
    %swap3A_374 = tpu.vector_load %arg6[%swap3A_373] {strides = array<i32>} : memref<1024xf32, #tpu.memory_space<vmem>>, vector<16xf32>,
    %swap3A_375 = vector.shape_cast %swap3A_374 : vector<16xf32> to vector<16xf32>
    %swap3A_376 = vector.shape_cast %broadcast_in_dim3A_372 : vector<16xf32> to vector<16xf32>
    tpu.vector_store %arg6[%swap3A_373], %swap3A_376 {strides = array<i32>} : memref<1024xf32, #tpu.memory_space<vmem>>, vector<16xf32>,
    %broadcast_in_dim3A_377 = arith.constant 1.000000e+00 : f32
    %broadcast_in_dim3A_378 = vector.broadcast %broadcast_in_dim3A_377 : f32 to vector<16xf32>
    %swap3A_379 = arith.constant 1008 : index
    %swap3A_380 = tpu.vector_load %arg6[%swap3A_379] {strides = array<i32>} : memref<1024xf32, #tpu.memory_space<vmem>>, vector<16xf32>,
    %swap3A_381 = vector.shape_cast %swap3A_380 : vector<16xf32> to vector<16xf32>
    %swap3A_382 = vector.shape_cast %broadcast_in_dim3A_378 : vector<16xf32> to vector<16xf32>
    tpu.vector_store %arg6[%swap3A_379], %swap3A_382 {strides = array<i32>} : memref<1024xf32, #tpu.memory_space<vmem>>, vector<16xf32>,
    %barrier3A = arith.constant 0 : index
    tpu.barrier barrier_id(%barrier3A)
    %mul3A_383 = arith.constant 409600 : i32
    %mul3A_384 = arith.muli %arg0, %mul3A_383 : i32
    %mul3A_385 = arith.constant 25600 : i32
    %mul3A_386 = arith.muli %arg1, %mul3A_385 : i32
    %add3A = arith.addi %mul3A_384, %mul3A_386 : i32
    %multiple_of3A_387 = tpu.assume_multiple %add3A, 8 : i32
    %scan3A = arith.constant 0 : i32
    %scan3A_388 = arith.constant 0 : i32
    %scan3A_389 = arith.constant 25 : i32
    %scan3A_390 = arith.addi %scan3A_388, %scan3A_389 : i32
    %scan3A_391 = arith.constant 1 : i32
    scf.for %scan3A_400 = %scan3A_388 to %scan3A_390 step %scan3A_391  : i32 {
      %mul3A_401 = arith.constant 1024 : i32
      %mul3A_402 = arith.muli %scan3A_400, %mul3A_401 : i32
      %add3A_403 = arith.addi %multiple_of3A_387, %mul3A_402 : i32
      %multiple_of3A_404 = tpu.assume_multiple %add3A_403, 8 : i32
      "tpu.region"() ({
        %run_scoped3A = tpu.sem_alloc : memref<!tpu.dma_semaphore, #tpu.memory_space<semaphore_mem>>
        %dma_start3A = tpu.memref_slice %arg2[%multiple_of3A_404] : memref<819200xi32, #tpu.memory_space<hbm>> -> memref<1024xi32, #tpu.memory_space<hbm>>
        %dma_start3A_405 = tpu.memref_slice %arg2[%multiple_of3A_404] : memref<819200xi32, #tpu.memory_space<hbm>> -> memref<1024xi32, #tpu.memory_space<hbm>>
        tpu.enqueue_dma source(%dma_start3A_405 : memref<1024xi32, #tpu.memory_space<hbm>>) target(%arg5 : memref<1024xi32, #tpu.memory_space<vmem>>) target_semaphore(%run_scoped3A : memref<!tpu.dma_semaphore, #tpu.memory_space<semaphore_mem>>)
        %dma_wait3A = tpu.memref_slice %arg2[%multiple_of3A_404] : memref<819200xi32, #tpu.memory_space<hbm>> -> memref<1024xi32, #tpu.memory_space<hbm>>
        %dma_wait3A_406 = tpu.memref_slice %arg2[%multiple_of3A_404] : memref<819200xi32, #tpu.memory_space<hbm>> -> memref<1024xi32, #tpu.memory_space<hbm>>
        tpu.wait_dma2 semaphore(%run_scoped3A : memref<!tpu.dma_semaphore, #tpu.memory_space<semaphore_mem>>) src(%dma_wait3A_406 : memref<1024xi32, #tpu.memory_space<hbm>>) dst(%arg5 : memref<1024xi32, #tpu.memory_space<vmem>>)
        tpu.yield
      }) : () -> ()
      "tpu.region"() ({
        %run_scoped3A = tpu.sem_alloc : memref<!tpu.dma_semaphore, #tpu.memory_space<semaphore_mem>>
        %dma_start3A = arith.constant 0 : i32
        %dma_start3A_405 = tpu.memref_slice %arg7[%dma_start3A] : memref<51200xf32, #tpu.memory_space<vmem_shared>> -> memref<51200xf32, #tpu.memory_space<vmem_shared>>
        tpu.enqueue_indirect_dma source(%arg6 : memref<1024xf32, #tpu.memory_space<vmem>>) target(%dma_start3A_405 : memref<51200xf32, #tpu.memory_space<vmem_shared>>) offsets(%arg5 : memref<1024xi32, #tpu.memory_space<vmem>>) semaphore(%run_scoped3A : memref<!tpu.dma_semaphore, #tpu.memory_space<semaphore_mem>>) {add = true}
        %dma_wait3A = arith.constant 0 : i32
        %dma_wait3A_406 = tpu.memref_slice %arg7[%dma_wait3A] : memref<51200xf32, #tpu.memory_space<vmem_shared>> -> memref<51200xf32, #tpu.memory_space<vmem_shared>>
        tpu.wait_indirect_dma semaphore(%run_scoped3A : memref<!tpu.dma_semaphore, #tpu.memory_space<semaphore_mem>>) src(%arg6 : memref<1024xf32, #tpu.memory_space<vmem>>) dst(%dma_wait3A_406 : memref<51200xf32, #tpu.memory_space<vmem_shared>>)
        tpu.yield
      }) : () -> ()
    }
    %scan3A_392 = arith.constant 25 : i32
    %barrier3A_393 = arith.constant 0 : index
    tpu.barrier barrier_id(%barrier3A_393)
    %mul3A_394 = arith.constant 51200 : i32
    %mul3A_395 = arith.muli %arg0, %mul3A_394 : i32
    %mul3A_396 = arith.constant 3200 : i32
    %mul3A_397 = arith.muli %arg1, %mul3A_396 : i32
    %add3A_398 = arith.addi %mul3A_395, %mul3A_397 : i32
    %multiple_of3A_399 = tpu.assume_multiple %add3A_398, 8 : i32
    "tpu.region"() ({
      %run_scoped3A = tpu.sem_alloc : memref<!tpu.dma_semaphore, #tpu.memory_space<semaphore_mem>>
      %dma_start3A = tpu.memref_slice %arg4[%multiple_of3A_399] : memref<102400xf32, #tpu.memory_space<hbm>> -> memref<3200xf32, #tpu.memory_space<hbm>>
      %dma_start3A_400 = tpu.memref_slice %arg7[%multiple_of3A] : memref<51200xf32, #tpu.memory_space<vmem_shared>> -> memref<3200xf32, #tpu.memory_space<vmem_shared>>
      tpu.enqueue_dma source(%dma_start3A_400 : memref<3200xf32, #tpu.memory_space<vmem_shared>>) target(%dma_start3A : memref<3200xf32, #tpu.memory_space<hbm>>) target_semaphore(%run_scoped3A : memref<!tpu.dma_semaphore, #tpu.memory_space<semaphore_mem>>)
      %dma_wait3A = tpu.memref_slice %arg4[%multiple_of3A_399] : memref<102400xf32, #tpu.memory_space<hbm>> -> memref<3200xf32, #tpu.memory_space<hbm>>
      %dma_wait3A_401 = tpu.memref_slice %arg7[%multiple_of3A] : memref<51200xf32, #tpu.memory_space<vmem_shared>> -> memref<3200xf32, #tpu.memory_space<vmem_shared>>
      tpu.wait_dma2 semaphore(%run_scoped3A : memref<!tpu.dma_semaphore, #tpu.memory_space<semaphore_mem>>) src(%dma_wait3A_401 : memref<3200xf32, #tpu.memory_space<vmem_shared>>) dst(%dma_wait3A : memref<3200xf32, #tpu.memory_space<hbm>>)
      tpu.yield
    }) : () -> ()
    return
  }
}

#map = affine_map<(d0, d1) -> (0)>
module attributes {stable_mosaic.version = 14 : i64} {
  func.func @_bmat_kernel(%arg0: i32, %arg1: i32, %arg2: memref<3276800xi32, #tpu.memory_space<hbm>>, %arg3: memref<3276800xi32, #tpu.memory_space<hbm>>, %arg4: memref<100000xf32, #tpu.memory_space<hbm>>, %arg5: memref<3200xf32, #tpu.memory_space<hbm>>, %arg6: memref<2048000xf32, #tpu.memory_space<hbm>>, %arg7: memref<1024xi32, #tpu.memory_space<vmem>>, %arg8: memref<1024xi32, #tpu.memory_space<vmem>>, %arg9: memref<1024xf32, #tpu.memory_space<vmem>>, %arg10: memref<256000xf32, #tpu.memory_space<vmem_shared>>, %arg11: memref<!tpu.dma_semaphore, #tpu.memory_space<semaphore_mem>>) attributes {dimension_semantics = [#tpu.dimension_semantics<core_parallel>, #tpu.dimension_semantics<subcore_parallel>], iteration_bounds = array<i64: 2, 16>, scalar_prefetch = 0 : i64, scratch_operands = 5 : i64, tpu.core_type = #tpu.core_type<sc_vector_subcore>, window_params = [{transform_indices = #map}, {transform_indices = #map}, {transform_indices = #map}, {transform_indices = #map}, {transform_indices = #map}]} {
    %mul3A = arith.constant 16000 : i32
    %mul3A_0 = arith.muli %arg1, %mul3A : i32
    %multiple_of3A = tpu.assume_multiple %mul3A_0, 8 : i32
    %add3A = arith.constant 0 : i32
    %add3A_1 = arith.addi %multiple_of3A, %add3A : i32
    "tpu.region"() ({
      %run_scoped3A = tpu.sem_alloc : memref<!tpu.dma_semaphore, #tpu.memory_space<semaphore_mem>>
      %dma_start3A = tpu.memref_slice %arg10[%add3A_1] : memref<256000xf32, #tpu.memory_space<vmem_shared>> -> memref<3200xf32, #tpu.memory_space<vmem_shared>>
      %dma_start3A_302 = arith.constant 0 : i32
      %dma_start3A_303 = tpu.memref_slice %arg5[%dma_start3A_302] : memref<3200xf32, #tpu.memory_space<hbm>> -> memref<3200xf32, #tpu.memory_space<hbm>>
      tpu.enqueue_dma source(%dma_start3A_303 : memref<3200xf32, #tpu.memory_space<hbm>>) target(%dma_start3A : memref<3200xf32, #tpu.memory_space<vmem_shared>>) target_semaphore(%run_scoped3A : memref<!tpu.dma_semaphore, #tpu.memory_space<semaphore_mem>>)
      %dma_wait3A = tpu.memref_slice %arg10[%add3A_1] : memref<256000xf32, #tpu.memory_space<vmem_shared>> -> memref<3200xf32, #tpu.memory_space<vmem_shared>>
      %dma_wait3A_304 = arith.constant 0 : i32
      %dma_wait3A_305 = tpu.memref_slice %arg5[%dma_wait3A_304] : memref<3200xf32, #tpu.memory_space<hbm>> -> memref<3200xf32, #tpu.memory_space<hbm>>
      tpu.wait_dma2 semaphore(%run_scoped3A : memref<!tpu.dma_semaphore, #tpu.memory_space<semaphore_mem>>) src(%dma_wait3A_305 : memref<3200xf32, #tpu.memory_space<hbm>>) dst(%dma_wait3A : memref<3200xf32, #tpu.memory_space<vmem_shared>>)
      tpu.yield
    }) : () -> ()
    %add3A_2 = arith.constant 3200 : i32
    %add3A_3 = arith.addi %multiple_of3A, %add3A_2 : i32
    "tpu.region"() ({
      %run_scoped3A = tpu.sem_alloc : memref<!tpu.dma_semaphore, #tpu.memory_space<semaphore_mem>>
      %dma_start3A = tpu.memref_slice %arg10[%add3A_3] : memref<256000xf32, #tpu.memory_space<vmem_shared>> -> memref<3200xf32, #tpu.memory_space<vmem_shared>>
      %dma_start3A_302 = arith.constant 0 : i32
      %dma_start3A_303 = tpu.memref_slice %arg5[%dma_start3A_302] : memref<3200xf32, #tpu.memory_space<hbm>> -> memref<3200xf32, #tpu.memory_space<hbm>>
      tpu.enqueue_dma source(%dma_start3A_303 : memref<3200xf32, #tpu.memory_space<hbm>>) target(%dma_start3A : memref<3200xf32, #tpu.memory_space<vmem_shared>>) target_semaphore(%run_scoped3A : memref<!tpu.dma_semaphore, #tpu.memory_space<semaphore_mem>>)
      %dma_wait3A = tpu.memref_slice %arg10[%add3A_3] : memref<256000xf32, #tpu.memory_space<vmem_shared>> -> memref<3200xf32, #tpu.memory_space<vmem_shared>>
      %dma_wait3A_304 = arith.constant 0 : i32
      %dma_wait3A_305 = tpu.memref_slice %arg5[%dma_wait3A_304] : memref<3200xf32, #tpu.memory_space<hbm>> -> memref<3200xf32, #tpu.memory_space<hbm>>
      tpu.wait_dma2 semaphore(%run_scoped3A : memref<!tpu.dma_semaphore, #tpu.memory_space<semaphore_mem>>) src(%dma_wait3A_305 : memref<3200xf32, #tpu.memory_space<hbm>>) dst(%dma_wait3A : memref<3200xf32, #tpu.memory_space<vmem_shared>>)
      tpu.yield
    }) : () -> ()
    %add3A_4 = arith.constant 6400 : i32
    %add3A_5 = arith.addi %multiple_of3A, %add3A_4 : i32
    "tpu.region"() ({
      %run_scoped3A = tpu.sem_alloc : memref<!tpu.dma_semaphore, #tpu.memory_space<semaphore_mem>>
      %dma_start3A = tpu.memref_slice %arg10[%add3A_5] : memref<256000xf32, #tpu.memory_space<vmem_shared>> -> memref<3200xf32, #tpu.memory_space<vmem_shared>>
      %dma_start3A_302 = arith.constant 0 : i32
      %dma_start3A_303 = tpu.memref_slice %arg5[%dma_start3A_302] : memref<3200xf32, #tpu.memory_space<hbm>> -> memref<3200xf32, #tpu.memory_space<hbm>>
      tpu.enqueue_dma source(%dma_start3A_303 : memref<3200xf32, #tpu.memory_space<hbm>>) target(%dma_start3A : memref<3200xf32, #tpu.memory_space<vmem_shared>>) target_semaphore(%run_scoped3A : memref<!tpu.dma_semaphore, #tpu.memory_space<semaphore_mem>>)
      %dma_wait3A = tpu.memref_slice %arg10[%add3A_5] : memref<256000xf32, #tpu.memory_space<vmem_shared>> -> memref<3200xf32, #tpu.memory_space<vmem_shared>>
      %dma_wait3A_304 = arith.constant 0 : i32
      %dma_wait3A_305 = tpu.memref_slice %arg5[%dma_wait3A_304] : memref<3200xf32, #tpu.memory_space<hbm>> -> memref<3200xf32, #tpu.memory_space<hbm>>
      tpu.wait_dma2 semaphore(%run_scoped3A : memref<!tpu.dma_semaphore, #tpu.memory_space<semaphore_mem>>) src(%dma_wait3A_305 : memref<3200xf32, #tpu.memory_space<hbm>>) dst(%dma_wait3A : memref<3200xf32, #tpu.memory_space<vmem_shared>>)
      tpu.yield
    }) : () -> ()
    %add3A_6 = arith.constant 9600 : i32
    %add3A_7 = arith.addi %multiple_of3A, %add3A_6 : i32
    "tpu.region"() ({
      %run_scoped3A = tpu.sem_alloc : memref<!tpu.dma_semaphore, #tpu.memory_space<semaphore_mem>>
      %dma_start3A = tpu.memref_slice %arg10[%add3A_7] : memref<256000xf32, #tpu.memory_space<vmem_shared>> -> memref<3200xf32, #tpu.memory_space<vmem_shared>>
      %dma_start3A_302 = arith.constant 0 : i32
      %dma_start3A_303 = tpu.memref_slice %arg5[%dma_start3A_302] : memref<3200xf32, #tpu.memory_space<hbm>> -> memref<3200xf32, #tpu.memory_space<hbm>>
      tpu.enqueue_dma source(%dma_start3A_303 : memref<3200xf32, #tpu.memory_space<hbm>>) target(%dma_start3A : memref<3200xf32, #tpu.memory_space<vmem_shared>>) target_semaphore(%run_scoped3A : memref<!tpu.dma_semaphore, #tpu.memory_space<semaphore_mem>>)
      %dma_wait3A = tpu.memref_slice %arg10[%add3A_7] : memref<256000xf32, #tpu.memory_space<vmem_shared>> -> memref<3200xf32, #tpu.memory_space<vmem_shared>>
      %dma_wait3A_304 = arith.constant 0 : i32
      %dma_wait3A_305 = tpu.memref_slice %arg5[%dma_wait3A_304] : memref<3200xf32, #tpu.memory_space<hbm>> -> memref<3200xf32, #tpu.memory_space<hbm>>
      tpu.wait_dma2 semaphore(%run_scoped3A : memref<!tpu.dma_semaphore, #tpu.memory_space<semaphore_mem>>) src(%dma_wait3A_305 : memref<3200xf32, #tpu.memory_space<hbm>>) dst(%dma_wait3A : memref<3200xf32, #tpu.memory_space<vmem_shared>>)
      tpu.yield
    }) : () -> ()
    %add3A_8 = arith.constant 12800 : i32
    %add3A_9 = arith.addi %multiple_of3A, %add3A_8 : i32
    "tpu.region"() ({
      %run_scoped3A = tpu.sem_alloc : memref<!tpu.dma_semaphore, #tpu.memory_space<semaphore_mem>>
      %dma_start3A = tpu.memref_slice %arg10[%add3A_9] : memref<256000xf32, #tpu.memory_space<vmem_shared>> -> memref<3200xf32, #tpu.memory_space<vmem_shared>>
      %dma_start3A_302 = arith.constant 0 : i32
      %dma_start3A_303 = tpu.memref_slice %arg5[%dma_start3A_302] : memref<3200xf32, #tpu.memory_space<hbm>> -> memref<3200xf32, #tpu.memory_space<hbm>>
      tpu.enqueue_dma source(%dma_start3A_303 : memref<3200xf32, #tpu.memory_space<hbm>>) target(%dma_start3A : memref<3200xf32, #tpu.memory_space<vmem_shared>>) target_semaphore(%run_scoped3A : memref<!tpu.dma_semaphore, #tpu.memory_space<semaphore_mem>>)
      %dma_wait3A = tpu.memref_slice %arg10[%add3A_9] : memref<256000xf32, #tpu.memory_space<vmem_shared>> -> memref<3200xf32, #tpu.memory_space<vmem_shared>>
      %dma_wait3A_304 = arith.constant 0 : i32
      %dma_wait3A_305 = tpu.memref_slice %arg5[%dma_wait3A_304] : memref<3200xf32, #tpu.memory_space<hbm>> -> memref<3200xf32, #tpu.memory_space<hbm>>
      tpu.wait_dma2 semaphore(%run_scoped3A : memref<!tpu.dma_semaphore, #tpu.memory_space<semaphore_mem>>) src(%dma_wait3A_305 : memref<3200xf32, #tpu.memory_space<hbm>>) dst(%dma_wait3A : memref<3200xf32, #tpu.memory_space<vmem_shared>>)
      tpu.yield
    }) : () -> ()
    %barrier3A = arith.constant 0 : index
    tpu.barrier barrier_id(%barrier3A)
    %mul3A_10 = arith.constant 409600 : i32
    %mul3A_11 = arith.muli %arg0, %mul3A_10 : i32
    %add3A_12 = arith.constant 0 : i32
    %add3A_13 = arith.addi %add3A_12, %mul3A_11 : i32
    %mul3A_14 = arith.constant 25600 : i32
    %mul3A_15 = arith.muli %arg1, %mul3A_14 : i32
    %add3A_16 = arith.addi %add3A_13, %mul3A_15 : i32
    %multiple_of3A_17 = tpu.assume_multiple %add3A_16, 8 : i32
    %scan3A = arith.constant 0 : i32
    %scan3A_18 = arith.constant 0 : i32
    %scan3A_19 = arith.constant 25 : i32
    %scan3A_20 = arith.addi %scan3A_18, %scan3A_19 : i32
    %scan3A_21 = arith.constant 1 : i32
    scf.for %scan3A_302 = %scan3A_18 to %scan3A_20 step %scan3A_21  : i32 {
      %mul3A_303 = arith.constant 1024 : i32
      %mul3A_304 = arith.muli %scan3A_302, %mul3A_303 : i32
      %add3A_305 = arith.addi %multiple_of3A_17, %mul3A_304 : i32
      %multiple_of3A_306 = tpu.assume_multiple %add3A_305, 8 : i32
      "tpu.region"() ({
        %run_scoped3A = tpu.sem_alloc : memref<!tpu.dma_semaphore, #tpu.memory_space<semaphore_mem>>
        %dma_start3A_309 = tpu.memref_slice %arg2[%multiple_of3A_306] : memref<3276800xi32, #tpu.memory_space<hbm>> -> memref<1024xi32, #tpu.memory_space<hbm>>
        %dma_start3A_310 = tpu.memref_slice %arg2[%multiple_of3A_306] : memref<3276800xi32, #tpu.memory_space<hbm>> -> memref<1024xi32, #tpu.memory_space<hbm>>
        tpu.enqueue_dma source(%dma_start3A_310 : memref<1024xi32, #tpu.memory_space<hbm>>) target(%arg7 : memref<1024xi32, #tpu.memory_space<vmem>>) target_semaphore(%run_scoped3A : memref<!tpu.dma_semaphore, #tpu.memory_space<semaphore_mem>>)
        %dma_wait3A_311 = tpu.memref_slice %arg2[%multiple_of3A_306] : memref<3276800xi32, #tpu.memory_space<hbm>> -> memref<1024xi32, #tpu.memory_space<hbm>>
        %dma_wait3A_312 = tpu.memref_slice %arg2[%multiple_of3A_306] : memref<3276800xi32, #tpu.memory_space<hbm>> -> memref<1024xi32, #tpu.memory_space<hbm>>
        tpu.wait_dma2 semaphore(%run_scoped3A : memref<!tpu.dma_semaphore, #tpu.memory_space<semaphore_mem>>) src(%dma_wait3A_312 : memref<1024xi32, #tpu.memory_space<hbm>>) dst(%arg7 : memref<1024xi32, #tpu.memory_space<vmem>>)
        tpu.yield
      }) : () -> ()
      "tpu.region"() ({
        %run_scoped3A = tpu.sem_alloc : memref<!tpu.dma_semaphore, #tpu.memory_space<semaphore_mem>>
        %dma_start3A_309 = tpu.memref_slice %arg3[%multiple_of3A_306] : memref<3276800xi32, #tpu.memory_space<hbm>> -> memref<1024xi32, #tpu.memory_space<hbm>>
        %dma_start3A_310 = tpu.memref_slice %arg3[%multiple_of3A_306] : memref<3276800xi32, #tpu.memory_space<hbm>> -> memref<1024xi32, #tpu.memory_space<hbm>>
        tpu.enqueue_dma source(%dma_start3A_310 : memref<1024xi32, #tpu.memory_space<hbm>>) target(%arg8 : memref<1024xi32, #tpu.memory_space<vmem>>) target_semaphore(%run_scoped3A : memref<!tpu.dma_semaphore, #tpu.memory_space<semaphore_mem>>)
        %dma_wait3A_311 = tpu.memref_slice %arg3[%multiple_of3A_306] : memref<3276800xi32, #tpu.memory_space<hbm>> -> memref<1024xi32, #tpu.memory_space<hbm>>
        %dma_wait3A_312 = tpu.memref_slice %arg3[%multiple_of3A_306] : memref<3276800xi32, #tpu.memory_space<hbm>> -> memref<1024xi32, #tpu.memory_space<hbm>>
        tpu.wait_dma2 semaphore(%run_scoped3A : memref<!tpu.dma_semaphore, #tpu.memory_space<semaphore_mem>>) src(%dma_wait3A_312 : memref<1024xi32, #tpu.memory_space<hbm>>) dst(%arg8 : memref<1024xi32, #tpu.memory_space<vmem>>)
        tpu.yield
      }) : () -> ()
      %dma_start3A = arith.constant 0 : i32
      %dma_start3A_307 = tpu.memref_slice %arg4[%dma_start3A] : memref<100000xf32, #tpu.memory_space<hbm>> -> memref<100000xf32, #tpu.memory_space<hbm>>
      tpu.enqueue_indirect_dma source(%dma_start3A_307 : memref<100000xf32, #tpu.memory_space<hbm>>) target(%arg9 : memref<1024xf32, #tpu.memory_space<vmem>>) offsets(%arg7 : memref<1024xi32, #tpu.memory_space<vmem>>) semaphore(%arg11 : memref<!tpu.dma_semaphore, #tpu.memory_space<semaphore_mem>>)
      %dma_wait3A = arith.constant 0 : i32
      %dma_wait3A_308 = tpu.memref_slice %arg4[%dma_wait3A] : memref<100000xf32, #tpu.memory_space<hbm>> -> memref<100000xf32, #tpu.memory_space<hbm>>
      tpu.wait_indirect_dma semaphore(%arg11 : memref<!tpu.dma_semaphore, #tpu.memory_space<semaphore_mem>>) src(%dma_wait3A_308 : memref<100000xf32, #tpu.memory_space<hbm>>) dst(%arg9 : memref<1024xf32, #tpu.memory_space<vmem>>)
      "tpu.region"() ({
        %run_scoped3A = tpu.sem_alloc : memref<!tpu.dma_semaphore, #tpu.memory_space<semaphore_mem>>
        %dma_start3A_309 = arith.constant 0 : i32
        %dma_start3A_310 = tpu.memref_slice %arg10[%dma_start3A_309] : memref<256000xf32, #tpu.memory_space<vmem_shared>> -> memref<256000xf32, #tpu.memory_space<vmem_shared>>
        tpu.enqueue_indirect_dma source(%arg9 : memref<1024xf32, #tpu.memory_space<vmem>>) target(%dma_start3A_310 : memref<256000xf32, #tpu.memory_space<vmem_shared>>) offsets(%arg8 : memref<1024xi32, #tpu.memory_space<vmem>>) semaphore(%run_scoped3A : memref<!tpu.dma_semaphore, #tpu.memory_space<semaphore_mem>>) {add = true}
        %dma_wait3A_311 = arith.constant 0 : i32
        %dma_wait3A_312 = tpu.memref_slice %arg10[%dma_wait3A_311] : memref<256000xf32, #tpu.memory_space<vmem_shared>> -> memref<256000xf32, #tpu.memory_space<vmem_shared>>
        tpu.wait_indirect_dma semaphore(%run_scoped3A : memref<!tpu.dma_semaphore, #tpu.memory_space<semaphore_mem>>) src(%arg9 : memref<1024xf32, #tpu.memory_space<vmem>>) dst(%dma_wait3A_312 : memref<256000xf32, #tpu.memory_space<vmem_shared>>)
        tpu.yield
      }) : () -> ()
    }
    %scan3A_22 = arith.constant 25 : i32
    %barrier3A_23 = arith.constant 0 : index
    tpu.barrier barrier_id(%barrier3A_23)
    %mul3A_24 = arith.constant 256000 : i32
    %mul3A_25 = arith.muli %arg0, %mul3A_24 : i32
    %add3A_26 = arith.constant 0 : i32
    %add3A_27 = arith.addi %add3A_26, %mul3A_25 : i32
    %add3A_28 = arith.addi %add3A_27, %multiple_of3A : i32
    %add3A_29 = arith.constant 0 : i32
    %add3A_30 = arith.addi %add3A_28, %add3A_29 : i32
    %multiple_of3A_31 = tpu.assume_multiple %add3A_30, 8 : i32
    %add3A_32 = arith.constant 0 : i32
    %add3A_33 = arith.addi %multiple_of3A, %add3A_32 : i32
    "tpu.region"() ({
      %run_scoped3A = tpu.sem_alloc : memref<!tpu.dma_semaphore, #tpu.memory_space<semaphore_mem>>
      %dma_start3A = tpu.memref_slice %arg6[%multiple_of3A_31] : memref<2048000xf32, #tpu.memory_space<hbm>> -> memref<3200xf32, #tpu.memory_space<hbm>>
      %dma_start3A_302 = tpu.memref_slice %arg10[%add3A_33] : memref<256000xf32, #tpu.memory_space<vmem_shared>> -> memref<3200xf32, #tpu.memory_space<vmem_shared>>
      tpu.enqueue_dma source(%dma_start3A_302 : memref<3200xf32, #tpu.memory_space<vmem_shared>>) target(%dma_start3A : memref<3200xf32, #tpu.memory_space<hbm>>) target_semaphore(%run_scoped3A : memref<!tpu.dma_semaphore, #tpu.memory_space<semaphore_mem>>)
      %dma_wait3A = tpu.memref_slice %arg6[%multiple_of3A_31] : memref<2048000xf32, #tpu.memory_space<hbm>> -> memref<3200xf32, #tpu.memory_space<hbm>>
      %dma_wait3A_303 = tpu.memref_slice %arg10[%add3A_33] : memref<256000xf32, #tpu.memory_space<vmem_shared>> -> memref<3200xf32, #tpu.memory_space<vmem_shared>>
      tpu.wait_dma2 semaphore(%run_scoped3A : memref<!tpu.dma_semaphore, #tpu.memory_space<semaphore_mem>>) src(%dma_wait3A_303 : memref<3200xf32, #tpu.memory_space<vmem_shared>>) dst(%dma_wait3A : memref<3200xf32, #tpu.memory_space<hbm>>)
      tpu.yield
    }) : () -> ()
    %mul3A_34 = arith.constant 256000 : i32
    %mul3A_35 = arith.muli %arg0, %mul3A_34 : i32
    %add3A_36 = arith.constant 0 : i32
    %add3A_37 = arith.addi %add3A_36, %mul3A_35 : i32
    %add3A_38 = arith.addi %add3A_37, %multiple_of3A : i32
    %add3A_39 = arith.constant 3200 : i32
    %add3A_40 = arith.addi %add3A_38, %add3A_39 : i32
    %multiple_of3A_41 = tpu.assume_multiple %add3A_40, 8 : i32
    %add3A_42 = arith.constant 3200 : i32
    %add3A_43 = arith.addi %multiple_of3A, %add3A_42 : i32
    "tpu.region"() ({
      %run_scoped3A = tpu.sem_alloc : memref<!tpu.dma_semaphore, #tpu.memory_space<semaphore_mem>>
      %dma_start3A = tpu.memref_slice %arg6[%multiple_of3A_41] : memref<2048000xf32, #tpu.memory_space<hbm>> -> memref<3200xf32, #tpu.memory_space<hbm>>
      %dma_start3A_302 = tpu.memref_slice %arg10[%add3A_43] : memref<256000xf32, #tpu.memory_space<vmem_shared>> -> memref<3200xf32, #tpu.memory_space<vmem_shared>>
      tpu.enqueue_dma source(%dma_start3A_302 : memref<3200xf32, #tpu.memory_space<vmem_shared>>) target(%dma_start3A : memref<3200xf32, #tpu.memory_space<hbm>>) target_semaphore(%run_scoped3A : memref<!tpu.dma_semaphore, #tpu.memory_space<semaphore_mem>>)
      %dma_wait3A = tpu.memref_slice %arg6[%multiple_of3A_41] : memref<2048000xf32, #tpu.memory_space<hbm>> -> memref<3200xf32, #tpu.memory_space<hbm>>
      %dma_wait3A_303 = tpu.memref_slice %arg10[%add3A_43] : memref<256000xf32, #tpu.memory_space<vmem_shared>> -> memref<3200xf32, #tpu.memory_space<vmem_shared>>
      tpu.wait_dma2 semaphore(%run_scoped3A : memref<!tpu.dma_semaphore, #tpu.memory_space<semaphore_mem>>) src(%dma_wait3A_303 : memref<3200xf32, #tpu.memory_space<vmem_shared>>) dst(%dma_wait3A : memref<3200xf32, #tpu.memory_space<hbm>>)
      tpu.yield
    }) : () -> ()
    %mul3A_44 = arith.constant 256000 : i32
    %mul3A_45 = arith.muli %arg0, %mul3A_44 : i32
    %add3A_46 = arith.constant 0 : i32
    %add3A_47 = arith.addi %add3A_46, %mul3A_45 : i32
    %add3A_48 = arith.addi %add3A_47, %multiple_of3A : i32
    %add3A_49 = arith.constant 6400 : i32
    %add3A_50 = arith.addi %add3A_48, %add3A_49 : i32
    %multiple_of3A_51 = tpu.assume_multiple %add3A_50, 8 : i32
    %add3A_52 = arith.constant 6400 : i32
    %add3A_53 = arith.addi %multiple_of3A, %add3A_52 : i32
    "tpu.region"() ({
      %run_scoped3A = tpu.sem_alloc : memref<!tpu.dma_semaphore, #tpu.memory_space<semaphore_mem>>
      %dma_start3A = tpu.memref_slice %arg6[%multiple_of3A_51] : memref<2048000xf32, #tpu.memory_space<hbm>> -> memref<3200xf32, #tpu.memory_space<hbm>>
      %dma_start3A_302 = tpu.memref_slice %arg10[%add3A_53] : memref<256000xf32, #tpu.memory_space<vmem_shared>> -> memref<3200xf32, #tpu.memory_space<vmem_shared>>
      tpu.enqueue_dma source(%dma_start3A_302 : memref<3200xf32, #tpu.memory_space<vmem_shared>>) target(%dma_start3A : memref<3200xf32, #tpu.memory_space<hbm>>) target_semaphore(%run_scoped3A : memref<!tpu.dma_semaphore, #tpu.memory_space<semaphore_mem>>)
      %dma_wait3A = tpu.memref_slice %arg6[%multiple_of3A_51] : memref<2048000xf32, #tpu.memory_space<hbm>> -> memref<3200xf32, #tpu.memory_space<hbm>>
      %dma_wait3A_303 = tpu.memref_slice %arg10[%add3A_53] : memref<256000xf32, #tpu.memory_space<vmem_shared>> -> memref<3200xf32, #tpu.memory_space<vmem_shared>>
      tpu.wait_dma2 semaphore(%run_scoped3A : memref<!tpu.dma_semaphore, #tpu.memory_space<semaphore_mem>>) src(%dma_wait3A_303 : memref<3200xf32, #tpu.memory_space<vmem_shared>>) dst(%dma_wait3A : memref<3200xf32, #tpu.memory_space<hbm>>)
      tpu.yield
    }) : () -> ()
    %mul3A_54 = arith.constant 256000 : i32
    %mul3A_55 = arith.muli %arg0, %mul3A_54 : i32
    %add3A_56 = arith.constant 0 : i32
    %add3A_57 = arith.addi %add3A_56, %mul3A_55 : i32
    %add3A_58 = arith.addi %add3A_57, %multiple_of3A : i32
    %add3A_59 = arith.constant 9600 : i32
    %add3A_60 = arith.addi %add3A_58, %add3A_59 : i32
    %multiple_of3A_61 = tpu.assume_multiple %add3A_60, 8 : i32
    %add3A_62 = arith.constant 9600 : i32
    %add3A_63 = arith.addi %multiple_of3A, %add3A_62 : i32
    "tpu.region"() ({
      %run_scoped3A = tpu.sem_alloc : memref<!tpu.dma_semaphore, #tpu.memory_space<semaphore_mem>>
      %dma_start3A = tpu.memref_slice %arg6[%multiple_of3A_61] : memref<2048000xf32, #tpu.memory_space<hbm>> -> memref<3200xf32, #tpu.memory_space<hbm>>
      %dma_start3A_302 = tpu.memref_slice %arg10[%add3A_63] : memref<256000xf32, #tpu.memory_space<vmem_shared>> -> memref<3200xf32, #tpu.memory_space<vmem_shared>>
      tpu.enqueue_dma source(%dma_start3A_302 : memref<3200xf32, #tpu.memory_space<vmem_shared>>) target(%dma_start3A : memref<3200xf32, #tpu.memory_space<hbm>>) target_semaphore(%run_scoped3A : memref<!tpu.dma_semaphore, #tpu.memory_space<semaphore_mem>>)
      %dma_wait3A = tpu.memref_slice %arg6[%multiple_of3A_61] : memref<2048000xf32, #tpu.memory_space<hbm>> -> memref<3200xf32, #tpu.memory_space<hbm>>
      %dma_wait3A_303 = tpu.memref_slice %arg10[%add3A_63] : memref<256000xf32, #tpu.memory_space<vmem_shared>> -> memref<3200xf32, #tpu.memory_space<vmem_shared>>
      tpu.wait_dma2 semaphore(%run_scoped3A : memref<!tpu.dma_semaphore, #tpu.memory_space<semaphore_mem>>) src(%dma_wait3A_303 : memref<3200xf32, #tpu.memory_space<vmem_shared>>) dst(%dma_wait3A : memref<3200xf32, #tpu.memory_space<hbm>>)
      tpu.yield
    }) : () -> ()
    %mul3A_64 = arith.constant 256000 : i32
    %mul3A_65 = arith.muli %arg0, %mul3A_64 : i32
    %add3A_66 = arith.constant 0 : i32
    %add3A_67 = arith.addi %add3A_66, %mul3A_65 : i32
    %add3A_68 = arith.addi %add3A_67, %multiple_of3A : i32
    %add3A_69 = arith.constant 12800 : i32
    %add3A_70 = arith.addi %add3A_68, %add3A_69 : i32
    %multiple_of3A_71 = tpu.assume_multiple %add3A_70, 8 : i32
    %add3A_72 = arith.constant 12800 : i32
    %add3A_73 = arith.addi %multiple_of3A, %add3A_72 : i32
    "tpu.region"() ({
      %run_scoped3A = tpu.sem_alloc : memref<!tpu.dma_semaphore, #tpu.memory_space<semaphore_mem>>
      %dma_start3A = tpu.memref_slice %arg6[%multiple_of3A_71] : memref<2048000xf32, #tpu.memory_space<hbm>> -> memref<3200xf32, #tpu.memory_space<hbm>>
      %dma_start3A_302 = tpu.memref_slice %arg10[%add3A_73] : memref<256000xf32, #tpu.memory_space<vmem_shared>> -> memref<3200xf32, #tpu.memory_space<vmem_shared>>
      tpu.enqueue_dma source(%dma_start3A_302 : memref<3200xf32, #tpu.memory_space<vmem_shared>>) target(%dma_start3A : memref<3200xf32, #tpu.memory_space<hbm>>) target_semaphore(%run_scoped3A : memref<!tpu.dma_semaphore, #tpu.memory_space<semaphore_mem>>)
      %dma_wait3A = tpu.memref_slice %arg6[%multiple_of3A_71] : memref<2048000xf32, #tpu.memory_space<hbm>> -> memref<3200xf32, #tpu.memory_space<hbm>>
      %dma_wait3A_303 = tpu.memref_slice %arg10[%add3A_73] : memref<256000xf32, #tpu.memory_space<vmem_shared>> -> memref<3200xf32, #tpu.memory_space<vmem_shared>>
      tpu.wait_dma2 semaphore(%run_scoped3A : memref<!tpu.dma_semaphore, #tpu.memory_space<semaphore_mem>>) src(%dma_wait3A_303 : memref<3200xf32, #tpu.memory_space<vmem_shared>>) dst(%dma_wait3A : memref<3200xf32, #tpu.memory_space<hbm>>)
      tpu.yield
    }) : () -> ()
    %add3A_74 = arith.constant 0 : i32
    %add3A_75 = arith.addi %multiple_of3A, %add3A_74 : i32
    "tpu.region"() ({
      %run_scoped3A = tpu.sem_alloc : memref<!tpu.dma_semaphore, #tpu.memory_space<semaphore_mem>>
      %dma_start3A = tpu.memref_slice %arg10[%add3A_75] : memref<256000xf32, #tpu.memory_space<vmem_shared>> -> memref<3200xf32, #tpu.memory_space<vmem_shared>>
      %dma_start3A_302 = arith.constant 0 : i32
      %dma_start3A_303 = tpu.memref_slice %arg5[%dma_start3A_302] : memref<3200xf32, #tpu.memory_space<hbm>> -> memref<3200xf32, #tpu.memory_space<hbm>>
      tpu.enqueue_dma source(%dma_start3A_303 : memref<3200xf32, #tpu.memory_space<hbm>>) target(%dma_start3A : memref<3200xf32, #tpu.memory_space<vmem_shared>>) target_semaphore(%run_scoped3A : memref<!tpu.dma_semaphore, #tpu.memory_space<semaphore_mem>>)
      %dma_wait3A = tpu.memref_slice %arg10[%add3A_75] : memref<256000xf32, #tpu.memory_space<vmem_shared>> -> memref<3200xf32, #tpu.memory_space<vmem_shared>>
      %dma_wait3A_304 = arith.constant 0 : i32
      %dma_wait3A_305 = tpu.memref_slice %arg5[%dma_wait3A_304] : memref<3200xf32, #tpu.memory_space<hbm>> -> memref<3200xf32, #tpu.memory_space<hbm>>
      tpu.wait_dma2 semaphore(%run_scoped3A : memref<!tpu.dma_semaphore, #tpu.memory_space<semaphore_mem>>) src(%dma_wait3A_305 : memref<3200xf32, #tpu.memory_space<hbm>>) dst(%dma_wait3A : memref<3200xf32, #tpu.memory_space<vmem_shared>>)
      tpu.yield
    }) : () -> ()
    %add3A_76 = arith.constant 3200 : i32
    %add3A_77 = arith.addi %multiple_of3A, %add3A_76 : i32
    "tpu.region"() ({
      %run_scoped3A = tpu.sem_alloc : memref<!tpu.dma_semaphore, #tpu.memory_space<semaphore_mem>>
      %dma_start3A = tpu.memref_slice %arg10[%add3A_77] : memref<256000xf32, #tpu.memory_space<vmem_shared>> -> memref<3200xf32, #tpu.memory_space<vmem_shared>>
      %dma_start3A_302 = arith.constant 0 : i32
      %dma_start3A_303 = tpu.memref_slice %arg5[%dma_start3A_302] : memref<3200xf32, #tpu.memory_space<hbm>> -> memref<3200xf32, #tpu.memory_space<hbm>>
      tpu.enqueue_dma source(%dma_start3A_303 : memref<3200xf32, #tpu.memory_space<hbm>>) target(%dma_start3A : memref<3200xf32, #tpu.memory_space<vmem_shared>>) target_semaphore(%run_scoped3A : memref<!tpu.dma_semaphore, #tpu.memory_space<semaphore_mem>>)
      %dma_wait3A = tpu.memref_slice %arg10[%add3A_77] : memref<256000xf32, #tpu.memory_space<vmem_shared>> -> memref<3200xf32, #tpu.memory_space<vmem_shared>>
      %dma_wait3A_304 = arith.constant 0 : i32
      %dma_wait3A_305 = tpu.memref_slice %arg5[%dma_wait3A_304] : memref<3200xf32, #tpu.memory_space<hbm>> -> memref<3200xf32, #tpu.memory_space<hbm>>
      tpu.wait_dma2 semaphore(%run_scoped3A : memref<!tpu.dma_semaphore, #tpu.memory_space<semaphore_mem>>) src(%dma_wait3A_305 : memref<3200xf32, #tpu.memory_space<hbm>>) dst(%dma_wait3A : memref<3200xf32, #tpu.memory_space<vmem_shared>>)
      tpu.yield
    }) : () -> ()
    %add3A_78 = arith.constant 6400 : i32
    %add3A_79 = arith.addi %multiple_of3A, %add3A_78 : i32
    "tpu.region"() ({
      %run_scoped3A = tpu.sem_alloc : memref<!tpu.dma_semaphore, #tpu.memory_space<semaphore_mem>>
      %dma_start3A = tpu.memref_slice %arg10[%add3A_79] : memref<256000xf32, #tpu.memory_space<vmem_shared>> -> memref<3200xf32, #tpu.memory_space<vmem_shared>>
      %dma_start3A_302 = arith.constant 0 : i32
      %dma_start3A_303 = tpu.memref_slice %arg5[%dma_start3A_302] : memref<3200xf32, #tpu.memory_space<hbm>> -> memref<3200xf32, #tpu.memory_space<hbm>>
      tpu.enqueue_dma source(%dma_start3A_303 : memref<3200xf32, #tpu.memory_space<hbm>>) target(%dma_start3A : memref<3200xf32, #tpu.memory_space<vmem_shared>>) target_semaphore(%run_scoped3A : memref<!tpu.dma_semaphore, #tpu.memory_space<semaphore_mem>>)
      %dma_wait3A = tpu.memref_slice %arg10[%add3A_79] : memref<256000xf32, #tpu.memory_space<vmem_shared>> -> memref<3200xf32, #tpu.memory_space<vmem_shared>>
      %dma_wait3A_304 = arith.constant 0 : i32
      %dma_wait3A_305 = tpu.memref_slice %arg5[%dma_wait3A_304] : memref<3200xf32, #tpu.memory_space<hbm>> -> memref<3200xf32, #tpu.memory_space<hbm>>
      tpu.wait_dma2 semaphore(%run_scoped3A : memref<!tpu.dma_semaphore, #tpu.memory_space<semaphore_mem>>) src(%dma_wait3A_305 : memref<3200xf32, #tpu.memory_space<hbm>>) dst(%dma_wait3A : memref<3200xf32, #tpu.memory_space<vmem_shared>>)
      tpu.yield
    }) : () -> ()
    %add3A_80 = arith.constant 9600 : i32
    %add3A_81 = arith.addi %multiple_of3A, %add3A_80 : i32
    "tpu.region"() ({
      %run_scoped3A = tpu.sem_alloc : memref<!tpu.dma_semaphore, #tpu.memory_space<semaphore_mem>>
      %dma_start3A = tpu.memref_slice %arg10[%add3A_81] : memref<256000xf32, #tpu.memory_space<vmem_shared>> -> memref<3200xf32, #tpu.memory_space<vmem_shared>>
      %dma_start3A_302 = arith.constant 0 : i32
      %dma_start3A_303 = tpu.memref_slice %arg5[%dma_start3A_302] : memref<3200xf32, #tpu.memory_space<hbm>> -> memref<3200xf32, #tpu.memory_space<hbm>>
      tpu.enqueue_dma source(%dma_start3A_303 : memref<3200xf32, #tpu.memory_space<hbm>>) target(%dma_start3A : memref<3200xf32, #tpu.memory_space<vmem_shared>>) target_semaphore(%run_scoped3A : memref<!tpu.dma_semaphore, #tpu.memory_space<semaphore_mem>>)
      %dma_wait3A = tpu.memref_slice %arg10[%add3A_81] : memref<256000xf32, #tpu.memory_space<vmem_shared>> -> memref<3200xf32, #tpu.memory_space<vmem_shared>>
      %dma_wait3A_304 = arith.constant 0 : i32
      %dma_wait3A_305 = tpu.memref_slice %arg5[%dma_wait3A_304] : memref<3200xf32, #tpu.memory_space<hbm>> -> memref<3200xf32, #tpu.memory_space<hbm>>
      tpu.wait_dma2 semaphore(%run_scoped3A : memref<!tpu.dma_semaphore, #tpu.memory_space<semaphore_mem>>) src(%dma_wait3A_305 : memref<3200xf32, #tpu.memory_space<hbm>>) dst(%dma_wait3A : memref<3200xf32, #tpu.memory_space<vmem_shared>>)
      tpu.yield
    }) : () -> ()
    %add3A_82 = arith.constant 12800 : i32
    %add3A_83 = arith.addi %multiple_of3A, %add3A_82 : i32
    "tpu.region"() ({
      %run_scoped3A = tpu.sem_alloc : memref<!tpu.dma_semaphore, #tpu.memory_space<semaphore_mem>>
      %dma_start3A = tpu.memref_slice %arg10[%add3A_83] : memref<256000xf32, #tpu.memory_space<vmem_shared>> -> memref<3200xf32, #tpu.memory_space<vmem_shared>>
      %dma_start3A_302 = arith.constant 0 : i32
      %dma_start3A_303 = tpu.memref_slice %arg5[%dma_start3A_302] : memref<3200xf32, #tpu.memory_space<hbm>> -> memref<3200xf32, #tpu.memory_space<hbm>>
      tpu.enqueue_dma source(%dma_start3A_303 : memref<3200xf32, #tpu.memory_space<hbm>>) target(%dma_start3A : memref<3200xf32, #tpu.memory_space<vmem_shared>>) target_semaphore(%run_scoped3A : memref<!tpu.dma_semaphore, #tpu.memory_space<semaphore_mem>>)
      %dma_wait3A = tpu.memref_slice %arg10[%add3A_83] : memref<256000xf32, #tpu.memory_space<vmem_shared>> -> memref<3200xf32, #tpu.memory_space<vmem_shared>>
      %dma_wait3A_304 = arith.constant 0 : i32
      %dma_wait3A_305 = tpu.memref_slice %arg5[%dma_wait3A_304] : memref<3200xf32, #tpu.memory_space<hbm>> -> memref<3200xf32, #tpu.memory_space<hbm>>
      tpu.wait_dma2 semaphore(%run_scoped3A : memref<!tpu.dma_semaphore, #tpu.memory_space<semaphore_mem>>) src(%dma_wait3A_305 : memref<3200xf32, #tpu.memory_space<hbm>>) dst(%dma_wait3A : memref<3200xf32, #tpu.memory_space<vmem_shared>>)
      tpu.yield
    }) : () -> ()
    %barrier3A_84 = arith.constant 0 : index
    tpu.barrier barrier_id(%barrier3A_84)
    %mul3A_85 = arith.constant 409600 : i32
    %mul3A_86 = arith.muli %arg0, %mul3A_85 : i32
    %add3A_87 = arith.constant 819200 : i32
    %add3A_88 = arith.addi %add3A_87, %mul3A_86 : i32
    %mul3A_89 = arith.constant 25600 : i32
    %mul3A_90 = arith.muli %arg1, %mul3A_89 : i32
    %add3A_91 = arith.addi %add3A_88, %mul3A_90 : i32
    %multiple_of3A_92 = tpu.assume_multiple %add3A_91, 8 : i32
    %scan3A_93 = arith.constant 0 : i32
    %scan3A_94 = arith.constant 0 : i32
    %scan3A_95 = arith.constant 25 : i32
    %scan3A_96 = arith.addi %scan3A_94, %scan3A_95 : i32
    %scan3A_97 = arith.constant 1 : i32
    scf.for %scan3A_302 = %scan3A_94 to %scan3A_96 step %scan3A_97  : i32 {
      %mul3A_303 = arith.constant 1024 : i32
      %mul3A_304 = arith.muli %scan3A_302, %mul3A_303 : i32
      %add3A_305 = arith.addi %multiple_of3A_92, %mul3A_304 : i32
      %multiple_of3A_306 = tpu.assume_multiple %add3A_305, 8 : i32
      "tpu.region"() ({
        %run_scoped3A = tpu.sem_alloc : memref<!tpu.dma_semaphore, #tpu.memory_space<semaphore_mem>>
        %dma_start3A_309 = tpu.memref_slice %arg2[%multiple_of3A_306] : memref<3276800xi32, #tpu.memory_space<hbm>> -> memref<1024xi32, #tpu.memory_space<hbm>>
        %dma_start3A_310 = tpu.memref_slice %arg2[%multiple_of3A_306] : memref<3276800xi32, #tpu.memory_space<hbm>> -> memref<1024xi32, #tpu.memory_space<hbm>>
        tpu.enqueue_dma source(%dma_start3A_310 : memref<1024xi32, #tpu.memory_space<hbm>>) target(%arg7 : memref<1024xi32, #tpu.memory_space<vmem>>) target_semaphore(%run_scoped3A : memref<!tpu.dma_semaphore, #tpu.memory_space<semaphore_mem>>)
        %dma_wait3A_311 = tpu.memref_slice %arg2[%multiple_of3A_306] : memref<3276800xi32, #tpu.memory_space<hbm>> -> memref<1024xi32, #tpu.memory_space<hbm>>
        %dma_wait3A_312 = tpu.memref_slice %arg2[%multiple_of3A_306] : memref<3276800xi32, #tpu.memory_space<hbm>> -> memref<1024xi32, #tpu.memory_space<hbm>>
        tpu.wait_dma2 semaphore(%run_scoped3A : memref<!tpu.dma_semaphore, #tpu.memory_space<semaphore_mem>>) src(%dma_wait3A_312 : memref<1024xi32, #tpu.memory_space<hbm>>) dst(%arg7 : memref<1024xi32, #tpu.memory_space<vmem>>)
        tpu.yield
      }) : () -> ()
      "tpu.region"() ({
        %run_scoped3A = tpu.sem_alloc : memref<!tpu.dma_semaphore, #tpu.memory_space<semaphore_mem>>
        %dma_start3A_309 = tpu.memref_slice %arg3[%multiple_of3A_306] : memref<3276800xi32, #tpu.memory_space<hbm>> -> memref<1024xi32, #tpu.memory_space<hbm>>
        %dma_start3A_310 = tpu.memref_slice %arg3[%multiple_of3A_306] : memref<3276800xi32, #tpu.memory_space<hbm>> -> memref<1024xi32, #tpu.memory_space<hbm>>
        tpu.enqueue_dma source(%dma_start3A_310 : memref<1024xi32, #tpu.memory_space<hbm>>) target(%arg8 : memref<1024xi32, #tpu.memory_space<vmem>>) target_semaphore(%run_scoped3A : memref<!tpu.dma_semaphore, #tpu.memory_space<semaphore_mem>>)
        %dma_wait3A_311 = tpu.memref_slice %arg3[%multiple_of3A_306] : memref<3276800xi32, #tpu.memory_space<hbm>> -> memref<1024xi32, #tpu.memory_space<hbm>>
        %dma_wait3A_312 = tpu.memref_slice %arg3[%multiple_of3A_306] : memref<3276800xi32, #tpu.memory_space<hbm>> -> memref<1024xi32, #tpu.memory_space<hbm>>
        tpu.wait_dma2 semaphore(%run_scoped3A : memref<!tpu.dma_semaphore, #tpu.memory_space<semaphore_mem>>) src(%dma_wait3A_312 : memref<1024xi32, #tpu.memory_space<hbm>>) dst(%arg8 : memref<1024xi32, #tpu.memory_space<vmem>>)
        tpu.yield
      }) : () -> ()
      %dma_start3A = arith.constant 0 : i32
      %dma_start3A_307 = tpu.memref_slice %arg4[%dma_start3A] : memref<100000xf32, #tpu.memory_space<hbm>> -> memref<100000xf32, #tpu.memory_space<hbm>>
      tpu.enqueue_indirect_dma source(%dma_start3A_307 : memref<100000xf32, #tpu.memory_space<hbm>>) target(%arg9 : memref<1024xf32, #tpu.memory_space<vmem>>) offsets(%arg7 : memref<1024xi32, #tpu.memory_space<vmem>>) semaphore(%arg11 : memref<!tpu.dma_semaphore, #tpu.memory_space<semaphore_mem>>)
      %dma_wait3A = arith.constant 0 : i32
      %dma_wait3A_308 = tpu.memref_slice %arg4[%dma_wait3A] : memref<100000xf32, #tpu.memory_space<hbm>> -> memref<100000xf32, #tpu.memory_space<hbm>>
      tpu.wait_indirect_dma semaphore(%arg11 : memref<!tpu.dma_semaphore, #tpu.memory_space<semaphore_mem>>) src(%dma_wait3A_308 : memref<100000xf32, #tpu.memory_space<hbm>>) dst(%arg9 : memref<1024xf32, #tpu.memory_space<vmem>>)
      "tpu.region"() ({
        %run_scoped3A = tpu.sem_alloc : memref<!tpu.dma_semaphore, #tpu.memory_space<semaphore_mem>>
        %dma_start3A_309 = arith.constant 0 : i32
        %dma_start3A_310 = tpu.memref_slice %arg10[%dma_start3A_309] : memref<256000xf32, #tpu.memory_space<vmem_shared>> -> memref<256000xf32, #tpu.memory_space<vmem_shared>>
        tpu.enqueue_indirect_dma source(%arg9 : memref<1024xf32, #tpu.memory_space<vmem>>) target(%dma_start3A_310 : memref<256000xf32, #tpu.memory_space<vmem_shared>>) offsets(%arg8 : memref<1024xi32, #tpu.memory_space<vmem>>) semaphore(%run_scoped3A : memref<!tpu.dma_semaphore, #tpu.memory_space<semaphore_mem>>) {add = true}
        %dma_wait3A_311 = arith.constant 0 : i32
        %dma_wait3A_312 = tpu.memref_slice %arg10[%dma_wait3A_311] : memref<256000xf32, #tpu.memory_space<vmem_shared>> -> memref<256000xf32, #tpu.memory_space<vmem_shared>>
        tpu.wait_indirect_dma semaphore(%run_scoped3A : memref<!tpu.dma_semaphore, #tpu.memory_space<semaphore_mem>>) src(%arg9 : memref<1024xf32, #tpu.memory_space<vmem>>) dst(%dma_wait3A_312 : memref<256000xf32, #tpu.memory_space<vmem_shared>>)
        tpu.yield
      }) : () -> ()
    }
    %scan3A_98 = arith.constant 25 : i32
    %barrier3A_99 = arith.constant 0 : index
    tpu.barrier barrier_id(%barrier3A_99)
    %mul3A_100 = arith.constant 256000 : i32
    %mul3A_101 = arith.muli %arg0, %mul3A_100 : i32
    %add3A_102 = arith.constant 512000 : i32
    %add3A_103 = arith.addi %add3A_102, %mul3A_101 : i32
    %add3A_104 = arith.addi %add3A_103, %multiple_of3A : i32
    %add3A_105 = arith.constant 0 : i32
    %add3A_106 = arith.addi %add3A_104, %add3A_105 : i32
    %multiple_of3A_107 = tpu.assume_multiple %add3A_106, 8 : i32
    %add3A_108 = arith.constant 0 : i32
    %add3A_109 = arith.addi %multiple_of3A, %add3A_108 : i32
    "tpu.region"() ({
      %run_scoped3A = tpu.sem_alloc : memref<!tpu.dma_semaphore, #tpu.memory_space<semaphore_mem>>
      %dma_start3A = tpu.memref_slice %arg6[%multiple_of3A_107] : memref<2048000xf32, #tpu.memory_space<hbm>> -> memref<3200xf32, #tpu.memory_space<hbm>>
      %dma_start3A_302 = tpu.memref_slice %arg10[%add3A_109] : memref<256000xf32, #tpu.memory_space<vmem_shared>> -> memref<3200xf32, #tpu.memory_space<vmem_shared>>
      tpu.enqueue_dma source(%dma_start3A_302 : memref<3200xf32, #tpu.memory_space<vmem_shared>>) target(%dma_start3A : memref<3200xf32, #tpu.memory_space<hbm>>) target_semaphore(%run_scoped3A : memref<!tpu.dma_semaphore, #tpu.memory_space<semaphore_mem>>)
      %dma_wait3A = tpu.memref_slice %arg6[%multiple_of3A_107] : memref<2048000xf32, #tpu.memory_space<hbm>> -> memref<3200xf32, #tpu.memory_space<hbm>>
      %dma_wait3A_303 = tpu.memref_slice %arg10[%add3A_109] : memref<256000xf32, #tpu.memory_space<vmem_shared>> -> memref<3200xf32, #tpu.memory_space<vmem_shared>>
      tpu.wait_dma2 semaphore(%run_scoped3A : memref<!tpu.dma_semaphore, #tpu.memory_space<semaphore_mem>>) src(%dma_wait3A_303 : memref<3200xf32, #tpu.memory_space<vmem_shared>>) dst(%dma_wait3A : memref<3200xf32, #tpu.memory_space<hbm>>)
      tpu.yield
    }) : () -> ()
    %mul3A_110 = arith.constant 256000 : i32
    %mul3A_111 = arith.muli %arg0, %mul3A_110 : i32
    %add3A_112 = arith.constant 512000 : i32
    %add3A_113 = arith.addi %add3A_112, %mul3A_111 : i32
    %add3A_114 = arith.addi %add3A_113, %multiple_of3A : i32
    %add3A_115 = arith.constant 3200 : i32
    %add3A_116 = arith.addi %add3A_114, %add3A_115 : i32
    %multiple_of3A_117 = tpu.assume_multiple %add3A_116, 8 : i32
    %add3A_118 = arith.constant 3200 : i32
    %add3A_119 = arith.addi %multiple_of3A, %add3A_118 : i32
    "tpu.region"() ({
      %run_scoped3A = tpu.sem_alloc : memref<!tpu.dma_semaphore, #tpu.memory_space<semaphore_mem>>
      %dma_start3A = tpu.memref_slice %arg6[%multiple_of3A_117] : memref<2048000xf32, #tpu.memory_space<hbm>> -> memref<3200xf32, #tpu.memory_space<hbm>>
      %dma_start3A_302 = tpu.memref_slice %arg10[%add3A_119] : memref<256000xf32, #tpu.memory_space<vmem_shared>> -> memref<3200xf32, #tpu.memory_space<vmem_shared>>
      tpu.enqueue_dma source(%dma_start3A_302 : memref<3200xf32, #tpu.memory_space<vmem_shared>>) target(%dma_start3A : memref<3200xf32, #tpu.memory_space<hbm>>) target_semaphore(%run_scoped3A : memref<!tpu.dma_semaphore, #tpu.memory_space<semaphore_mem>>)
      %dma_wait3A = tpu.memref_slice %arg6[%multiple_of3A_117] : memref<2048000xf32, #tpu.memory_space<hbm>> -> memref<3200xf32, #tpu.memory_space<hbm>>
      %dma_wait3A_303 = tpu.memref_slice %arg10[%add3A_119] : memref<256000xf32, #tpu.memory_space<vmem_shared>> -> memref<3200xf32, #tpu.memory_space<vmem_shared>>
      tpu.wait_dma2 semaphore(%run_scoped3A : memref<!tpu.dma_semaphore, #tpu.memory_space<semaphore_mem>>) src(%dma_wait3A_303 : memref<3200xf32, #tpu.memory_space<vmem_shared>>) dst(%dma_wait3A : memref<3200xf32, #tpu.memory_space<hbm>>)
      tpu.yield
    }) : () -> ()
    %mul3A_120 = arith.constant 256000 : i32
    %mul3A_121 = arith.muli %arg0, %mul3A_120 : i32
    %add3A_122 = arith.constant 512000 : i32
    %add3A_123 = arith.addi %add3A_122, %mul3A_121 : i32
    %add3A_124 = arith.addi %add3A_123, %multiple_of3A : i32
    %add3A_125 = arith.constant 6400 : i32
    %add3A_126 = arith.addi %add3A_124, %add3A_125 : i32
    %multiple_of3A_127 = tpu.assume_multiple %add3A_126, 8 : i32
    %add3A_128 = arith.constant 6400 : i32
    %add3A_129 = arith.addi %multiple_of3A, %add3A_128 : i32
    "tpu.region"() ({
      %run_scoped3A = tpu.sem_alloc : memref<!tpu.dma_semaphore, #tpu.memory_space<semaphore_mem>>
      %dma_start3A = tpu.memref_slice %arg6[%multiple_of3A_127] : memref<2048000xf32, #tpu.memory_space<hbm>> -> memref<3200xf32, #tpu.memory_space<hbm>>
      %dma_start3A_302 = tpu.memref_slice %arg10[%add3A_129] : memref<256000xf32, #tpu.memory_space<vmem_shared>> -> memref<3200xf32, #tpu.memory_space<vmem_shared>>
      tpu.enqueue_dma source(%dma_start3A_302 : memref<3200xf32, #tpu.memory_space<vmem_shared>>) target(%dma_start3A : memref<3200xf32, #tpu.memory_space<hbm>>) target_semaphore(%run_scoped3A : memref<!tpu.dma_semaphore, #tpu.memory_space<semaphore_mem>>)
      %dma_wait3A = tpu.memref_slice %arg6[%multiple_of3A_127] : memref<2048000xf32, #tpu.memory_space<hbm>> -> memref<3200xf32, #tpu.memory_space<hbm>>
      %dma_wait3A_303 = tpu.memref_slice %arg10[%add3A_129] : memref<256000xf32, #tpu.memory_space<vmem_shared>> -> memref<3200xf32, #tpu.memory_space<vmem_shared>>
      tpu.wait_dma2 semaphore(%run_scoped3A : memref<!tpu.dma_semaphore, #tpu.memory_space<semaphore_mem>>) src(%dma_wait3A_303 : memref<3200xf32, #tpu.memory_space<vmem_shared>>) dst(%dma_wait3A : memref<3200xf32, #tpu.memory_space<hbm>>)
      tpu.yield
    }) : () -> ()
    %mul3A_130 = arith.constant 256000 : i32
    %mul3A_131 = arith.muli %arg0, %mul3A_130 : i32
    %add3A_132 = arith.constant 512000 : i32
    %add3A_133 = arith.addi %add3A_132, %mul3A_131 : i32
    %add3A_134 = arith.addi %add3A_133, %multiple_of3A : i32
    %add3A_135 = arith.constant 9600 : i32
    %add3A_136 = arith.addi %add3A_134, %add3A_135 : i32
    %multiple_of3A_137 = tpu.assume_multiple %add3A_136, 8 : i32
    %add3A_138 = arith.constant 9600 : i32
    %add3A_139 = arith.addi %multiple_of3A, %add3A_138 : i32
    "tpu.region"() ({
      %run_scoped3A = tpu.sem_alloc : memref<!tpu.dma_semaphore, #tpu.memory_space<semaphore_mem>>
      %dma_start3A = tpu.memref_slice %arg6[%multiple_of3A_137] : memref<2048000xf32, #tpu.memory_space<hbm>> -> memref<3200xf32, #tpu.memory_space<hbm>>
      %dma_start3A_302 = tpu.memref_slice %arg10[%add3A_139] : memref<256000xf32, #tpu.memory_space<vmem_shared>> -> memref<3200xf32, #tpu.memory_space<vmem_shared>>
      tpu.enqueue_dma source(%dma_start3A_302 : memref<3200xf32, #tpu.memory_space<vmem_shared>>) target(%dma_start3A : memref<3200xf32, #tpu.memory_space<hbm>>) target_semaphore(%run_scoped3A : memref<!tpu.dma_semaphore, #tpu.memory_space<semaphore_mem>>)
      %dma_wait3A = tpu.memref_slice %arg6[%multiple_of3A_137] : memref<2048000xf32, #tpu.memory_space<hbm>> -> memref<3200xf32, #tpu.memory_space<hbm>>
      %dma_wait3A_303 = tpu.memref_slice %arg10[%add3A_139] : memref<256000xf32, #tpu.memory_space<vmem_shared>> -> memref<3200xf32, #tpu.memory_space<vmem_shared>>
      tpu.wait_dma2 semaphore(%run_scoped3A : memref<!tpu.dma_semaphore, #tpu.memory_space<semaphore_mem>>) src(%dma_wait3A_303 : memref<3200xf32, #tpu.memory_space<vmem_shared>>) dst(%dma_wait3A : memref<3200xf32, #tpu.memory_space<hbm>>)
      tpu.yield
    }) : () -> ()
    %mul3A_140 = arith.constant 256000 : i32
    %mul3A_141 = arith.muli %arg0, %mul3A_140 : i32
    %add3A_142 = arith.constant 512000 : i32
    %add3A_143 = arith.addi %add3A_142, %mul3A_141 : i32
    %add3A_144 = arith.addi %add3A_143, %multiple_of3A : i32
    %add3A_145 = arith.constant 12800 : i32
    %add3A_146 = arith.addi %add3A_144, %add3A_145 : i32
    %multiple_of3A_147 = tpu.assume_multiple %add3A_146, 8 : i32
    %add3A_148 = arith.constant 12800 : i32
    %add3A_149 = arith.addi %multiple_of3A, %add3A_148 : i32
    "tpu.region"() ({
      %run_scoped3A = tpu.sem_alloc : memref<!tpu.dma_semaphore, #tpu.memory_space<semaphore_mem>>
      %dma_start3A = tpu.memref_slice %arg6[%multiple_of3A_147] : memref<2048000xf32, #tpu.memory_space<hbm>> -> memref<3200xf32, #tpu.memory_space<hbm>>
      %dma_start3A_302 = tpu.memref_slice %arg10[%add3A_149] : memref<256000xf32, #tpu.memory_space<vmem_shared>> -> memref<3200xf32, #tpu.memory_space<vmem_shared>>
      tpu.enqueue_dma source(%dma_start3A_302 : memref<3200xf32, #tpu.memory_space<vmem_shared>>) target(%dma_start3A : memref<3200xf32, #tpu.memory_space<hbm>>) target_semaphore(%run_scoped3A : memref<!tpu.dma_semaphore, #tpu.memory_space<semaphore_mem>>)
      %dma_wait3A = tpu.memref_slice %arg6[%multiple_of3A_147] : memref<2048000xf32, #tpu.memory_space<hbm>> -> memref<3200xf32, #tpu.memory_space<hbm>>
      %dma_wait3A_303 = tpu.memref_slice %arg10[%add3A_149] : memref<256000xf32, #tpu.memory_space<vmem_shared>> -> memref<3200xf32, #tpu.memory_space<vmem_shared>>
      tpu.wait_dma2 semaphore(%run_scoped3A : memref<!tpu.dma_semaphore, #tpu.memory_space<semaphore_mem>>) src(%dma_wait3A_303 : memref<3200xf32, #tpu.memory_space<vmem_shared>>) dst(%dma_wait3A : memref<3200xf32, #tpu.memory_space<hbm>>)
      tpu.yield
    }) : () -> ()
    %add3A_150 = arith.constant 0 : i32
    %add3A_151 = arith.addi %multiple_of3A, %add3A_150 : i32
    "tpu.region"() ({
      %run_scoped3A = tpu.sem_alloc : memref<!tpu.dma_semaphore, #tpu.memory_space<semaphore_mem>>
      %dma_start3A = tpu.memref_slice %arg10[%add3A_151] : memref<256000xf32, #tpu.memory_space<vmem_shared>> -> memref<3200xf32, #tpu.memory_space<vmem_shared>>
      %dma_start3A_302 = arith.constant 0 : i32
      %dma_start3A_303 = tpu.memref_slice %arg5[%dma_start3A_302] : memref<3200xf32, #tpu.memory_space<hbm>> -> memref<3200xf32, #tpu.memory_space<hbm>>
      tpu.enqueue_dma source(%dma_start3A_303 : memref<3200xf32, #tpu.memory_space<hbm>>) target(%dma_start3A : memref<3200xf32, #tpu.memory_space<vmem_shared>>) target_semaphore(%run_scoped3A : memref<!tpu.dma_semaphore, #tpu.memory_space<semaphore_mem>>)
      %dma_wait3A = tpu.memref_slice %arg10[%add3A_151] : memref<256000xf32, #tpu.memory_space<vmem_shared>> -> memref<3200xf32, #tpu.memory_space<vmem_shared>>
      %dma_wait3A_304 = arith.constant 0 : i32
      %dma_wait3A_305 = tpu.memref_slice %arg5[%dma_wait3A_304] : memref<3200xf32, #tpu.memory_space<hbm>> -> memref<3200xf32, #tpu.memory_space<hbm>>
      tpu.wait_dma2 semaphore(%run_scoped3A : memref<!tpu.dma_semaphore, #tpu.memory_space<semaphore_mem>>) src(%dma_wait3A_305 : memref<3200xf32, #tpu.memory_space<hbm>>) dst(%dma_wait3A : memref<3200xf32, #tpu.memory_space<vmem_shared>>)
      tpu.yield
    }) : () -> ()
    %add3A_152 = arith.constant 3200 : i32
    %add3A_153 = arith.addi %multiple_of3A, %add3A_152 : i32
    "tpu.region"() ({
      %run_scoped3A = tpu.sem_alloc : memref<!tpu.dma_semaphore, #tpu.memory_space<semaphore_mem>>
      %dma_start3A = tpu.memref_slice %arg10[%add3A_153] : memref<256000xf32, #tpu.memory_space<vmem_shared>> -> memref<3200xf32, #tpu.memory_space<vmem_shared>>
      %dma_start3A_302 = arith.constant 0 : i32
      %dma_start3A_303 = tpu.memref_slice %arg5[%dma_start3A_302] : memref<3200xf32, #tpu.memory_space<hbm>> -> memref<3200xf32, #tpu.memory_space<hbm>>
      tpu.enqueue_dma source(%dma_start3A_303 : memref<3200xf32, #tpu.memory_space<hbm>>) target(%dma_start3A : memref<3200xf32, #tpu.memory_space<vmem_shared>>) target_semaphore(%run_scoped3A : memref<!tpu.dma_semaphore, #tpu.memory_space<semaphore_mem>>)
      %dma_wait3A = tpu.memref_slice %arg10[%add3A_153] : memref<256000xf32, #tpu.memory_space<vmem_shared>> -> memref<3200xf32, #tpu.memory_space<vmem_shared>>
      %dma_wait3A_304 = arith.constant 0 : i32
      %dma_wait3A_305 = tpu.memref_slice %arg5[%dma_wait3A_304] : memref<3200xf32, #tpu.memory_space<hbm>> -> memref<3200xf32, #tpu.memory_space<hbm>>
      tpu.wait_dma2 semaphore(%run_scoped3A : memref<!tpu.dma_semaphore, #tpu.memory_space<semaphore_mem>>) src(%dma_wait3A_305 : memref<3200xf32, #tpu.memory_space<hbm>>) dst(%dma_wait3A : memref<3200xf32, #tpu.memory_space<vmem_shared>>)
      tpu.yield
    }) : () -> ()
    %add3A_154 = arith.constant 6400 : i32
    %add3A_155 = arith.addi %multiple_of3A, %add3A_154 : i32
    "tpu.region"() ({
      %run_scoped3A = tpu.sem_alloc : memref<!tpu.dma_semaphore, #tpu.memory_space<semaphore_mem>>
      %dma_start3A = tpu.memref_slice %arg10[%add3A_155] : memref<256000xf32, #tpu.memory_space<vmem_shared>> -> memref<3200xf32, #tpu.memory_space<vmem_shared>>
      %dma_start3A_302 = arith.constant 0 : i32
      %dma_start3A_303 = tpu.memref_slice %arg5[%dma_start3A_302] : memref<3200xf32, #tpu.memory_space<hbm>> -> memref<3200xf32, #tpu.memory_space<hbm>>
      tpu.enqueue_dma source(%dma_start3A_303 : memref<3200xf32, #tpu.memory_space<hbm>>) target(%dma_start3A : memref<3200xf32, #tpu.memory_space<vmem_shared>>) target_semaphore(%run_scoped3A : memref<!tpu.dma_semaphore, #tpu.memory_space<semaphore_mem>>)
      %dma_wait3A = tpu.memref_slice %arg10[%add3A_155] : memref<256000xf32, #tpu.memory_space<vmem_shared>> -> memref<3200xf32, #tpu.memory_space<vmem_shared>>
      %dma_wait3A_304 = arith.constant 0 : i32
      %dma_wait3A_305 = tpu.memref_slice %arg5[%dma_wait3A_304] : memref<3200xf32, #tpu.memory_space<hbm>> -> memref<3200xf32, #tpu.memory_space<hbm>>
      tpu.wait_dma2 semaphore(%run_scoped3A : memref<!tpu.dma_semaphore, #tpu.memory_space<semaphore_mem>>) src(%dma_wait3A_305 : memref<3200xf32, #tpu.memory_space<hbm>>) dst(%dma_wait3A : memref<3200xf32, #tpu.memory_space<vmem_shared>>)
      tpu.yield
    }) : () -> ()
    %add3A_156 = arith.constant 9600 : i32
    %add3A_157 = arith.addi %multiple_of3A, %add3A_156 : i32
    "tpu.region"() ({
      %run_scoped3A = tpu.sem_alloc : memref<!tpu.dma_semaphore, #tpu.memory_space<semaphore_mem>>
      %dma_start3A = tpu.memref_slice %arg10[%add3A_157] : memref<256000xf32, #tpu.memory_space<vmem_shared>> -> memref<3200xf32, #tpu.memory_space<vmem_shared>>
      %dma_start3A_302 = arith.constant 0 : i32
      %dma_start3A_303 = tpu.memref_slice %arg5[%dma_start3A_302] : memref<3200xf32, #tpu.memory_space<hbm>> -> memref<3200xf32, #tpu.memory_space<hbm>>
      tpu.enqueue_dma source(%dma_start3A_303 : memref<3200xf32, #tpu.memory_space<hbm>>) target(%dma_start3A : memref<3200xf32, #tpu.memory_space<vmem_shared>>) target_semaphore(%run_scoped3A : memref<!tpu.dma_semaphore, #tpu.memory_space<semaphore_mem>>)
      %dma_wait3A = tpu.memref_slice %arg10[%add3A_157] : memref<256000xf32, #tpu.memory_space<vmem_shared>> -> memref<3200xf32, #tpu.memory_space<vmem_shared>>
      %dma_wait3A_304 = arith.constant 0 : i32
      %dma_wait3A_305 = tpu.memref_slice %arg5[%dma_wait3A_304] : memref<3200xf32, #tpu.memory_space<hbm>> -> memref<3200xf32, #tpu.memory_space<hbm>>
      tpu.wait_dma2 semaphore(%run_scoped3A : memref<!tpu.dma_semaphore, #tpu.memory_space<semaphore_mem>>) src(%dma_wait3A_305 : memref<3200xf32, #tpu.memory_space<hbm>>) dst(%dma_wait3A : memref<3200xf32, #tpu.memory_space<vmem_shared>>)
      tpu.yield
    }) : () -> ()
    %add3A_158 = arith.constant 12800 : i32
    %add3A_159 = arith.addi %multiple_of3A, %add3A_158 : i32
    "tpu.region"() ({
      %run_scoped3A = tpu.sem_alloc : memref<!tpu.dma_semaphore, #tpu.memory_space<semaphore_mem>>
      %dma_start3A = tpu.memref_slice %arg10[%add3A_159] : memref<256000xf32, #tpu.memory_space<vmem_shared>> -> memref<3200xf32, #tpu.memory_space<vmem_shared>>
      %dma_start3A_302 = arith.constant 0 : i32
      %dma_start3A_303 = tpu.memref_slice %arg5[%dma_start3A_302] : memref<3200xf32, #tpu.memory_space<hbm>> -> memref<3200xf32, #tpu.memory_space<hbm>>
      tpu.enqueue_dma source(%dma_start3A_303 : memref<3200xf32, #tpu.memory_space<hbm>>) target(%dma_start3A : memref<3200xf32, #tpu.memory_space<vmem_shared>>) target_semaphore(%run_scoped3A : memref<!tpu.dma_semaphore, #tpu.memory_space<semaphore_mem>>)
      %dma_wait3A = tpu.memref_slice %arg10[%add3A_159] : memref<256000xf32, #tpu.memory_space<vmem_shared>> -> memref<3200xf32, #tpu.memory_space<vmem_shared>>
      %dma_wait3A_304 = arith.constant 0 : i32
      %dma_wait3A_305 = tpu.memref_slice %arg5[%dma_wait3A_304] : memref<3200xf32, #tpu.memory_space<hbm>> -> memref<3200xf32, #tpu.memory_space<hbm>>
      tpu.wait_dma2 semaphore(%run_scoped3A : memref<!tpu.dma_semaphore, #tpu.memory_space<semaphore_mem>>) src(%dma_wait3A_305 : memref<3200xf32, #tpu.memory_space<hbm>>) dst(%dma_wait3A : memref<3200xf32, #tpu.memory_space<vmem_shared>>)
      tpu.yield
    }) : () -> ()
    %barrier3A_160 = arith.constant 0 : index
    tpu.barrier barrier_id(%barrier3A_160)
    %mul3A_161 = arith.constant 409600 : i32
    %mul3A_162 = arith.muli %arg0, %mul3A_161 : i32
    %add3A_163 = arith.constant 1638400 : i32
    %add3A_164 = arith.addi %add3A_163, %mul3A_162 : i32
    %mul3A_165 = arith.constant 25600 : i32
    %mul3A_166 = arith.muli %arg1, %mul3A_165 : i32
    %add3A_167 = arith.addi %add3A_164, %mul3A_166 : i32
    %multiple_of3A_168 = tpu.assume_multiple %add3A_167, 8 : i32
    %scan3A_169 = arith.constant 0 : i32
    %scan3A_170 = arith.constant 0 : i32
    %scan3A_171 = arith.constant 25 : i32
    %scan3A_172 = arith.addi %scan3A_170, %scan3A_171 : i32
    %scan3A_173 = arith.constant 1 : i32
    scf.for %scan3A_302 = %scan3A_170 to %scan3A_172 step %scan3A_173  : i32 {
      %mul3A_303 = arith.constant 1024 : i32
      %mul3A_304 = arith.muli %scan3A_302, %mul3A_303 : i32
      %add3A_305 = arith.addi %multiple_of3A_168, %mul3A_304 : i32
      %multiple_of3A_306 = tpu.assume_multiple %add3A_305, 8 : i32
      "tpu.region"() ({
        %run_scoped3A = tpu.sem_alloc : memref<!tpu.dma_semaphore, #tpu.memory_space<semaphore_mem>>
        %dma_start3A_309 = tpu.memref_slice %arg2[%multiple_of3A_306] : memref<3276800xi32, #tpu.memory_space<hbm>> -> memref<1024xi32, #tpu.memory_space<hbm>>
        %dma_start3A_310 = tpu.memref_slice %arg2[%multiple_of3A_306] : memref<3276800xi32, #tpu.memory_space<hbm>> -> memref<1024xi32, #tpu.memory_space<hbm>>
        tpu.enqueue_dma source(%dma_start3A_310 : memref<1024xi32, #tpu.memory_space<hbm>>) target(%arg7 : memref<1024xi32, #tpu.memory_space<vmem>>) target_semaphore(%run_scoped3A : memref<!tpu.dma_semaphore, #tpu.memory_space<semaphore_mem>>)
        %dma_wait3A_311 = tpu.memref_slice %arg2[%multiple_of3A_306] : memref<3276800xi32, #tpu.memory_space<hbm>> -> memref<1024xi32, #tpu.memory_space<hbm>>
        %dma_wait3A_312 = tpu.memref_slice %arg2[%multiple_of3A_306] : memref<3276800xi32, #tpu.memory_space<hbm>> -> memref<1024xi32, #tpu.memory_space<hbm>>
        tpu.wait_dma2 semaphore(%run_scoped3A : memref<!tpu.dma_semaphore, #tpu.memory_space<semaphore_mem>>) src(%dma_wait3A_312 : memref<1024xi32, #tpu.memory_space<hbm>>) dst(%arg7 : memref<1024xi32, #tpu.memory_space<vmem>>)
        tpu.yield
      }) : () -> ()
      "tpu.region"() ({
        %run_scoped3A = tpu.sem_alloc : memref<!tpu.dma_semaphore, #tpu.memory_space<semaphore_mem>>
        %dma_start3A_309 = tpu.memref_slice %arg3[%multiple_of3A_306] : memref<3276800xi32, #tpu.memory_space<hbm>> -> memref<1024xi32, #tpu.memory_space<hbm>>
        %dma_start3A_310 = tpu.memref_slice %arg3[%multiple_of3A_306] : memref<3276800xi32, #tpu.memory_space<hbm>> -> memref<1024xi32, #tpu.memory_space<hbm>>
        tpu.enqueue_dma source(%dma_start3A_310 : memref<1024xi32, #tpu.memory_space<hbm>>) target(%arg8 : memref<1024xi32, #tpu.memory_space<vmem>>) target_semaphore(%run_scoped3A : memref<!tpu.dma_semaphore, #tpu.memory_space<semaphore_mem>>)
        %dma_wait3A_311 = tpu.memref_slice %arg3[%multiple_of3A_306] : memref<3276800xi32, #tpu.memory_space<hbm>> -> memref<1024xi32, #tpu.memory_space<hbm>>
        %dma_wait3A_312 = tpu.memref_slice %arg3[%multiple_of3A_306] : memref<3276800xi32, #tpu.memory_space<hbm>> -> memref<1024xi32, #tpu.memory_space<hbm>>
        tpu.wait_dma2 semaphore(%run_scoped3A : memref<!tpu.dma_semaphore, #tpu.memory_space<semaphore_mem>>) src(%dma_wait3A_312 : memref<1024xi32, #tpu.memory_space<hbm>>) dst(%arg8 : memref<1024xi32, #tpu.memory_space<vmem>>)
        tpu.yield
      }) : () -> ()
      %dma_start3A = arith.constant 0 : i32
      %dma_start3A_307 = tpu.memref_slice %arg4[%dma_start3A] : memref<100000xf32, #tpu.memory_space<hbm>> -> memref<100000xf32, #tpu.memory_space<hbm>>
      tpu.enqueue_indirect_dma source(%dma_start3A_307 : memref<100000xf32, #tpu.memory_space<hbm>>) target(%arg9 : memref<1024xf32, #tpu.memory_space<vmem>>) offsets(%arg7 : memref<1024xi32, #tpu.memory_space<vmem>>) semaphore(%arg11 : memref<!tpu.dma_semaphore, #tpu.memory_space<semaphore_mem>>)
      %dma_wait3A = arith.constant 0 : i32
      %dma_wait3A_308 = tpu.memref_slice %arg4[%dma_wait3A] : memref<100000xf32, #tpu.memory_space<hbm>> -> memref<100000xf32, #tpu.memory_space<hbm>>
      tpu.wait_indirect_dma semaphore(%arg11 : memref<!tpu.dma_semaphore, #tpu.memory_space<semaphore_mem>>) src(%dma_wait3A_308 : memref<100000xf32, #tpu.memory_space<hbm>>) dst(%arg9 : memref<1024xf32, #tpu.memory_space<vmem>>)
      "tpu.region"() ({
        %run_scoped3A = tpu.sem_alloc : memref<!tpu.dma_semaphore, #tpu.memory_space<semaphore_mem>>
        %dma_start3A_309 = arith.constant 0 : i32
        %dma_start3A_310 = tpu.memref_slice %arg10[%dma_start3A_309] : memref<256000xf32, #tpu.memory_space<vmem_shared>> -> memref<256000xf32, #tpu.memory_space<vmem_shared>>
        tpu.enqueue_indirect_dma source(%arg9 : memref<1024xf32, #tpu.memory_space<vmem>>) target(%dma_start3A_310 : memref<256000xf32, #tpu.memory_space<vmem_shared>>) offsets(%arg8 : memref<1024xi32, #tpu.memory_space<vmem>>) semaphore(%run_scoped3A : memref<!tpu.dma_semaphore, #tpu.memory_space<semaphore_mem>>) {add = true}
        %dma_wait3A_311 = arith.constant 0 : i32
        %dma_wait3A_312 = tpu.memref_slice %arg10[%dma_wait3A_311] : memref<256000xf32, #tpu.memory_space<vmem_shared>> -> memref<256000xf32, #tpu.memory_space<vmem_shared>>
        tpu.wait_indirect_dma semaphore(%run_scoped3A : memref<!tpu.dma_semaphore, #tpu.memory_space<semaphore_mem>>) src(%arg9 : memref<1024xf32, #tpu.memory_space<vmem>>) dst(%dma_wait3A_312 : memref<256000xf32, #tpu.memory_space<vmem_shared>>)
        tpu.yield
      }) : () -> ()
    }
    %scan3A_174 = arith.constant 25 : i32
    %barrier3A_175 = arith.constant 0 : index
    tpu.barrier barrier_id(%barrier3A_175)
    %mul3A_176 = arith.constant 256000 : i32
    %mul3A_177 = arith.muli %arg0, %mul3A_176 : i32
    %add3A_178 = arith.constant 1024000 : i32
    %add3A_179 = arith.addi %add3A_178, %mul3A_177 : i32
    %add3A_180 = arith.addi %add3A_179, %multiple_of3A : i32
    %add3A_181 = arith.constant 0 : i32
    %add3A_182 = arith.addi %add3A_180, %add3A_181 : i32
    %multiple_of3A_183 = tpu.assume_multiple %add3A_182, 8 : i32
    %add3A_184 = arith.constant 0 : i32
    %add3A_185 = arith.addi %multiple_of3A, %add3A_184 : i32
    "tpu.region"() ({
      %run_scoped3A = tpu.sem_alloc : memref<!tpu.dma_semaphore, #tpu.memory_space<semaphore_mem>>
      %dma_start3A = tpu.memref_slice %arg6[%multiple_of3A_183] : memref<2048000xf32, #tpu.memory_space<hbm>> -> memref<3200xf32, #tpu.memory_space<hbm>>
      %dma_start3A_302 = tpu.memref_slice %arg10[%add3A_185] : memref<256000xf32, #tpu.memory_space<vmem_shared>> -> memref<3200xf32, #tpu.memory_space<vmem_shared>>
      tpu.enqueue_dma source(%dma_start3A_302 : memref<3200xf32, #tpu.memory_space<vmem_shared>>) target(%dma_start3A : memref<3200xf32, #tpu.memory_space<hbm>>) target_semaphore(%run_scoped3A : memref<!tpu.dma_semaphore, #tpu.memory_space<semaphore_mem>>)
      %dma_wait3A = tpu.memref_slice %arg6[%multiple_of3A_183] : memref<2048000xf32, #tpu.memory_space<hbm>> -> memref<3200xf32, #tpu.memory_space<hbm>>
      %dma_wait3A_303 = tpu.memref_slice %arg10[%add3A_185] : memref<256000xf32, #tpu.memory_space<vmem_shared>> -> memref<3200xf32, #tpu.memory_space<vmem_shared>>
      tpu.wait_dma2 semaphore(%run_scoped3A : memref<!tpu.dma_semaphore, #tpu.memory_space<semaphore_mem>>) src(%dma_wait3A_303 : memref<3200xf32, #tpu.memory_space<vmem_shared>>) dst(%dma_wait3A : memref<3200xf32, #tpu.memory_space<hbm>>)
      tpu.yield
    }) : () -> ()
    %mul3A_186 = arith.constant 256000 : i32
    %mul3A_187 = arith.muli %arg0, %mul3A_186 : i32
    %add3A_188 = arith.constant 1024000 : i32
    %add3A_189 = arith.addi %add3A_188, %mul3A_187 : i32
    %add3A_190 = arith.addi %add3A_189, %multiple_of3A : i32
    %add3A_191 = arith.constant 3200 : i32
    %add3A_192 = arith.addi %add3A_190, %add3A_191 : i32
    %multiple_of3A_193 = tpu.assume_multiple %add3A_192, 8 : i32
    %add3A_194 = arith.constant 3200 : i32
    %add3A_195 = arith.addi %multiple_of3A, %add3A_194 : i32
    "tpu.region"() ({
      %run_scoped3A = tpu.sem_alloc : memref<!tpu.dma_semaphore, #tpu.memory_space<semaphore_mem>>
      %dma_start3A = tpu.memref_slice %arg6[%multiple_of3A_193] : memref<2048000xf32, #tpu.memory_space<hbm>> -> memref<3200xf32, #tpu.memory_space<hbm>>
      %dma_start3A_302 = tpu.memref_slice %arg10[%add3A_195] : memref<256000xf32, #tpu.memory_space<vmem_shared>> -> memref<3200xf32, #tpu.memory_space<vmem_shared>>
      tpu.enqueue_dma source(%dma_start3A_302 : memref<3200xf32, #tpu.memory_space<vmem_shared>>) target(%dma_start3A : memref<3200xf32, #tpu.memory_space<hbm>>) target_semaphore(%run_scoped3A : memref<!tpu.dma_semaphore, #tpu.memory_space<semaphore_mem>>)
      %dma_wait3A = tpu.memref_slice %arg6[%multiple_of3A_193] : memref<2048000xf32, #tpu.memory_space<hbm>> -> memref<3200xf32, #tpu.memory_space<hbm>>
      %dma_wait3A_303 = tpu.memref_slice %arg10[%add3A_195] : memref<256000xf32, #tpu.memory_space<vmem_shared>> -> memref<3200xf32, #tpu.memory_space<vmem_shared>>
      tpu.wait_dma2 semaphore(%run_scoped3A : memref<!tpu.dma_semaphore, #tpu.memory_space<semaphore_mem>>) src(%dma_wait3A_303 : memref<3200xf32, #tpu.memory_space<vmem_shared>>) dst(%dma_wait3A : memref<3200xf32, #tpu.memory_space<hbm>>)
      tpu.yield
    }) : () -> ()
    %mul3A_196 = arith.constant 256000 : i32
    %mul3A_197 = arith.muli %arg0, %mul3A_196 : i32
    %add3A_198 = arith.constant 1024000 : i32
    %add3A_199 = arith.addi %add3A_198, %mul3A_197 : i32
    %add3A_200 = arith.addi %add3A_199, %multiple_of3A : i32
    %add3A_201 = arith.constant 6400 : i32
    %add3A_202 = arith.addi %add3A_200, %add3A_201 : i32
    %multiple_of3A_203 = tpu.assume_multiple %add3A_202, 8 : i32
    %add3A_204 = arith.constant 6400 : i32
    %add3A_205 = arith.addi %multiple_of3A, %add3A_204 : i32
    "tpu.region"() ({
      %run_scoped3A = tpu.sem_alloc : memref<!tpu.dma_semaphore, #tpu.memory_space<semaphore_mem>>
      %dma_start3A = tpu.memref_slice %arg6[%multiple_of3A_203] : memref<2048000xf32, #tpu.memory_space<hbm>> -> memref<3200xf32, #tpu.memory_space<hbm>>
      %dma_start3A_302 = tpu.memref_slice %arg10[%add3A_205] : memref<256000xf32, #tpu.memory_space<vmem_shared>> -> memref<3200xf32, #tpu.memory_space<vmem_shared>>
      tpu.enqueue_dma source(%dma_start3A_302 : memref<3200xf32, #tpu.memory_space<vmem_shared>>) target(%dma_start3A : memref<3200xf32, #tpu.memory_space<hbm>>) target_semaphore(%run_scoped3A : memref<!tpu.dma_semaphore, #tpu.memory_space<semaphore_mem>>)
      %dma_wait3A = tpu.memref_slice %arg6[%multiple_of3A_203] : memref<2048000xf32, #tpu.memory_space<hbm>> -> memref<3200xf32, #tpu.memory_space<hbm>>
      %dma_wait3A_303 = tpu.memref_slice %arg10[%add3A_205] : memref<256000xf32, #tpu.memory_space<vmem_shared>> -> memref<3200xf32, #tpu.memory_space<vmem_shared>>
      tpu.wait_dma2 semaphore(%run_scoped3A : memref<!tpu.dma_semaphore, #tpu.memory_space<semaphore_mem>>) src(%dma_wait3A_303 : memref<3200xf32, #tpu.memory_space<vmem_shared>>) dst(%dma_wait3A : memref<3200xf32, #tpu.memory_space<hbm>>)
      tpu.yield
    }) : () -> ()
    %mul3A_206 = arith.constant 256000 : i32
    %mul3A_207 = arith.muli %arg0, %mul3A_206 : i32
    %add3A_208 = arith.constant 1024000 : i32
    %add3A_209 = arith.addi %add3A_208, %mul3A_207 : i32
    %add3A_210 = arith.addi %add3A_209, %multiple_of3A : i32
    %add3A_211 = arith.constant 9600 : i32
    %add3A_212 = arith.addi %add3A_210, %add3A_211 : i32
    %multiple_of3A_213 = tpu.assume_multiple %add3A_212, 8 : i32
    %add3A_214 = arith.constant 9600 : i32
    %add3A_215 = arith.addi %multiple_of3A, %add3A_214 : i32
    "tpu.region"() ({
      %run_scoped3A = tpu.sem_alloc : memref<!tpu.dma_semaphore, #tpu.memory_space<semaphore_mem>>
      %dma_start3A = tpu.memref_slice %arg6[%multiple_of3A_213] : memref<2048000xf32, #tpu.memory_space<hbm>> -> memref<3200xf32, #tpu.memory_space<hbm>>
      %dma_start3A_302 = tpu.memref_slice %arg10[%add3A_215] : memref<256000xf32, #tpu.memory_space<vmem_shared>> -> memref<3200xf32, #tpu.memory_space<vmem_shared>>
      tpu.enqueue_dma source(%dma_start3A_302 : memref<3200xf32, #tpu.memory_space<vmem_shared>>) target(%dma_start3A : memref<3200xf32, #tpu.memory_space<hbm>>) target_semaphore(%run_scoped3A : memref<!tpu.dma_semaphore, #tpu.memory_space<semaphore_mem>>)
      %dma_wait3A = tpu.memref_slice %arg6[%multiple_of3A_213] : memref<2048000xf32, #tpu.memory_space<hbm>> -> memref<3200xf32, #tpu.memory_space<hbm>>
      %dma_wait3A_303 = tpu.memref_slice %arg10[%add3A_215] : memref<256000xf32, #tpu.memory_space<vmem_shared>> -> memref<3200xf32, #tpu.memory_space<vmem_shared>>
      tpu.wait_dma2 semaphore(%run_scoped3A : memref<!tpu.dma_semaphore, #tpu.memory_space<semaphore_mem>>) src(%dma_wait3A_303 : memref<3200xf32, #tpu.memory_space<vmem_shared>>) dst(%dma_wait3A : memref<3200xf32, #tpu.memory_space<hbm>>)
      tpu.yield
    }) : () -> ()
    %mul3A_216 = arith.constant 256000 : i32
    %mul3A_217 = arith.muli %arg0, %mul3A_216 : i32
    %add3A_218 = arith.constant 1024000 : i32
    %add3A_219 = arith.addi %add3A_218, %mul3A_217 : i32
    %add3A_220 = arith.addi %add3A_219, %multiple_of3A : i32
    %add3A_221 = arith.constant 12800 : i32
    %add3A_222 = arith.addi %add3A_220, %add3A_221 : i32
    %multiple_of3A_223 = tpu.assume_multiple %add3A_222, 8 : i32
    %add3A_224 = arith.constant 12800 : i32
    %add3A_225 = arith.addi %multiple_of3A, %add3A_224 : i32
    "tpu.region"() ({
      %run_scoped3A = tpu.sem_alloc : memref<!tpu.dma_semaphore, #tpu.memory_space<semaphore_mem>>
      %dma_start3A = tpu.memref_slice %arg6[%multiple_of3A_223] : memref<2048000xf32, #tpu.memory_space<hbm>> -> memref<3200xf32, #tpu.memory_space<hbm>>
      %dma_start3A_302 = tpu.memref_slice %arg10[%add3A_225] : memref<256000xf32, #tpu.memory_space<vmem_shared>> -> memref<3200xf32, #tpu.memory_space<vmem_shared>>
      tpu.enqueue_dma source(%dma_start3A_302 : memref<3200xf32, #tpu.memory_space<vmem_shared>>) target(%dma_start3A : memref<3200xf32, #tpu.memory_space<hbm>>) target_semaphore(%run_scoped3A : memref<!tpu.dma_semaphore, #tpu.memory_space<semaphore_mem>>)
      %dma_wait3A = tpu.memref_slice %arg6[%multiple_of3A_223] : memref<2048000xf32, #tpu.memory_space<hbm>> -> memref<3200xf32, #tpu.memory_space<hbm>>
      %dma_wait3A_303 = tpu.memref_slice %arg10[%add3A_225] : memref<256000xf32, #tpu.memory_space<vmem_shared>> -> memref<3200xf32, #tpu.memory_space<vmem_shared>>
      tpu.wait_dma2 semaphore(%run_scoped3A : memref<!tpu.dma_semaphore, #tpu.memory_space<semaphore_mem>>) src(%dma_wait3A_303 : memref<3200xf32, #tpu.memory_space<vmem_shared>>) dst(%dma_wait3A : memref<3200xf32, #tpu.memory_space<hbm>>)
      tpu.yield
    }) : () -> ()
    %add3A_226 = arith.constant 0 : i32
    %add3A_227 = arith.addi %multiple_of3A, %add3A_226 : i32
    "tpu.region"() ({
      %run_scoped3A = tpu.sem_alloc : memref<!tpu.dma_semaphore, #tpu.memory_space<semaphore_mem>>
      %dma_start3A = tpu.memref_slice %arg10[%add3A_227] : memref<256000xf32, #tpu.memory_space<vmem_shared>> -> memref<3200xf32, #tpu.memory_space<vmem_shared>>
      %dma_start3A_302 = arith.constant 0 : i32
      %dma_start3A_303 = tpu.memref_slice %arg5[%dma_start3A_302] : memref<3200xf32, #tpu.memory_space<hbm>> -> memref<3200xf32, #tpu.memory_space<hbm>>
      tpu.enqueue_dma source(%dma_start3A_303 : memref<3200xf32, #tpu.memory_space<hbm>>) target(%dma_start3A : memref<3200xf32, #tpu.memory_space<vmem_shared>>) target_semaphore(%run_scoped3A : memref<!tpu.dma_semaphore, #tpu.memory_space<semaphore_mem>>)
      %dma_wait3A = tpu.memref_slice %arg10[%add3A_227] : memref<256000xf32, #tpu.memory_space<vmem_shared>> -> memref<3200xf32, #tpu.memory_space<vmem_shared>>
      %dma_wait3A_304 = arith.constant 0 : i32
      %dma_wait3A_305 = tpu.memref_slice %arg5[%dma_wait3A_304] : memref<3200xf32, #tpu.memory_space<hbm>> -> memref<3200xf32, #tpu.memory_space<hbm>>
      tpu.wait_dma2 semaphore(%run_scoped3A : memref<!tpu.dma_semaphore, #tpu.memory_space<semaphore_mem>>) src(%dma_wait3A_305 : memref<3200xf32, #tpu.memory_space<hbm>>) dst(%dma_wait3A : memref<3200xf32, #tpu.memory_space<vmem_shared>>)
      tpu.yield
    }) : () -> ()
    %add3A_228 = arith.constant 3200 : i32
    %add3A_229 = arith.addi %multiple_of3A, %add3A_228 : i32
    "tpu.region"() ({
      %run_scoped3A = tpu.sem_alloc : memref<!tpu.dma_semaphore, #tpu.memory_space<semaphore_mem>>
      %dma_start3A = tpu.memref_slice %arg10[%add3A_229] : memref<256000xf32, #tpu.memory_space<vmem_shared>> -> memref<3200xf32, #tpu.memory_space<vmem_shared>>
      %dma_start3A_302 = arith.constant 0 : i32
      %dma_start3A_303 = tpu.memref_slice %arg5[%dma_start3A_302] : memref<3200xf32, #tpu.memory_space<hbm>> -> memref<3200xf32, #tpu.memory_space<hbm>>
      tpu.enqueue_dma source(%dma_start3A_303 : memref<3200xf32, #tpu.memory_space<hbm>>) target(%dma_start3A : memref<3200xf32, #tpu.memory_space<vmem_shared>>) target_semaphore(%run_scoped3A : memref<!tpu.dma_semaphore, #tpu.memory_space<semaphore_mem>>)
      %dma_wait3A = tpu.memref_slice %arg10[%add3A_229] : memref<256000xf32, #tpu.memory_space<vmem_shared>> -> memref<3200xf32, #tpu.memory_space<vmem_shared>>
      %dma_wait3A_304 = arith.constant 0 : i32
      %dma_wait3A_305 = tpu.memref_slice %arg5[%dma_wait3A_304] : memref<3200xf32, #tpu.memory_space<hbm>> -> memref<3200xf32, #tpu.memory_space<hbm>>
      tpu.wait_dma2 semaphore(%run_scoped3A : memref<!tpu.dma_semaphore, #tpu.memory_space<semaphore_mem>>) src(%dma_wait3A_305 : memref<3200xf32, #tpu.memory_space<hbm>>) dst(%dma_wait3A : memref<3200xf32, #tpu.memory_space<vmem_shared>>)
      tpu.yield
    }) : () -> ()
    %add3A_230 = arith.constant 6400 : i32
    %add3A_231 = arith.addi %multiple_of3A, %add3A_230 : i32
    "tpu.region"() ({
      %run_scoped3A = tpu.sem_alloc : memref<!tpu.dma_semaphore, #tpu.memory_space<semaphore_mem>>
      %dma_start3A = tpu.memref_slice %arg10[%add3A_231] : memref<256000xf32, #tpu.memory_space<vmem_shared>> -> memref<3200xf32, #tpu.memory_space<vmem_shared>>
      %dma_start3A_302 = arith.constant 0 : i32
      %dma_start3A_303 = tpu.memref_slice %arg5[%dma_start3A_302] : memref<3200xf32, #tpu.memory_space<hbm>> -> memref<3200xf32, #tpu.memory_space<hbm>>
      tpu.enqueue_dma source(%dma_start3A_303 : memref<3200xf32, #tpu.memory_space<hbm>>) target(%dma_start3A : memref<3200xf32, #tpu.memory_space<vmem_shared>>) target_semaphore(%run_scoped3A : memref<!tpu.dma_semaphore, #tpu.memory_space<semaphore_mem>>)
      %dma_wait3A = tpu.memref_slice %arg10[%add3A_231] : memref<256000xf32, #tpu.memory_space<vmem_shared>> -> memref<3200xf32, #tpu.memory_space<vmem_shared>>
      %dma_wait3A_304 = arith.constant 0 : i32
      %dma_wait3A_305 = tpu.memref_slice %arg5[%dma_wait3A_304] : memref<3200xf32, #tpu.memory_space<hbm>> -> memref<3200xf32, #tpu.memory_space<hbm>>
      tpu.wait_dma2 semaphore(%run_scoped3A : memref<!tpu.dma_semaphore, #tpu.memory_space<semaphore_mem>>) src(%dma_wait3A_305 : memref<3200xf32, #tpu.memory_space<hbm>>) dst(%dma_wait3A : memref<3200xf32, #tpu.memory_space<vmem_shared>>)
      tpu.yield
    }) : () -> ()
    %add3A_232 = arith.constant 9600 : i32
    %add3A_233 = arith.addi %multiple_of3A, %add3A_232 : i32
    "tpu.region"() ({
      %run_scoped3A = tpu.sem_alloc : memref<!tpu.dma_semaphore, #tpu.memory_space<semaphore_mem>>
      %dma_start3A = tpu.memref_slice %arg10[%add3A_233] : memref<256000xf32, #tpu.memory_space<vmem_shared>> -> memref<3200xf32, #tpu.memory_space<vmem_shared>>
      %dma_start3A_302 = arith.constant 0 : i32
      %dma_start3A_303 = tpu.memref_slice %arg5[%dma_start3A_302] : memref<3200xf32, #tpu.memory_space<hbm>> -> memref<3200xf32, #tpu.memory_space<hbm>>
      tpu.enqueue_dma source(%dma_start3A_303 : memref<3200xf32, #tpu.memory_space<hbm>>) target(%dma_start3A : memref<3200xf32, #tpu.memory_space<vmem_shared>>) target_semaphore(%run_scoped3A : memref<!tpu.dma_semaphore, #tpu.memory_space<semaphore_mem>>)
      %dma_wait3A = tpu.memref_slice %arg10[%add3A_233] : memref<256000xf32, #tpu.memory_space<vmem_shared>> -> memref<3200xf32, #tpu.memory_space<vmem_shared>>
      %dma_wait3A_304 = arith.constant 0 : i32
      %dma_wait3A_305 = tpu.memref_slice %arg5[%dma_wait3A_304] : memref<3200xf32, #tpu.memory_space<hbm>> -> memref<3200xf32, #tpu.memory_space<hbm>>
      tpu.wait_dma2 semaphore(%run_scoped3A : memref<!tpu.dma_semaphore, #tpu.memory_space<semaphore_mem>>) src(%dma_wait3A_305 : memref<3200xf32, #tpu.memory_space<hbm>>) dst(%dma_wait3A : memref<3200xf32, #tpu.memory_space<vmem_shared>>)
      tpu.yield
    }) : () -> ()
    %add3A_234 = arith.constant 12800 : i32
    %add3A_235 = arith.addi %multiple_of3A, %add3A_234 : i32
    "tpu.region"() ({
      %run_scoped3A = tpu.sem_alloc : memref<!tpu.dma_semaphore, #tpu.memory_space<semaphore_mem>>
      %dma_start3A = tpu.memref_slice %arg10[%add3A_235] : memref<256000xf32, #tpu.memory_space<vmem_shared>> -> memref<3200xf32, #tpu.memory_space<vmem_shared>>
      %dma_start3A_302 = arith.constant 0 : i32
      %dma_start3A_303 = tpu.memref_slice %arg5[%dma_start3A_302] : memref<3200xf32, #tpu.memory_space<hbm>> -> memref<3200xf32, #tpu.memory_space<hbm>>
      tpu.enqueue_dma source(%dma_start3A_303 : memref<3200xf32, #tpu.memory_space<hbm>>) target(%dma_start3A : memref<3200xf32, #tpu.memory_space<vmem_shared>>) target_semaphore(%run_scoped3A : memref<!tpu.dma_semaphore, #tpu.memory_space<semaphore_mem>>)
      %dma_wait3A = tpu.memref_slice %arg10[%add3A_235] : memref<256000xf32, #tpu.memory_space<vmem_shared>> -> memref<3200xf32, #tpu.memory_space<vmem_shared>>
      %dma_wait3A_304 = arith.constant 0 : i32
      %dma_wait3A_305 = tpu.memref_slice %arg5[%dma_wait3A_304] : memref<3200xf32, #tpu.memory_space<hbm>> -> memref<3200xf32, #tpu.memory_space<hbm>>
      tpu.wait_dma2 semaphore(%run_scoped3A : memref<!tpu.dma_semaphore, #tpu.memory_space<semaphore_mem>>) src(%dma_wait3A_305 : memref<3200xf32, #tpu.memory_space<hbm>>) dst(%dma_wait3A : memref<3200xf32, #tpu.memory_space<vmem_shared>>)
      tpu.yield
    }) : () -> ()
    %barrier3A_236 = arith.constant 0 : index
    tpu.barrier barrier_id(%barrier3A_236)
    %mul3A_237 = arith.constant 409600 : i32
    %mul3A_238 = arith.muli %arg0, %mul3A_237 : i32
    %add3A_239 = arith.constant 2457600 : i32
    %add3A_240 = arith.addi %add3A_239, %mul3A_238 : i32
    %mul3A_241 = arith.constant 25600 : i32
    %mul3A_242 = arith.muli %arg1, %mul3A_241 : i32
    %add3A_243 = arith.addi %add3A_240, %mul3A_242 : i32
    %multiple_of3A_244 = tpu.assume_multiple %add3A_243, 8 : i32
    %scan3A_245 = arith.constant 0 : i32
    %scan3A_246 = arith.constant 0 : i32
    %scan3A_247 = arith.constant 25 : i32
    %scan3A_248 = arith.addi %scan3A_246, %scan3A_247 : i32
    %scan3A_249 = arith.constant 1 : i32
    scf.for %scan3A_302 = %scan3A_246 to %scan3A_248 step %scan3A_249  : i32 {
      %mul3A_303 = arith.constant 1024 : i32
      %mul3A_304 = arith.muli %scan3A_302, %mul3A_303 : i32
      %add3A_305 = arith.addi %multiple_of3A_244, %mul3A_304 : i32
      %multiple_of3A_306 = tpu.assume_multiple %add3A_305, 8 : i32
      "tpu.region"() ({
        %run_scoped3A = tpu.sem_alloc : memref<!tpu.dma_semaphore, #tpu.memory_space<semaphore_mem>>
        %dma_start3A_309 = tpu.memref_slice %arg2[%multiple_of3A_306] : memref<3276800xi32, #tpu.memory_space<hbm>> -> memref<1024xi32, #tpu.memory_space<hbm>>
        %dma_start3A_310 = tpu.memref_slice %arg2[%multiple_of3A_306] : memref<3276800xi32, #tpu.memory_space<hbm>> -> memref<1024xi32, #tpu.memory_space<hbm>>
        tpu.enqueue_dma source(%dma_start3A_310 : memref<1024xi32, #tpu.memory_space<hbm>>) target(%arg7 : memref<1024xi32, #tpu.memory_space<vmem>>) target_semaphore(%run_scoped3A : memref<!tpu.dma_semaphore, #tpu.memory_space<semaphore_mem>>)
        %dma_wait3A_311 = tpu.memref_slice %arg2[%multiple_of3A_306] : memref<3276800xi32, #tpu.memory_space<hbm>> -> memref<1024xi32, #tpu.memory_space<hbm>>
        %dma_wait3A_312 = tpu.memref_slice %arg2[%multiple_of3A_306] : memref<3276800xi32, #tpu.memory_space<hbm>> -> memref<1024xi32, #tpu.memory_space<hbm>>
        tpu.wait_dma2 semaphore(%run_scoped3A : memref<!tpu.dma_semaphore, #tpu.memory_space<semaphore_mem>>) src(%dma_wait3A_312 : memref<1024xi32, #tpu.memory_space<hbm>>) dst(%arg7 : memref<1024xi32, #tpu.memory_space<vmem>>)
        tpu.yield
      }) : () -> ()
      "tpu.region"() ({
        %run_scoped3A = tpu.sem_alloc : memref<!tpu.dma_semaphore, #tpu.memory_space<semaphore_mem>>
        %dma_start3A_309 = tpu.memref_slice %arg3[%multiple_of3A_306] : memref<3276800xi32, #tpu.memory_space<hbm>> -> memref<1024xi32, #tpu.memory_space<hbm>>
        %dma_start3A_310 = tpu.memref_slice %arg3[%multiple_of3A_306] : memref<3276800xi32, #tpu.memory_space<hbm>> -> memref<1024xi32, #tpu.memory_space<hbm>>
        tpu.enqueue_dma source(%dma_start3A_310 : memref<1024xi32, #tpu.memory_space<hbm>>) target(%arg8 : memref<1024xi32, #tpu.memory_space<vmem>>) target_semaphore(%run_scoped3A : memref<!tpu.dma_semaphore, #tpu.memory_space<semaphore_mem>>)
        %dma_wait3A_311 = tpu.memref_slice %arg3[%multiple_of3A_306] : memref<3276800xi32, #tpu.memory_space<hbm>> -> memref<1024xi32, #tpu.memory_space<hbm>>
        %dma_wait3A_312 = tpu.memref_slice %arg3[%multiple_of3A_306] : memref<3276800xi32, #tpu.memory_space<hbm>> -> memref<1024xi32, #tpu.memory_space<hbm>>
        tpu.wait_dma2 semaphore(%run_scoped3A : memref<!tpu.dma_semaphore, #tpu.memory_space<semaphore_mem>>) src(%dma_wait3A_312 : memref<1024xi32, #tpu.memory_space<hbm>>) dst(%arg8 : memref<1024xi32, #tpu.memory_space<vmem>>)
        tpu.yield
      }) : () -> ()
      %dma_start3A = arith.constant 0 : i32
      %dma_start3A_307 = tpu.memref_slice %arg4[%dma_start3A] : memref<100000xf32, #tpu.memory_space<hbm>> -> memref<100000xf32, #tpu.memory_space<hbm>>
      tpu.enqueue_indirect_dma source(%dma_start3A_307 : memref<100000xf32, #tpu.memory_space<hbm>>) target(%arg9 : memref<1024xf32, #tpu.memory_space<vmem>>) offsets(%arg7 : memref<1024xi32, #tpu.memory_space<vmem>>) semaphore(%arg11 : memref<!tpu.dma_semaphore, #tpu.memory_space<semaphore_mem>>)
      %dma_wait3A = arith.constant 0 : i32
      %dma_wait3A_308 = tpu.memref_slice %arg4[%dma_wait3A] : memref<100000xf32, #tpu.memory_space<hbm>> -> memref<100000xf32, #tpu.memory_space<hbm>>
      tpu.wait_indirect_dma semaphore(%arg11 : memref<!tpu.dma_semaphore, #tpu.memory_space<semaphore_mem>>) src(%dma_wait3A_308 : memref<100000xf32, #tpu.memory_space<hbm>>) dst(%arg9 : memref<1024xf32, #tpu.memory_space<vmem>>)
      "tpu.region"() ({
        %run_scoped3A = tpu.sem_alloc : memref<!tpu.dma_semaphore, #tpu.memory_space<semaphore_mem>>
        %dma_start3A_309 = arith.constant 0 : i32
        %dma_start3A_310 = tpu.memref_slice %arg10[%dma_start3A_309] : memref<256000xf32, #tpu.memory_space<vmem_shared>> -> memref<256000xf32, #tpu.memory_space<vmem_shared>>
        tpu.enqueue_indirect_dma source(%arg9 : memref<1024xf32, #tpu.memory_space<vmem>>) target(%dma_start3A_310 : memref<256000xf32, #tpu.memory_space<vmem_shared>>) offsets(%arg8 : memref<1024xi32, #tpu.memory_space<vmem>>) semaphore(%run_scoped3A : memref<!tpu.dma_semaphore, #tpu.memory_space<semaphore_mem>>) {add = true}
        %dma_wait3A_311 = arith.constant 0 : i32
        %dma_wait3A_312 = tpu.memref_slice %arg10[%dma_wait3A_311] : memref<256000xf32, #tpu.memory_space<vmem_shared>> -> memref<256000xf32, #tpu.memory_space<vmem_shared>>
        tpu.wait_indirect_dma semaphore(%run_scoped3A : memref<!tpu.dma_semaphore, #tpu.memory_space<semaphore_mem>>) src(%arg9 : memref<1024xf32, #tpu.memory_space<vmem>>) dst(%dma_wait3A_312 : memref<256000xf32, #tpu.memory_space<vmem_shared>>)
        tpu.yield
      }) : () -> ()
    }
    %scan3A_250 = arith.constant 25 : i32
    %barrier3A_251 = arith.constant 0 : index
    tpu.barrier barrier_id(%barrier3A_251)
    %mul3A_252 = arith.constant 256000 : i32
    %mul3A_253 = arith.muli %arg0, %mul3A_252 : i32
    %add3A_254 = arith.constant 1536000 : i32
    %add3A_255 = arith.addi %add3A_254, %mul3A_253 : i32
    %add3A_256 = arith.addi %add3A_255, %multiple_of3A : i32
    %add3A_257 = arith.constant 0 : i32
    %add3A_258 = arith.addi %add3A_256, %add3A_257 : i32
    %multiple_of3A_259 = tpu.assume_multiple %add3A_258, 8 : i32
    %add3A_260 = arith.constant 0 : i32
    %add3A_261 = arith.addi %multiple_of3A, %add3A_260 : i32
    "tpu.region"() ({
      %run_scoped3A = tpu.sem_alloc : memref<!tpu.dma_semaphore, #tpu.memory_space<semaphore_mem>>
      %dma_start3A = tpu.memref_slice %arg6[%multiple_of3A_259] : memref<2048000xf32, #tpu.memory_space<hbm>> -> memref<3200xf32, #tpu.memory_space<hbm>>
      %dma_start3A_302 = tpu.memref_slice %arg10[%add3A_261] : memref<256000xf32, #tpu.memory_space<vmem_shared>> -> memref<3200xf32, #tpu.memory_space<vmem_shared>>
      tpu.enqueue_dma source(%dma_start3A_302 : memref<3200xf32, #tpu.memory_space<vmem_shared>>) target(%dma_start3A : memref<3200xf32, #tpu.memory_space<hbm>>) target_semaphore(%run_scoped3A : memref<!tpu.dma_semaphore, #tpu.memory_space<semaphore_mem>>)
      %dma_wait3A = tpu.memref_slice %arg6[%multiple_of3A_259] : memref<2048000xf32, #tpu.memory_space<hbm>> -> memref<3200xf32, #tpu.memory_space<hbm>>
      %dma_wait3A_303 = tpu.memref_slice %arg10[%add3A_261] : memref<256000xf32, #tpu.memory_space<vmem_shared>> -> memref<3200xf32, #tpu.memory_space<vmem_shared>>
      tpu.wait_dma2 semaphore(%run_scoped3A : memref<!tpu.dma_semaphore, #tpu.memory_space<semaphore_mem>>) src(%dma_wait3A_303 : memref<3200xf32, #tpu.memory_space<vmem_shared>>) dst(%dma_wait3A : memref<3200xf32, #tpu.memory_space<hbm>>)
      tpu.yield
    }) : () -> ()
    %mul3A_262 = arith.constant 256000 : i32
    %mul3A_263 = arith.muli %arg0, %mul3A_262 : i32
    %add3A_264 = arith.constant 1536000 : i32
    %add3A_265 = arith.addi %add3A_264, %mul3A_263 : i32
    %add3A_266 = arith.addi %add3A_265, %multiple_of3A : i32
    %add3A_267 = arith.constant 3200 : i32
    %add3A_268 = arith.addi %add3A_266, %add3A_267 : i32
    %multiple_of3A_269 = tpu.assume_multiple %add3A_268, 8 : i32
    %add3A_270 = arith.constant 3200 : i32
    %add3A_271 = arith.addi %multiple_of3A, %add3A_270 : i32
    "tpu.region"() ({
      %run_scoped3A = tpu.sem_alloc : memref<!tpu.dma_semaphore, #tpu.memory_space<semaphore_mem>>
      %dma_start3A = tpu.memref_slice %arg6[%multiple_of3A_269] : memref<2048000xf32, #tpu.memory_space<hbm>> -> memref<3200xf32, #tpu.memory_space<hbm>>
      %dma_start3A_302 = tpu.memref_slice %arg10[%add3A_271] : memref<256000xf32, #tpu.memory_space<vmem_shared>> -> memref<3200xf32, #tpu.memory_space<vmem_shared>>
      tpu.enqueue_dma source(%dma_start3A_302 : memref<3200xf32, #tpu.memory_space<vmem_shared>>) target(%dma_start3A : memref<3200xf32, #tpu.memory_space<hbm>>) target_semaphore(%run_scoped3A : memref<!tpu.dma_semaphore, #tpu.memory_space<semaphore_mem>>)
      %dma_wait3A = tpu.memref_slice %arg6[%multiple_of3A_269] : memref<2048000xf32, #tpu.memory_space<hbm>> -> memref<3200xf32, #tpu.memory_space<hbm>>
      %dma_wait3A_303 = tpu.memref_slice %arg10[%add3A_271] : memref<256000xf32, #tpu.memory_space<vmem_shared>> -> memref<3200xf32, #tpu.memory_space<vmem_shared>>
      tpu.wait_dma2 semaphore(%run_scoped3A : memref<!tpu.dma_semaphore, #tpu.memory_space<semaphore_mem>>) src(%dma_wait3A_303 : memref<3200xf32, #tpu.memory_space<vmem_shared>>) dst(%dma_wait3A : memref<3200xf32, #tpu.memory_space<hbm>>)
      tpu.yield
    }) : () -> ()
    %mul3A_272 = arith.constant 256000 : i32
    %mul3A_273 = arith.muli %arg0, %mul3A_272 : i32
    %add3A_274 = arith.constant 1536000 : i32
    %add3A_275 = arith.addi %add3A_274, %mul3A_273 : i32
    %add3A_276 = arith.addi %add3A_275, %multiple_of3A : i32
    %add3A_277 = arith.constant 6400 : i32
    %add3A_278 = arith.addi %add3A_276, %add3A_277 : i32
    %multiple_of3A_279 = tpu.assume_multiple %add3A_278, 8 : i32
    %add3A_280 = arith.constant 6400 : i32
    %add3A_281 = arith.addi %multiple_of3A, %add3A_280 : i32
    "tpu.region"() ({
      %run_scoped3A = tpu.sem_alloc : memref<!tpu.dma_semaphore, #tpu.memory_space<semaphore_mem>>
      %dma_start3A = tpu.memref_slice %arg6[%multiple_of3A_279] : memref<2048000xf32, #tpu.memory_space<hbm>> -> memref<3200xf32, #tpu.memory_space<hbm>>
      %dma_start3A_302 = tpu.memref_slice %arg10[%add3A_281] : memref<256000xf32, #tpu.memory_space<vmem_shared>> -> memref<3200xf32, #tpu.memory_space<vmem_shared>>
      tpu.enqueue_dma source(%dma_start3A_302 : memref<3200xf32, #tpu.memory_space<vmem_shared>>) target(%dma_start3A : memref<3200xf32, #tpu.memory_space<hbm>>) target_semaphore(%run_scoped3A : memref<!tpu.dma_semaphore, #tpu.memory_space<semaphore_mem>>)
      %dma_wait3A = tpu.memref_slice %arg6[%multiple_of3A_279] : memref<2048000xf32, #tpu.memory_space<hbm>> -> memref<3200xf32, #tpu.memory_space<hbm>>
      %dma_wait3A_303 = tpu.memref_slice %arg10[%add3A_281] : memref<256000xf32, #tpu.memory_space<vmem_shared>> -> memref<3200xf32, #tpu.memory_space<vmem_shared>>
      tpu.wait_dma2 semaphore(%run_scoped3A : memref<!tpu.dma_semaphore, #tpu.memory_space<semaphore_mem>>) src(%dma_wait3A_303 : memref<3200xf32, #tpu.memory_space<vmem_shared>>) dst(%dma_wait3A : memref<3200xf32, #tpu.memory_space<hbm>>)
      tpu.yield
    }) : () -> ()
    %mul3A_282 = arith.constant 256000 : i32
    %mul3A_283 = arith.muli %arg0, %mul3A_282 : i32
    %add3A_284 = arith.constant 1536000 : i32
    %add3A_285 = arith.addi %add3A_284, %mul3A_283 : i32
    %add3A_286 = arith.addi %add3A_285, %multiple_of3A : i32
    %add3A_287 = arith.constant 9600 : i32
    %add3A_288 = arith.addi %add3A_286, %add3A_287 : i32
    %multiple_of3A_289 = tpu.assume_multiple %add3A_288, 8 : i32
    %add3A_290 = arith.constant 9600 : i32
    %add3A_291 = arith.addi %multiple_of3A, %add3A_290 : i32
    "tpu.region"() ({
      %run_scoped3A = tpu.sem_alloc : memref<!tpu.dma_semaphore, #tpu.memory_space<semaphore_mem>>
      %dma_start3A = tpu.memref_slice %arg6[%multiple_of3A_289] : memref<2048000xf32, #tpu.memory_space<hbm>> -> memref<3200xf32, #tpu.memory_space<hbm>>
      %dma_start3A_302 = tpu.memref_slice %arg10[%add3A_291] : memref<256000xf32, #tpu.memory_space<vmem_shared>> -> memref<3200xf32, #tpu.memory_space<vmem_shared>>
      tpu.enqueue_dma source(%dma_start3A_302 : memref<3200xf32, #tpu.memory_space<vmem_shared>>) target(%dma_start3A : memref<3200xf32, #tpu.memory_space<hbm>>) target_semaphore(%run_scoped3A : memref<!tpu.dma_semaphore, #tpu.memory_space<semaphore_mem>>)
      %dma_wait3A = tpu.memref_slice %arg6[%multiple_of3A_289] : memref<2048000xf32, #tpu.memory_space<hbm>> -> memref<3200xf32, #tpu.memory_space<hbm>>
      %dma_wait3A_303 = tpu.memref_slice %arg10[%add3A_291] : memref<256000xf32, #tpu.memory_space<vmem_shared>> -> memref<3200xf32, #tpu.memory_space<vmem_shared>>
      tpu.wait_dma2 semaphore(%run_scoped3A : memref<!tpu.dma_semaphore, #tpu.memory_space<semaphore_mem>>) src(%dma_wait3A_303 : memref<3200xf32, #tpu.memory_space<vmem_shared>>) dst(%dma_wait3A : memref<3200xf32, #tpu.memory_space<hbm>>)
      tpu.yield
    }) : () -> ()
    %mul3A_292 = arith.constant 256000 : i32
    %mul3A_293 = arith.muli %arg0, %mul3A_292 : i32
    %add3A_294 = arith.constant 1536000 : i32
    %add3A_295 = arith.addi %add3A_294, %mul3A_293 : i32
    %add3A_296 = arith.addi %add3A_295, %multiple_of3A : i32
    %add3A_297 = arith.constant 12800 : i32
    %add3A_298 = arith.addi %add3A_296, %add3A_297 : i32
    %multiple_of3A_299 = tpu.assume_multiple %add3A_298, 8 : i32
    %add3A_300 = arith.constant 12800 : i32
    %add3A_301 = arith.addi %multiple_of3A, %add3A_300 : i32
    "tpu.region"() ({
      %run_scoped3A = tpu.sem_alloc : memref<!tpu.dma_semaphore, #tpu.memory_space<semaphore_mem>>
      %dma_start3A = tpu.memref_slice %arg6[%multiple_of3A_299] : memref<2048000xf32, #tpu.memory_space<hbm>> -> memref<3200xf32, #tpu.memory_space<hbm>>
      %dma_start3A_302 = tpu.memref_slice %arg10[%add3A_301] : memref<256000xf32, #tpu.memory_space<vmem_shared>> -> memref<3200xf32, #tpu.memory_space<vmem_shared>>
      tpu.enqueue_dma source(%dma_start3A_302 : memref<3200xf32, #tpu.memory_space<vmem_shared>>) target(%dma_start3A : memref<3200xf32, #tpu.memory_space<hbm>>) target_semaphore(%run_scoped3A : memref<!tpu.dma_semaphore, #tpu.memory_space<semaphore_mem>>)
      %dma_wait3A = tpu.memref_slice %arg6[%multiple_of3A_299] : memref<2048000xf32, #tpu.memory_space<hbm>> -> memref<3200xf32, #tpu.memory_space<hbm>>
      %dma_wait3A_303 = tpu.memref_slice %arg10[%add3A_301] : memref<256000xf32, #tpu.memory_space<vmem_shared>> -> memref<3200xf32, #tpu.memory_space<vmem_shared>>
      tpu.wait_dma2 semaphore(%run_scoped3A : memref<!tpu.dma_semaphore, #tpu.memory_space<semaphore_mem>>) src(%dma_wait3A_303 : memref<3200xf32, #tpu.memory_space<vmem_shared>>) dst(%dma_wait3A : memref<3200xf32, #tpu.memory_space<hbm>>)
      tpu.yield
    }) : () -> ()
    return
  }
}

#map = affine_map<(d0, d1) -> (0)>
#map1 = affine_map<(d0, d1) -> (0, 0)>
module attributes {stable_mosaic.version = 14 : i64} {
  func.func @_conv_kernel(%arg0: i32, %arg1: i32, %arg2: memref<819200xi32, #tpu.memory_space<hbm>>, %arg3: memref<4096000xi32, #tpu.memory_space<hbm>>, %arg4: memref<100000x128xf32, #tpu.memory_space<hbm>>, %arg5: memref<216x128xf32, #tpu.memory_space<hbm>>, %arg6: memref<102400x128xf32, #tpu.memory_space<hbm>>, %arg7: memref<320xi32, #tpu.memory_space<vmem>>, %arg8: memref<320xi32, #tpu.memory_space<vmem>>, %arg9: memref<320x128xf32, #tpu.memory_space<vmem>>, %arg10: memref<10368x128xf32, #tpu.memory_space<vmem_shared>>, %arg11: memref<!tpu.dma_semaphore, #tpu.memory_space<semaphore_mem>>) attributes {dimension_semantics = [#tpu.dimension_semantics<core_parallel>, #tpu.dimension_semantics<subcore_parallel>], iteration_bounds = array<i64: 2, 16>, scalar_prefetch = 0 : i64, scratch_operands = 5 : i64, tpu.core_type = #tpu.core_type<sc_vector_subcore>, window_params = [{transform_indices = #map}, {transform_indices = #map}, {transform_indices = #map1}, {transform_indices = #map1}, {transform_indices = #map1}]} {
    %mul3A = arith.constant 648 : i32
    %mul3A_0 = arith.muli %arg1, %mul3A : i32
    %add3A = arith.constant 0 : i32
    %add3A_1 = arith.addi %mul3A_0, %add3A : i32
    %multiple_of3A = tpu.assume_multiple %add3A_1, 8 : i32
    "tpu.region"() ({
      %run_scoped3A = tpu.sem_alloc : memref<!tpu.dma_semaphore, #tpu.memory_space<semaphore_mem>>
      %dma_start3A = arith.constant 0 : i32
      %dma_start3A_295 = tpu.memref_slice %arg10[%multiple_of3A, %dma_start3A] : memref<10368x128xf32, #tpu.memory_space<vmem_shared>> -> memref<216x128xf32, #tpu.memory_space<vmem_shared>>
      tpu.enqueue_dma source(%arg5 : memref<216x128xf32, #tpu.memory_space<hbm>>) target(%dma_start3A_295 : memref<216x128xf32, #tpu.memory_space<vmem_shared>>) target_semaphore(%run_scoped3A : memref<!tpu.dma_semaphore, #tpu.memory_space<semaphore_mem>>)
      %dma_wait3A = arith.constant 0 : i32
      %dma_wait3A_296 = tpu.memref_slice %arg10[%multiple_of3A, %dma_wait3A] : memref<10368x128xf32, #tpu.memory_space<vmem_shared>> -> memref<216x128xf32, #tpu.memory_space<vmem_shared>>
      tpu.wait_dma2 semaphore(%run_scoped3A : memref<!tpu.dma_semaphore, #tpu.memory_space<semaphore_mem>>) src(%arg5 : memref<216x128xf32, #tpu.memory_space<hbm>>) dst(%dma_wait3A_296 : memref<216x128xf32, #tpu.memory_space<vmem_shared>>)
      tpu.yield
    }) : () -> ()
    %mul3A_2 = arith.constant 648 : i32
    %mul3A_3 = arith.muli %arg1, %mul3A_2 : i32
    %add3A_4 = arith.constant 216 : i32
    %add3A_5 = arith.addi %mul3A_3, %add3A_4 : i32
    %multiple_of3A_6 = tpu.assume_multiple %add3A_5, 8 : i32
    "tpu.region"() ({
      %run_scoped3A = tpu.sem_alloc : memref<!tpu.dma_semaphore, #tpu.memory_space<semaphore_mem>>
      %dma_start3A = arith.constant 0 : i32
      %dma_start3A_295 = tpu.memref_slice %arg10[%multiple_of3A_6, %dma_start3A] : memref<10368x128xf32, #tpu.memory_space<vmem_shared>> -> memref<216x128xf32, #tpu.memory_space<vmem_shared>>
      tpu.enqueue_dma source(%arg5 : memref<216x128xf32, #tpu.memory_space<hbm>>) target(%dma_start3A_295 : memref<216x128xf32, #tpu.memory_space<vmem_shared>>) target_semaphore(%run_scoped3A : memref<!tpu.dma_semaphore, #tpu.memory_space<semaphore_mem>>)
      %dma_wait3A = arith.constant 0 : i32
      %dma_wait3A_296 = tpu.memref_slice %arg10[%multiple_of3A_6, %dma_wait3A] : memref<10368x128xf32, #tpu.memory_space<vmem_shared>> -> memref<216x128xf32, #tpu.memory_space<vmem_shared>>
      tpu.wait_dma2 semaphore(%run_scoped3A : memref<!tpu.dma_semaphore, #tpu.memory_space<semaphore_mem>>) src(%arg5 : memref<216x128xf32, #tpu.memory_space<hbm>>) dst(%dma_wait3A_296 : memref<216x128xf32, #tpu.memory_space<vmem_shared>>)
      tpu.yield
    }) : () -> ()
    %mul3A_7 = arith.constant 648 : i32
    %mul3A_8 = arith.muli %arg1, %mul3A_7 : i32
    %add3A_9 = arith.constant 432 : i32
    %add3A_10 = arith.addi %mul3A_8, %add3A_9 : i32
    %multiple_of3A_11 = tpu.assume_multiple %add3A_10, 8 : i32
    "tpu.region"() ({
      %run_scoped3A = tpu.sem_alloc : memref<!tpu.dma_semaphore, #tpu.memory_space<semaphore_mem>>
      %dma_start3A = arith.constant 0 : i32
      %dma_start3A_295 = tpu.memref_slice %arg10[%multiple_of3A_11, %dma_start3A] : memref<10368x128xf32, #tpu.memory_space<vmem_shared>> -> memref<216x128xf32, #tpu.memory_space<vmem_shared>>
      tpu.enqueue_dma source(%arg5 : memref<216x128xf32, #tpu.memory_space<hbm>>) target(%dma_start3A_295 : memref<216x128xf32, #tpu.memory_space<vmem_shared>>) target_semaphore(%run_scoped3A : memref<!tpu.dma_semaphore, #tpu.memory_space<semaphore_mem>>)
      %dma_wait3A = arith.constant 0 : i32
      %dma_wait3A_296 = tpu.memref_slice %arg10[%multiple_of3A_11, %dma_wait3A] : memref<10368x128xf32, #tpu.memory_space<vmem_shared>> -> memref<216x128xf32, #tpu.memory_space<vmem_shared>>
      tpu.wait_dma2 semaphore(%run_scoped3A : memref<!tpu.dma_semaphore, #tpu.memory_space<semaphore_mem>>) src(%arg5 : memref<216x128xf32, #tpu.memory_space<hbm>>) dst(%dma_wait3A_296 : memref<216x128xf32, #tpu.memory_space<vmem_shared>>)
      tpu.yield
    }) : () -> ()
    %barrier3A = arith.constant 0 : index
    tpu.barrier barrier_id(%barrier3A)
    %mul3A_12 = arith.constant 409600 : i32
    %mul3A_13 = arith.muli %arg0, %mul3A_12 : i32
    %mul3A_14 = arith.constant 25600 : i32
    %mul3A_15 = arith.muli %arg1, %mul3A_14 : i32
    %add3A_16 = arith.addi %mul3A_13, %mul3A_15 : i32
    %multiple_of3A_17 = tpu.assume_multiple %add3A_16, 8 : i32
    %mul3A_18 = arith.constant 409600 : i32
    %mul3A_19 = arith.muli %arg0, %mul3A_18 : i32
    %add3A_20 = arith.constant 0 : i32
    %add3A_21 = arith.addi %add3A_20, %mul3A_19 : i32
    %mul3A_22 = arith.constant 25600 : i32
    %mul3A_23 = arith.muli %arg1, %mul3A_22 : i32
    %add3A_24 = arith.addi %add3A_21, %mul3A_23 : i32
    %multiple_of3A_25 = tpu.assume_multiple %add3A_24, 8 : i32
    %scan3A = arith.constant 0 : i32
    %scan3A_26 = arith.constant 0 : i32
    %scan3A_27 = arith.constant 80 : i32
    %scan3A_28 = arith.addi %scan3A_26, %scan3A_27 : i32
    %scan3A_29 = arith.constant 1 : i32
    scf.for %scan3A_295 = %scan3A_26 to %scan3A_28 step %scan3A_29  : i32 {
      %mul3A_296 = arith.constant 320 : i32
      %mul3A_297 = arith.muli %scan3A_295, %mul3A_296 : i32
      %add3A_298 = arith.addi %multiple_of3A_17, %mul3A_297 : i32
      %multiple_of3A_299 = tpu.assume_multiple %add3A_298, 8 : i32
      %mul3A_300 = arith.constant 320 : i32
      %mul3A_301 = arith.muli %scan3A_295, %mul3A_300 : i32
      %add3A_302 = arith.addi %multiple_of3A_25, %mul3A_301 : i32
      %multiple_of3A_303 = tpu.assume_multiple %add3A_302, 8 : i32
      "tpu.region"() ({
        %run_scoped3A = tpu.sem_alloc : memref<!tpu.dma_semaphore, #tpu.memory_space<semaphore_mem>>
        %dma_start3A_308 = tpu.memref_slice %arg2[%multiple_of3A_299] : memref<819200xi32, #tpu.memory_space<hbm>> -> memref<320xi32, #tpu.memory_space<hbm>>
        %dma_start3A_309 = tpu.memref_slice %arg2[%multiple_of3A_299] : memref<819200xi32, #tpu.memory_space<hbm>> -> memref<320xi32, #tpu.memory_space<hbm>>
        tpu.enqueue_dma source(%dma_start3A_309 : memref<320xi32, #tpu.memory_space<hbm>>) target(%arg7 : memref<320xi32, #tpu.memory_space<vmem>>) target_semaphore(%run_scoped3A : memref<!tpu.dma_semaphore, #tpu.memory_space<semaphore_mem>>)
        %dma_wait3A_310 = tpu.memref_slice %arg2[%multiple_of3A_299] : memref<819200xi32, #tpu.memory_space<hbm>> -> memref<320xi32, #tpu.memory_space<hbm>>
        %dma_wait3A_311 = tpu.memref_slice %arg2[%multiple_of3A_299] : memref<819200xi32, #tpu.memory_space<hbm>> -> memref<320xi32, #tpu.memory_space<hbm>>
        tpu.wait_dma2 semaphore(%run_scoped3A : memref<!tpu.dma_semaphore, #tpu.memory_space<semaphore_mem>>) src(%dma_wait3A_311 : memref<320xi32, #tpu.memory_space<hbm>>) dst(%arg7 : memref<320xi32, #tpu.memory_space<vmem>>)
        tpu.yield
      }) : () -> ()
      "tpu.region"() ({
        %run_scoped3A = tpu.sem_alloc : memref<!tpu.dma_semaphore, #tpu.memory_space<semaphore_mem>>
        %dma_start3A_308 = tpu.memref_slice %arg3[%multiple_of3A_303] : memref<4096000xi32, #tpu.memory_space<hbm>> -> memref<320xi32, #tpu.memory_space<hbm>>
        %dma_start3A_309 = tpu.memref_slice %arg3[%multiple_of3A_303] : memref<4096000xi32, #tpu.memory_space<hbm>> -> memref<320xi32, #tpu.memory_space<hbm>>
        tpu.enqueue_dma source(%dma_start3A_309 : memref<320xi32, #tpu.memory_space<hbm>>) target(%arg8 : memref<320xi32, #tpu.memory_space<vmem>>) target_semaphore(%run_scoped3A : memref<!tpu.dma_semaphore, #tpu.memory_space<semaphore_mem>>)
        %dma_wait3A_310 = tpu.memref_slice %arg3[%multiple_of3A_303] : memref<4096000xi32, #tpu.memory_space<hbm>> -> memref<320xi32, #tpu.memory_space<hbm>>
        %dma_wait3A_311 = tpu.memref_slice %arg3[%multiple_of3A_303] : memref<4096000xi32, #tpu.memory_space<hbm>> -> memref<320xi32, #tpu.memory_space<hbm>>
        tpu.wait_dma2 semaphore(%run_scoped3A : memref<!tpu.dma_semaphore, #tpu.memory_space<semaphore_mem>>) src(%dma_wait3A_311 : memref<320xi32, #tpu.memory_space<hbm>>) dst(%arg8 : memref<320xi32, #tpu.memory_space<vmem>>)
        tpu.yield
      }) : () -> ()
      %dma_start3A = arith.constant 0 : i32
      %dma_start3A_304 = arith.constant 0 : i32
      %dma_start3A_305 = tpu.memref_slice %arg4[%dma_start3A, %dma_start3A_304] : memref<100000x128xf32, #tpu.memory_space<hbm>> -> memref<100000x128xf32, #tpu.memory_space<hbm>>
      tpu.enqueue_indirect_dma source(%dma_start3A_305 : memref<100000x128xf32, #tpu.memory_space<hbm>>) target(%arg9 : memref<320x128xf32, #tpu.memory_space<vmem>>) offsets(%arg7 : memref<320xi32, #tpu.memory_space<vmem>>) semaphore(%arg11 : memref<!tpu.dma_semaphore, #tpu.memory_space<semaphore_mem>>)
      %dma_wait3A = arith.constant 0 : i32
      %dma_wait3A_306 = arith.constant 0 : i32
      %dma_wait3A_307 = tpu.memref_slice %arg4[%dma_wait3A, %dma_wait3A_306] : memref<100000x128xf32, #tpu.memory_space<hbm>> -> memref<100000x128xf32, #tpu.memory_space<hbm>>
      tpu.wait_indirect_dma semaphore(%arg11 : memref<!tpu.dma_semaphore, #tpu.memory_space<semaphore_mem>>) src(%dma_wait3A_307 : memref<100000x128xf32, #tpu.memory_space<hbm>>) dst(%arg9 : memref<320x128xf32, #tpu.memory_space<vmem>>)
      "tpu.region"() ({
        %run_scoped3A = tpu.sem_alloc : memref<!tpu.dma_semaphore, #tpu.memory_space<semaphore_mem>>
        %dma_start3A_308 = arith.constant 0 : i32
        %dma_start3A_309 = arith.constant 0 : i32
        %dma_start3A_310 = tpu.memref_slice %arg10[%dma_start3A_308, %dma_start3A_309] : memref<10368x128xf32, #tpu.memory_space<vmem_shared>> -> memref<10368x128xf32, #tpu.memory_space<vmem_shared>>
        tpu.enqueue_indirect_dma source(%arg9 : memref<320x128xf32, #tpu.memory_space<vmem>>) target(%dma_start3A_310 : memref<10368x128xf32, #tpu.memory_space<vmem_shared>>) offsets(%arg8 : memref<320xi32, #tpu.memory_space<vmem>>) semaphore(%run_scoped3A : memref<!tpu.dma_semaphore, #tpu.memory_space<semaphore_mem>>) {add = true}
        %dma_wait3A_311 = arith.constant 0 : i32
        %dma_wait3A_312 = arith.constant 0 : i32
        %dma_wait3A_313 = tpu.memref_slice %arg10[%dma_wait3A_311, %dma_wait3A_312] : memref<10368x128xf32, #tpu.memory_space<vmem_shared>> -> memref<10368x128xf32, #tpu.memory_space<vmem_shared>>
        tpu.wait_indirect_dma semaphore(%run_scoped3A : memref<!tpu.dma_semaphore, #tpu.memory_space<semaphore_mem>>) src(%arg9 : memref<320x128xf32, #tpu.memory_space<vmem>>) dst(%dma_wait3A_313 : memref<10368x128xf32, #tpu.memory_space<vmem_shared>>)
        tpu.yield
      }) : () -> ()
    }
    %scan3A_30 = arith.constant 80 : i32
    %barrier3A_31 = arith.constant 0 : index
    tpu.barrier barrier_id(%barrier3A_31)
    %mul3A_32 = arith.constant 51200 : i32
    %mul3A_33 = arith.muli %arg0, %mul3A_32 : i32
    %add3A_34 = arith.constant 0 : i32
    %add3A_35 = arith.addi %mul3A_33, %add3A_34 : i32
    %mul3A_36 = arith.constant 640 : i32
    %mul3A_37 = arith.muli %arg1, %mul3A_36 : i32
    %add3A_38 = arith.addi %add3A_35, %mul3A_37 : i32
    %mul3A_39 = arith.constant 640 : i32
    %mul3A_40 = arith.muli %arg1, %mul3A_39 : i32
    %add3A_41 = arith.constant 0 : i32
    %add3A_42 = arith.addi %mul3A_40, %add3A_41 : i32
    %multiple_of3A_43 = tpu.assume_multiple %add3A_42, 8 : i32
    %add3A_44 = arith.constant 0 : i32
    %add3A_45 = arith.addi %add3A_38, %add3A_44 : i32
    %multiple_of3A_46 = tpu.assume_multiple %add3A_45, 8 : i32
    "tpu.region"() ({
      %run_scoped3A = tpu.sem_alloc : memref<!tpu.dma_semaphore, #tpu.memory_space<semaphore_mem>>
      %dma_start3A = arith.constant 0 : i32
      %dma_start3A_295 = tpu.memref_slice %arg6[%multiple_of3A_46, %dma_start3A] : memref<102400x128xf32, #tpu.memory_space<hbm>> -> memref<320x128xf32, #tpu.memory_space<hbm>>
      %dma_start3A_296 = arith.constant 0 : i32
      %dma_start3A_297 = tpu.memref_slice %arg10[%multiple_of3A_43, %dma_start3A_296] : memref<10368x128xf32, #tpu.memory_space<vmem_shared>> -> memref<320x128xf32, #tpu.memory_space<vmem_shared>>
      tpu.enqueue_dma source(%dma_start3A_297 : memref<320x128xf32, #tpu.memory_space<vmem_shared>>) target(%dma_start3A_295 : memref<320x128xf32, #tpu.memory_space<hbm>>) target_semaphore(%run_scoped3A : memref<!tpu.dma_semaphore, #tpu.memory_space<semaphore_mem>>)
      %dma_wait3A = arith.constant 0 : i32
      %dma_wait3A_298 = tpu.memref_slice %arg6[%multiple_of3A_46, %dma_wait3A] : memref<102400x128xf32, #tpu.memory_space<hbm>> -> memref<320x128xf32, #tpu.memory_space<hbm>>
      %dma_wait3A_299 = arith.constant 0 : i32
      %dma_wait3A_300 = tpu.memref_slice %arg10[%multiple_of3A_43, %dma_wait3A_299] : memref<10368x128xf32, #tpu.memory_space<vmem_shared>> -> memref<320x128xf32, #tpu.memory_space<vmem_shared>>
      tpu.wait_dma2 semaphore(%run_scoped3A : memref<!tpu.dma_semaphore, #tpu.memory_space<semaphore_mem>>) src(%dma_wait3A_300 : memref<320x128xf32, #tpu.memory_space<vmem_shared>>) dst(%dma_wait3A_298 : memref<320x128xf32, #tpu.memory_space<hbm>>)
      tpu.yield
    }) : () -> ()
    %mul3A_47 = arith.constant 640 : i32
    %mul3A_48 = arith.muli %arg1, %mul3A_47 : i32
    %add3A_49 = arith.constant 320 : i32
    %add3A_50 = arith.addi %mul3A_48, %add3A_49 : i32
    %multiple_of3A_51 = tpu.assume_multiple %add3A_50, 8 : i32
    %add3A_52 = arith.constant 320 : i32
    %add3A_53 = arith.addi %add3A_38, %add3A_52 : i32
    %multiple_of3A_54 = tpu.assume_multiple %add3A_53, 8 : i32
    "tpu.region"() ({
      %run_scoped3A = tpu.sem_alloc : memref<!tpu.dma_semaphore, #tpu.memory_space<semaphore_mem>>
      %dma_start3A = arith.constant 0 : i32
      %dma_start3A_295 = tpu.memref_slice %arg6[%multiple_of3A_54, %dma_start3A] : memref<102400x128xf32, #tpu.memory_space<hbm>> -> memref<320x128xf32, #tpu.memory_space<hbm>>
      %dma_start3A_296 = arith.constant 0 : i32
      %dma_start3A_297 = tpu.memref_slice %arg10[%multiple_of3A_51, %dma_start3A_296] : memref<10368x128xf32, #tpu.memory_space<vmem_shared>> -> memref<320x128xf32, #tpu.memory_space<vmem_shared>>
      tpu.enqueue_dma source(%dma_start3A_297 : memref<320x128xf32, #tpu.memory_space<vmem_shared>>) target(%dma_start3A_295 : memref<320x128xf32, #tpu.memory_space<hbm>>) target_semaphore(%run_scoped3A : memref<!tpu.dma_semaphore, #tpu.memory_space<semaphore_mem>>)
      %dma_wait3A = arith.constant 0 : i32
      %dma_wait3A_298 = tpu.memref_slice %arg6[%multiple_of3A_54, %dma_wait3A] : memref<102400x128xf32, #tpu.memory_space<hbm>> -> memref<320x128xf32, #tpu.memory_space<hbm>>
      %dma_wait3A_299 = arith.constant 0 : i32
      %dma_wait3A_300 = tpu.memref_slice %arg10[%multiple_of3A_51, %dma_wait3A_299] : memref<10368x128xf32, #tpu.memory_space<vmem_shared>> -> memref<320x128xf32, #tpu.memory_space<vmem_shared>>
      tpu.wait_dma2 semaphore(%run_scoped3A : memref<!tpu.dma_semaphore, #tpu.memory_space<semaphore_mem>>) src(%dma_wait3A_300 : memref<320x128xf32, #tpu.memory_space<vmem_shared>>) dst(%dma_wait3A_298 : memref<320x128xf32, #tpu.memory_space<hbm>>)
      tpu.yield
    }) : () -> ()
    %mul3A_55 = arith.constant 648 : i32
    %mul3A_56 = arith.muli %arg1, %mul3A_55 : i32
    %add3A_57 = arith.constant 0 : i32
    %add3A_58 = arith.addi %mul3A_56, %add3A_57 : i32
    %multiple_of3A_59 = tpu.assume_multiple %add3A_58, 8 : i32
    "tpu.region"() ({
      %run_scoped3A = tpu.sem_alloc : memref<!tpu.dma_semaphore, #tpu.memory_space<semaphore_mem>>
      %dma_start3A = arith.constant 0 : i32
      %dma_start3A_295 = tpu.memref_slice %arg10[%multiple_of3A_59, %dma_start3A] : memref<10368x128xf32, #tpu.memory_space<vmem_shared>> -> memref<216x128xf32, #tpu.memory_space<vmem_shared>>
      tpu.enqueue_dma source(%arg5 : memref<216x128xf32, #tpu.memory_space<hbm>>) target(%dma_start3A_295 : memref<216x128xf32, #tpu.memory_space<vmem_shared>>) target_semaphore(%run_scoped3A : memref<!tpu.dma_semaphore, #tpu.memory_space<semaphore_mem>>)
      %dma_wait3A = arith.constant 0 : i32
      %dma_wait3A_296 = tpu.memref_slice %arg10[%multiple_of3A_59, %dma_wait3A] : memref<10368x128xf32, #tpu.memory_space<vmem_shared>> -> memref<216x128xf32, #tpu.memory_space<vmem_shared>>
      tpu.wait_dma2 semaphore(%run_scoped3A : memref<!tpu.dma_semaphore, #tpu.memory_space<semaphore_mem>>) src(%arg5 : memref<216x128xf32, #tpu.memory_space<hbm>>) dst(%dma_wait3A_296 : memref<216x128xf32, #tpu.memory_space<vmem_shared>>)
      tpu.yield
    }) : () -> ()
    %mul3A_60 = arith.constant 648 : i32
    %mul3A_61 = arith.muli %arg1, %mul3A_60 : i32
    %add3A_62 = arith.constant 216 : i32
    %add3A_63 = arith.addi %mul3A_61, %add3A_62 : i32
    %multiple_of3A_64 = tpu.assume_multiple %add3A_63, 8 : i32
    "tpu.region"() ({
      %run_scoped3A = tpu.sem_alloc : memref<!tpu.dma_semaphore, #tpu.memory_space<semaphore_mem>>
      %dma_start3A = arith.constant 0 : i32
      %dma_start3A_295 = tpu.memref_slice %arg10[%multiple_of3A_64, %dma_start3A] : memref<10368x128xf32, #tpu.memory_space<vmem_shared>> -> memref<216x128xf32, #tpu.memory_space<vmem_shared>>
      tpu.enqueue_dma source(%arg5 : memref<216x128xf32, #tpu.memory_space<hbm>>) target(%dma_start3A_295 : memref<216x128xf32, #tpu.memory_space<vmem_shared>>) target_semaphore(%run_scoped3A : memref<!tpu.dma_semaphore, #tpu.memory_space<semaphore_mem>>)
      %dma_wait3A = arith.constant 0 : i32
      %dma_wait3A_296 = tpu.memref_slice %arg10[%multiple_of3A_64, %dma_wait3A] : memref<10368x128xf32, #tpu.memory_space<vmem_shared>> -> memref<216x128xf32, #tpu.memory_space<vmem_shared>>
      tpu.wait_dma2 semaphore(%run_scoped3A : memref<!tpu.dma_semaphore, #tpu.memory_space<semaphore_mem>>) src(%arg5 : memref<216x128xf32, #tpu.memory_space<hbm>>) dst(%dma_wait3A_296 : memref<216x128xf32, #tpu.memory_space<vmem_shared>>)
      tpu.yield
    }) : () -> ()
    %mul3A_65 = arith.constant 648 : i32
    %mul3A_66 = arith.muli %arg1, %mul3A_65 : i32
    %add3A_67 = arith.constant 432 : i32
    %add3A_68 = arith.addi %mul3A_66, %add3A_67 : i32
    %multiple_of3A_69 = tpu.assume_multiple %add3A_68, 8 : i32
    "tpu.region"() ({
      %run_scoped3A = tpu.sem_alloc : memref<!tpu.dma_semaphore, #tpu.memory_space<semaphore_mem>>
      %dma_start3A = arith.constant 0 : i32
      %dma_start3A_295 = tpu.memref_slice %arg10[%multiple_of3A_69, %dma_start3A] : memref<10368x128xf32, #tpu.memory_space<vmem_shared>> -> memref<216x128xf32, #tpu.memory_space<vmem_shared>>
      tpu.enqueue_dma source(%arg5 : memref<216x128xf32, #tpu.memory_space<hbm>>) target(%dma_start3A_295 : memref<216x128xf32, #tpu.memory_space<vmem_shared>>) target_semaphore(%run_scoped3A : memref<!tpu.dma_semaphore, #tpu.memory_space<semaphore_mem>>)
      %dma_wait3A = arith.constant 0 : i32
      %dma_wait3A_296 = tpu.memref_slice %arg10[%multiple_of3A_69, %dma_wait3A] : memref<10368x128xf32, #tpu.memory_space<vmem_shared>> -> memref<216x128xf32, #tpu.memory_space<vmem_shared>>
      tpu.wait_dma2 semaphore(%run_scoped3A : memref<!tpu.dma_semaphore, #tpu.memory_space<semaphore_mem>>) src(%arg5 : memref<216x128xf32, #tpu.memory_space<hbm>>) dst(%dma_wait3A_296 : memref<216x128xf32, #tpu.memory_space<vmem_shared>>)
      tpu.yield
    }) : () -> ()
    %barrier3A_70 = arith.constant 0 : index
    tpu.barrier barrier_id(%barrier3A_70)
    %mul3A_71 = arith.constant 409600 : i32
    %mul3A_72 = arith.muli %arg0, %mul3A_71 : i32
    %mul3A_73 = arith.constant 25600 : i32
    %mul3A_74 = arith.muli %arg1, %mul3A_73 : i32
    %add3A_75 = arith.addi %mul3A_72, %mul3A_74 : i32
    %multiple_of3A_76 = tpu.assume_multiple %add3A_75, 8 : i32
    %mul3A_77 = arith.constant 409600 : i32
    %mul3A_78 = arith.muli %arg0, %mul3A_77 : i32
    %add3A_79 = arith.constant 819200 : i32
    %add3A_80 = arith.addi %add3A_79, %mul3A_78 : i32
    %mul3A_81 = arith.constant 25600 : i32
    %mul3A_82 = arith.muli %arg1, %mul3A_81 : i32
    %add3A_83 = arith.addi %add3A_80, %mul3A_82 : i32
    %multiple_of3A_84 = tpu.assume_multiple %add3A_83, 8 : i32
    %scan3A_85 = arith.constant 0 : i32
    %scan3A_86 = arith.constant 0 : i32
    %scan3A_87 = arith.constant 80 : i32
    %scan3A_88 = arith.addi %scan3A_86, %scan3A_87 : i32
    %scan3A_89 = arith.constant 1 : i32
    scf.for %scan3A_295 = %scan3A_86 to %scan3A_88 step %scan3A_89  : i32 {
      %mul3A_296 = arith.constant 320 : i32
      %mul3A_297 = arith.muli %scan3A_295, %mul3A_296 : i32
      %add3A_298 = arith.addi %multiple_of3A_76, %mul3A_297 : i32
      %multiple_of3A_299 = tpu.assume_multiple %add3A_298, 8 : i32
      %mul3A_300 = arith.constant 320 : i32
      %mul3A_301 = arith.muli %scan3A_295, %mul3A_300 : i32
      %add3A_302 = arith.addi %multiple_of3A_84, %mul3A_301 : i32
      %multiple_of3A_303 = tpu.assume_multiple %add3A_302, 8 : i32
      "tpu.region"() ({
        %run_scoped3A = tpu.sem_alloc : memref<!tpu.dma_semaphore, #tpu.memory_space<semaphore_mem>>
        %dma_start3A_308 = tpu.memref_slice %arg2[%multiple_of3A_299] : memref<819200xi32, #tpu.memory_space<hbm>> -> memref<320xi32, #tpu.memory_space<hbm>>
        %dma_start3A_309 = tpu.memref_slice %arg2[%multiple_of3A_299] : memref<819200xi32, #tpu.memory_space<hbm>> -> memref<320xi32, #tpu.memory_space<hbm>>
        tpu.enqueue_dma source(%dma_start3A_309 : memref<320xi32, #tpu.memory_space<hbm>>) target(%arg7 : memref<320xi32, #tpu.memory_space<vmem>>) target_semaphore(%run_scoped3A : memref<!tpu.dma_semaphore, #tpu.memory_space<semaphore_mem>>)
        %dma_wait3A_310 = tpu.memref_slice %arg2[%multiple_of3A_299] : memref<819200xi32, #tpu.memory_space<hbm>> -> memref<320xi32, #tpu.memory_space<hbm>>
        %dma_wait3A_311 = tpu.memref_slice %arg2[%multiple_of3A_299] : memref<819200xi32, #tpu.memory_space<hbm>> -> memref<320xi32, #tpu.memory_space<hbm>>
        tpu.wait_dma2 semaphore(%run_scoped3A : memref<!tpu.dma_semaphore, #tpu.memory_space<semaphore_mem>>) src(%dma_wait3A_311 : memref<320xi32, #tpu.memory_space<hbm>>) dst(%arg7 : memref<320xi32, #tpu.memory_space<vmem>>)
        tpu.yield
      }) : () -> ()
      "tpu.region"() ({
        %run_scoped3A = tpu.sem_alloc : memref<!tpu.dma_semaphore, #tpu.memory_space<semaphore_mem>>
        %dma_start3A_308 = tpu.memref_slice %arg3[%multiple_of3A_303] : memref<4096000xi32, #tpu.memory_space<hbm>> -> memref<320xi32, #tpu.memory_space<hbm>>
        %dma_start3A_309 = tpu.memref_slice %arg3[%multiple_of3A_303] : memref<4096000xi32, #tpu.memory_space<hbm>> -> memref<320xi32, #tpu.memory_space<hbm>>
        tpu.enqueue_dma source(%dma_start3A_309 : memref<320xi32, #tpu.memory_space<hbm>>) target(%arg8 : memref<320xi32, #tpu.memory_space<vmem>>) target_semaphore(%run_scoped3A : memref<!tpu.dma_semaphore, #tpu.memory_space<semaphore_mem>>)
        %dma_wait3A_310 = tpu.memref_slice %arg3[%multiple_of3A_303] : memref<4096000xi32, #tpu.memory_space<hbm>> -> memref<320xi32, #tpu.memory_space<hbm>>
        %dma_wait3A_311 = tpu.memref_slice %arg3[%multiple_of3A_303] : memref<4096000xi32, #tpu.memory_space<hbm>> -> memref<320xi32, #tpu.memory_space<hbm>>
        tpu.wait_dma2 semaphore(%run_scoped3A : memref<!tpu.dma_semaphore, #tpu.memory_space<semaphore_mem>>) src(%dma_wait3A_311 : memref<320xi32, #tpu.memory_space<hbm>>) dst(%arg8 : memref<320xi32, #tpu.memory_space<vmem>>)
        tpu.yield
      }) : () -> ()
      %dma_start3A = arith.constant 0 : i32
      %dma_start3A_304 = arith.constant 0 : i32
      %dma_start3A_305 = tpu.memref_slice %arg4[%dma_start3A, %dma_start3A_304] : memref<100000x128xf32, #tpu.memory_space<hbm>> -> memref<100000x128xf32, #tpu.memory_space<hbm>>
      tpu.enqueue_indirect_dma source(%dma_start3A_305 : memref<100000x128xf32, #tpu.memory_space<hbm>>) target(%arg9 : memref<320x128xf32, #tpu.memory_space<vmem>>) offsets(%arg7 : memref<320xi32, #tpu.memory_space<vmem>>) semaphore(%arg11 : memref<!tpu.dma_semaphore, #tpu.memory_space<semaphore_mem>>)
      %dma_wait3A = arith.constant 0 : i32
      %dma_wait3A_306 = arith.constant 0 : i32
      %dma_wait3A_307 = tpu.memref_slice %arg4[%dma_wait3A, %dma_wait3A_306] : memref<100000x128xf32, #tpu.memory_space<hbm>> -> memref<100000x128xf32, #tpu.memory_space<hbm>>
      tpu.wait_indirect_dma semaphore(%arg11 : memref<!tpu.dma_semaphore, #tpu.memory_space<semaphore_mem>>) src(%dma_wait3A_307 : memref<100000x128xf32, #tpu.memory_space<hbm>>) dst(%arg9 : memref<320x128xf32, #tpu.memory_space<vmem>>)
      "tpu.region"() ({
        %run_scoped3A = tpu.sem_alloc : memref<!tpu.dma_semaphore, #tpu.memory_space<semaphore_mem>>
        %dma_start3A_308 = arith.constant 0 : i32
        %dma_start3A_309 = arith.constant 0 : i32
        %dma_start3A_310 = tpu.memref_slice %arg10[%dma_start3A_308, %dma_start3A_309] : memref<10368x128xf32, #tpu.memory_space<vmem_shared>> -> memref<10368x128xf32, #tpu.memory_space<vmem_shared>>
        tpu.enqueue_indirect_dma source(%arg9 : memref<320x128xf32, #tpu.memory_space<vmem>>) target(%dma_start3A_310 : memref<10368x128xf32, #tpu.memory_space<vmem_shared>>) offsets(%arg8 : memref<320xi32, #tpu.memory_space<vmem>>) semaphore(%run_scoped3A : memref<!tpu.dma_semaphore, #tpu.memory_space<semaphore_mem>>) {add = true}
        %dma_wait3A_311 = arith.constant 0 : i32
        %dma_wait3A_312 = arith.constant 0 : i32
        %dma_wait3A_313 = tpu.memref_slice %arg10[%dma_wait3A_311, %dma_wait3A_312] : memref<10368x128xf32, #tpu.memory_space<vmem_shared>> -> memref<10368x128xf32, #tpu.memory_space<vmem_shared>>
        tpu.wait_indirect_dma semaphore(%run_scoped3A : memref<!tpu.dma_semaphore, #tpu.memory_space<semaphore_mem>>) src(%arg9 : memref<320x128xf32, #tpu.memory_space<vmem>>) dst(%dma_wait3A_313 : memref<10368x128xf32, #tpu.memory_space<vmem_shared>>)
        tpu.yield
      }) : () -> ()
    }
    %scan3A_90 = arith.constant 80 : i32
    %barrier3A_91 = arith.constant 0 : index
    tpu.barrier barrier_id(%barrier3A_91)
    %mul3A_92 = arith.constant 51200 : i32
    %mul3A_93 = arith.muli %arg0, %mul3A_92 : i32
    %add3A_94 = arith.constant 10240 : i32
    %add3A_95 = arith.addi %mul3A_93, %add3A_94 : i32
    %mul3A_96 = arith.constant 640 : i32
    %mul3A_97 = arith.muli %arg1, %mul3A_96 : i32
    %add3A_98 = arith.addi %add3A_95, %mul3A_97 : i32
    %mul3A_99 = arith.constant 640 : i32
    %mul3A_100 = arith.muli %arg1, %mul3A_99 : i32
    %add3A_101 = arith.constant 0 : i32
    %add3A_102 = arith.addi %mul3A_100, %add3A_101 : i32
    %multiple_of3A_103 = tpu.assume_multiple %add3A_102, 8 : i32
    %add3A_104 = arith.constant 0 : i32
    %add3A_105 = arith.addi %add3A_98, %add3A_104 : i32
    %multiple_of3A_106 = tpu.assume_multiple %add3A_105, 8 : i32
    "tpu.region"() ({
      %run_scoped3A = tpu.sem_alloc : memref<!tpu.dma_semaphore, #tpu.memory_space<semaphore_mem>>
      %dma_start3A = arith.constant 0 : i32
      %dma_start3A_295 = tpu.memref_slice %arg6[%multiple_of3A_106, %dma_start3A] : memref<102400x128xf32, #tpu.memory_space<hbm>> -> memref<320x128xf32, #tpu.memory_space<hbm>>
      %dma_start3A_296 = arith.constant 0 : i32
      %dma_start3A_297 = tpu.memref_slice %arg10[%multiple_of3A_103, %dma_start3A_296] : memref<10368x128xf32, #tpu.memory_space<vmem_shared>> -> memref<320x128xf32, #tpu.memory_space<vmem_shared>>
      tpu.enqueue_dma source(%dma_start3A_297 : memref<320x128xf32, #tpu.memory_space<vmem_shared>>) target(%dma_start3A_295 : memref<320x128xf32, #tpu.memory_space<hbm>>) target_semaphore(%run_scoped3A : memref<!tpu.dma_semaphore, #tpu.memory_space<semaphore_mem>>)
      %dma_wait3A = arith.constant 0 : i32
      %dma_wait3A_298 = tpu.memref_slice %arg6[%multiple_of3A_106, %dma_wait3A] : memref<102400x128xf32, #tpu.memory_space<hbm>> -> memref<320x128xf32, #tpu.memory_space<hbm>>
      %dma_wait3A_299 = arith.constant 0 : i32
      %dma_wait3A_300 = tpu.memref_slice %arg10[%multiple_of3A_103, %dma_wait3A_299] : memref<10368x128xf32, #tpu.memory_space<vmem_shared>> -> memref<320x128xf32, #tpu.memory_space<vmem_shared>>
      tpu.wait_dma2 semaphore(%run_scoped3A : memref<!tpu.dma_semaphore, #tpu.memory_space<semaphore_mem>>) src(%dma_wait3A_300 : memref<320x128xf32, #tpu.memory_space<vmem_shared>>) dst(%dma_wait3A_298 : memref<320x128xf32, #tpu.memory_space<hbm>>)
      tpu.yield
    }) : () -> ()
    %mul3A_107 = arith.constant 640 : i32
    %mul3A_108 = arith.muli %arg1, %mul3A_107 : i32
    %add3A_109 = arith.constant 320 : i32
    %add3A_110 = arith.addi %mul3A_108, %add3A_109 : i32
    %multiple_of3A_111 = tpu.assume_multiple %add3A_110, 8 : i32
    %add3A_112 = arith.constant 320 : i32
    %add3A_113 = arith.addi %add3A_98, %add3A_112 : i32
    %multiple_of3A_114 = tpu.assume_multiple %add3A_113, 8 : i32
    "tpu.region"() ({
      %run_scoped3A = tpu.sem_alloc : memref<!tpu.dma_semaphore, #tpu.memory_space<semaphore_mem>>
      %dma_start3A = arith.constant 0 : i32
      %dma_start3A_295 = tpu.memref_slice %arg6[%multiple_of3A_114, %dma_start3A] : memref<102400x128xf32, #tpu.memory_space<hbm>> -> memref<320x128xf32, #tpu.memory_space<hbm>>
      %dma_start3A_296 = arith.constant 0 : i32
      %dma_start3A_297 = tpu.memref_slice %arg10[%multiple_of3A_111, %dma_start3A_296] : memref<10368x128xf32, #tpu.memory_space<vmem_shared>> -> memref<320x128xf32, #tpu.memory_space<vmem_shared>>
      tpu.enqueue_dma source(%dma_start3A_297 : memref<320x128xf32, #tpu.memory_space<vmem_shared>>) target(%dma_start3A_295 : memref<320x128xf32, #tpu.memory_space<hbm>>) target_semaphore(%run_scoped3A : memref<!tpu.dma_semaphore, #tpu.memory_space<semaphore_mem>>)
      %dma_wait3A = arith.constant 0 : i32
      %dma_wait3A_298 = tpu.memref_slice %arg6[%multiple_of3A_114, %dma_wait3A] : memref<102400x128xf32, #tpu.memory_space<hbm>> -> memref<320x128xf32, #tpu.memory_space<hbm>>
      %dma_wait3A_299 = arith.constant 0 : i32
      %dma_wait3A_300 = tpu.memref_slice %arg10[%multiple_of3A_111, %dma_wait3A_299] : memref<10368x128xf32, #tpu.memory_space<vmem_shared>> -> memref<320x128xf32, #tpu.memory_space<vmem_shared>>
      tpu.wait_dma2 semaphore(%run_scoped3A : memref<!tpu.dma_semaphore, #tpu.memory_space<semaphore_mem>>) src(%dma_wait3A_300 : memref<320x128xf32, #tpu.memory_space<vmem_shared>>) dst(%dma_wait3A_298 : memref<320x128xf32, #tpu.memory_space<hbm>>)
      tpu.yield
    }) : () -> ()
    %mul3A_115 = arith.constant 648 : i32
    %mul3A_116 = arith.muli %arg1, %mul3A_115 : i32
    %add3A_117 = arith.constant 0 : i32
    %add3A_118 = arith.addi %mul3A_116, %add3A_117 : i32
    %multiple_of3A_119 = tpu.assume_multiple %add3A_118, 8 : i32
    "tpu.region"() ({
      %run_scoped3A = tpu.sem_alloc : memref<!tpu.dma_semaphore, #tpu.memory_space<semaphore_mem>>
      %dma_start3A = arith.constant 0 : i32
      %dma_start3A_295 = tpu.memref_slice %arg10[%multiple_of3A_119, %dma_start3A] : memref<10368x128xf32, #tpu.memory_space<vmem_shared>> -> memref<216x128xf32, #tpu.memory_space<vmem_shared>>
      tpu.enqueue_dma source(%arg5 : memref<216x128xf32, #tpu.memory_space<hbm>>) target(%dma_start3A_295 : memref<216x128xf32, #tpu.memory_space<vmem_shared>>) target_semaphore(%run_scoped3A : memref<!tpu.dma_semaphore, #tpu.memory_space<semaphore_mem>>)
      %dma_wait3A = arith.constant 0 : i32
      %dma_wait3A_296 = tpu.memref_slice %arg10[%multiple_of3A_119, %dma_wait3A] : memref<10368x128xf32, #tpu.memory_space<vmem_shared>> -> memref<216x128xf32, #tpu.memory_space<vmem_shared>>
      tpu.wait_dma2 semaphore(%run_scoped3A : memref<!tpu.dma_semaphore, #tpu.memory_space<semaphore_mem>>) src(%arg5 : memref<216x128xf32, #tpu.memory_space<hbm>>) dst(%dma_wait3A_296 : memref<216x128xf32, #tpu.memory_space<vmem_shared>>)
      tpu.yield
    }) : () -> ()
    %mul3A_120 = arith.constant 648 : i32
    %mul3A_121 = arith.muli %arg1, %mul3A_120 : i32
    %add3A_122 = arith.constant 216 : i32
    %add3A_123 = arith.addi %mul3A_121, %add3A_122 : i32
    %multiple_of3A_124 = tpu.assume_multiple %add3A_123, 8 : i32
    "tpu.region"() ({
      %run_scoped3A = tpu.sem_alloc : memref<!tpu.dma_semaphore, #tpu.memory_space<semaphore_mem>>
      %dma_start3A = arith.constant 0 : i32
      %dma_start3A_295 = tpu.memref_slice %arg10[%multiple_of3A_124, %dma_start3A] : memref<10368x128xf32, #tpu.memory_space<vmem_shared>> -> memref<216x128xf32, #tpu.memory_space<vmem_shared>>
      tpu.enqueue_dma source(%arg5 : memref<216x128xf32, #tpu.memory_space<hbm>>) target(%dma_start3A_295 : memref<216x128xf32, #tpu.memory_space<vmem_shared>>) target_semaphore(%run_scoped3A : memref<!tpu.dma_semaphore, #tpu.memory_space<semaphore_mem>>)
      %dma_wait3A = arith.constant 0 : i32
      %dma_wait3A_296 = tpu.memref_slice %arg10[%multiple_of3A_124, %dma_wait3A] : memref<10368x128xf32, #tpu.memory_space<vmem_shared>> -> memref<216x128xf32, #tpu.memory_space<vmem_shared>>
      tpu.wait_dma2 semaphore(%run_scoped3A : memref<!tpu.dma_semaphore, #tpu.memory_space<semaphore_mem>>) src(%arg5 : memref<216x128xf32, #tpu.memory_space<hbm>>) dst(%dma_wait3A_296 : memref<216x128xf32, #tpu.memory_space<vmem_shared>>)
      tpu.yield
    }) : () -> ()
    %mul3A_125 = arith.constant 648 : i32
    %mul3A_126 = arith.muli %arg1, %mul3A_125 : i32
    %add3A_127 = arith.constant 432 : i32
    %add3A_128 = arith.addi %mul3A_126, %add3A_127 : i32
    %multiple_of3A_129 = tpu.assume_multiple %add3A_128, 8 : i32
    "tpu.region"() ({
      %run_scoped3A = tpu.sem_alloc : memref<!tpu.dma_semaphore, #tpu.memory_space<semaphore_mem>>
      %dma_start3A = arith.constant 0 : i32
      %dma_start3A_295 = tpu.memref_slice %arg10[%multiple_of3A_129, %dma_start3A] : memref<10368x128xf32, #tpu.memory_space<vmem_shared>> -> memref<216x128xf32, #tpu.memory_space<vmem_shared>>
      tpu.enqueue_dma source(%arg5 : memref<216x128xf32, #tpu.memory_space<hbm>>) target(%dma_start3A_295 : memref<216x128xf32, #tpu.memory_space<vmem_shared>>) target_semaphore(%run_scoped3A : memref<!tpu.dma_semaphore, #tpu.memory_space<semaphore_mem>>)
      %dma_wait3A = arith.constant 0 : i32
      %dma_wait3A_296 = tpu.memref_slice %arg10[%multiple_of3A_129, %dma_wait3A] : memref<10368x128xf32, #tpu.memory_space<vmem_shared>> -> memref<216x128xf32, #tpu.memory_space<vmem_shared>>
      tpu.wait_dma2 semaphore(%run_scoped3A : memref<!tpu.dma_semaphore, #tpu.memory_space<semaphore_mem>>) src(%arg5 : memref<216x128xf32, #tpu.memory_space<hbm>>) dst(%dma_wait3A_296 : memref<216x128xf32, #tpu.memory_space<vmem_shared>>)
      tpu.yield
    }) : () -> ()
    %barrier3A_130 = arith.constant 0 : index
    tpu.barrier barrier_id(%barrier3A_130)
    %mul3A_131 = arith.constant 409600 : i32
    %mul3A_132 = arith.muli %arg0, %mul3A_131 : i32
    %mul3A_133 = arith.constant 25600 : i32
    %mul3A_134 = arith.muli %arg1, %mul3A_133 : i32
    %add3A_135 = arith.addi %mul3A_132, %mul3A_134 : i32
    %multiple_of3A_136 = tpu.assume_multiple %add3A_135, 8 : i32
    %mul3A_137 = arith.constant 409600 : i32
    %mul3A_138 = arith.muli %arg0, %mul3A_137 : i32
    %add3A_139 = arith.constant 1638400 : i32
    %add3A_140 = arith.addi %add3A_139, %mul3A_138 : i32
    %mul3A_141 = arith.constant 25600 : i32
    %mul3A_142 = arith.muli %arg1, %mul3A_141 : i32
    %add3A_143 = arith.addi %add3A_140, %mul3A_142 : i32
    %multiple_of3A_144 = tpu.assume_multiple %add3A_143, 8 : i32
    %scan3A_145 = arith.constant 0 : i32
    %scan3A_146 = arith.constant 0 : i32
    %scan3A_147 = arith.constant 80 : i32
    %scan3A_148 = arith.addi %scan3A_146, %scan3A_147 : i32
    %scan3A_149 = arith.constant 1 : i32
    scf.for %scan3A_295 = %scan3A_146 to %scan3A_148 step %scan3A_149  : i32 {
      %mul3A_296 = arith.constant 320 : i32
      %mul3A_297 = arith.muli %scan3A_295, %mul3A_296 : i32
      %add3A_298 = arith.addi %multiple_of3A_136, %mul3A_297 : i32
      %multiple_of3A_299 = tpu.assume_multiple %add3A_298, 8 : i32
      %mul3A_300 = arith.constant 320 : i32
      %mul3A_301 = arith.muli %scan3A_295, %mul3A_300 : i32
      %add3A_302 = arith.addi %multiple_of3A_144, %mul3A_301 : i32
      %multiple_of3A_303 = tpu.assume_multiple %add3A_302, 8 : i32
      "tpu.region"() ({
        %run_scoped3A = tpu.sem_alloc : memref<!tpu.dma_semaphore, #tpu.memory_space<semaphore_mem>>
        %dma_start3A_308 = tpu.memref_slice %arg2[%multiple_of3A_299] : memref<819200xi32, #tpu.memory_space<hbm>> -> memref<320xi32, #tpu.memory_space<hbm>>
        %dma_start3A_309 = tpu.memref_slice %arg2[%multiple_of3A_299] : memref<819200xi32, #tpu.memory_space<hbm>> -> memref<320xi32, #tpu.memory_space<hbm>>
        tpu.enqueue_dma source(%dma_start3A_309 : memref<320xi32, #tpu.memory_space<hbm>>) target(%arg7 : memref<320xi32, #tpu.memory_space<vmem>>) target_semaphore(%run_scoped3A : memref<!tpu.dma_semaphore, #tpu.memory_space<semaphore_mem>>)
        %dma_wait3A_310 = tpu.memref_slice %arg2[%multiple_of3A_299] : memref<819200xi32, #tpu.memory_space<hbm>> -> memref<320xi32, #tpu.memory_space<hbm>>
        %dma_wait3A_311 = tpu.memref_slice %arg2[%multiple_of3A_299] : memref<819200xi32, #tpu.memory_space<hbm>> -> memref<320xi32, #tpu.memory_space<hbm>>
        tpu.wait_dma2 semaphore(%run_scoped3A : memref<!tpu.dma_semaphore, #tpu.memory_space<semaphore_mem>>) src(%dma_wait3A_311 : memref<320xi32, #tpu.memory_space<hbm>>) dst(%arg7 : memref<320xi32, #tpu.memory_space<vmem>>)
        tpu.yield
      }) : () -> ()
      "tpu.region"() ({
        %run_scoped3A = tpu.sem_alloc : memref<!tpu.dma_semaphore, #tpu.memory_space<semaphore_mem>>
        %dma_start3A_308 = tpu.memref_slice %arg3[%multiple_of3A_303] : memref<4096000xi32, #tpu.memory_space<hbm>> -> memref<320xi32, #tpu.memory_space<hbm>>
        %dma_start3A_309 = tpu.memref_slice %arg3[%multiple_of3A_303] : memref<4096000xi32, #tpu.memory_space<hbm>> -> memref<320xi32, #tpu.memory_space<hbm>>
        tpu.enqueue_dma source(%dma_start3A_309 : memref<320xi32, #tpu.memory_space<hbm>>) target(%arg8 : memref<320xi32, #tpu.memory_space<vmem>>) target_semaphore(%run_scoped3A : memref<!tpu.dma_semaphore, #tpu.memory_space<semaphore_mem>>)
        %dma_wait3A_310 = tpu.memref_slice %arg3[%multiple_of3A_303] : memref<4096000xi32, #tpu.memory_space<hbm>> -> memref<320xi32, #tpu.memory_space<hbm>>
        %dma_wait3A_311 = tpu.memref_slice %arg3[%multiple_of3A_303] : memref<4096000xi32, #tpu.memory_space<hbm>> -> memref<320xi32, #tpu.memory_space<hbm>>
        tpu.wait_dma2 semaphore(%run_scoped3A : memref<!tpu.dma_semaphore, #tpu.memory_space<semaphore_mem>>) src(%dma_wait3A_311 : memref<320xi32, #tpu.memory_space<hbm>>) dst(%arg8 : memref<320xi32, #tpu.memory_space<vmem>>)
        tpu.yield
      }) : () -> ()
      %dma_start3A = arith.constant 0 : i32
      %dma_start3A_304 = arith.constant 0 : i32
      %dma_start3A_305 = tpu.memref_slice %arg4[%dma_start3A, %dma_start3A_304] : memref<100000x128xf32, #tpu.memory_space<hbm>> -> memref<100000x128xf32, #tpu.memory_space<hbm>>
      tpu.enqueue_indirect_dma source(%dma_start3A_305 : memref<100000x128xf32, #tpu.memory_space<hbm>>) target(%arg9 : memref<320x128xf32, #tpu.memory_space<vmem>>) offsets(%arg7 : memref<320xi32, #tpu.memory_space<vmem>>) semaphore(%arg11 : memref<!tpu.dma_semaphore, #tpu.memory_space<semaphore_mem>>)
      %dma_wait3A = arith.constant 0 : i32
      %dma_wait3A_306 = arith.constant 0 : i32
      %dma_wait3A_307 = tpu.memref_slice %arg4[%dma_wait3A, %dma_wait3A_306] : memref<100000x128xf32, #tpu.memory_space<hbm>> -> memref<100000x128xf32, #tpu.memory_space<hbm>>
      tpu.wait_indirect_dma semaphore(%arg11 : memref<!tpu.dma_semaphore, #tpu.memory_space<semaphore_mem>>) src(%dma_wait3A_307 : memref<100000x128xf32, #tpu.memory_space<hbm>>) dst(%arg9 : memref<320x128xf32, #tpu.memory_space<vmem>>)
      "tpu.region"() ({
        %run_scoped3A = tpu.sem_alloc : memref<!tpu.dma_semaphore, #tpu.memory_space<semaphore_mem>>
        %dma_start3A_308 = arith.constant 0 : i32
        %dma_start3A_309 = arith.constant 0 : i32
        %dma_start3A_310 = tpu.memref_slice %arg10[%dma_start3A_308, %dma_start3A_309] : memref<10368x128xf32, #tpu.memory_space<vmem_shared>> -> memref<10368x128xf32, #tpu.memory_space<vmem_shared>>
        tpu.enqueue_indirect_dma source(%arg9 : memref<320x128xf32, #tpu.memory_space<vmem>>) target(%dma_start3A_310 : memref<10368x128xf32, #tpu.memory_space<vmem_shared>>) offsets(%arg8 : memref<320xi32, #tpu.memory_space<vmem>>) semaphore(%run_scoped3A : memref<!tpu.dma_semaphore, #tpu.memory_space<semaphore_mem>>) {add = true}
        %dma_wait3A_311 = arith.constant 0 : i32
        %dma_wait3A_312 = arith.constant 0 : i32
        %dma_wait3A_313 = tpu.memref_slice %arg10[%dma_wait3A_311, %dma_wait3A_312] : memref<10368x128xf32, #tpu.memory_space<vmem_shared>> -> memref<10368x128xf32, #tpu.memory_space<vmem_shared>>
        tpu.wait_indirect_dma semaphore(%run_scoped3A : memref<!tpu.dma_semaphore, #tpu.memory_space<semaphore_mem>>) src(%arg9 : memref<320x128xf32, #tpu.memory_space<vmem>>) dst(%dma_wait3A_313 : memref<10368x128xf32, #tpu.memory_space<vmem_shared>>)
        tpu.yield
      }) : () -> ()
    }
    %scan3A_150 = arith.constant 80 : i32
    %barrier3A_151 = arith.constant 0 : index
    tpu.barrier barrier_id(%barrier3A_151)
    %mul3A_152 = arith.constant 51200 : i32
    %mul3A_153 = arith.muli %arg0, %mul3A_152 : i32
    %add3A_154 = arith.constant 20480 : i32
    %add3A_155 = arith.addi %mul3A_153, %add3A_154 : i32
    %mul3A_156 = arith.constant 640 : i32
    %mul3A_157 = arith.muli %arg1, %mul3A_156 : i32
    %add3A_158 = arith.addi %add3A_155, %mul3A_157 : i32
    %mul3A_159 = arith.constant 640 : i32
    %mul3A_160 = arith.muli %arg1, %mul3A_159 : i32
    %add3A_161 = arith.constant 0 : i32
    %add3A_162 = arith.addi %mul3A_160, %add3A_161 : i32
    %multiple_of3A_163 = tpu.assume_multiple %add3A_162, 8 : i32
    %add3A_164 = arith.constant 0 : i32
    %add3A_165 = arith.addi %add3A_158, %add3A_164 : i32
    %multiple_of3A_166 = tpu.assume_multiple %add3A_165, 8 : i32
    "tpu.region"() ({
      %run_scoped3A = tpu.sem_alloc : memref<!tpu.dma_semaphore, #tpu.memory_space<semaphore_mem>>
      %dma_start3A = arith.constant 0 : i32
      %dma_start3A_295 = tpu.memref_slice %arg6[%multiple_of3A_166, %dma_start3A] : memref<102400x128xf32, #tpu.memory_space<hbm>> -> memref<320x128xf32, #tpu.memory_space<hbm>>
      %dma_start3A_296 = arith.constant 0 : i32
      %dma_start3A_297 = tpu.memref_slice %arg10[%multiple_of3A_163, %dma_start3A_296] : memref<10368x128xf32, #tpu.memory_space<vmem_shared>> -> memref<320x128xf32, #tpu.memory_space<vmem_shared>>
      tpu.enqueue_dma source(%dma_start3A_297 : memref<320x128xf32, #tpu.memory_space<vmem_shared>>) target(%dma_start3A_295 : memref<320x128xf32, #tpu.memory_space<hbm>>) target_semaphore(%run_scoped3A : memref<!tpu.dma_semaphore, #tpu.memory_space<semaphore_mem>>)
      %dma_wait3A = arith.constant 0 : i32
      %dma_wait3A_298 = tpu.memref_slice %arg6[%multiple_of3A_166, %dma_wait3A] : memref<102400x128xf32, #tpu.memory_space<hbm>> -> memref<320x128xf32, #tpu.memory_space<hbm>>
      %dma_wait3A_299 = arith.constant 0 : i32
      %dma_wait3A_300 = tpu.memref_slice %arg10[%multiple_of3A_163, %dma_wait3A_299] : memref<10368x128xf32, #tpu.memory_space<vmem_shared>> -> memref<320x128xf32, #tpu.memory_space<vmem_shared>>
      tpu.wait_dma2 semaphore(%run_scoped3A : memref<!tpu.dma_semaphore, #tpu.memory_space<semaphore_mem>>) src(%dma_wait3A_300 : memref<320x128xf32, #tpu.memory_space<vmem_shared>>) dst(%dma_wait3A_298 : memref<320x128xf32, #tpu.memory_space<hbm>>)
      tpu.yield
    }) : () -> ()
    %mul3A_167 = arith.constant 640 : i32
    %mul3A_168 = arith.muli %arg1, %mul3A_167 : i32
    %add3A_169 = arith.constant 320 : i32
    %add3A_170 = arith.addi %mul3A_168, %add3A_169 : i32
    %multiple_of3A_171 = tpu.assume_multiple %add3A_170, 8 : i32
    %add3A_172 = arith.constant 320 : i32
    %add3A_173 = arith.addi %add3A_158, %add3A_172 : i32
    %multiple_of3A_174 = tpu.assume_multiple %add3A_173, 8 : i32
    "tpu.region"() ({
      %run_scoped3A = tpu.sem_alloc : memref<!tpu.dma_semaphore, #tpu.memory_space<semaphore_mem>>
      %dma_start3A = arith.constant 0 : i32
      %dma_start3A_295 = tpu.memref_slice %arg6[%multiple_of3A_174, %dma_start3A] : memref<102400x128xf32, #tpu.memory_space<hbm>> -> memref<320x128xf32, #tpu.memory_space<hbm>>
      %dma_start3A_296 = arith.constant 0 : i32
      %dma_start3A_297 = tpu.memref_slice %arg10[%multiple_of3A_171, %dma_start3A_296] : memref<10368x128xf32, #tpu.memory_space<vmem_shared>> -> memref<320x128xf32, #tpu.memory_space<vmem_shared>>
      tpu.enqueue_dma source(%dma_start3A_297 : memref<320x128xf32, #tpu.memory_space<vmem_shared>>) target(%dma_start3A_295 : memref<320x128xf32, #tpu.memory_space<hbm>>) target_semaphore(%run_scoped3A : memref<!tpu.dma_semaphore, #tpu.memory_space<semaphore_mem>>)
      %dma_wait3A = arith.constant 0 : i32
      %dma_wait3A_298 = tpu.memref_slice %arg6[%multiple_of3A_174, %dma_wait3A] : memref<102400x128xf32, #tpu.memory_space<hbm>> -> memref<320x128xf32, #tpu.memory_space<hbm>>
      %dma_wait3A_299 = arith.constant 0 : i32
      %dma_wait3A_300 = tpu.memref_slice %arg10[%multiple_of3A_171, %dma_wait3A_299] : memref<10368x128xf32, #tpu.memory_space<vmem_shared>> -> memref<320x128xf32, #tpu.memory_space<vmem_shared>>
      tpu.wait_dma2 semaphore(%run_scoped3A : memref<!tpu.dma_semaphore, #tpu.memory_space<semaphore_mem>>) src(%dma_wait3A_300 : memref<320x128xf32, #tpu.memory_space<vmem_shared>>) dst(%dma_wait3A_298 : memref<320x128xf32, #tpu.memory_space<hbm>>)
      tpu.yield
    }) : () -> ()
    %mul3A_175 = arith.constant 648 : i32
    %mul3A_176 = arith.muli %arg1, %mul3A_175 : i32
    %add3A_177 = arith.constant 0 : i32
    %add3A_178 = arith.addi %mul3A_176, %add3A_177 : i32
    %multiple_of3A_179 = tpu.assume_multiple %add3A_178, 8 : i32
    "tpu.region"() ({
      %run_scoped3A = tpu.sem_alloc : memref<!tpu.dma_semaphore, #tpu.memory_space<semaphore_mem>>
      %dma_start3A = arith.constant 0 : i32
      %dma_start3A_295 = tpu.memref_slice %arg10[%multiple_of3A_179, %dma_start3A] : memref<10368x128xf32, #tpu.memory_space<vmem_shared>> -> memref<216x128xf32, #tpu.memory_space<vmem_shared>>
      tpu.enqueue_dma source(%arg5 : memref<216x128xf32, #tpu.memory_space<hbm>>) target(%dma_start3A_295 : memref<216x128xf32, #tpu.memory_space<vmem_shared>>) target_semaphore(%run_scoped3A : memref<!tpu.dma_semaphore, #tpu.memory_space<semaphore_mem>>)
      %dma_wait3A = arith.constant 0 : i32
      %dma_wait3A_296 = tpu.memref_slice %arg10[%multiple_of3A_179, %dma_wait3A] : memref<10368x128xf32, #tpu.memory_space<vmem_shared>> -> memref<216x128xf32, #tpu.memory_space<vmem_shared>>
      tpu.wait_dma2 semaphore(%run_scoped3A : memref<!tpu.dma_semaphore, #tpu.memory_space<semaphore_mem>>) src(%arg5 : memref<216x128xf32, #tpu.memory_space<hbm>>) dst(%dma_wait3A_296 : memref<216x128xf32, #tpu.memory_space<vmem_shared>>)
      tpu.yield
    }) : () -> ()
    %mul3A_180 = arith.constant 648 : i32
    %mul3A_181 = arith.muli %arg1, %mul3A_180 : i32
    %add3A_182 = arith.constant 216 : i32
    %add3A_183 = arith.addi %mul3A_181, %add3A_182 : i32
    %multiple_of3A_184 = tpu.assume_multiple %add3A_183, 8 : i32
    "tpu.region"() ({
      %run_scoped3A = tpu.sem_alloc : memref<!tpu.dma_semaphore, #tpu.memory_space<semaphore_mem>>
      %dma_start3A = arith.constant 0 : i32
      %dma_start3A_295 = tpu.memref_slice %arg10[%multiple_of3A_184, %dma_start3A] : memref<10368x128xf32, #tpu.memory_space<vmem_shared>> -> memref<216x128xf32, #tpu.memory_space<vmem_shared>>
      tpu.enqueue_dma source(%arg5 : memref<216x128xf32, #tpu.memory_space<hbm>>) target(%dma_start3A_295 : memref<216x128xf32, #tpu.memory_space<vmem_shared>>) target_semaphore(%run_scoped3A : memref<!tpu.dma_semaphore, #tpu.memory_space<semaphore_mem>>)
      %dma_wait3A = arith.constant 0 : i32
      %dma_wait3A_296 = tpu.memref_slice %arg10[%multiple_of3A_184, %dma_wait3A] : memref<10368x128xf32, #tpu.memory_space<vmem_shared>> -> memref<216x128xf32, #tpu.memory_space<vmem_shared>>
      tpu.wait_dma2 semaphore(%run_scoped3A : memref<!tpu.dma_semaphore, #tpu.memory_space<semaphore_mem>>) src(%arg5 : memref<216x128xf32, #tpu.memory_space<hbm>>) dst(%dma_wait3A_296 : memref<216x128xf32, #tpu.memory_space<vmem_shared>>)
      tpu.yield
    }) : () -> ()
    %mul3A_185 = arith.constant 648 : i32
    %mul3A_186 = arith.muli %arg1, %mul3A_185 : i32
    %add3A_187 = arith.constant 432 : i32
    %add3A_188 = arith.addi %mul3A_186, %add3A_187 : i32
    %multiple_of3A_189 = tpu.assume_multiple %add3A_188, 8 : i32
    "tpu.region"() ({
      %run_scoped3A = tpu.sem_alloc : memref<!tpu.dma_semaphore, #tpu.memory_space<semaphore_mem>>
      %dma_start3A = arith.constant 0 : i32
      %dma_start3A_295 = tpu.memref_slice %arg10[%multiple_of3A_189, %dma_start3A] : memref<10368x128xf32, #tpu.memory_space<vmem_shared>> -> memref<216x128xf32, #tpu.memory_space<vmem_shared>>
      tpu.enqueue_dma source(%arg5 : memref<216x128xf32, #tpu.memory_space<hbm>>) target(%dma_start3A_295 : memref<216x128xf32, #tpu.memory_space<vmem_shared>>) target_semaphore(%run_scoped3A : memref<!tpu.dma_semaphore, #tpu.memory_space<semaphore_mem>>)
      %dma_wait3A = arith.constant 0 : i32
      %dma_wait3A_296 = tpu.memref_slice %arg10[%multiple_of3A_189, %dma_wait3A] : memref<10368x128xf32, #tpu.memory_space<vmem_shared>> -> memref<216x128xf32, #tpu.memory_space<vmem_shared>>
      tpu.wait_dma2 semaphore(%run_scoped3A : memref<!tpu.dma_semaphore, #tpu.memory_space<semaphore_mem>>) src(%arg5 : memref<216x128xf32, #tpu.memory_space<hbm>>) dst(%dma_wait3A_296 : memref<216x128xf32, #tpu.memory_space<vmem_shared>>)
      tpu.yield
    }) : () -> ()
    %barrier3A_190 = arith.constant 0 : index
    tpu.barrier barrier_id(%barrier3A_190)
    %mul3A_191 = arith.constant 409600 : i32
    %mul3A_192 = arith.muli %arg0, %mul3A_191 : i32
    %mul3A_193 = arith.constant 25600 : i32
    %mul3A_194 = arith.muli %arg1, %mul3A_193 : i32
    %add3A_195 = arith.addi %mul3A_192, %mul3A_194 : i32
    %multiple_of3A_196 = tpu.assume_multiple %add3A_195, 8 : i32
    %mul3A_197 = arith.constant 409600 : i32
    %mul3A_198 = arith.muli %arg0, %mul3A_197 : i32
    %add3A_199 = arith.constant 2457600 : i32
    %add3A_200 = arith.addi %add3A_199, %mul3A_198 : i32
    %mul3A_201 = arith.constant 25600 : i32
    %mul3A_202 = arith.muli %arg1, %mul3A_201 : i32
    %add3A_203 = arith.addi %add3A_200, %mul3A_202 : i32
    %multiple_of3A_204 = tpu.assume_multiple %add3A_203, 8 : i32
    %scan3A_205 = arith.constant 0 : i32
    %scan3A_206 = arith.constant 0 : i32
    %scan3A_207 = arith.constant 80 : i32
    %scan3A_208 = arith.addi %scan3A_206, %scan3A_207 : i32
    %scan3A_209 = arith.constant 1 : i32
    scf.for %scan3A_295 = %scan3A_206 to %scan3A_208 step %scan3A_209  : i32 {
      %mul3A_296 = arith.constant 320 : i32
      %mul3A_297 = arith.muli %scan3A_295, %mul3A_296 : i32
      %add3A_298 = arith.addi %multiple_of3A_196, %mul3A_297 : i32
      %multiple_of3A_299 = tpu.assume_multiple %add3A_298, 8 : i32
      %mul3A_300 = arith.constant 320 : i32
      %mul3A_301 = arith.muli %scan3A_295, %mul3A_300 : i32
      %add3A_302 = arith.addi %multiple_of3A_204, %mul3A_301 : i32
      %multiple_of3A_303 = tpu.assume_multiple %add3A_302, 8 : i32
      "tpu.region"() ({
        %run_scoped3A = tpu.sem_alloc : memref<!tpu.dma_semaphore, #tpu.memory_space<semaphore_mem>>
        %dma_start3A_308 = tpu.memref_slice %arg2[%multiple_of3A_299] : memref<819200xi32, #tpu.memory_space<hbm>> -> memref<320xi32, #tpu.memory_space<hbm>>
        %dma_start3A_309 = tpu.memref_slice %arg2[%multiple_of3A_299] : memref<819200xi32, #tpu.memory_space<hbm>> -> memref<320xi32, #tpu.memory_space<hbm>>
        tpu.enqueue_dma source(%dma_start3A_309 : memref<320xi32, #tpu.memory_space<hbm>>) target(%arg7 : memref<320xi32, #tpu.memory_space<vmem>>) target_semaphore(%run_scoped3A : memref<!tpu.dma_semaphore, #tpu.memory_space<semaphore_mem>>)
        %dma_wait3A_310 = tpu.memref_slice %arg2[%multiple_of3A_299] : memref<819200xi32, #tpu.memory_space<hbm>> -> memref<320xi32, #tpu.memory_space<hbm>>
        %dma_wait3A_311 = tpu.memref_slice %arg2[%multiple_of3A_299] : memref<819200xi32, #tpu.memory_space<hbm>> -> memref<320xi32, #tpu.memory_space<hbm>>
        tpu.wait_dma2 semaphore(%run_scoped3A : memref<!tpu.dma_semaphore, #tpu.memory_space<semaphore_mem>>) src(%dma_wait3A_311 : memref<320xi32, #tpu.memory_space<hbm>>) dst(%arg7 : memref<320xi32, #tpu.memory_space<vmem>>)
        tpu.yield
      }) : () -> ()
      "tpu.region"() ({
        %run_scoped3A = tpu.sem_alloc : memref<!tpu.dma_semaphore, #tpu.memory_space<semaphore_mem>>
        %dma_start3A_308 = tpu.memref_slice %arg3[%multiple_of3A_303] : memref<4096000xi32, #tpu.memory_space<hbm>> -> memref<320xi32, #tpu.memory_space<hbm>>
        %dma_start3A_309 = tpu.memref_slice %arg3[%multiple_of3A_303] : memref<4096000xi32, #tpu.memory_space<hbm>> -> memref<320xi32, #tpu.memory_space<hbm>>
        tpu.enqueue_dma source(%dma_start3A_309 : memref<320xi32, #tpu.memory_space<hbm>>) target(%arg8 : memref<320xi32, #tpu.memory_space<vmem>>) target_semaphore(%run_scoped3A : memref<!tpu.dma_semaphore, #tpu.memory_space<semaphore_mem>>)
        %dma_wait3A_310 = tpu.memref_slice %arg3[%multiple_of3A_303] : memref<4096000xi32, #tpu.memory_space<hbm>> -> memref<320xi32, #tpu.memory_space<hbm>>
        %dma_wait3A_311 = tpu.memref_slice %arg3[%multiple_of3A_303] : memref<4096000xi32, #tpu.memory_space<hbm>> -> memref<320xi32, #tpu.memory_space<hbm>>
        tpu.wait_dma2 semaphore(%run_scoped3A : memref<!tpu.dma_semaphore, #tpu.memory_space<semaphore_mem>>) src(%dma_wait3A_311 : memref<320xi32, #tpu.memory_space<hbm>>) dst(%arg8 : memref<320xi32, #tpu.memory_space<vmem>>)
        tpu.yield
      }) : () -> ()
      %dma_start3A = arith.constant 0 : i32
      %dma_start3A_304 = arith.constant 0 : i32
      %dma_start3A_305 = tpu.memref_slice %arg4[%dma_start3A, %dma_start3A_304] : memref<100000x128xf32, #tpu.memory_space<hbm>> -> memref<100000x128xf32, #tpu.memory_space<hbm>>
      tpu.enqueue_indirect_dma source(%dma_start3A_305 : memref<100000x128xf32, #tpu.memory_space<hbm>>) target(%arg9 : memref<320x128xf32, #tpu.memory_space<vmem>>) offsets(%arg7 : memref<320xi32, #tpu.memory_space<vmem>>) semaphore(%arg11 : memref<!tpu.dma_semaphore, #tpu.memory_space<semaphore_mem>>)
      %dma_wait3A = arith.constant 0 : i32
      %dma_wait3A_306 = arith.constant 0 : i32
      %dma_wait3A_307 = tpu.memref_slice %arg4[%dma_wait3A, %dma_wait3A_306] : memref<100000x128xf32, #tpu.memory_space<hbm>> -> memref<100000x128xf32, #tpu.memory_space<hbm>>
      tpu.wait_indirect_dma semaphore(%arg11 : memref<!tpu.dma_semaphore, #tpu.memory_space<semaphore_mem>>) src(%dma_wait3A_307 : memref<100000x128xf32, #tpu.memory_space<hbm>>) dst(%arg9 : memref<320x128xf32, #tpu.memory_space<vmem>>)
      "tpu.region"() ({
        %run_scoped3A = tpu.sem_alloc : memref<!tpu.dma_semaphore, #tpu.memory_space<semaphore_mem>>
        %dma_start3A_308 = arith.constant 0 : i32
        %dma_start3A_309 = arith.constant 0 : i32
        %dma_start3A_310 = tpu.memref_slice %arg10[%dma_start3A_308, %dma_start3A_309] : memref<10368x128xf32, #tpu.memory_space<vmem_shared>> -> memref<10368x128xf32, #tpu.memory_space<vmem_shared>>
        tpu.enqueue_indirect_dma source(%arg9 : memref<320x128xf32, #tpu.memory_space<vmem>>) target(%dma_start3A_310 : memref<10368x128xf32, #tpu.memory_space<vmem_shared>>) offsets(%arg8 : memref<320xi32, #tpu.memory_space<vmem>>) semaphore(%run_scoped3A : memref<!tpu.dma_semaphore, #tpu.memory_space<semaphore_mem>>) {add = true}
        %dma_wait3A_311 = arith.constant 0 : i32
        %dma_wait3A_312 = arith.constant 0 : i32
        %dma_wait3A_313 = tpu.memref_slice %arg10[%dma_wait3A_311, %dma_wait3A_312] : memref<10368x128xf32, #tpu.memory_space<vmem_shared>> -> memref<10368x128xf32, #tpu.memory_space<vmem_shared>>
        tpu.wait_indirect_dma semaphore(%run_scoped3A : memref<!tpu.dma_semaphore, #tpu.memory_space<semaphore_mem>>) src(%arg9 : memref<320x128xf32, #tpu.memory_space<vmem>>) dst(%dma_wait3A_313 : memref<10368x128xf32, #tpu.memory_space<vmem_shared>>)
        tpu.yield
      }) : () -> ()
    }
    %scan3A_210 = arith.constant 80 : i32
    %barrier3A_211 = arith.constant 0 : index
    tpu.barrier barrier_id(%barrier3A_211)
    %mul3A_212 = arith.constant 51200 : i32
    %mul3A_213 = arith.muli %arg0, %mul3A_212 : i32
    %add3A_214 = arith.constant 30720 : i32
    %add3A_215 = arith.addi %mul3A_213, %add3A_214 : i32
    %mul3A_216 = arith.constant 640 : i32
    %mul3A_217 = arith.muli %arg1, %mul3A_216 : i32
    %add3A_218 = arith.addi %add3A_215, %mul3A_217 : i32
    %mul3A_219 = arith.constant 640 : i32
    %mul3A_220 = arith.muli %arg1, %mul3A_219 : i32
    %add3A_221 = arith.constant 0 : i32
    %add3A_222 = arith.addi %mul3A_220, %add3A_221 : i32
    %multiple_of3A_223 = tpu.assume_multiple %add3A_222, 8 : i32
    %add3A_224 = arith.constant 0 : i32
    %add3A_225 = arith.addi %add3A_218, %add3A_224 : i32
    %multiple_of3A_226 = tpu.assume_multiple %add3A_225, 8 : i32
    "tpu.region"() ({
      %run_scoped3A = tpu.sem_alloc : memref<!tpu.dma_semaphore, #tpu.memory_space<semaphore_mem>>
      %dma_start3A = arith.constant 0 : i32
      %dma_start3A_295 = tpu.memref_slice %arg6[%multiple_of3A_226, %dma_start3A] : memref<102400x128xf32, #tpu.memory_space<hbm>> -> memref<320x128xf32, #tpu.memory_space<hbm>>
      %dma_start3A_296 = arith.constant 0 : i32
      %dma_start3A_297 = tpu.memref_slice %arg10[%multiple_of3A_223, %dma_start3A_296] : memref<10368x128xf32, #tpu.memory_space<vmem_shared>> -> memref<320x128xf32, #tpu.memory_space<vmem_shared>>
      tpu.enqueue_dma source(%dma_start3A_297 : memref<320x128xf32, #tpu.memory_space<vmem_shared>>) target(%dma_start3A_295 : memref<320x128xf32, #tpu.memory_space<hbm>>) target_semaphore(%run_scoped3A : memref<!tpu.dma_semaphore, #tpu.memory_space<semaphore_mem>>)
      %dma_wait3A = arith.constant 0 : i32
      %dma_wait3A_298 = tpu.memref_slice %arg6[%multiple_of3A_226, %dma_wait3A] : memref<102400x128xf32, #tpu.memory_space<hbm>> -> memref<320x128xf32, #tpu.memory_space<hbm>>
      %dma_wait3A_299 = arith.constant 0 : i32
      %dma_wait3A_300 = tpu.memref_slice %arg10[%multiple_of3A_223, %dma_wait3A_299] : memref<10368x128xf32, #tpu.memory_space<vmem_shared>> -> memref<320x128xf32, #tpu.memory_space<vmem_shared>>
      tpu.wait_dma2 semaphore(%run_scoped3A : memref<!tpu.dma_semaphore, #tpu.memory_space<semaphore_mem>>) src(%dma_wait3A_300 : memref<320x128xf32, #tpu.memory_space<vmem_shared>>) dst(%dma_wait3A_298 : memref<320x128xf32, #tpu.memory_space<hbm>>)
      tpu.yield
    }) : () -> ()
    %mul3A_227 = arith.constant 640 : i32
    %mul3A_228 = arith.muli %arg1, %mul3A_227 : i32
    %add3A_229 = arith.constant 320 : i32
    %add3A_230 = arith.addi %mul3A_228, %add3A_229 : i32
    %multiple_of3A_231 = tpu.assume_multiple %add3A_230, 8 : i32
    %add3A_232 = arith.constant 320 : i32
    %add3A_233 = arith.addi %add3A_218, %add3A_232 : i32
    %multiple_of3A_234 = tpu.assume_multiple %add3A_233, 8 : i32
    "tpu.region"() ({
      %run_scoped3A = tpu.sem_alloc : memref<!tpu.dma_semaphore, #tpu.memory_space<semaphore_mem>>
      %dma_start3A = arith.constant 0 : i32
      %dma_start3A_295 = tpu.memref_slice %arg6[%multiple_of3A_234, %dma_start3A] : memref<102400x128xf32, #tpu.memory_space<hbm>> -> memref<320x128xf32, #tpu.memory_space<hbm>>
      %dma_start3A_296 = arith.constant 0 : i32
      %dma_start3A_297 = tpu.memref_slice %arg10[%multiple_of3A_231, %dma_start3A_296] : memref<10368x128xf32, #tpu.memory_space<vmem_shared>> -> memref<320x128xf32, #tpu.memory_space<vmem_shared>>
      tpu.enqueue_dma source(%dma_start3A_297 : memref<320x128xf32, #tpu.memory_space<vmem_shared>>) target(%dma_start3A_295 : memref<320x128xf32, #tpu.memory_space<hbm>>) target_semaphore(%run_scoped3A : memref<!tpu.dma_semaphore, #tpu.memory_space<semaphore_mem>>)
      %dma_wait3A = arith.constant 0 : i32
      %dma_wait3A_298 = tpu.memref_slice %arg6[%multiple_of3A_234, %dma_wait3A] : memref<102400x128xf32, #tpu.memory_space<hbm>> -> memref<320x128xf32, #tpu.memory_space<hbm>>
      %dma_wait3A_299 = arith.constant 0 : i32
      %dma_wait3A_300 = tpu.memref_slice %arg10[%multiple_of3A_231, %dma_wait3A_299] : memref<10368x128xf32, #tpu.memory_space<vmem_shared>> -> memref<320x128xf32, #tpu.memory_space<vmem_shared>>
      tpu.wait_dma2 semaphore(%run_scoped3A : memref<!tpu.dma_semaphore, #tpu.memory_space<semaphore_mem>>) src(%dma_wait3A_300 : memref<320x128xf32, #tpu.memory_space<vmem_shared>>) dst(%dma_wait3A_298 : memref<320x128xf32, #tpu.memory_space<hbm>>)
      tpu.yield
    }) : () -> ()
    %mul3A_235 = arith.constant 648 : i32
    %mul3A_236 = arith.muli %arg1, %mul3A_235 : i32
    %add3A_237 = arith.constant 0 : i32
    %add3A_238 = arith.addi %mul3A_236, %add3A_237 : i32
    %multiple_of3A_239 = tpu.assume_multiple %add3A_238, 8 : i32
    "tpu.region"() ({
      %run_scoped3A = tpu.sem_alloc : memref<!tpu.dma_semaphore, #tpu.memory_space<semaphore_mem>>
      %dma_start3A = arith.constant 0 : i32
      %dma_start3A_295 = tpu.memref_slice %arg10[%multiple_of3A_239, %dma_start3A] : memref<10368x128xf32, #tpu.memory_space<vmem_shared>> -> memref<216x128xf32, #tpu.memory_space<vmem_shared>>
      tpu.enqueue_dma source(%arg5 : memref<216x128xf32, #tpu.memory_space<hbm>>) target(%dma_start3A_295 : memref<216x128xf32, #tpu.memory_space<vmem_shared>>) target_semaphore(%run_scoped3A : memref<!tpu.dma_semaphore, #tpu.memory_space<semaphore_mem>>)
      %dma_wait3A = arith.constant 0 : i32
      %dma_wait3A_296 = tpu.memref_slice %arg10[%multiple_of3A_239, %dma_wait3A] : memref<10368x128xf32, #tpu.memory_space<vmem_shared>> -> memref<216x128xf32, #tpu.memory_space<vmem_shared>>
      tpu.wait_dma2 semaphore(%run_scoped3A : memref<!tpu.dma_semaphore, #tpu.memory_space<semaphore_mem>>) src(%arg5 : memref<216x128xf32, #tpu.memory_space<hbm>>) dst(%dma_wait3A_296 : memref<216x128xf32, #tpu.memory_space<vmem_shared>>)
      tpu.yield
    }) : () -> ()
    %mul3A_240 = arith.constant 648 : i32
    %mul3A_241 = arith.muli %arg1, %mul3A_240 : i32
    %add3A_242 = arith.constant 216 : i32
    %add3A_243 = arith.addi %mul3A_241, %add3A_242 : i32
    %multiple_of3A_244 = tpu.assume_multiple %add3A_243, 8 : i32
    "tpu.region"() ({
      %run_scoped3A = tpu.sem_alloc : memref<!tpu.dma_semaphore, #tpu.memory_space<semaphore_mem>>
      %dma_start3A = arith.constant 0 : i32
      %dma_start3A_295 = tpu.memref_slice %arg10[%multiple_of3A_244, %dma_start3A] : memref<10368x128xf32, #tpu.memory_space<vmem_shared>> -> memref<216x128xf32, #tpu.memory_space<vmem_shared>>
      tpu.enqueue_dma source(%arg5 : memref<216x128xf32, #tpu.memory_space<hbm>>) target(%dma_start3A_295 : memref<216x128xf32, #tpu.memory_space<vmem_shared>>) target_semaphore(%run_scoped3A : memref<!tpu.dma_semaphore, #tpu.memory_space<semaphore_mem>>)
      %dma_wait3A = arith.constant 0 : i32
      %dma_wait3A_296 = tpu.memref_slice %arg10[%multiple_of3A_244, %dma_wait3A] : memref<10368x128xf32, #tpu.memory_space<vmem_shared>> -> memref<216x128xf32, #tpu.memory_space<vmem_shared>>
      tpu.wait_dma2 semaphore(%run_scoped3A : memref<!tpu.dma_semaphore, #tpu.memory_space<semaphore_mem>>) src(%arg5 : memref<216x128xf32, #tpu.memory_space<hbm>>) dst(%dma_wait3A_296 : memref<216x128xf32, #tpu.memory_space<vmem_shared>>)
      tpu.yield
    }) : () -> ()
    %mul3A_245 = arith.constant 648 : i32
    %mul3A_246 = arith.muli %arg1, %mul3A_245 : i32
    %add3A_247 = arith.constant 432 : i32
    %add3A_248 = arith.addi %mul3A_246, %add3A_247 : i32
    %multiple_of3A_249 = tpu.assume_multiple %add3A_248, 8 : i32
    "tpu.region"() ({
      %run_scoped3A = tpu.sem_alloc : memref<!tpu.dma_semaphore, #tpu.memory_space<semaphore_mem>>
      %dma_start3A = arith.constant 0 : i32
      %dma_start3A_295 = tpu.memref_slice %arg10[%multiple_of3A_249, %dma_start3A] : memref<10368x128xf32, #tpu.memory_space<vmem_shared>> -> memref<216x128xf32, #tpu.memory_space<vmem_shared>>
      tpu.enqueue_dma source(%arg5 : memref<216x128xf32, #tpu.memory_space<hbm>>) target(%dma_start3A_295 : memref<216x128xf32, #tpu.memory_space<vmem_shared>>) target_semaphore(%run_scoped3A : memref<!tpu.dma_semaphore, #tpu.memory_space<semaphore_mem>>)
      %dma_wait3A = arith.constant 0 : i32
      %dma_wait3A_296 = tpu.memref_slice %arg10[%multiple_of3A_249, %dma_wait3A] : memref<10368x128xf32, #tpu.memory_space<vmem_shared>> -> memref<216x128xf32, #tpu.memory_space<vmem_shared>>
      tpu.wait_dma2 semaphore(%run_scoped3A : memref<!tpu.dma_semaphore, #tpu.memory_space<semaphore_mem>>) src(%arg5 : memref<216x128xf32, #tpu.memory_space<hbm>>) dst(%dma_wait3A_296 : memref<216x128xf32, #tpu.memory_space<vmem_shared>>)
      tpu.yield
    }) : () -> ()
    %barrier3A_250 = arith.constant 0 : index
    tpu.barrier barrier_id(%barrier3A_250)
    %mul3A_251 = arith.constant 409600 : i32
    %mul3A_252 = arith.muli %arg0, %mul3A_251 : i32
    %mul3A_253 = arith.constant 25600 : i32
    %mul3A_254 = arith.muli %arg1, %mul3A_253 : i32
    %add3A_255 = arith.addi %mul3A_252, %mul3A_254 : i32
    %multiple_of3A_256 = tpu.assume_multiple %add3A_255, 8 : i32
    %mul3A_257 = arith.constant 409600 : i32
    %mul3A_258 = arith.muli %arg0, %mul3A_257 : i32
    %add3A_259 = arith.constant 3276800 : i32
    %add3A_260 = arith.addi %add3A_259, %mul3A_258 : i32
    %mul3A_261 = arith.constant 25600 : i32
    %mul3A_262 = arith.muli %arg1, %mul3A_261 : i32
    %add3A_263 = arith.addi %add3A_260, %mul3A_262 : i32
    %multiple_of3A_264 = tpu.assume_multiple %add3A_263, 8 : i32
    %scan3A_265 = arith.constant 0 : i32
    %scan3A_266 = arith.constant 0 : i32
    %scan3A_267 = arith.constant 80 : i32
    %scan3A_268 = arith.addi %scan3A_266, %scan3A_267 : i32
    %scan3A_269 = arith.constant 1 : i32
    scf.for %scan3A_295 = %scan3A_266 to %scan3A_268 step %scan3A_269  : i32 {
      %mul3A_296 = arith.constant 320 : i32
      %mul3A_297 = arith.muli %scan3A_295, %mul3A_296 : i32
      %add3A_298 = arith.addi %multiple_of3A_256, %mul3A_297 : i32
      %multiple_of3A_299 = tpu.assume_multiple %add3A_298, 8 : i32
      %mul3A_300 = arith.constant 320 : i32
      %mul3A_301 = arith.muli %scan3A_295, %mul3A_300 : i32
      %add3A_302 = arith.addi %multiple_of3A_264, %mul3A_301 : i32
      %multiple_of3A_303 = tpu.assume_multiple %add3A_302, 8 : i32
      "tpu.region"() ({
        %run_scoped3A = tpu.sem_alloc : memref<!tpu.dma_semaphore, #tpu.memory_space<semaphore_mem>>
        %dma_start3A_308 = tpu.memref_slice %arg2[%multiple_of3A_299] : memref<819200xi32, #tpu.memory_space<hbm>> -> memref<320xi32, #tpu.memory_space<hbm>>
        %dma_start3A_309 = tpu.memref_slice %arg2[%multiple_of3A_299] : memref<819200xi32, #tpu.memory_space<hbm>> -> memref<320xi32, #tpu.memory_space<hbm>>
        tpu.enqueue_dma source(%dma_start3A_309 : memref<320xi32, #tpu.memory_space<hbm>>) target(%arg7 : memref<320xi32, #tpu.memory_space<vmem>>) target_semaphore(%run_scoped3A : memref<!tpu.dma_semaphore, #tpu.memory_space<semaphore_mem>>)
        %dma_wait3A_310 = tpu.memref_slice %arg2[%multiple_of3A_299] : memref<819200xi32, #tpu.memory_space<hbm>> -> memref<320xi32, #tpu.memory_space<hbm>>
        %dma_wait3A_311 = tpu.memref_slice %arg2[%multiple_of3A_299] : memref<819200xi32, #tpu.memory_space<hbm>> -> memref<320xi32, #tpu.memory_space<hbm>>
        tpu.wait_dma2 semaphore(%run_scoped3A : memref<!tpu.dma_semaphore, #tpu.memory_space<semaphore_mem>>) src(%dma_wait3A_311 : memref<320xi32, #tpu.memory_space<hbm>>) dst(%arg7 : memref<320xi32, #tpu.memory_space<vmem>>)
        tpu.yield
      }) : () -> ()
      "tpu.region"() ({
        %run_scoped3A = tpu.sem_alloc : memref<!tpu.dma_semaphore, #tpu.memory_space<semaphore_mem>>
        %dma_start3A_308 = tpu.memref_slice %arg3[%multiple_of3A_303] : memref<4096000xi32, #tpu.memory_space<hbm>> -> memref<320xi32, #tpu.memory_space<hbm>>
        %dma_start3A_309 = tpu.memref_slice %arg3[%multiple_of3A_303] : memref<4096000xi32, #tpu.memory_space<hbm>> -> memref<320xi32, #tpu.memory_space<hbm>>
        tpu.enqueue_dma source(%dma_start3A_309 : memref<320xi32, #tpu.memory_space<hbm>>) target(%arg8 : memref<320xi32, #tpu.memory_space<vmem>>) target_semaphore(%run_scoped3A : memref<!tpu.dma_semaphore, #tpu.memory_space<semaphore_mem>>)
        %dma_wait3A_310 = tpu.memref_slice %arg3[%multiple_of3A_303] : memref<4096000xi32, #tpu.memory_space<hbm>> -> memref<320xi32, #tpu.memory_space<hbm>>
        %dma_wait3A_311 = tpu.memref_slice %arg3[%multiple_of3A_303] : memref<4096000xi32, #tpu.memory_space<hbm>> -> memref<320xi32, #tpu.memory_space<hbm>>
        tpu.wait_dma2 semaphore(%run_scoped3A : memref<!tpu.dma_semaphore, #tpu.memory_space<semaphore_mem>>) src(%dma_wait3A_311 : memref<320xi32, #tpu.memory_space<hbm>>) dst(%arg8 : memref<320xi32, #tpu.memory_space<vmem>>)
        tpu.yield
      }) : () -> ()
      %dma_start3A = arith.constant 0 : i32
      %dma_start3A_304 = arith.constant 0 : i32
      %dma_start3A_305 = tpu.memref_slice %arg4[%dma_start3A, %dma_start3A_304] : memref<100000x128xf32, #tpu.memory_space<hbm>> -> memref<100000x128xf32, #tpu.memory_space<hbm>>
      tpu.enqueue_indirect_dma source(%dma_start3A_305 : memref<100000x128xf32, #tpu.memory_space<hbm>>) target(%arg9 : memref<320x128xf32, #tpu.memory_space<vmem>>) offsets(%arg7 : memref<320xi32, #tpu.memory_space<vmem>>) semaphore(%arg11 : memref<!tpu.dma_semaphore, #tpu.memory_space<semaphore_mem>>)
      %dma_wait3A = arith.constant 0 : i32
      %dma_wait3A_306 = arith.constant 0 : i32
      %dma_wait3A_307 = tpu.memref_slice %arg4[%dma_wait3A, %dma_wait3A_306] : memref<100000x128xf32, #tpu.memory_space<hbm>> -> memref<100000x128xf32, #tpu.memory_space<hbm>>
      tpu.wait_indirect_dma semaphore(%arg11 : memref<!tpu.dma_semaphore, #tpu.memory_space<semaphore_mem>>) src(%dma_wait3A_307 : memref<100000x128xf32, #tpu.memory_space<hbm>>) dst(%arg9 : memref<320x128xf32, #tpu.memory_space<vmem>>)
      "tpu.region"() ({
        %run_scoped3A = tpu.sem_alloc : memref<!tpu.dma_semaphore, #tpu.memory_space<semaphore_mem>>
        %dma_start3A_308 = arith.constant 0 : i32
        %dma_start3A_309 = arith.constant 0 : i32
        %dma_start3A_310 = tpu.memref_slice %arg10[%dma_start3A_308, %dma_start3A_309] : memref<10368x128xf32, #tpu.memory_space<vmem_shared>> -> memref<10368x128xf32, #tpu.memory_space<vmem_shared>>
        tpu.enqueue_indirect_dma source(%arg9 : memref<320x128xf32, #tpu.memory_space<vmem>>) target(%dma_start3A_310 : memref<10368x128xf32, #tpu.memory_space<vmem_shared>>) offsets(%arg8 : memref<320xi32, #tpu.memory_space<vmem>>) semaphore(%run_scoped3A : memref<!tpu.dma_semaphore, #tpu.memory_space<semaphore_mem>>) {add = true}
        %dma_wait3A_311 = arith.constant 0 : i32
        %dma_wait3A_312 = arith.constant 0 : i32
        %dma_wait3A_313 = tpu.memref_slice %arg10[%dma_wait3A_311, %dma_wait3A_312] : memref<10368x128xf32, #tpu.memory_space<vmem_shared>> -> memref<10368x128xf32, #tpu.memory_space<vmem_shared>>
        tpu.wait_indirect_dma semaphore(%run_scoped3A : memref<!tpu.dma_semaphore, #tpu.memory_space<semaphore_mem>>) src(%arg9 : memref<320x128xf32, #tpu.memory_space<vmem>>) dst(%dma_wait3A_313 : memref<10368x128xf32, #tpu.memory_space<vmem_shared>>)
        tpu.yield
      }) : () -> ()
    }
    %scan3A_270 = arith.constant 80 : i32
    %barrier3A_271 = arith.constant 0 : index
    tpu.barrier barrier_id(%barrier3A_271)
    %mul3A_272 = arith.constant 51200 : i32
    %mul3A_273 = arith.muli %arg0, %mul3A_272 : i32
    %add3A_274 = arith.constant 40960 : i32
    %add3A_275 = arith.addi %mul3A_273, %add3A_274 : i32
    %mul3A_276 = arith.constant 640 : i32
    %mul3A_277 = arith.muli %arg1, %mul3A_276 : i32
    %add3A_278 = arith.addi %add3A_275, %mul3A_277 : i32
    %mul3A_279 = arith.constant 640 : i32
    %mul3A_280 = arith.muli %arg1, %mul3A_279 : i32
    %add3A_281 = arith.constant 0 : i32
    %add3A_282 = arith.addi %mul3A_280, %add3A_281 : i32
    %multiple_of3A_283 = tpu.assume_multiple %add3A_282, 8 : i32
    %add3A_284 = arith.constant 0 : i32
    %add3A_285 = arith.addi %add3A_278, %add3A_284 : i32
    %multiple_of3A_286 = tpu.assume_multiple %add3A_285, 8 : i32
    "tpu.region"() ({
      %run_scoped3A = tpu.sem_alloc : memref<!tpu.dma_semaphore, #tpu.memory_space<semaphore_mem>>
      %dma_start3A = arith.constant 0 : i32
      %dma_start3A_295 = tpu.memref_slice %arg6[%multiple_of3A_286, %dma_start3A] : memref<102400x128xf32, #tpu.memory_space<hbm>> -> memref<320x128xf32, #tpu.memory_space<hbm>>
      %dma_start3A_296 = arith.constant 0 : i32
      %dma_start3A_297 = tpu.memref_slice %arg10[%multiple_of3A_283, %dma_start3A_296] : memref<10368x128xf32, #tpu.memory_space<vmem_shared>> -> memref<320x128xf32, #tpu.memory_space<vmem_shared>>
      tpu.enqueue_dma source(%dma_start3A_297 : memref<320x128xf32, #tpu.memory_space<vmem_shared>>) target(%dma_start3A_295 : memref<320x128xf32, #tpu.memory_space<hbm>>) target_semaphore(%run_scoped3A : memref<!tpu.dma_semaphore, #tpu.memory_space<semaphore_mem>>)
      %dma_wait3A = arith.constant 0 : i32
      %dma_wait3A_298 = tpu.memref_slice %arg6[%multiple_of3A_286, %dma_wait3A] : memref<102400x128xf32, #tpu.memory_space<hbm>> -> memref<320x128xf32, #tpu.memory_space<hbm>>
      %dma_wait3A_299 = arith.constant 0 : i32
      %dma_wait3A_300 = tpu.memref_slice %arg10[%multiple_of3A_283, %dma_wait3A_299] : memref<10368x128xf32, #tpu.memory_space<vmem_shared>> -> memref<320x128xf32, #tpu.memory_space<vmem_shared>>
      tpu.wait_dma2 semaphore(%run_scoped3A : memref<!tpu.dma_semaphore, #tpu.memory_space<semaphore_mem>>) src(%dma_wait3A_300 : memref<320x128xf32, #tpu.memory_space<vmem_shared>>) dst(%dma_wait3A_298 : memref<320x128xf32, #tpu.memory_space<hbm>>)
      tpu.yield
    }) : () -> ()
    %mul3A_287 = arith.constant 640 : i32
    %mul3A_288 = arith.muli %arg1, %mul3A_287 : i32
    %add3A_289 = arith.constant 320 : i32
    %add3A_290 = arith.addi %mul3A_288, %add3A_289 : i32
    %multiple_of3A_291 = tpu.assume_multiple %add3A_290, 8 : i32
    %add3A_292 = arith.constant 320 : i32
    %add3A_293 = arith.addi %add3A_278, %add3A_292 : i32
    %multiple_of3A_294 = tpu.assume_multiple %add3A_293, 8 : i32
    "tpu.region"() ({
      %run_scoped3A = tpu.sem_alloc : memref<!tpu.dma_semaphore, #tpu.memory_space<semaphore_mem>>
      %dma_start3A = arith.constant 0 : i32
      %dma_start3A_295 = tpu.memref_slice %arg6[%multiple_of3A_294, %dma_start3A] : memref<102400x128xf32, #tpu.memory_space<hbm>> -> memref<320x128xf32, #tpu.memory_space<hbm>>
      %dma_start3A_296 = arith.constant 0 : i32
      %dma_start3A_297 = tpu.memref_slice %arg10[%multiple_of3A_291, %dma_start3A_296] : memref<10368x128xf32, #tpu.memory_space<vmem_shared>> -> memref<320x128xf32, #tpu.memory_space<vmem_shared>>
      tpu.enqueue_dma source(%dma_start3A_297 : memref<320x128xf32, #tpu.memory_space<vmem_shared>>) target(%dma_start3A_295 : memref<320x128xf32, #tpu.memory_space<hbm>>) target_semaphore(%run_scoped3A : memref<!tpu.dma_semaphore, #tpu.memory_space<semaphore_mem>>)
      %dma_wait3A = arith.constant 0 : i32
      %dma_wait3A_298 = tpu.memref_slice %arg6[%multiple_of3A_294, %dma_wait3A] : memref<102400x128xf32, #tpu.memory_space<hbm>> -> memref<320x128xf32, #tpu.memory_space<hbm>>
      %dma_wait3A_299 = arith.constant 0 : i32
      %dma_wait3A_300 = tpu.memref_slice %arg10[%multiple_of3A_291, %dma_wait3A_299] : memref<10368x128xf32, #tpu.memory_space<vmem_shared>> -> memref<320x128xf32, #tpu.memory_space<vmem_shared>>
      tpu.wait_dma2 semaphore(%run_scoped3A : memref<!tpu.dma_semaphore, #tpu.memory_space<semaphore_mem>>) src(%dma_wait3A_300 : memref<320x128xf32, #tpu.memory_space<vmem_shared>>) dst(%dma_wait3A_298 : memref<320x128xf32, #tpu.memory_space<hbm>>)
      tpu.yield
    }) : () -> ()
    return
  }
}

module attributes {stable_mosaic.version = 14 : i64} {
  func.func @_init_body(%arg0: i32, %arg1: memref<2000x8xi32, #tpu.memory_space<vmem>>, %arg2: memref<2000x16xf32, #tpu.memory_space<vmem>>, %arg3: memref<16x16xf32, #tpu.memory_space<vmem>>, %arg4: memref<16x16xf32, #tpu.memory_space<vmem>>, %arg5: memref<16x16xf32, #tpu.memory_space<vmem>>, %arg6: memref<2000x64xf32, #tpu.memory_space<vmem>>) attributes {dimension_semantics = [#tpu.dimension_semantics<arbitrary>], iteration_bounds = array<i64: 25>, scalar_prefetch = 0 : i64, scratch_operands = 0 : i64, tpu.core_type = #tpu.core_type<tc>, window_params = [{transform_indices = @transform_0, window_bounds = array<i64: 2000, 8>}, {transform_indices = @transform_1, window_bounds = array<i64: 2000, 16>}, {pipeline_mode = #tpu.pipeline_mode<synchronous>, transform_indices = @transform_2, window_bounds = array<i64: 16, 16>}, {pipeline_mode = #tpu.pipeline_mode<synchronous>, transform_indices = @transform_3, window_bounds = array<i64: 16, 16>}, {pipeline_mode = #tpu.pipeline_mode<synchronous>, transform_indices = @transform_4, window_bounds = array<i64: 16, 16>}, {transform_indices = @transform_5, window_bounds = array<i64: 2000, 64>}]} {
    %get3A = arith.constant 0 : index
    %get3A_0 = arith.constant 0 : index
    %get3A_1 = vector.load %arg1[%get3A, %get3A_0] : memref<2000x8xi32, #tpu.memory_space<vmem>>, vector<2000x8xi32>
    %iota3A = tpu.iota {dimensions = array<i32: 1>} : vector<2000x16xi32>
    %get3A_2 = arith.constant 0 : index
    %get3A_3 = arith.constant 0 : index
    %get3A_4 = vector.load %arg2[%get3A_2, %get3A_3] : memref<2000x16xf32, #tpu.memory_space<vmem>>, vector<2000x16xf32>
    %get3A_5 = arith.constant 0 : index
    %get3A_6 = arith.constant 0 : index
    %get3A_7 = vector.load %arg3[%get3A_5, %get3A_6] : memref<16x16xf32, #tpu.memory_space<vmem>>, vector<16x16xf32>
    %slice3A = vector.extract_strided_slice %get3A_1 {offsets = [0, 0], sizes = [2000, 1], strides = [1, 1]} : vector<2000x8xi32> to vector<2000x1xi32>
    %eq3A = vector.broadcast %slice3A : vector<2000x1xi32> to vector<2000x16xi32>
    %eq3A_8 = arith.cmpi eq, %eq3A, %iota3A : vector<2000x16xi32>
    %convert_element_type3A = arith.extui %eq3A_8 : vector<2000x16xi1> to vector<2000x16xi32>
    %convert_element_type3A_9 = arith.sitofp %convert_element_type3A : vector<2000x16xi32> to vector<2000x16xf32>
    %dot_general3A = arith.constant dense<0.000000e+00> : vector<2000x16xf32>
    %dot_general3A_10 = tpu.matmul %convert_element_type3A_9, %get3A_7, %dot_general3A {dimension_numbers = #tpu.dot_dimension_numbers<[1], [0], [0], [1], [0, 0, 1, 1], [], []>, transpose_lhs_hint = false} : vector<2000x16xf32>, vector<16x16xf32>, vector<2000x16xf32> -> vector<2000x16xf32>
    %get3A_11 = arith.constant 0 : index
    %get3A_12 = arith.constant 0 : index
    %get3A_13 = vector.load %arg4[%get3A_11, %get3A_12] : memref<16x16xf32, #tpu.memory_space<vmem>>, vector<16x16xf32>
    %slice3A_14 = vector.extract_strided_slice %get3A_1 {offsets = [0, 1], sizes = [2000, 1], strides = [1, 1]} : vector<2000x8xi32> to vector<2000x1xi32>
    %eq3A_15 = vector.broadcast %slice3A_14 : vector<2000x1xi32> to vector<2000x16xi32>
    %eq3A_16 = arith.cmpi eq, %eq3A_15, %iota3A : vector<2000x16xi32>
    %convert_element_type3A_17 = arith.extui %eq3A_16 : vector<2000x16xi1> to vector<2000x16xi32>
    %convert_element_type3A_18 = arith.sitofp %convert_element_type3A_17 : vector<2000x16xi32> to vector<2000x16xf32>
    %dot_general3A_19 = arith.constant dense<0.000000e+00> : vector<2000x16xf32>
    %dot_general3A_20 = tpu.matmul %convert_element_type3A_18, %get3A_13, %dot_general3A_19 {dimension_numbers = #tpu.dot_dimension_numbers<[1], [0], [0], [1], [0, 0, 1, 1], [], []>, transpose_lhs_hint = false} : vector<2000x16xf32>, vector<16x16xf32>, vector<2000x16xf32> -> vector<2000x16xf32>
    %get3A_21 = arith.constant 0 : index
    %get3A_22 = arith.constant 0 : index
    %get3A_23 = vector.load %arg5[%get3A_21, %get3A_22] : memref<16x16xf32, #tpu.memory_space<vmem>>, vector<16x16xf32>
    %slice3A_24 = vector.extract_strided_slice %get3A_1 {offsets = [0, 2], sizes = [2000, 1], strides = [1, 1]} : vector<2000x8xi32> to vector<2000x1xi32>
    %eq3A_25 = vector.broadcast %slice3A_24 : vector<2000x1xi32> to vector<2000x16xi32>
    %eq3A_26 = arith.cmpi eq, %eq3A_25, %iota3A : vector<2000x16xi32>
    %convert_element_type3A_27 = arith.extui %eq3A_26 : vector<2000x16xi1> to vector<2000x16xi32>
    %convert_element_type3A_28 = arith.sitofp %convert_element_type3A_27 : vector<2000x16xi32> to vector<2000x16xf32>
    %dot_general3A_29 = arith.constant dense<0.000000e+00> : vector<2000x16xf32>
    %dot_general3A_30 = tpu.matmul %convert_element_type3A_28, %get3A_23, %dot_general3A_29 {dimension_numbers = #tpu.dot_dimension_numbers<[1], [0], [0], [1], [0, 0, 1, 1], [], []>, transpose_lhs_hint = false} : vector<2000x16xf32>, vector<16x16xf32>, vector<2000x16xf32> -> vector<2000x16xf32>
    %concatenate3A = tpu.concatenate %get3A_4, %dot_general3A_10, %dot_general3A_20, %dot_general3A_30 in 1 : vector<2000x16xf32>, vector<2000x16xf32>, vector<2000x16xf32>, vector<2000x16xf32> -> vector<2000x64xf32>
    %swap3A = arith.constant 0 : index
    %swap3A_31 = arith.constant 0 : index
    %swap3A_32 = vector.load %arg6[%swap3A, %swap3A_31] : memref<2000x64xf32, #tpu.memory_space<vmem>>, vector<2000x64xf32>
    tpu.vector_store %arg6[%swap3A, %swap3A_31], %concatenate3A {strides = array<i32>} : memref<2000x64xf32, #tpu.memory_space<vmem>>, vector<2000x64xf32>,
    return
  }
  func.func @transform_0(%arg0: i32) -> (i32, i32) {
    %c0_i32 = arith.constant 0 : i32
    %c0_i32_0 = arith.constant 0 : i32
    return %arg0, %c0_i32 : i32, i32
  }
  func.func @transform_1(%arg0: i32) -> (i32, i32) {
    %c0_i32 = arith.constant 0 : i32
    %c0_i32_0 = arith.constant 0 : i32
    return %arg0, %c0_i32 : i32, i32
  }
  func.func @transform_2(%arg0: i32) -> (i32, i32) {
    %c0_i32 = arith.constant 0 : i32
    %c0_i32_0 = arith.constant 0 : i32
    %c0_i32_1 = arith.constant 0 : i32
    return %c0_i32, %c0_i32_0 : i32, i32
  }
  func.func @transform_3(%arg0: i32) -> (i32, i32) {
    %c0_i32 = arith.constant 0 : i32
    %c0_i32_0 = arith.constant 0 : i32
    %c0_i32_1 = arith.constant 0 : i32
    return %c0_i32, %c0_i32_0 : i32, i32
  }
  func.func @transform_4(%arg0: i32) -> (i32, i32) {
    %c0_i32 = arith.constant 0 : i32
    %c0_i32_0 = arith.constant 0 : i32
    %c0_i32_1 = arith.constant 0 : i32
    return %c0_i32, %c0_i32_0 : i32, i32
  }
  func.func @transform_5(%arg0: i32) -> (i32, i32) {
    %c0_i32 = arith.constant 0 : i32
    %c0_i32_0 = arith.constant 0 : i32
    return %arg0, %c0_i32 : i32, i32
  }
}

module attributes {stable_mosaic.version = 14 : i64} {
  func.func @_m_body(%arg0: i32, %arg1: memref<2000x1xf32, #tpu.memory_space<vmem>>, %arg2: memref<2000x1xf32, #tpu.memory_space<vmem>>, %arg3: memref<2000x64xf32, #tpu.memory_space<vmem>>, %arg4: memref<64x128xf32, #tpu.memory_space<vmem>>, %arg5: memref<64x128xf32, #tpu.memory_space<vmem>>, %arg6: memref<2000x1xf32, #tpu.memory_space<vmem>>, %arg7: memref<2000x1xf32, #tpu.memory_space<vmem>>, %arg8: memref<2000x128xf32, #tpu.memory_space<vmem>>, %arg9: memref<2000x128xf32, #tpu.memory_space<vmem>>) attributes {dimension_semantics = [#tpu.dimension_semantics<arbitrary>], iteration_bounds = array<i64: 25>, scalar_prefetch = 0 : i64, scratch_operands = 0 : i64, tpu.core_type = #tpu.core_type<tc>, window_params = [{transform_indices = @transform_0, window_bounds = array<i64: 2000, 1>}, {transform_indices = @transform_1, window_bounds = array<i64: 2000, 1>}, {transform_indices = @transform_2, window_bounds = array<i64: 2000, 64>}, {pipeline_mode = #tpu.pipeline_mode<synchronous>, transform_indices = @transform_3, window_bounds = array<i64: 64, 128>}, {pipeline_mode = #tpu.pipeline_mode<synchronous>, transform_indices = @transform_4, window_bounds = array<i64: 64, 128>}, {transform_indices = @transform_5, window_bounds = array<i64: 2000, 1>}, {transform_indices = @transform_6, window_bounds = array<i64: 2000, 1>}, {transform_indices = @transform_7, window_bounds = array<i64: 2000, 128>}, {transform_indices = @transform_8, window_bounds = array<i64: 2000, 128>}]} {
    %get3A = arith.constant 0 : index
    %get3A_0 = arith.constant 0 : index
    %get3A_1 = vector.load %arg3[%get3A, %get3A_0] : memref<2000x64xf32, #tpu.memory_space<vmem>>, vector<2000x64xf32>
    %get3A_2 = arith.constant 0 : index
    %get3A_3 = arith.constant 0 : index
    %get3A_4 = vector.load %arg1[%get3A_2, %get3A_3] : memref<2000x1xf32, #tpu.memory_space<vmem>>, vector<2000x1xf32>
    %get3A_5 = arith.constant 0 : index
    %get3A_6 = arith.constant 0 : index
    %get3A_7 = vector.load %arg2[%get3A_5, %get3A_6] : memref<2000x1xf32, #tpu.memory_space<vmem>>, vector<2000x1xf32>
    %gt3A = arith.constant 0.000000e+00 : f32
    %gt3A_8 = vector.broadcast %gt3A : f32 to vector<2000x1xf32>
    %gt3A_9 = arith.cmpf ogt, %get3A_4, %gt3A_8 : vector<2000x1xf32>
    %rsqrt3A = math.rsqrt %get3A_4 : vector<2000x1xf32>
    %jit3A = arith.constant 0.000000e+00 : f32
    %broadcast_in_dim3A = vector.broadcast %jit3A : f32 to vector<2000x1xf32>
    %select_n3A = arith.select %gt3A_9, %rsqrt3A, %broadcast_in_dim3A : vector<2000x1xi1>, vector<2000x1xf32>
    %gt3A_10 = arith.constant 0.000000e+00 : f32
    %gt3A_11 = vector.broadcast %gt3A_10 : f32 to vector<2000x1xf32>
    %gt3A_12 = arith.cmpf ogt, %get3A_7, %gt3A_11 : vector<2000x1xf32>
    %rsqrt3A_13 = math.rsqrt %get3A_7 : vector<2000x1xf32>
    %jit3A_14 = arith.constant 0.000000e+00 : f32
    %broadcast_in_dim3A_15 = vector.broadcast %jit3A_14 : f32 to vector<2000x1xf32>
    %select_n3A_16 = arith.select %gt3A_12, %rsqrt3A_13, %broadcast_in_dim3A_15 : vector<2000x1xi1>, vector<2000x1xf32>
    %swap3A = arith.constant 0 : index
    %swap3A_17 = arith.constant 0 : index
    %swap3A_18 = vector.load %arg6[%swap3A, %swap3A_17] : memref<2000x1xf32, #tpu.memory_space<vmem>>, vector<2000x1xf32>
    tpu.vector_store %arg6[%swap3A, %swap3A_17], %select_n3A {strides = array<i32>} : memref<2000x1xf32, #tpu.memory_space<vmem>>, vector<2000x1xf32>,
    %swap3A_19 = arith.constant 0 : index
    %swap3A_20 = arith.constant 0 : index
    %swap3A_21 = vector.load %arg7[%swap3A_19, %swap3A_20] : memref<2000x1xf32, #tpu.memory_space<vmem>>, vector<2000x1xf32>
    tpu.vector_store %arg7[%swap3A_19, %swap3A_20], %select_n3A_16 {strides = array<i32>} : memref<2000x1xf32, #tpu.memory_space<vmem>>, vector<2000x1xf32>,
    %mul3A = vector.broadcast %select_n3A : vector<2000x1xf32> to vector<2000x64xf32>
    %mul3A_22 = arith.mulf %get3A_1, %mul3A : vector<2000x64xf32>
    %get3A_23 = arith.constant 0 : index
    %get3A_24 = arith.constant 0 : index
    %get3A_25 = vector.load %arg4[%get3A_23, %get3A_24] : memref<64x128xf32, #tpu.memory_space<vmem>>, vector<64x128xf32>
    %dot_general3A = arith.constant dense<0.000000e+00> : vector<2000x128xf32>
    %dot_general3A_26 = tpu.matmul %mul3A_22, %get3A_25, %dot_general3A {dimension_numbers = #tpu.dot_dimension_numbers<[1], [0], [0], [1], [0, 0, 1, 1], [], []>, transpose_lhs_hint = false} : vector<2000x64xf32>, vector<64x128xf32>, vector<2000x128xf32> -> vector<2000x128xf32>
    %swap3A_27 = arith.constant 0 : index
    %swap3A_28 = arith.constant 0 : index
    %swap3A_29 = vector.load %arg8[%swap3A_27, %swap3A_28] : memref<2000x128xf32, #tpu.memory_space<vmem>>, vector<2000x128xf32>
    tpu.vector_store %arg8[%swap3A_27, %swap3A_28], %dot_general3A_26 {strides = array<i32>} : memref<2000x128xf32, #tpu.memory_space<vmem>>, vector<2000x128xf32>,
    %mul3A_30 = vector.broadcast %select_n3A_16 : vector<2000x1xf32> to vector<2000x64xf32>
    %mul3A_31 = arith.mulf %get3A_1, %mul3A_30 : vector<2000x64xf32>
    %get3A_32 = arith.constant 0 : index
    %get3A_33 = arith.constant 0 : index
    %get3A_34 = vector.load %arg5[%get3A_32, %get3A_33] : memref<64x128xf32, #tpu.memory_space<vmem>>, vector<64x128xf32>
    %dot_general3A_35 = arith.constant dense<0.000000e+00> : vector<2000x128xf32>
    %dot_general3A_36 = tpu.matmul %mul3A_31, %get3A_34, %dot_general3A_35 {dimension_numbers = #tpu.dot_dimension_numbers<[1], [0], [0], [1], [0, 0, 1, 1], [], []>, transpose_lhs_hint = false} : vector<2000x64xf32>, vector<64x128xf32>, vector<2000x128xf32> -> vector<2000x128xf32>
    %swap3A_37 = arith.constant 0 : index
    %swap3A_38 = arith.constant 0 : index
    %swap3A_39 = vector.load %arg9[%swap3A_37, %swap3A_38] : memref<2000x128xf32, #tpu.memory_space<vmem>>, vector<2000x128xf32>
    tpu.vector_store %arg9[%swap3A_37, %swap3A_38], %dot_general3A_36 {strides = array<i32>} : memref<2000x128xf32, #tpu.memory_space<vmem>>, vector<2000x128xf32>,
    return
  }
  func.func @transform_0(%arg0: i32) -> (i32, i32) {
    %c0_i32 = arith.constant 0 : i32
    %c0_i32_0 = arith.constant 0 : i32
    return %arg0, %c0_i32 : i32, i32
  }
  func.func @transform_1(%arg0: i32) -> (i32, i32) {
    %c0_i32 = arith.constant 0 : i32
    %c0_i32_0 = arith.constant 0 : i32
    return %arg0, %c0_i32 : i32, i32
  }
  func.func @transform_2(%arg0: i32) -> (i32, i32) {
    %c0_i32 = arith.constant 0 : i32
    %c0_i32_0 = arith.constant 0 : i32
    return %arg0, %c0_i32 : i32, i32
  }
  func.func @transform_3(%arg0: i32) -> (i32, i32) {
    %c0_i32 = arith.constant 0 : i32
    %c0_i32_0 = arith.constant 0 : i32
    %c0_i32_1 = arith.constant 0 : i32
    return %c0_i32, %c0_i32_0 : i32, i32
  }
  func.func @transform_4(%arg0: i32) -> (i32, i32) {
    %c0_i32 = arith.constant 0 : i32
    %c0_i32_0 = arith.constant 0 : i32
    %c0_i32_1 = arith.constant 0 : i32
    return %c0_i32, %c0_i32_0 : i32, i32
  }
  func.func @transform_5(%arg0: i32) -> (i32, i32) {
    %c0_i32 = arith.constant 0 : i32
    %c0_i32_0 = arith.constant 0 : i32
    return %arg0, %c0_i32 : i32, i32
  }
  func.func @transform_6(%arg0: i32) -> (i32, i32) {
    %c0_i32 = arith.constant 0 : i32
    %c0_i32_0 = arith.constant 0 : i32
    return %arg0, %c0_i32 : i32, i32
  }
  func.func @transform_7(%arg0: i32) -> (i32, i32) {
    %c0_i32 = arith.constant 0 : i32
    %c0_i32_0 = arith.constant 0 : i32
    return %arg0, %c0_i32 : i32, i32
  }
  func.func @transform_8(%arg0: i32) -> (i32, i32) {
    %c0_i32 = arith.constant 0 : i32
    %c0_i32_0 = arith.constant 0 : i32
    return %arg0, %c0_i32 : i32, i32
  }
}

module attributes {stable_mosaic.version = 14 : i64} {
  func.func @_final_body(%arg0: i32, %arg1: memref<2000x128xf32, #tpu.memory_space<vmem>>, %arg2: memref<2000x128xf32, #tpu.memory_space<vmem>>, %arg3: memref<2000x20xf32, #tpu.memory_space<vmem>>, %arg4: memref<2000x20xf32, #tpu.memory_space<vmem>>, %arg5: memref<2000x1xf32, #tpu.memory_space<vmem>>, %arg6: memref<2000x1xf32, #tpu.memory_space<vmem>>, %arg7: memref<2000x64xf32, #tpu.memory_space<vmem>>, %arg8: memref<1x64xf32, #tpu.memory_space<vmem>>, %arg9: memref<20x64xf32, #tpu.memory_space<vmem>>, %arg10: memref<20x64xf32, #tpu.memory_space<vmem>>, %arg11: memref<64x128xf32, #tpu.memory_space<vmem>>, %arg12: memref<64x128xf32, #tpu.memory_space<vmem>>, %arg13: memref<64x128xf32, #tpu.memory_space<vmem>>, %arg14: memref<1x128xf32, #tpu.memory_space<vmem>>, %arg15: memref<40x64xf32, #tpu.memory_space<vmem>>, %arg16: memref<64x128xf32, #tpu.memory_space<vmem>>, %arg17: memref<2000x128xf32, #tpu.memory_space<vmem>>, %arg18: memref<40x128xf32, #tpu.memory_space<vmem>>) attributes {dimension_semantics = [#tpu.dimension_semantics<arbitrary>], iteration_bounds = array<i64: 25>, scalar_prefetch = 0 : i64, scratch_operands = 0 : i64, tpu.core_type = #tpu.core_type<tc>, window_params = [{transform_indices = @transform_0, window_bounds = array<i64: 2000, 128>}, {transform_indices = @transform_1, window_bounds = array<i64: 2000, 128>}, {transform_indices = @transform_2, window_bounds = array<i64: 2000, 20>}, {transform_indices = @transform_3, window_bounds = array<i64: 2000, 20>}, {transform_indices = @transform_4, window_bounds = array<i64: 2000, 1>}, {transform_indices = @transform_5, window_bounds = array<i64: 2000, 1>}, {transform_indices = @transform_6, window_bounds = array<i64: 2000, 64>}, {pipeline_mode = #tpu.pipeline_mode<synchronous>, transform_indices = @transform_7, window_bounds = array<i64: 1, 64>}, {pipeline_mode = #tpu.pipeline_mode<synchronous>, transform_indices = @transform_8, window_bounds = array<i64: 20, 64>}, {pipeline_mode = #tpu.pipeline_mode<synchronous>, transform_indices = @transform_9, window_bounds = array<i64: 20, 64>}, {pipeline_mode = #tpu.pipeline_mode<synchronous>, transform_indices = @transform_10, window_bounds = array<i64: 64, 128>}, {pipeline_mode = #tpu.pipeline_mode<synchronous>, transform_indices = @transform_11, window_bounds = array<i64: 64, 128>}, {pipeline_mode = #tpu.pipeline_mode<synchronous>, transform_indices = @transform_12, window_bounds = array<i64: 64, 128>}, {pipeline_mode = #tpu.pipeline_mode<synchronous>, transform_indices = @transform_13, window_bounds = array<i64: 1, 128>}, {pipeline_mode = #tpu.pipeline_mode<synchronous>, transform_indices = @transform_14, window_bounds = array<i64: 40, 64>}, {pipeline_mode = #tpu.pipeline_mode<synchronous>, transform_indices = @transform_15, window_bounds = array<i64: 64, 128>}, {transform_indices = @transform_16, window_bounds = array<i64: 2000, 128>}, {pipeline_mode = #tpu.pipeline_mode<synchronous>, transform_indices = @transform_17, window_bounds = array<i64: 40, 128>}]} {
    %get3A = arith.constant 0 : index
    %get3A_0 = arith.constant 0 : index
    %get3A_1 = vector.load %arg9[%get3A, %get3A_0] : memref<20x64xf32, #tpu.memory_space<vmem>>, vector<20x64xf32>
    %get3A_2 = arith.constant 0 : index
    %get3A_3 = arith.constant 0 : index
    %get3A_4 = vector.load %arg11[%get3A_2, %get3A_3] : memref<64x128xf32, #tpu.memory_space<vmem>>, vector<64x128xf32>
    %dot_general3A = arith.constant dense<0.000000e+00> : vector<20x128xf32>
    %dot_general3A_5 = tpu.matmul %get3A_1, %get3A_4, %dot_general3A {dimension_numbers = #tpu.dot_dimension_numbers<[1], [0], [0], [1], [0, 0, 1, 1], [], []>, transpose_lhs_hint = false} : vector<20x64xf32>, vector<64x128xf32>, vector<20x128xf32> -> vector<20x128xf32>
    %get3A_6 = arith.constant 0 : index
    %get3A_7 = arith.constant 0 : index
    %get3A_8 = vector.load %arg10[%get3A_6, %get3A_7] : memref<20x64xf32, #tpu.memory_space<vmem>>, vector<20x64xf32>
    %get3A_9 = arith.constant 0 : index
    %get3A_10 = arith.constant 0 : index
    %get3A_11 = vector.load %arg12[%get3A_9, %get3A_10] : memref<64x128xf32, #tpu.memory_space<vmem>>, vector<64x128xf32>
    %dot_general3A_12 = arith.constant dense<0.000000e+00> : vector<20x128xf32>
    %dot_general3A_13 = tpu.matmul %get3A_8, %get3A_11, %dot_general3A_12 {dimension_numbers = #tpu.dot_dimension_numbers<[1], [0], [0], [1], [0, 0, 1, 1], [], []>, transpose_lhs_hint = false} : vector<20x64xf32>, vector<64x128xf32>, vector<20x128xf32> -> vector<20x128xf32>
    %get3A_14 = arith.constant 0 : index
    %get3A_15 = arith.constant 0 : index
    %get3A_16 = vector.load %arg1[%get3A_14, %get3A_15] : memref<2000x128xf32, #tpu.memory_space<vmem>>, vector<2000x128xf32>
    %get3A_17 = arith.constant 0 : index
    %get3A_18 = arith.constant 0 : index
    %get3A_19 = vector.load %arg3[%get3A_17, %get3A_18] : memref<2000x20xf32, #tpu.memory_space<vmem>>, vector<2000x20xf32>
    %dot_general3A_20 = arith.constant dense<0.000000e+00> : vector<2000x128xf32>
    %dot_general3A_21 = tpu.matmul %get3A_19, %dot_general3A_5, %dot_general3A_20 {dimension_numbers = #tpu.dot_dimension_numbers<[1], [0], [0], [1], [0, 0, 1, 1], [], []>, transpose_lhs_hint = false} : vector<2000x20xf32>, vector<20x128xf32>, vector<2000x128xf32> -> vector<2000x128xf32>
    %sub3A = arith.subf %get3A_16, %dot_general3A_21 : vector<2000x128xf32>
    %get3A_22 = arith.constant 0 : index
    %get3A_23 = arith.constant 0 : index
    %get3A_24 = vector.load %arg5[%get3A_22, %get3A_23] : memref<2000x1xf32, #tpu.memory_space<vmem>>, vector<2000x1xf32>
    %mul3A = vector.broadcast %get3A_24 : vector<2000x1xf32> to vector<2000x128xf32>
    %mul3A_25 = arith.mulf %sub3A, %mul3A : vector<2000x128xf32>
    %get3A_26 = arith.constant 0 : index
    %get3A_27 = arith.constant 0 : index
    %get3A_28 = vector.load %arg2[%get3A_26, %get3A_27] : memref<2000x128xf32, #tpu.memory_space<vmem>>, vector<2000x128xf32>
    %get3A_29 = arith.constant 0 : index
    %get3A_30 = arith.constant 0 : index
    %get3A_31 = vector.load %arg4[%get3A_29, %get3A_30] : memref<2000x20xf32, #tpu.memory_space<vmem>>, vector<2000x20xf32>
    %dot_general3A_32 = arith.constant dense<0.000000e+00> : vector<2000x128xf32>
    %dot_general3A_33 = tpu.matmul %get3A_31, %dot_general3A_13, %dot_general3A_32 {dimension_numbers = #tpu.dot_dimension_numbers<[1], [0], [0], [1], [0, 0, 1, 1], [], []>, transpose_lhs_hint = false} : vector<2000x20xf32>, vector<20x128xf32>, vector<2000x128xf32> -> vector<2000x128xf32>
    %sub3A_34 = arith.subf %get3A_28, %dot_general3A_33 : vector<2000x128xf32>
    %get3A_35 = arith.constant 0 : index
    %get3A_36 = arith.constant 0 : index
    %get3A_37 = vector.load %arg6[%get3A_35, %get3A_36] : memref<2000x1xf32, #tpu.memory_space<vmem>>, vector<2000x1xf32>
    %mul3A_38 = vector.broadcast %get3A_37 : vector<2000x1xf32> to vector<2000x128xf32>
    %mul3A_39 = arith.mulf %sub3A_34, %mul3A_38 : vector<2000x128xf32>
    %add3A = arith.addf %mul3A_25, %mul3A_39 : vector<2000x128xf32>
    %get3A_40 = arith.constant 0 : index
    %get3A_41 = arith.constant 0 : index
    %get3A_42 = vector.load %arg7[%get3A_40, %get3A_41] : memref<2000x64xf32, #tpu.memory_space<vmem>>, vector<2000x64xf32>
    %get3A_43 = arith.constant 0 : index
    %get3A_44 = arith.constant 0 : index
    %get3A_45 = vector.load %arg8[%get3A_43, %get3A_44] : memref<1x64xf32, #tpu.memory_space<vmem>>, vector<1x64xf32>
    %sub3A_46 = vector.broadcast %get3A_45 : vector<1x64xf32> to vector<2000x64xf32>
    %sub3A_47 = arith.subf %get3A_42, %sub3A_46 : vector<2000x64xf32>
    %get3A_48 = arith.constant 0 : index
    %get3A_49 = arith.constant 0 : index
    %get3A_50 = vector.load %arg13[%get3A_48, %get3A_49] : memref<64x128xf32, #tpu.memory_space<vmem>>, vector<64x128xf32>
    %dot_general3A_51 = arith.constant dense<0.000000e+00> : vector<2000x128xf32>
    %dot_general3A_52 = tpu.matmul %sub3A_47, %get3A_50, %dot_general3A_51 {dimension_numbers = #tpu.dot_dimension_numbers<[1], [0], [0], [1], [0, 0, 1, 1], [], []>, transpose_lhs_hint = false} : vector<2000x64xf32>, vector<64x128xf32>, vector<2000x128xf32> -> vector<2000x128xf32>
    %add3A_53 = arith.addf %add3A, %dot_general3A_52 : vector<2000x128xf32>
    %mul3A_54 = arith.constant 0.333333343 : f32
    %mul3A_55 = vector.broadcast %mul3A_54 : f32 to vector<2000x128xf32>
    %mul3A_56 = arith.mulf %add3A_53, %mul3A_55 : vector<2000x128xf32>
    %get3A_57 = arith.constant 0 : index
    %get3A_58 = arith.constant 0 : index
    %get3A_59 = vector.load %arg14[%get3A_57, %get3A_58] : memref<1x128xf32, #tpu.memory_space<vmem>>, vector<1x128xf32>
    %add3A_60 = vector.broadcast %get3A_59 : vector<1x128xf32> to vector<2000x128xf32>
    %add3A_61 = arith.addf %mul3A_56, %add3A_60 : vector<2000x128xf32>
    %tanh3A = math.tanh %add3A_61 : vector<2000x128xf32>
    %swap3A = arith.constant 0 : index
    %swap3A_62 = arith.constant 0 : index
    %swap3A_63 = vector.load %arg17[%swap3A, %swap3A_62] : memref<2000x128xf32, #tpu.memory_space<vmem>>, vector<2000x128xf32>
    tpu.vector_store %arg17[%swap3A, %swap3A_62], %tanh3A {strides = array<i32>} : memref<2000x128xf32, #tpu.memory_space<vmem>>, vector<2000x128xf32>,
    %get3A_64 = arith.constant 0 : index
    %get3A_65 = arith.constant 0 : index
    %get3A_66 = vector.load %arg15[%get3A_64, %get3A_65] : memref<40x64xf32, #tpu.memory_space<vmem>>, vector<40x64xf32>
    %get3A_67 = arith.constant 0 : index
    %get3A_68 = arith.constant 0 : index
    %get3A_69 = vector.load %arg16[%get3A_67, %get3A_68] : memref<64x128xf32, #tpu.memory_space<vmem>>, vector<64x128xf32>
    %dot_general3A_70 = arith.constant dense<0.000000e+00> : vector<40x128xf32>
    %dot_general3A_71 = tpu.matmul %get3A_66, %get3A_69, %dot_general3A_70 {dimension_numbers = #tpu.dot_dimension_numbers<[1], [0], [0], [1], [0, 0, 1, 1], [], []>, transpose_lhs_hint = false} : vector<40x64xf32>, vector<64x128xf32>, vector<40x128xf32> -> vector<40x128xf32>
    %swap3A_72 = arith.constant 0 : index
    %swap3A_73 = arith.constant 0 : index
    %swap3A_74 = vector.load %arg18[%swap3A_72, %swap3A_73] : memref<40x128xf32, #tpu.memory_space<vmem>>, vector<40x128xf32>
    tpu.vector_store %arg18[%swap3A_72, %swap3A_73], %dot_general3A_71 {strides = array<i32>} : memref<40x128xf32, #tpu.memory_space<vmem>>, vector<40x128xf32>,
    return
  }
  func.func @transform_0(%arg0: i32) -> (i32, i32) {
    %c0_i32 = arith.constant 0 : i32
    %c0_i32_0 = arith.constant 0 : i32
    return %arg0, %c0_i32 : i32, i32
  }
  func.func @transform_1(%arg0: i32) -> (i32, i32) {
    %c0_i32 = arith.constant 0 : i32
    %c0_i32_0 = arith.constant 0 : i32
    return %arg0, %c0_i32 : i32, i32
  }
  func.func @transform_2(%arg0: i32) -> (i32, i32) {
    %c0_i32 = arith.constant 0 : i32
    %c0_i32_0 = arith.constant 0 : i32
    return %arg0, %c0_i32 : i32, i32
  }
  func.func @transform_3(%arg0: i32) -> (i32, i32) {
    %c0_i32 = arith.constant 0 : i32
    %c0_i32_0 = arith.constant 0 : i32
    return %arg0, %c0_i32 : i32, i32
  }
  func.func @transform_4(%arg0: i32) -> (i32, i32) {
    %c0_i32 = arith.constant 0 : i32
    %c0_i32_0 = arith.constant 0 : i32
    return %arg0, %c0_i32 : i32, i32
  }
  func.func @transform_5(%arg0: i32) -> (i32, i32) {
    %c0_i32 = arith.constant 0 : i32
    %c0_i32_0 = arith.constant 0 : i32
    return %arg0, %c0_i32 : i32, i32
  }
  func.func @transform_6(%arg0: i32) -> (i32, i32) {
    %c0_i32 = arith.constant 0 : i32
    %c0_i32_0 = arith.constant 0 : i32
    return %arg0, %c0_i32 : i32, i32
  }
  func.func @transform_7(%arg0: i32) -> (i32, i32) {
    %c0_i32 = arith.constant 0 : i32
    %c0_i32_0 = arith.constant 0 : i32
    %c0_i32_1 = arith.constant 0 : i32
    return %c0_i32, %c0_i32_0 : i32, i32
  }
  func.func @transform_8(%arg0: i32) -> (i32, i32) {
    %c0_i32 = arith.constant 0 : i32
    %c0_i32_0 = arith.constant 0 : i32
    %c0_i32_1 = arith.constant 0 : i32
    return %c0_i32, %c0_i32_0 : i32, i32
  }
  func.func @transform_9(%arg0: i32) -> (i32, i32) {
    %c0_i32 = arith.constant 0 : i32
    %c0_i32_0 = arith.constant 0 : i32
    %c0_i32_1 = arith.constant 0 : i32
    return %c0_i32, %c0_i32_0 : i32, i32
  }
  func.func @transform_10(%arg0: i32) -> (i32, i32) {
    %c0_i32 = arith.constant 0 : i32
    %c0_i32_0 = arith.constant 0 : i32
    %c0_i32_1 = arith.constant 0 : i32
    return %c0_i32, %c0_i32_0 : i32, i32
  }
  func.func @transform_11(%arg0: i32) -> (i32, i32) {
    %c0_i32 = arith.constant 0 : i32
    %c0_i32_0 = arith.constant 0 : i32
    %c0_i32_1 = arith.constant 0 : i32
    return %c0_i32, %c0_i32_0 : i32, i32
  }
  func.func @transform_12(%arg0: i32) -> (i32, i32) {
    %c0_i32 = arith.constant 0 : i32
    %c0_i32_0 = arith.constant 0 : i32
    %c0_i32_1 = arith.constant 0 : i32
    return %c0_i32, %c0_i32_0 : i32, i32
  }
  func.func @transform_13(%arg0: i32) -> (i32, i32) {
    %c0_i32 = arith.constant 0 : i32
    %c0_i32_0 = arith.constant 0 : i32
    %c0_i32_1 = arith.constant 0 : i32
    return %c0_i32, %c0_i32_0 : i32, i32
  }
  func.func @transform_14(%arg0: i32) -> (i32, i32) {
    %c0_i32 = arith.constant 0 : i32
    %c0_i32_0 = arith.constant 0 : i32
    %c0_i32_1 = arith.constant 0 : i32
    return %c0_i32, %c0_i32_0 : i32, i32
  }
  func.func @transform_15(%arg0: i32) -> (i32, i32) {
    %c0_i32 = arith.constant 0 : i32
    %c0_i32_0 = arith.constant 0 : i32
    %c0_i32_1 = arith.constant 0 : i32
    return %c0_i32, %c0_i32_0 : i32, i32
  }
  func.func @transform_16(%arg0: i32) -> (i32, i32) {
    %c0_i32 = arith.constant 0 : i32
    %c0_i32_0 = arith.constant 0 : i32
    return %arg0, %c0_i32 : i32, i32
  }
  func.func @transform_17(%arg0: i32) -> (i32, i32) {
    %c0_i32 = arith.constant 0 : i32
    %c0_i32_0 = arith.constant 0 : i32
    %c0_i32_1 = arith.constant 0 : i32
    return %c0_i32, %c0_i32_0 : i32, i32
  }
}

</mosaic_0001>

<sc_bundles>
// kernel: kernel.12.cloned.1.call-start
scs
__scs_entry_jumppad:
0x0: {  	(pc) =	sbr.rel $0x88, $3  }
0x1: {  	(tag) =	ssettag $0x0;
	lr =	simm.s32 $0x1  }
0x2: {  	[smem:$0x3F91] =	sst lr;
	_ =	strace $0xD0000000  }
0x3: {  	_ = 	snop  }
0x4: {  	_ = 	snop  }
0x5: {  	_ = 	snop  }
0x6: {  	_ = 	snop  }
0x7: {  	_ = 	snop  }
__scs_overlays_trampoline_lowered:
0x8: {  	[smem:$0x3FA0] =	sst s0  }
0x9: {  	[smem:$0x3FA1] =	sst s1  }
0xa: {  	[smem:$0x3FA2] =	sst s2  }
0xb: {  	[smem:$0x3FA3] =	sst s3  }
0xc: {  	[smem:$0x3FA4] =	sst s4  }
0xd: {  	[smem:$0x3FA5] =	sst s5  }
0xe: {  	[smem:$0x3FA6] =	sst s6  }
0xf: {  	[smem:$0x3FA7] =	sst s7  }
0x10: {  	[smem:$0x3FA8] =	sst s8  }
0x11: {  	[smem:$0x3FA9] =	sst s9;
	s0 =	simm.s32 @!p0 $0x0  }
0x12: {  	s1 =	sld [smem:$0x3F8F];
	s0 =	simm.s32 @p0 $0x1  }
0x13: {  	[smem:$0x3FAA] =	sst s0;
	s0 =	simm.s32 @!p1 $0x0  }
0x14: {  	s2 =	sld [smem:$0x3F8E];
	s0 =	simm.s32 @p1 $0x1  }
0x15: {  	[smem:$0x3FAB] =	sst s0;
	s0 =	simm.s32 @!p2 $0x0  }
0x16: {  	s3 =	sld [smem:$0x3FDB];
	s0 =	simm.s32 @p2 $0x1  }
0x17: {  	s4 =	simm.s32 $0x1BF5;
	[smem:$0x3FAD] =	sst s0  }
0x18: {  	s0 =	sld [smem:$0x3F90];
	_ =	swait.ge [sflag:s4], $0x0  }
0x19: {  	s7 =	sld [smem:$0x3F91]  }
0x1a: {  	s8 =	sadd.s32 $0xFFFFE003, lr  }
0x1b: {  	s9 =	sadd.s32 $0xFFFFFEF7, lr;
	s5 =	simm.s32 $0xFFFFFFFF;
	p2 =	slt.u32 s8, $0xFFFFF086  }
0x1c: {  	p1 =	slt.u32 s9, $0xF7A;
	s5 =	simm.s32 @!p2 $0x0  }
0x1d: {  	s5 =	simm.s32 @p1 $0x1;
	p0 =	seq.s32 s7, s2  }
0x1e: {  	s7 =	smul.u32 @!p0 $0xF7A, s2;
	p2 =	seq.s32 @!p0 s5, $0x0  }
0x1f: {  	s9 =	smul.u32 $0xF7A, s1;
	s8 =	simm.s32 @!p0 $0x1BF5;
	p2 =	por !p2, p0  }
0x20: {  	[sflag:s8] =	ssyncset.s32 @!p0 $0xFFFFF086;
	s6 =	sadd.s32 @!p0 s3, s7;
	s7 =	simm.s32 @!p0 $0x108  }
0x21: {  	s3 =	sadd.s32 s3, s9;
	s6 =	sadd.s32 @!p0 $0x88, s6;
	s7 =	simm.s32 @p2 $0x1082  }
0x22: {  	[simem:s7], [sflag:s8] =	dma.local @!p0 [hbm:s6], $0xF7A  }
0x23: {  	s9 =	sor.u32 $0xD0000000, s2;
	s6 =	simm.s32 $0x108;
	_ =	swait.ge @!p0 [sflag:s8], $0x0  }
0x24: {  	s3 =	sadd.s32 $0x88, s3;
	s6 =	simm.s32 @!p1 $0x1082;
	[sflag:s4] =	ssyncset.s32 $0xFFFFF086  }
0x25: {  	[simem:s6], [sflag:s4] =	dma.local [hbm:s3], $0xF7A  }
0x26: {  	[smem:$0x3F91] =	sst s1;
	(tag) =	ssettag s2;
	_ =	strace s9  }
0x27: {  	s1 =	sld [smem:$0x3FA1]  }
0x28: {  	s2 =	sld [smem:$0x3FA2]  }
0x29: {  	s4 =	sld [smem:$0x3FA4]  }
0x2a: {  	p0 =	seq.s32 s5, $0x0;
	s5 =	sld [smem:$0x3FA5]  }
0x2b: {  	s6 =	sld [smem:$0x3FA6]  }
0x2c: {  	s7 =	sld [smem:$0x3FA7]  }
0x2d: {  	s3 =	simm.s32 $0x108;
	s8 =	sld [smem:$0x3FA8]  }
0x2e: {  	s3 =	simm.s32 @!p0 $0x1082;
	s9 =	sld [smem:$0x3FA9]  }
0x2f: {  	lr =	sadd.s32 s0, s3;
	s0 =	sld [smem:$0x3FA0]  }
0x30: {  	s3 =	sld [smem:$0x3FA3]  }
0x31: {  	[smem:$0x3FAC] =	sst s10  }
0x32: {  	s10 =	sld [smem:$0x3FAA];
	_ =	sdelay $0x3  }
0x33: {  	p0 =	seq.s32 s10, $0x1;
	s10 =	sld [smem:$0x3FAC];
	_ =	sdelay $0x3  }
0x34: {  	[smem:$0x3FAC] =	sst s10  }
0x35: {  	s10 =	sld [smem:$0x3FAB];
	_ =	sdelay $0x3  }
0x36: {  	p1 =	seq.s32 s10, $0x1;
	s10 =	sld [smem:$0x3FAC];
	_ =	sdelay $0x3  }
0x37: {  	[smem:$0x3FAC] =	sst s10  }
0x38: {  	s10 =	sld [smem:$0x3FAD]  }
0x39: {  	_ = 	snop;
	(pc) =	sbr.ind lr, $3  }
0x3a: {  	_ = 	snop  }
0x3b: {  	_ = 	snop  }
0x3c: {  	p2 =	seq.s32 s10, $0x1;
	s10 =	sld [smem:$0x3FAC]  }
0x3d: {  	_ =	shalt  }
0x3e: {  	_ =	shalt  }
0x3f: {  	_ =	shalt  }
0x40: {  	_ =	shalt  }
0x41: {  	_ =	shalt  }
0x42: {  	_ =	shalt  }
0x43: {  	_ =	shalt  }
0x44: {  	_ =	shalt  }
0x45: {  	_ =	shalt  }
0x46: {  	_ =	shalt  }
0x47: {  	_ =	shalt  }
0x48: {  	_ =	shalt  }
0x49: {  	_ =	shalt  }
0x4a: {  	_ =	shalt  }
0x4b: {  	_ =	shalt  }
0x4c: {  	_ =	shalt  }
0x4d: {  	_ =	shalt  }
0x4e: {  	_ =	shalt  }
0x4f: {  	_ =	shalt  }
0x50: {  	_ =	shalt  }
0x51: {  	_ =	shalt  }
0x52: {  	_ =	shalt  }
0x53: {  	_ =	shalt  }
0x54: {  	_ =	shalt  }
0x55: {  	_ =	shalt  }
0x56: {  	_ =	shalt  }
0x57: {  	_ =	shalt  }
0x58: {  	_ =	shalt  }
0x59: {  	_ =	shalt  }
0x5a: {  	_ =	shalt  }
0x5b: {  	_ =	shalt  }
0x5c: {  	_ =	shalt  }
0x5d: {  	_ =	shalt  }
0x5e: {  	_ =	shalt  }
0x5f: {  	_ =	shalt  }
0x60: {  	_ =	shalt  }
0x61: {  	_ =	shalt  }
0x62: {  	_ =	shalt  }
0x63: {  	_ =	shalt  }
0x64: {  	_ =	shalt  }
0x65: {  	_ =	shalt  }
0x66: {  	_ =	shalt  }
0x67: {  	_ =	shalt  }
0x68: {  	_ =	shalt  }
0x69: {  	_ =	shalt  }
0x6a: {  	_ =	shalt  }
0x6b: {  	_ =	shalt  }
0x6c: {  	_ =	shalt  }
0x6d: {  	_ =	shalt  }
0x6e: {  	_ =	shalt  }
0x6f: {  	_ =	shalt  }
0x70: {  	_ =	shalt  }
0x71: {  	_ =	shalt  }
0x72: {  	_ =	shalt  }
0x73: {  	_ =	shalt  }
0x74: {  	_ =	shalt  }
0x75: {  	_ =	shalt  }
0x76: {  	_ =	shalt  }
0x77: {  	_ =	shalt  }
0x78: {  	_ =	shalt  }
0x79: {  	_ =	shalt  }
0x7a: {  	_ =	shalt  }
0x7b: {  	_ =	shalt  }
0x7c: {  	_ =	shalt  }
0x7d: {  	_ =	shalt  }
0x7e: {  	_ =	shalt  }
0x7f: {  	_ =	shalt  }
0x80: {  	_ =	shalt  }
0x81: {  	_ =	shalt  }
0x82: {  	_ =	shalt  }
0x83: {  	_ =	shalt  }
0x84: {  	_ =	shalt  }
0x85: {  	_ =	shalt  }
0x86: {  	_ =	shalt  }
0x87: {  	_ =	shalt  }
.Lfunc_end0:
.L_simem_size_0:
called_computation.1_lowered:
.L_overlay_start_0:
0x88: {  	s2 =	sld [smem:$0x3FD9]  }
0x89: {  	s3 =	sld [smem:$0x3FFE];
	_ =	sdelay $0x1  }
0x8a: {  	s1 =	srdreg.scid  }
0x8b: {  	s0 =	sand.u32 $0x1, s1  }
0x8c: {  	s15 =	sshll.u32 s0, $0xA;
	s2 =	sadd.s32 s3, s2  }
0x8d: {  	s2 =	sadd.s32 s2, s15  }
0x8e: {  	[smem:$0x3FB8] =	sst s2  }
0x8f: {  	_ = 	snop  }
0x90: {  	s2 =	sld [smem:$0x3FD0];
	_ =	sdelay $0x2  }
0x91: {  	s16 =	simm.s32 $0xB;
	s4 =	simm.s32 $0x10  }
0x92: {  	[smem:s4], [sflag:s16] =	dma.local [hbm:s2], $0x1  }
0x93: {  	_ =	swait.eq [sflag:s16], $0x1  }
0x94: {  	[sflag:s16] =	ssyncset.done $0x0  }
0x95: {  	[sflag:s16] =	ssyncadd.s32 $0xFFFFFFFF  }
0x96: {  	s17 =	sld [smem:$0x10];
	(tm) =	ssettm $0x1  }
0x97: {  	s18 =	sld [smem:$0x3FFB];
	_ =	sdelay $0x3  }
0x98: {  	_ =	strace s18  }
0x99: {  	s2 =	sld [smem:$0x3FFC];
	_ =	sdelay $0x3  }
0x9a: {  	_ =	strace s2  }
0x9b: {  	s2 =	sld [smem:$0x3FFD];
	_ =	sdelay $0x3  }
0x9c: {  	_ =	strace s2  }
0x9d: {  	_ =	strace $0x8FFFFFFF  }
0x9e: {  	s19 =	sld [smem:$0x3FDB];
	_ =	sdelay $0x1  }
0x9f: {  	s20 =	simm.s32 $_scs_section_size  }
0xa0: {  	s5 =	simm.s32 $_size__tile_overlayer_lowered;
	s6 =	simm.s32 $_tile_overlayer_lowered  }
0xa1: {  	s7 =	simm.s32 $0x1BFF;
	s21 =	sshll.u32 s6, $0x1;
	s4 =	sadd.s32 s20, s19  }
0xa2: {  	s22 =	simm.s32 $0x0;
	s5 =	sshll.u32 s5, $0x1;
	s6 =	sadd.s32 s21, s4  }
0xa3: {  	[timem:s22], [sflag:s7] =	dma.local [hbm:s6], s5  }
0xa4: {  	_ =	swait.ge [sflag:s7], s5  }
0xa5: {  	s5 =	ssub.s32 $0x0, s5;
	[sflag:s7] =	ssyncset.done $0x0  }
0xa6: {  	[sflag:s7] =	ssyncadd.s32 s5;
	_ =	sdelay $0x1  }
0xa7: {  	s23 =	simm.s32 $0x1B8B  }
0xa8: {  	_ =	swait.ge [sflag:s23], $0x1  }
0xa9: {  	[sflag:s23] =	ssyncset.done $0x0  }
0xaa: {  	[sflag:s23] =	ssyncadd.s32 $0xFFFFFFFF  }
0xab: {  	s5 =	sld [smem:$0x0]  }
0xac: {  	s6 =	sand.u32 $0xFFFFFFFE, s1  }
0xad: {  	p0 =	sne.s32 s1, s6  }
0xae: {  	s6 =	sshll.u32 @p0 s6, $0xE  }
0xaf: {  	s6 =	sadd.s32 @p0 $0x11B8D, s6;
	s7 =	sshll.u32 @p0 s5, $0x11  }
0xb0: {  	s6 =	sor.u32 @p0 s7, s6  }
0xb1: {  	[sflag:s6] =	ssyncadd.remote.s32 @p0 $0x1;
	_ =	sdelay $0x1  }
0xb2: {  	s6 =	simm.s32 @p0 $0x1B8D  }
0xb3: {  	_ =	swait.eq @p0 [sflag:s6], $0x1  }
0xb4: {  	[sflag:s6] =	ssyncadd.s32 @p0 $0xFFFFFFFF  }
0xb5: {  	s7 =	sshll.u32 @!p0 s1, $0xE  }
0xb6: {  	s7 =	sor.u32 @!p0 $0x4000, s7;
	s6 =	simm.s32 @!p0 $0x1B8D  }
0xb7: {  	s5 =	sshll.u32 @!p0 s5, $0x11;
	s7 =	sadd.s32 @!p0 $0x11B8D, s7;
	_ =	swait.eq @!p0 [sflag:s6], $0x1  }
0xb8: {  	s5 =	sor.u32 @!p0 s5, s7;
	[sflag:s6] =	ssyncadd.s32 @!p0 $0xFFFFFFFF  }
0xb9: {  	s25 =	simm.s32 $0x1B8E;
	s24 =	sld [smem:$0x3FFE];
	[sflag:s5] =	ssyncadd.remote.s32 @!p0 $0x1  }
0xba: {  	s26 =	simm.s32 $execute0_lowered;
	[smem:$0x3FD2] =	sst s25  }
0xbb: {  	s6 =	sshll.u32 s26, $0x1;
	_ =	strace $0x8000004C;
	[dreg:$0x1] =	wrdreg $0xFFFFFFFF  }
0xbc: {  	s28 =	simm.s32 $_size_execute0_lowered;
	s4 =	sadd.s32 s4, s6;
	[dreg:$0x0] =	wrdreg $0x0  }
0xbd: {  	s6 =	sshll.u32 s28, $0x1;
	[dreg:$0x2] =	wrdreg s4  }
0xbe: {  	[dreg:$0x3] =	wrdreg s6  }
0xbf: {  	[dreg:$0x4] =	wrdreg $0xC0  }
0xc0: {  	_ =	task [dreg:s22], $0x5FFFF  }
0xc1: {  	[dreg:$0x1] =	wrdreg $0xFFFFFFFF  }
0xc2: {  	[dreg:$0x0] =	wrdreg $0x60  }
0xc3: {  	[dreg:$0x2] =	wrdreg s24  }
0xc4: {  	[dreg:$0x3] =	wrdreg s17  }
0xc5: {  	[dreg:$0x4] =	wrdreg $0xA3000  }
0xc6: {  	[dreg:$0x5] =	wrdreg $0x9  }
0xc7: {  	_ =	task.clear_ibuf [dreg:s22], $0x6FFFF;
	_ =	strace $0x9000004C  }
0xc8: {  	s29 =	simm.s32 $0x9;
	_ =	strace $0x8000004E  }
0xc9: {  	_ =	swait.ge [sflag:s29], $0x1  }
0xca: {  	[sflag:s29] =	ssyncadd.s32 $0xFFFFFFFF  }
0xcb: {  	_ =	strace $0x9000004E  }
0xcc: {  	_ =	sfence  }
0xcd: {  	s30 =	sld [smem:$0x0];
	_ =	sdelay $0x2  }
0xce: {  	s31 =	sshll.u32 s1, $0xD;
	s1 =	sshrl.u32 s1, $0x2  }
0xcf: {  	s4 =	sand.u32 $0x4000, s31;
	s1 =	sadd.s32 s1, s30  }
0xd0: {  	s0 =	sor.u32 s4, s0;
	s1 =	sshll.u32 s1, $0x11  }
0xd1: {  	s0 =	sor.u32 s1, s0  }
0xd2: {  	s0 =	sadd.s32 $0x8F2B, s0  }
0xd3: {  	[sflag:s0] =	ssyncadd.remote.s32 $0x1  }
0xd4: {  	_ =	sfence.sel $0xFFFF  }
0xd5: {  	[dreg:$0x0] =	wrdreg $0xFFFFFFFF;
	(pc) =	sbr.abs _section_cstart, $3  }
0xd6: {  	[dreg:$0x1] =	wrdreg $0xFFFFFFFF  }
0xd7: {  	_ =	task.clear_ibuf [dreg:s22], $0x2FFFF;
	_ =	strace $0x9FFFFFFF  }
0xd8: {  	(tm) =	ssettm $0x7FFFFFFF  }
0xd9: {  	_ =	shalt  }
tec
execute0_lowered:
.L_overlay_start_1:
0x0: {  	(tag) =	ssettag $0x1  }
0x1: {  	s0 =	rddreg [dreg:$0x0]  }
0x2: {  	s1 =	srdreg.scid;
	s21 =	stileid.u32  }
0x3: {  	s2 =	rddreg [dreg:$0x1];
	s6 =	smul.u32 $0x6400, s21  }
0x4: {  	s3 =	rddreg [dreg:$0x2];
	s4 =	simm.s32 $0x0;
	s11 =	smul.u32 $0x280, s21  }
0x5: {  	s30 =	simm.s32 $0x2;
	s1 =	sand.u32 $0x1, s1;
	s12 =	smul.u32 $0x51000, s21  }
0x6: {  	s31 =	simm.s32 $0x180;
	[smem:$0x7FF] =	sst s4;
	s5 =	smul.u32 $0x64000, s1  }
0x7: {  	s10 =	sadd.s32 $0x23D400, s0;
	s8 =	smul.u32 $0xC800, s1;
	s1 =	ssub.s32 $0x2, s1  }
0x8: {  	s13 =	sadd.s32 $0x2BA400, s0;
	_ =	strace $0x8000004D;
	s14 =	sshrl.u32 s1, $0x1  }
0x9: {  	s6 =	sadd.s32 s6, s5;
	s5 =	sadd.s32 $0x60E200, s0;
	s8 =	sadd.s32 s11, s8  }
0xa: {  	s1 =	ssub.s32 s1, s14;
	s11 =	sshrl.u32 s12, $0x2;
	s12 =	smul.u32 $0x50000, s21  }
0xb: {  	s7 =	sshrl.u32 s6, $0x3;
	s8 =	sshll.u32 s8, $0x4;
	s17 =	sadd.s32 $0xC8000, s6  }
0xc: {  	s19 =	sadd.s32 $0x190000, s6;
	s9 =	sadd.s32 s7, s0;
	s0 =	sadd.s32 $0x2BB800, s0  }
0xd: {  	s20 =	sadd.s32 $0x28000, s8;
	s15 =	sadd.s32 s13, s8;
	s24 =	sadd.s32 $0x50000, s8  }
0xe: {  	s25 =	sadd.s32 $0x78000, s8;
	[dreg:$0x4] =	wrdreg s15;
	s22 =	sadd.s32 s8, s0  }
0xf: {  	s18 =	sshrl.u32 s17, $0x3;
	s23 =	sadd.s32 s13, s20;
	[dreg:$0x5] =	wrdreg s22  }
0x10: {  	s14 =	sadd.s32 s20, s0;
	s16 =	sadd.s32 s13, s24;
	[dreg:$0x6] =	wrdreg s23  }
0x11: {  	s26 =	sadd.s32 s13, s25;
	s8 =	sadd.s32 $0xA0000, s8;
	[dreg:$0x7] =	wrdreg s14  }
0x12: {  	s17 =	sadd.s32 s18, s10;
	s20 =	sadd.s32 $0x258000, s6;
	[dreg:$0x8] =	wrdreg s16  }
0x13: {  	s6 =	sadd.s32 $0x320000, s6;
	s14 =	sadd.s32 s24, s0;
	[dreg:$0xa] =	wrdreg s26  }
0x14: {  	s16 =	sadd.s32 s25, s0;
	s13 =	sadd.s32 s13, s8;
	s0 =	sadd.s32 s8, s0  }
0x15: {  	s22 =	sshrl.u32 s20, $0x3;
	s6 =	sshrl.u32 s6, $0x3;
	[dreg:$0x9] =	wrdreg s14  }
0x16: {  	s23 =	sshll.u32 s21, $0x6;
	s21 =	sadd.s32 s11, s3;
	[dreg:$0xb] =	wrdreg s16  }
0x17: {  	s24 =	sshrl.u32 s12, $0x2;
	s25 =	smax.u32 s1, $0x1;
	[dreg:$0xc] =	wrdreg s13  }
0x18: {  	s1 =	simm.s32 $0x140;
	[dreg:$0xd] =	wrdreg s0;
	s16 =	sadd.s32 s7, s10  }
0x19: {  	s0 =	sshrl.u32 s19, $0x3;
	s19 =	sadd.s32 s22, s10;
	s20 =	sadd.s32 s6, s10  }
0x1a: {  	s22 =	sor.u32 $0x1C02, s23;
	s23 =	sadd.s32 s24, s3;
	[dreg:$0xe] =	wrdreg s25  }
0x1b: {  	s25 =	sadd.s32 $0x36400, s9;
	s26 =	sadd.s32 $0x6C00, s21;
	s28 =	sadd.s32 $0xD800, s21  }
0x1c: {  	s6 =	simm.s32 $0x1;
	s7 =	simm.s32 $0x0;
	s18 =	sadd.s32 s0, s10  }
0x1d: {  	[dreg:$0xf] =	wrdreg s26;
	s29 =	sadd.s32 $0xA000, s23;
	s0 =	simm.s32 $0x300  }
.LBB2_1:
0x1e: {  	s8 =	sshrl.u32 s21, $0x3  }
0x1f: {  	[spmem:s8], [sflag:s22] =	dma.local [hbm:s2], $0xD80  }
0x20: {  	_ =	swait.ge [sflag:s30], $0xD80  }
0x21: {  	[sflag:s30] =	ssyncset.done $0x0;
	s9 =	rddreg [dreg:$0xf]  }
0x22: {  	[sflag:s30] =	ssyncadd.s32 $0xFFFFF280;
	s9 =	sshrl.u32 s9, $0x3  }
0x23: {  	[spmem:s9], [sflag:s22] =	dma.local [hbm:s2], $0xD80  }
0x24: {  	_ =	swait.ge [sflag:s30], $0xD80  }
0x25: {  	[sflag:s30] =	ssyncset.done $0x0  }
0x26: {  	s10 =	sshrl.u32 s28, $0x3;
	[sflag:s30] =	ssyncadd.s32 $0xFFFFF280  }
0x27: {  	[spmem:s10], [sflag:s22] =	dma.local [hbm:s2], $0xD80  }
0x28: {  	_ =	swait.ge [sflag:s30], $0xD80  }
0x29: {  	[sflag:s30] =	ssyncset.done $0x0  }
0x2a: {  	[sflag:s30] =	ssyncadd.s32 $0xFFFFF280  }
0x2b: {  	s11 =	sadd.s32 $0x0, s25;
	[bflag:$0x0] =	sbarrier.arrive $0xFFFF  }
0x2c: {  	[tilespmem:s4], [sflag:$0x2] =	stream.linear.gather [hbm4b:s11+s4], $0x140, $0x38;
	[tilespmem:$0x1E700] =	vst v63  }
0x2d: {  	_ =	swait.ge [sflag:s30], $0x140  }
0x2e: {  	[sflag:s30] =	ssyncset.done $0x0  }
0x2f: {  	s26 =	sadd.s32 $0x0, s16;
	[sflag:s30] =	ssyncadd.s32 $0xFFFFFEC0  }
0x30: {  	[tilespmem:s31], [sflag:$0x2] =	stream.linear.gather [hbm4b:s26+s4], $0x140, $0x38;
	[tilespmem:$0x1E700] =	vst v63  }
0x31: {  	_ =	swait.ge [sflag:s30], $0x140  }
0x32: {  	[sflag:s30] =	ssyncset.done $0x0  }
0x33: {  	[sflag:s30] =	ssyncadd.s32 $0xFFFFFEC0  }
0x34: {  	[tilespmem:s0], [sflag:$0x1] =	stream.indirect.gather [hbm4b:s5+s1], $0x80, s4, s1, $0xb8;
	[tilespmem:$0x1E700] =	vst v63  }
0x35: {  	_ =	swait.ge [sflag:s6], $0xA000  }
0x36: {  	[sflag:s6] =	ssyncset.done $0x0  }
0x37: {  	[sflag:s6] =	ssyncadd.s32 $0xFFFF6000  }
0x38: {  	[spmem:s3] =	stream.indirect.scatter.add.f32 [tilespmem:s0], [sflag:$0x2], $0x80, s31, s1, $0xb8;
	[tilespmem:$0x1E700] =	vst v63  }
0x39: {  	_ =	swait.ge [sflag:s30], $0xA000  }
0x3a: {  	s12 =	simm.s32 $0x50;
	s11 =	simm.s32 $0x28;
	[sflag:s30] =	ssyncset.done $0x0  }
.LBB2_2:
0x3b: {  	s13 =	sadd.s32 s11, s25  }
0x3c: {  	[sflag:s30] =	ssyncadd.s32 $0xFFFF6000;
	s14 =	smov.u32 s12;
	s15 =	sadd.s32 $0x28, s12  }
0x3d: {  	[tilespmem:s4], [sflag:$0x2] =	stream.linear.gather [hbm4b:s13+s4], $0x140, $0x38;
	[tilespmem:$0x1E700] =	vst v63  }
0x3e: {  	p0 =	sne.s32 s12, $0xC58;
	_ =	swait.ge [sflag:s30], $0x140  }
0x3f: {  	[sflag:s30] =	ssyncset.done $0x0  }
0x40: {  	s12 =	sadd.s32 s11, s16;
	s11 =	smov.u32 s14;
	[sflag:s30] =	ssyncadd.s32 $0xFFFFFEC0  }
0x41: {  	[tilespmem:s31], [sflag:$0x2] =	stream.linear.gather [hbm4b:s12+s4], $0x140, $0x38;
	[tilespmem:$0x1E700] =	vst v63  }
0x42: {  	_ =	swait.ge [sflag:s30], $0x140  }
0x43: {  	[sflag:s30] =	ssyncset.done $0x0  }
0x44: {  	[sflag:s30] =	ssyncadd.s32 $0xFFFFFEC0  }
0x45: {  	[tilespmem:s0], [sflag:$0x1] =	stream.indirect.gather [hbm4b:s5+s1], $0x80, s4, s1, $0xb8;
	[tilespmem:$0x1E700] =	vst v63  }
0x46: {  	_ =	swait.ge [sflag:s6], $0xA000  }
.Ltmp0:
0x47: {  	[sflag:s6] =	ssyncset.done $0x0;
	(pc) =	sbr.rel @p0 .LBB2_2-.Ltmp0, $4  }
0x48: {  	[sflag:s6] =	ssyncadd.s32 $0xFFFF6000  }
0x49: {  	[spmem:s3] =	stream.indirect.scatter.add.f32 [tilespmem:s0], [sflag:$0x2], $0x80, s31, s1, $0xb8;
	[tilespmem:$0x1E700] =	vst v63  }
0x4a: {  	_ =	swait.ge [sflag:s30], $0xA000  }
0x4b: {  	s12 =	smov.u32 s15;
	[sflag:s30] =	ssyncset.done $0x0  }
0x4c: {  	s12 =	sadd.s32 s11, s25;
	[sflag:s30] =	ssyncadd.s32 $0xFFFF6000  }
0x4d: {  	[tilespmem:s4], [sflag:$0x2] =	stream.linear.gather [hbm4b:s12+s4], $0x140, $0x38;
	[tilespmem:$0x1E700] =	vst v63  }
0x4e: {  	_ =	swait.ge [sflag:s30], $0x140  }
0x4f: {  	[sflag:s30] =	ssyncset.done $0x0  }
0x50: {  	s14 =	sadd.s32 s11, s16;
	[sflag:s30] =	ssyncadd.s32 $0xFFFFFEC0  }
0x51: {  	[tilespmem:s31], [sflag:$0x2] =	stream.linear.gather [hbm4b:s14+s4], $0x140, $0x38;
	[tilespmem:$0x1E700] =	vst v63  }
0x52: {  	_ =	swait.ge [sflag:s30], $0x140  }
0x53: {  	[sflag:s30] =	ssyncset.done $0x0  }
0x54: {  	[sflag:s30] =	ssyncadd.s32 $0xFFFFFEC0  }
0x55: {  	[tilespmem:s0], [sflag:$0x1] =	stream.indirect.gather [hbm4b:s5+s1], $0x80, s4, s1, $0xb8;
	[tilespmem:$0x1E700] =	vst v63  }
0x56: {  	_ =	swait.ge [sflag:s6], $0xA000  }
0x57: {  	[sflag:s6] =	ssyncset.done $0x0  }
0x58: {  	[sflag:s6] =	ssyncadd.s32 $0xFFFF6000  }
0x59: {  	[spmem:s3] =	stream.indirect.scatter.add.f32 [tilespmem:s0], [sflag:$0x2], $0x80, s31, s1, $0xb8;
	[tilespmem:$0x1E700] =	vst v63  }
0x5a: {  	_ =	swait.ge [sflag:s30], $0xA000  }
0x5b: {  	[sflag:s30] =	ssyncset.done $0x0  }
0x5c: {  	[sflag:s30] =	ssyncadd.s32 $0xFFFF6000  }
0x5d: {  	[bflag:$0x0] =	sbarrier.arrive $0xFFFF  }
0x5e: {  	s11 =	sshrl.u32 s23, $0x3;
	s15 =	rddreg [dreg:$0x4]  }
0x5f: {  	[hbm:s15], [sflag:s22] =	dma.local [spmem:s11], $0x1400  }
0x60: {  	_ =	swait.ge [sflag:s30], $0x1400  }
0x61: {  	[sflag:s30] =	ssyncset.done $0x0  }
0x62: {  	s12 =	sshrl.u32 s29, $0x3;
	s13 =	rddreg [dreg:$0x5];
	[sflag:s30] =	ssyncadd.s32 $0xFFFFEC00  }
0x63: {  	[hbm:s13], [sflag:s22] =	dma.local [spmem:s12], $0x1400  }
0x64: {  	_ =	swait.ge [sflag:s30], $0x1400  }
0x65: {  	[sflag:s30] =	ssyncset.done $0x0  }
0x66: {  	[sflag:s30] =	ssyncadd.s32 $0xFFFFEC00  }
0x67: {  	[spmem:s8], [sflag:s22] =	dma.local [hbm:s2], $0xD80  }
0x68: {  	_ =	swait.ge [sflag:s30], $0xD80  }
0x69: {  	[sflag:s30] =	ssyncset.done $0x0  }
0x6a: {  	[sflag:s30] =	ssyncadd.s32 $0xFFFFF280  }
0x6b: {  	[spmem:s9], [sflag:s22] =	dma.local [hbm:s2], $0xD80  }
0x6c: {  	_ =	swait.ge [sflag:s30], $0xD80  }
0x6d: {  	[sflag:s30] =	ssyncset.done $0x0  }
0x6e: {  	[sflag:s30] =	ssyncadd.s32 $0xFFFFF280  }
0x6f: {  	[spmem:s10], [sflag:s22] =	dma.local [hbm:s2], $0xD80  }
0x70: {  	_ =	swait.ge [sflag:s30], $0xD80  }
0x71: {  	[sflag:s30] =	ssyncset.done $0x0  }
0x72: {  	[sflag:s30] =	ssyncadd.s32 $0xFFFFF280  }
0x73: {  	s24 =	sadd.s32 $0x0, s25;
	[bflag:$0x0] =	sbarrier.arrive $0xFFFF  }
0x74: {  	[tilespmem:s4], [sflag:$0x2] =	stream.linear.gather [hbm4b:s24+s4], $0x140, $0x38;
	[tilespmem:$0x1E700] =	vst v63  }
0x75: {  	_ =	swait.ge [sflag:s30], $0x140  }
0x76: {  	[sflag:s30] =	ssyncset.done $0x0  }
0x77: {  	s26 =	sadd.s32 $0x0, s17;
	[sflag:s30] =	ssyncadd.s32 $0xFFFFFEC0  }
0x78: {  	[tilespmem:s31], [sflag:$0x2] =	stream.linear.gather [hbm4b:s26+s4], $0x140, $0x38;
	[tilespmem:$0x1E700] =	vst v63  }
0x79: {  	_ =	swait.ge [sflag:s30], $0x140  }
0x7a: {  	[sflag:s30] =	ssyncset.done $0x0  }
0x7b: {  	[sflag:s30] =	ssyncadd.s32 $0xFFFFFEC0  }
0x7c: {  	[tilespmem:s0], [sflag:$0x1] =	stream.indirect.gather [hbm4b:s5+s1], $0x80, s4, s1, $0xb8;
	[tilespmem:$0x1E700] =	vst v63  }
0x7d: {  	_ =	swait.ge [sflag:s6], $0xA000  }
0x7e: {  	[sflag:s6] =	ssyncset.done $0x0  }
0x7f: {  	[sflag:s6] =	ssyncadd.s32 $0xFFFF6000  }
0x80: {  	[spmem:s3] =	stream.indirect.scatter.add.f32 [tilespmem:s0], [sflag:$0x2], $0x80, s31, s1, $0xb8;
	[tilespmem:$0x1E700] =	vst v63  }
0x81: {  	_ =	swait.ge [sflag:s30], $0xA000  }
0x82: {  	s14 =	simm.s32 $0x50;
	s13 =	simm.s32 $0x28;
	[sflag:s30] =	ssyncset.done $0x0  }
.LBB2_4:
0x83: {  	s15 =	sadd.s32 s13, s25  }
0x84: {  	[sflag:s30] =	ssyncadd.s32 $0xFFFF6000;
	s24 =	smov.u32 s14;
	s26 =	sadd.s32 $0x28, s14  }
0x85: {  	[tilespmem:s4], [sflag:$0x2] =	stream.linear.gather [hbm4b:s15+s4], $0x140, $0x38;
	[tilespmem:$0x1E700] =	vst v63  }
0x86: {  	p0 =	sne.s32 s14, $0xC58;
	_ =	swait.ge [sflag:s30], $0x140  }
0x87: {  	[sflag:s30] =	ssyncset.done $0x0  }
0x88: {  	s14 =	sadd.s32 s13, s17;
	s13 =	smov.u32 s24;
	[sflag:s30] =	ssyncadd.s32 $0xFFFFFEC0  }
0x89: {  	[tilespmem:s31], [sflag:$0x2] =	stream.linear.gather [hbm4b:s14+s4], $0x140, $0x38;
	[tilespmem:$0x1E700] =	vst v63  }
0x8a: {  	_ =	swait.ge [sflag:s30], $0x140  }
0x8b: {  	[sflag:s30] =	ssyncset.done $0x0  }
0x8c: {  	[sflag:s30] =	ssyncadd.s32 $0xFFFFFEC0  }
0x8d: {  	[tilespmem:s0], [sflag:$0x1] =	stream.indirect.gather [hbm4b:s5+s1], $0x80, s4, s1, $0xb8;
	[tilespmem:$0x1E700] =	vst v63  }
0x8e: {  	_ =	swait.ge [sflag:s6], $0xA000  }
.Ltmp1:
0x8f: {  	[sflag:s6] =	ssyncset.done $0x0;
	(pc) =	sbr.rel @p0 .LBB2_4-.Ltmp1, $4  }
0x90: {  	[sflag:s6] =	ssyncadd.s32 $0xFFFF6000  }
0x91: {  	[spmem:s3] =	stream.indirect.scatter.add.f32 [tilespmem:s0], [sflag:$0x2], $0x80, s31, s1, $0xb8;
	[tilespmem:$0x1E700] =	vst v63  }
0x92: {  	_ =	swait.ge [sflag:s30], $0xA000  }
0x93: {  	s14 =	smov.u32 s26;
	[sflag:s30] =	ssyncset.done $0x0  }
0x94: {  	s14 =	sadd.s32 s13, s25;
	[sflag:s30] =	ssyncadd.s32 $0xFFFF6000  }
0x95: {  	[tilespmem:s4], [sflag:$0x2] =	stream.linear.gather [hbm4b:s14+s4], $0x140, $0x38;
	[tilespmem:$0x1E700] =	vst v63  }
0x96: {  	_ =	swait.ge [sflag:s30], $0x140  }
0x97: {  	[sflag:s30] =	ssyncset.done $0x0  }
0x98: {  	s26 =	sadd.s32 s13, s17;
	[sflag:s30] =	ssyncadd.s32 $0xFFFFFEC0  }
0x99: {  	[tilespmem:s31], [sflag:$0x2] =	stream.linear.gather [hbm4b:s26+s4], $0x140, $0x38;
	[tilespmem:$0x1E700] =	vst v63  }
0x9a: {  	_ =	swait.ge [sflag:s30], $0x140  }
0x9b: {  	[sflag:s30] =	ssyncset.done $0x0  }
0x9c: {  	[sflag:s30] =	ssyncadd.s32 $0xFFFFFEC0  }
0x9d: {  	[tilespmem:s0], [sflag:$0x1] =	stream.indirect.gather [hbm4b:s5+s1], $0x80, s4, s1, $0xb8;
	[tilespmem:$0x1E700] =	vst v63  }
0x9e: {  	_ =	swait.ge [sflag:s6], $0xA000  }
0x9f: {  	[sflag:s6] =	ssyncset.done $0x0  }
0xa0: {  	[sflag:s6] =	ssyncadd.s32 $0xFFFF6000  }
0xa1: {  	[spmem:s3] =	stream.indirect.scatter.add.f32 [tilespmem:s0], [sflag:$0x2], $0x80, s31, s1, $0xb8;
	[tilespmem:$0x1E700] =	vst v63  }
0xa2: {  	_ =	swait.ge [sflag:s30], $0xA000  }
0xa3: {  	[sflag:s30] =	ssyncset.done $0x0  }
0xa4: {  	[sflag:s30] =	ssyncadd.s32 $0xFFFF6000  }
0xa5: {  	[bflag:$0x0] =	sbarrier.arrive $0xFFFF  }
0xa6: {  	s14 =	rddreg [dreg:$0x6]  }
0xa7: {  	[hbm:s14], [sflag:s22] =	dma.local [spmem:s11], $0x1400  }
0xa8: {  	_ =	swait.ge [sflag:s30], $0x1400  }
0xa9: {  	[sflag:s30] =	ssyncset.done $0x0  }
0xaa: {  	s15 =	rddreg [dreg:$0x7];
	[sflag:s30] =	ssyncadd.s32 $0xFFFFEC00  }
0xab: {  	[hbm:s15], [sflag:s22] =	dma.local [spmem:s12], $0x1400  }
0xac: {  	_ =	swait.ge [sflag:s30], $0x1400  }
0xad: {  	[sflag:s30] =	ssyncset.done $0x0  }
0xae: {  	[sflag:s30] =	ssyncadd.s32 $0xFFFFEC00  }
0xaf: {  	[spmem:s8], [sflag:s22] =	dma.local [hbm:s2], $0xD80  }
0xb0: {  	_ =	swait.ge [sflag:s30], $0xD80  }
0xb1: {  	[sflag:s30] =	ssyncset.done $0x0  }
0xb2: {  	[sflag:s30] =	ssyncadd.s32 $0xFFFFF280  }
0xb3: {  	[spmem:s9], [sflag:s22] =	dma.local [hbm:s2], $0xD80  }
0xb4: {  	_ =	swait.ge [sflag:s30], $0xD80  }
0xb5: {  	[sflag:s30] =	ssyncset.done $0x0  }
0xb6: {  	[sflag:s30] =	ssyncadd.s32 $0xFFFFF280  }
0xb7: {  	[spmem:s10], [sflag:s22] =	dma.local [hbm:s2], $0xD80  }
0xb8: {  	_ =	swait.ge [sflag:s30], $0xD80  }
0xb9: {  	[sflag:s30] =	ssyncset.done $0x0  }
0xba: {  	[sflag:s30] =	ssyncadd.s32 $0xFFFFF280  }
0xbb: {  	s24 =	sadd.s32 $0x0, s25;
	[bflag:$0x0] =	sbarrier.arrive $0xFFFF  }
0xbc: {  	[tilespmem:s4], [sflag:$0x2] =	stream.linear.gather [hbm4b:s24+s4], $0x140, $0x38;
	[tilespmem:$0x1E700] =	vst v63  }
0xbd: {  	_ =	swait.ge [sflag:s30], $0x140  }
0xbe: {  	[sflag:s30] =	ssyncset.done $0x0  }
0xbf: {  	s26 =	sadd.s32 $0x0, s18;
	[sflag:s30] =	ssyncadd.s32 $0xFFFFFEC0  }
0xc0: {  	[tilespmem:s31], [sflag:$0x2] =	stream.linear.gather [hbm4b:s26+s4], $0x140, $0x38;
	[tilespmem:$0x1E700] =	vst v63  }
0xc1: {  	_ =	swait.ge [sflag:s30], $0x140  }
0xc2: {  	[sflag:s30] =	ssyncset.done $0x0  }
0xc3: {  	[sflag:s30] =	ssyncadd.s32 $0xFFFFFEC0  }
0xc4: {  	[tilespmem:s0], [sflag:$0x1] =	stream.indirect.gather [hbm4b:s5+s1], $0x80, s4, s1, $0xb8;
	[tilespmem:$0x1E700] =	vst v63  }
0xc5: {  	_ =	swait.ge [sflag:s6], $0xA000  }
0xc6: {  	[sflag:s6] =	ssyncset.done $0x0  }
0xc7: {  	[sflag:s6] =	ssyncadd.s32 $0xFFFF6000  }
0xc8: {  	[spmem:s3] =	stream.indirect.scatter.add.f32 [tilespmem:s0], [sflag:$0x2], $0x80, s31, s1, $0xb8;
	[tilespmem:$0x1E700] =	vst v63  }
0xc9: {  	_ =	swait.ge [sflag:s30], $0xA000  }
0xca: {  	s13 =	simm.s32 $0x28;
	s14 =	simm.s32 $0x50;
	[sflag:s30] =	ssyncset.done $0x0  }
.LBB2_6:
0xcb: {  	s15 =	sadd.s32 s13, s25  }
0xcc: {  	[sflag:s30] =	ssyncadd.s32 $0xFFFF6000;
	s24 =	smov.u32 s14;
	s26 =	sadd.s32 $0x28, s14  }
0xcd: {  	[tilespmem:s4], [sflag:$0x2] =	stream.linear.gather [hbm4b:s15+s4], $0x140, $0x38;
	[tilespmem:$0x1E700] =	vst v63  }
0xce: {  	p0 =	sne.s32 s14, $0xC58;
	_ =	swait.ge [sflag:s30], $0x140  }
0xcf: {  	[sflag:s30] =	ssyncset.done $0x0  }
0xd0: {  	s14 =	sadd.s32 s13, s18;
	s13 =	smov.u32 s24;
	[sflag:s30] =	ssyncadd.s32 $0xFFFFFEC0  }
0xd1: {  	[tilespmem:s31], [sflag:$0x2] =	stream.linear.gather [hbm4b:s14+s4], $0x140, $0x38;
	[tilespmem:$0x1E700] =	vst v63  }
0xd2: {  	_ =	swait.ge [sflag:s30], $0x140  }
0xd3: {  	[sflag:s30] =	ssyncset.done $0x0  }
0xd4: {  	[sflag:s30] =	ssyncadd.s32 $0xFFFFFEC0  }
0xd5: {  	[tilespmem:s0], [sflag:$0x1] =	stream.indirect.gather [hbm4b:s5+s1], $0x80, s4, s1, $0xb8;
	[tilespmem:$0x1E700] =	vst v63  }
0xd6: {  	_ =	swait.ge [sflag:s6], $0xA000  }
.Ltmp2:
0xd7: {  	[sflag:s6] =	ssyncset.done $0x0;
	(pc) =	sbr.rel @p0 .LBB2_6-.Ltmp2, $4  }
0xd8: {  	[sflag:s6] =	ssyncadd.s32 $0xFFFF6000  }
0xd9: {  	[spmem:s3] =	stream.indirect.scatter.add.f32 [tilespmem:s0], [sflag:$0x2], $0x80, s31, s1, $0xb8;
	[tilespmem:$0x1E700] =	vst v63  }
0xda: {  	_ =	swait.ge [sflag:s30], $0xA000  }
0xdb: {  	s14 =	smov.u32 s26;
	[sflag:s30] =	ssyncset.done $0x0  }
0xdc: {  	s14 =	sadd.s32 s13, s25;
	[sflag:s30] =	ssyncadd.s32 $0xFFFF6000  }
0xdd: {  	[tilespmem:s4], [sflag:$0x2] =	stream.linear.gather [hbm4b:s14+s4], $0x140, $0x38;
	[tilespmem:$0x1E700] =	vst v63  }
0xde: {  	_ =	swait.ge [sflag:s30], $0x140  }
0xdf: {  	[sflag:s30] =	ssyncset.done $0x0  }
0xe0: {  	s26 =	sadd.s32 s13, s18;
	[sflag:s30] =	ssyncadd.s32 $0xFFFFFEC0  }
0xe1: {  	[tilespmem:s31], [sflag:$0x2] =	stream.linear.gather [hbm4b:s26+s4], $0x140, $0x38;
	[tilespmem:$0x1E700] =	vst v63  }
0xe2: {  	_ =	swait.ge [sflag:s30], $0x140  }
0xe3: {  	[sflag:s30] =	ssyncset.done $0x0  }
0xe4: {  	[sflag:s30] =	ssyncadd.s32 $0xFFFFFEC0  }
0xe5: {  	[tilespmem:s0], [sflag:$0x1] =	stream.indirect.gather [hbm4b:s5+s1], $0x80, s4, s1, $0xb8;
	[tilespmem:$0x1E700] =	vst v63  }
0xe6: {  	_ =	swait.ge [sflag:s6], $0xA000  }
0xe7: {  	[sflag:s6] =	ssyncset.done $0x0  }
0xe8: {  	[sflag:s6] =	ssyncadd.s32 $0xFFFF6000  }
0xe9: {  	[spmem:s3] =	stream.indirect.scatter.add.f32 [tilespmem:s0], [sflag:$0x2], $0x80, s31, s1, $0xb8;
	[tilespmem:$0x1E700] =	vst v63  }
0xea: {  	_ =	swait.ge [sflag:s30], $0xA000  }
0xeb: {  	[sflag:s30] =	ssyncset.done $0x0  }
0xec: {  	[sflag:s30] =	ssyncadd.s32 $0xFFFF6000  }
0xed: {  	[bflag:$0x0] =	sbarrier.arrive $0xFFFF  }
0xee: {  	s14 =	rddreg [dreg:$0x8]  }
0xef: {  	[hbm:s14], [sflag:s22] =	dma.local [spmem:s11], $0x1400  }
0xf0: {  	_ =	swait.ge [sflag:s30], $0x1400  }
0xf1: {  	[sflag:s30] =	ssyncset.done $0x0  }
0xf2: {  	s15 =	rddreg [dreg:$0x9];
	[sflag:s30] =	ssyncadd.s32 $0xFFFFEC00  }
0xf3: {  	[hbm:s15], [sflag:s22] =	dma.local [spmem:s12], $0x1400  }
0xf4: {  	_ =	swait.ge [sflag:s30], $0x1400  }
0xf5: {  	[sflag:s30] =	ssyncset.done $0x0  }
0xf6: {  	[sflag:s30] =	ssyncadd.s32 $0xFFFFEC00  }
0xf7: {  	[spmem:s8], [sflag:s22] =	dma.local [hbm:s2], $0xD80  }
0xf8: {  	_ =	swait.ge [sflag:s30], $0xD80  }
0xf9: {  	[sflag:s30] =	ssyncset.done $0x0  }
0xfa: {  	[sflag:s30] =	ssyncadd.s32 $0xFFFFF280  }
0xfb: {  	[spmem:s9], [sflag:s22] =	dma.local [hbm:s2], $0xD80  }
0xfc: {  	_ =	swait.ge [sflag:s30], $0xD80  }
0xfd: {  	[sflag:s30] =	ssyncset.done $0x0  }
0xfe: {  	[sflag:s30] =	ssyncadd.s32 $0xFFFFF280  }
0xff: {  	[spmem:s10], [sflag:s22] =	dma.local [hbm:s2], $0xD80  }
0x100: {  	_ =	swait.ge [sflag:s30], $0xD80  }
0x101: {  	[sflag:s30] =	ssyncset.done $0x0  }
0x102: {  	[sflag:s30] =	ssyncadd.s32 $0xFFFFF280  }
0x103: {  	s24 =	sadd.s32 $0x0, s25;
	[bflag:$0x0] =	sbarrier.arrive $0xFFFF  }
0x104: {  	[tilespmem:s4], [sflag:$0x2] =	stream.linear.gather [hbm4b:s24+s4], $0x140, $0x38;
	[tilespmem:$0x1E700] =	vst v63  }
0x105: {  	_ =	swait.ge [sflag:s30], $0x140  }
0x106: {  	[sflag:s30] =	ssyncset.done $0x0  }
0x107: {  	s26 =	sadd.s32 $0x0, s19;
	[sflag:s30] =	ssyncadd.s32 $0xFFFFFEC0  }
0x108: {  	[tilespmem:s31], [sflag:$0x2] =	stream.linear.gather [hbm4b:s26+s4], $0x140, $0x38;
	[tilespmem:$0x1E700] =	vst v63  }
0x109: {  	_ =	swait.ge [sflag:s30], $0x140  }
0x10a: {  	[sflag:s30] =	ssyncset.done $0x0  }
0x10b: {  	[sflag:s30] =	ssyncadd.s32 $0xFFFFFEC0  }
0x10c: {  	[tilespmem:s0], [sflag:$0x1] =	stream.indirect.gather [hbm4b:s5+s1], $0x80, s4, s1, $0xb8;
	[tilespmem:$0x1E700] =	vst v63  }
0x10d: {  	_ =	swait.ge [sflag:s6], $0xA000  }
0x10e: {  	[sflag:s6] =	ssyncset.done $0x0  }
0x10f: {  	[sflag:s6] =	ssyncadd.s32 $0xFFFF6000  }
0x110: {  	[spmem:s3] =	stream.indirect.scatter.add.f32 [tilespmem:s0], [sflag:$0x2], $0x80, s31, s1, $0xb8;
	[tilespmem:$0x1E700] =	vst v63  }
0x111: {  	_ =	swait.ge [sflag:s30], $0xA000  }
0x112: {  	s13 =	simm.s32 $0x28;
	s14 =	simm.s32 $0x50;
	[sflag:s30] =	ssyncset.done $0x0  }
.LBB2_8:
0x113: {  	s15 =	sadd.s32 s13, s25  }
0x114: {  	[sflag:s30] =	ssyncadd.s32 $0xFFFF6000;
	s24 =	smov.u32 s14;
	s26 =	sadd.s32 $0x28, s14  }
0x115: {  	[tilespmem:s4], [sflag:$0x2] =	stream.linear.gather [hbm4b:s15+s4], $0x140, $0x38;
	[tilespmem:$0x1E700] =	vst v63  }
0x116: {  	p0 =	sne.s32 s14, $0xC58;
	_ =	swait.ge [sflag:s30], $0x140  }
0x117: {  	[sflag:s30] =	ssyncset.done $0x0  }
0x118: {  	s14 =	sadd.s32 s13, s19;
	s13 =	smov.u32 s24;
	[sflag:s30] =	ssyncadd.s32 $0xFFFFFEC0  }
0x119: {  	[tilespmem:s31], [sflag:$0x2] =	stream.linear.gather [hbm4b:s14+s4], $0x140, $0x38;
	[tilespmem:$0x1E700] =	vst v63  }
0x11a: {  	_ =	swait.ge [sflag:s30], $0x140  }
0x11b: {  	[sflag:s30] =	ssyncset.done $0x0  }
0x11c: {  	[sflag:s30] =	ssyncadd.s32 $0xFFFFFEC0  }
0x11d: {  	[tilespmem:s0], [sflag:$0x1] =	stream.indirect.gather [hbm4b:s5+s1], $0x80, s4, s1, $0xb8;
	[tilespmem:$0x1E700] =	vst v63  }
0x11e: {  	_ =	swait.ge [sflag:s6], $0xA000  }
.Ltmp3:
0x11f: {  	[sflag:s6] =	ssyncset.done $0x0;
	(pc) =	sbr.rel @p0 .LBB2_8-.Ltmp3, $4  }
0x120: {  	[sflag:s6] =	ssyncadd.s32 $0xFFFF6000  }
0x121: {  	[spmem:s3] =	stream.indirect.scatter.add.f32 [tilespmem:s0], [sflag:$0x2], $0x80, s31, s1, $0xb8;
	[tilespmem:$0x1E700] =	vst v63  }
0x122: {  	_ =	swait.ge [sflag:s30], $0xA000  }
0x123: {  	s14 =	smov.u32 s26;
	[sflag:s30] =	ssyncset.done $0x0  }
0x124: {  	s14 =	sadd.s32 s13, s25;
	[sflag:s30] =	ssyncadd.s32 $0xFFFF6000  }
0x125: {  	[tilespmem:s4], [sflag:$0x2] =	stream.linear.gather [hbm4b:s14+s4], $0x140, $0x38;
	[tilespmem:$0x1E700] =	vst v63  }
0x126: {  	_ =	swait.ge [sflag:s30], $0x140  }
0x127: {  	[sflag:s30] =	ssyncset.done $0x0  }
0x128: {  	s26 =	sadd.s32 s13, s19;
	[sflag:s30] =	ssyncadd.s32 $0xFFFFFEC0  }
0x129: {  	[tilespmem:s31], [sflag:$0x2] =	stream.linear.gather [hbm4b:s26+s4], $0x140, $0x38;
	[tilespmem:$0x1E700] =	vst v63  }
0x12a: {  	_ =	swait.ge [sflag:s30], $0x140  }
0x12b: {  	[sflag:s30] =	ssyncset.done $0x0  }
0x12c: {  	[sflag:s30] =	ssyncadd.s32 $0xFFFFFEC0  }
0x12d: {  	[tilespmem:s0], [sflag:$0x1] =	stream.indirect.gather [hbm4b:s5+s1], $0x80, s4, s1, $0xb8;
	[tilespmem:$0x1E700] =	vst v63  }
0x12e: {  	_ =	swait.ge [sflag:s6], $0xA000  }
0x12f: {  	[sflag:s6] =	ssyncset.done $0x0  }
0x130: {  	[sflag:s6] =	ssyncadd.s32 $0xFFFF6000  }
0x131: {  	[spmem:s3] =	stream.indirect.scatter.add.f32 [tilespmem:s0], [sflag:$0x2], $0x80, s31, s1, $0xb8;
	[tilespmem:$0x1E700] =	vst v63  }
0x132: {  	_ =	swait.ge [sflag:s30], $0xA000  }
0x133: {  	[sflag:s30] =	ssyncset.done $0x0  }
0x134: {  	[sflag:s30] =	ssyncadd.s32 $0xFFFF6000  }
0x135: {  	[bflag:$0x0] =	sbarrier.arrive $0xFFFF  }
0x136: {  	s14 =	rddreg [dreg:$0xa]  }
0x137: {  	[hbm:s14], [sflag:s22] =	dma.local [spmem:s11], $0x1400  }
0x138: {  	_ =	swait.ge [sflag:s30], $0x1400  }
0x139: {  	[sflag:s30] =	ssyncset.done $0x0  }
0x13a: {  	s15 =	rddreg [dreg:$0xb];
	[sflag:s30] =	ssyncadd.s32 $0xFFFFEC00  }
0x13b: {  	[hbm:s15], [sflag:s22] =	dma.local [spmem:s12], $0x1400  }
0x13c: {  	_ =	swait.ge [sflag:s30], $0x1400  }
0x13d: {  	[sflag:s30] =	ssyncset.done $0x0  }
0x13e: {  	[sflag:s30] =	ssyncadd.s32 $0xFFFFEC00  }
0x13f: {  	[spmem:s8], [sflag:s22] =	dma.local [hbm:s2], $0xD80  }
0x140: {  	_ =	swait.ge [sflag:s30], $0xD80  }
0x141: {  	[sflag:s30] =	ssyncset.done $0x0  }
0x142: {  	[sflag:s30] =	ssyncadd.s32 $0xFFFFF280  }
0x143: {  	[spmem:s9], [sflag:s22] =	dma.local [hbm:s2], $0xD80  }
0x144: {  	_ =	swait.ge [sflag:s30], $0xD80  }
0x145: {  	[sflag:s30] =	ssyncset.done $0x0  }
0x146: {  	[sflag:s30] =	ssyncadd.s32 $0xFFFFF280  }
0x147: {  	[spmem:s10], [sflag:s22] =	dma.local [hbm:s2], $0xD80  }
0x148: {  	_ =	swait.ge [sflag:s30], $0xD80  }
0x149: {  	[sflag:s30] =	ssyncset.done $0x0  }
0x14a: {  	[sflag:s30] =	ssyncadd.s32 $0xFFFFF280  }
0x14b: {  	s24 =	sadd.s32 $0x0, s25;
	[bflag:$0x0] =	sbarrier.arrive $0xFFFF  }
0x14c: {  	[tilespmem:s4], [sflag:$0x2] =	stream.linear.gather [hbm4b:s24+s4], $0x140, $0x38;
	[tilespmem:$0x1E700] =	vst v63  }
0x14d: {  	_ =	swait.ge [sflag:s30], $0x140  }
0x14e: {  	[sflag:s30] =	ssyncset.done $0x0  }
0x14f: {  	s26 =	sadd.s32 $0x0, s20;
	[sflag:s30] =	ssyncadd.s32 $0xFFFFFEC0  }
0x150: {  	[tilespmem:s31], [sflag:$0x2] =	stream.linear.gather [hbm4b:s26+s4], $0x140, $0x38;
	[tilespmem:$0x1E700] =	vst v63  }
0x151: {  	_ =	swait.ge [sflag:s30], $0x140  }
0x152: {  	[sflag:s30] =	ssyncset.done $0x0  }
0x153: {  	[sflag:s30] =	ssyncadd.s32 $0xFFFFFEC0  }
0x154: {  	[tilespmem:s0], [sflag:$0x1] =	stream.indirect.gather [hbm4b:s5+s1], $0x80, s4, s1, $0xb8;
	[tilespmem:$0x1E700] =	vst v63  }
0x155: {  	_ =	swait.ge [sflag:s6], $0xA000  }
0x156: {  	[sflag:s6] =	ssyncset.done $0x0  }
0x157: {  	[sflag:s6] =	ssyncadd.s32 $0xFFFF6000  }
0x158: {  	[spmem:s3] =	stream.indirect.scatter.add.f32 [tilespmem:s0], [sflag:$0x2], $0x80, s31, s1, $0xb8;
	[tilespmem:$0x1E700] =	vst v63  }
0x159: {  	_ =	swait.ge [sflag:s30], $0xA000  }
0x15a: {  	s8 =	simm.s32 $0x28;
	s9 =	simm.s32 $0x50;
	[sflag:s30] =	ssyncset.done $0x0  }
.LBB2_10:
0x15b: {  	s10 =	sadd.s32 s8, s25  }
0x15c: {  	[sflag:s30] =	ssyncadd.s32 $0xFFFF6000;
	s13 =	smov.u32 s9;
	s14 =	sadd.s32 $0x28, s9  }
0x15d: {  	[tilespmem:s4], [sflag:$0x2] =	stream.linear.gather [hbm4b:s10+s4], $0x140, $0x38;
	[tilespmem:$0x1E700] =	vst v63  }
0x15e: {  	p0 =	sne.s32 s9, $0xC58;
	_ =	swait.ge [sflag:s30], $0x140  }
0x15f: {  	[sflag:s30] =	ssyncset.done $0x0  }
0x160: {  	s9 =	sadd.s32 s8, s20;
	s8 =	smov.u32 s13;
	[sflag:s30] =	ssyncadd.s32 $0xFFFFFEC0  }
0x161: {  	[tilespmem:s31], [sflag:$0x2] =	stream.linear.gather [hbm4b:s9+s4], $0x140, $0x38;
	[tilespmem:$0x1E700] =	vst v63  }
0x162: {  	_ =	swait.ge [sflag:s30], $0x140  }
0x163: {  	[sflag:s30] =	ssyncset.done $0x0  }
0x164: {  	[sflag:s30] =	ssyncadd.s32 $0xFFFFFEC0  }
0x165: {  	[tilespmem:s0], [sflag:$0x1] =	stream.indirect.gather [hbm4b:s5+s1], $0x80, s4, s1, $0xb8;
	[tilespmem:$0x1E700] =	vst v63  }
0x166: {  	_ =	swait.ge [sflag:s6], $0xA000  }
.Ltmp4:
0x167: {  	[sflag:s6] =	ssyncset.done $0x0;
	(pc) =	sbr.rel @p0 .LBB2_10-.Ltmp4, $4  }
0x168: {  	[sflag:s6] =	ssyncadd.s32 $0xFFFF6000  }
0x169: {  	[spmem:s3] =	stream.indirect.scatter.add.f32 [tilespmem:s0], [sflag:$0x2], $0x80, s31, s1, $0xb8;
	[tilespmem:$0x1E700] =	vst v63  }
0x16a: {  	_ =	swait.ge [sflag:s30], $0xA000  }
0x16b: {  	s9 =	smov.u32 s14;
	[sflag:s30] =	ssyncset.done $0x0  }
0x16c: {  	s9 =	sadd.s32 s8, s25;
	[sflag:s30] =	ssyncadd.s32 $0xFFFF6000  }
0x16d: {  	[tilespmem:s4], [sflag:$0x2] =	stream.linear.gather [hbm4b:s9+s4], $0x140, $0x38;
	[tilespmem:$0x1E700] =	vst v63  }
0x16e: {  	_ =	swait.ge [sflag:s30], $0x140  }
0x16f: {  	[sflag:s30] =	ssyncset.done $0x0  }
0x170: {  	s14 =	sadd.s32 s8, s20;
	[sflag:s30] =	ssyncadd.s32 $0xFFFFFEC0  }
0x171: {  	[tilespmem:s31], [sflag:$0x2] =	stream.linear.gather [hbm4b:s14+s4], $0x140, $0x38;
	[tilespmem:$0x1E700] =	vst v63  }
0x172: {  	_ =	swait.ge [sflag:s30], $0x140  }
0x173: {  	[sflag:s30] =	ssyncset.done $0x0  }
0x174: {  	[sflag:s30] =	ssyncadd.s32 $0xFFFFFEC0  }
0x175: {  	[tilespmem:s0], [sflag:$0x1] =	stream.indirect.gather [hbm4b:s5+s1], $0x80, s4, s1, $0xb8;
	[tilespmem:$0x1E700] =	vst v63  }
0x176: {  	_ =	swait.ge [sflag:s6], $0xA000  }
0x177: {  	[sflag:s6] =	ssyncset.done $0x0  }
0x178: {  	[sflag:s6] =	ssyncadd.s32 $0xFFFF6000  }
0x179: {  	[spmem:s3] =	stream.indirect.scatter.add.f32 [tilespmem:s0], [sflag:$0x2], $0x80, s31, s1, $0xb8;
	[tilespmem:$0x1E700] =	vst v63  }
0x17a: {  	_ =	swait.ge [sflag:s30], $0xA000  }
0x17b: {  	[sflag:s30] =	ssyncset.done $0x0  }
0x17c: {  	[sflag:s30] =	ssyncadd.s32 $0xFFFF6000  }
0x17d: {  	[bflag:$0x0] =	sbarrier.arrive $0xFFFF  }
0x17e: {  	s15 =	rddreg [dreg:$0xc]  }
0x17f: {  	[hbm:s15], [sflag:s22] =	dma.local [spmem:s11], $0x1400  }
0x180: {  	_ =	swait.ge [sflag:s30], $0x1400  }
0x181: {  	[sflag:s30] =	ssyncset.done $0x0  }
0x182: {  	s24 =	rddreg [dreg:$0xd];
	[sflag:s30] =	ssyncadd.s32 $0xFFFFEC00  }
0x183: {  	[hbm:s24], [sflag:s22] =	dma.local [spmem:s12], $0x1400  }
0x184: {  	_ =	swait.ge [sflag:s30], $0x1400  }
0x185: {  	s7 =	sadd.s32 $0x1, s7;
	s26 =	rddreg [dreg:$0xe]  }
0x186: {  	p0 =	sne.s32 s7, s26  }
.Ltmp5:
0x187: {  	_ = 	snop;
	(pc) =	sbr.rel @p0 .LBB2_1-.Ltmp5, $3  }
0x188: {  	_ =	sdelay $0x1  }
0x189: {  	[sflag:s30] =	ssyncset.done $0x0  }
0x18a: {  	[sflag:s30] =	ssyncadd.s32 $0xFFFFEC00  }
0x18b: {  	_ =	sfence.sel $0x180000  }
0x18c: {  	[bflag:$0x0] =	sbarrier.arrive $0xFFFF  }
0x18d: {  	_ =	strace $0x9000004D  }
0x18e: {  	s0 =	stileid.u32;
	[bflag:$0x2] =	sbarrier.arrive $0xFFFF  }
0x18f: {  	p0 =	sne.s32 s0, $0x0;
	s0 =	rddreg [dreg:$0x3]  }
0x190: {  	s0 =	sadd.s32 @!p0 $0x100000, s0  }
0x191: {  	[sflag:s0] =	ssyncadd.tile.s32 @!p0 $0x1;
	_ =	shalt  }
.Lfunc_end2:
_tile_overlayer_lowered:
.L_overlay_start_2:
0x192: {  	(tag) =	ssettag $0x2  }
0x193: {  	s0 =	rddreg [dreg:$0x0];
	s2 =	stileid.u32  }
0x194: {  	s1 =	rddreg [dreg:$0x1];
	p0 =	sne.s32 s2, $0x0  }
0x195: {  	s3 =	rddreg [dreg:$0x2];
	[bflag:$0x3] =	sbarrier.arrive $0xFFFF;
	s2 =	simm.s32 @!p0 $0x1C02  }
0x196: {  	[timem:s3], [sflag:s2] =	dma.local @!p0 [hbm:s0], s1  }
0x197: {  	s0 =	simm.s32 @!p0 $0x2  }
0x198: {  	_ =	swait.ge @!p0 [sflag:s0], s1  }
0x199: {  	s1 =	ssub.s32 @!p0 $0x0, s1;
	[sflag:s0] =	ssyncset.done @!p0 $0x0  }
0x19a: {  	[sflag:s0] =	ssyncadd.s32 @!p0 s1  }
0x19b: {  	[bflag:$0x3] =	sbarrier.arrive $0xFFFF  }
0x19c: {  	_ =	shalt  }

// kernel: kernel.15.cloned.1.call-start
scs
__scs_entry_jumppad:
0x0: {  	(pc) =	sbr.rel $0x88, $3  }
0x1: {  	(tag) =	ssettag $0x0;
	lr =	simm.s32 $0x1  }
0x2: {  	[smem:$0x3F91] =	sst lr;
	_ =	strace $0xD0000000  }
0x3: {  	_ = 	snop  }
0x4: {  	_ = 	snop  }
0x5: {  	_ = 	snop  }
0x6: {  	_ = 	snop  }
0x7: {  	_ = 	snop  }
__scs_overlays_trampoline_lowered:
0x8: {  	[smem:$0x3FA0] =	sst s0  }
0x9: {  	[smem:$0x3FA1] =	sst s1  }
0xa: {  	[smem:$0x3FA2] =	sst s2  }
0xb: {  	[smem:$0x3FA3] =	sst s3  }
0xc: {  	[smem:$0x3FA4] =	sst s4  }
0xd: {  	[smem:$0x3FA5] =	sst s5  }
0xe: {  	[smem:$0x3FA6] =	sst s6  }
0xf: {  	[smem:$0x3FA7] =	sst s7  }
0x10: {  	[smem:$0x3FA8] =	sst s8  }
0x11: {  	[smem:$0x3FA9] =	sst s9;
	s0 =	simm.s32 @!p0 $0x0  }
0x12: {  	s1 =	sld [smem:$0x3F8F];
	s0 =	simm.s32 @p0 $0x1  }
0x13: {  	[smem:$0x3FAA] =	sst s0;
	s0 =	simm.s32 @!p1 $0x0  }
0x14: {  	s2 =	sld [smem:$0x3F8E];
	s0 =	simm.s32 @p1 $0x1  }
0x15: {  	[smem:$0x3FAB] =	sst s0;
	s0 =	simm.s32 @!p2 $0x0  }
0x16: {  	s3 =	sld [smem:$0x3FDB];
	s0 =	simm.s32 @p2 $0x1  }
0x17: {  	s4 =	simm.s32 $0x1BF5;
	[smem:$0x3FAD] =	sst s0  }
0x18: {  	s0 =	sld [smem:$0x3F90];
	_ =	swait.ge [sflag:s4], $0x0  }
0x19: {  	s7 =	sld [smem:$0x3F91]  }
0x1a: {  	s8 =	sadd.s32 $0xFFFFE003, lr  }
0x1b: {  	s9 =	sadd.s32 $0xFFFFFEF7, lr;
	s5 =	simm.s32 $0xFFFFFFFF;
	p2 =	slt.u32 s8, $0xFFFFF086  }
0x1c: {  	p1 =	slt.u32 s9, $0xF7A;
	s5 =	simm.s32 @!p2 $0x0  }
0x1d: {  	s5 =	simm.s32 @p1 $0x1;
	p0 =	seq.s32 s7, s2  }
0x1e: {  	s7 =	smul.u32 @!p0 $0xF7A, s2;
	p2 =	seq.s32 @!p0 s5, $0x0  }
0x1f: {  	s9 =	smul.u32 $0xF7A, s1;
	s8 =	simm.s32 @!p0 $0x1BF5;
	p2 =	por !p2, p0  }
0x20: {  	[sflag:s8] =	ssyncset.s32 @!p0 $0xFFFFF086;
	s6 =	sadd.s32 @!p0 s3, s7;
	s7 =	simm.s32 @!p0 $0x108  }
0x21: {  	s3 =	sadd.s32 s3, s9;
	s6 =	sadd.s32 @!p0 $0x88, s6;
	s7 =	simm.s32 @p2 $0x1082  }
0x22: {  	[simem:s7], [sflag:s8] =	dma.local @!p0 [hbm:s6], $0xF7A  }
0x23: {  	s9 =	sor.u32 $0xD0000000, s2;
	s6 =	simm.s32 $0x108;
	_ =	swait.ge @!p0 [sflag:s8], $0x0  }
0x24: {  	s3 =	sadd.s32 $0x88, s3;
	s6 =	simm.s32 @!p1 $0x1082;
	[sflag:s4] =	ssyncset.s32 $0xFFFFF086  }
0x25: {  	[simem:s6], [sflag:s4] =	dma.local [hbm:s3], $0xF7A  }
0x26: {  	[smem:$0x3F91] =	sst s1;
	(tag) =	ssettag s2;
	_ =	strace s9  }
0x27: {  	s1 =	sld [smem:$0x3FA1]  }
0x28: {  	s2 =	sld [smem:$0x3FA2]  }
0x29: {  	s4 =	sld [smem:$0x3FA4]  }
0x2a: {  	p0 =	seq.s32 s5, $0x0;
	s5 =	sld [smem:$0x3FA5]  }
0x2b: {  	s6 =	sld [smem:$0x3FA6]  }
0x2c: {  	s7 =	sld [smem:$0x3FA7]  }
0x2d: {  	s3 =	simm.s32 $0x108;
	s8 =	sld [smem:$0x3FA8]  }
0x2e: {  	s3 =	simm.s32 @!p0 $0x1082;
	s9 =	sld [smem:$0x3FA9]  }
0x2f: {  	lr =	sadd.s32 s0, s3;
	s0 =	sld [smem:$0x3FA0]  }
0x30: {  	s3 =	sld [smem:$0x3FA3]  }
0x31: {  	[smem:$0x3FAC] =	sst s10  }
0x32: {  	s10 =	sld [smem:$0x3FAA];
	_ =	sdelay $0x3  }
0x33: {  	p0 =	seq.s32 s10, $0x1;
	s10 =	sld [smem:$0x3FAC];
	_ =	sdelay $0x3  }
0x34: {  	[smem:$0x3FAC] =	sst s10  }
0x35: {  	s10 =	sld [smem:$0x3FAB];
	_ =	sdelay $0x3  }
0x36: {  	p1 =	seq.s32 s10, $0x1;
	s10 =	sld [smem:$0x3FAC];
	_ =	sdelay $0x3  }
0x37: {  	[smem:$0x3FAC] =	sst s10  }
0x38: {  	s10 =	sld [smem:$0x3FAD]  }
0x39: {  	_ = 	snop;
	(pc) =	sbr.ind lr, $3  }
0x3a: {  	_ = 	snop  }
0x3b: {  	_ = 	snop  }
0x3c: {  	p2 =	seq.s32 s10, $0x1;
	s10 =	sld [smem:$0x3FAC]  }
0x3d: {  	_ =	shalt  }
0x3e: {  	_ =	shalt  }
0x3f: {  	_ =	shalt  }
0x40: {  	_ =	shalt  }
0x41: {  	_ =	shalt  }
0x42: {  	_ =	shalt  }
0x43: {  	_ =	shalt  }
0x44: {  	_ =	shalt  }
0x45: {  	_ =	shalt  }
0x46: {  	_ =	shalt  }
0x47: {  	_ =	shalt  }
0x48: {  	_ =	shalt  }
0x49: {  	_ =	shalt  }
0x4a: {  	_ =	shalt  }
0x4b: {  	_ =	shalt  }
0x4c: {  	_ =	shalt  }
0x4d: {  	_ =	shalt  }
0x4e: {  	_ =	shalt  }
0x4f: {  	_ =	shalt  }
0x50: {  	_ =	shalt  }
0x51: {  	_ =	shalt  }
0x52: {  	_ =	shalt  }
0x53: {  	_ =	shalt  }
0x54: {  	_ =	shalt  }
0x55: {  	_ =	shalt  }
0x56: {  	_ =	shalt  }
0x57: {  	_ =	shalt  }
0x58: {  	_ =	shalt  }
0x59: {  	_ =	shalt  }
0x5a: {  	_ =	shalt  }
0x5b: {  	_ =	shalt  }
0x5c: {  	_ =	shalt  }
0x5d: {  	_ =	shalt  }
0x5e: {  	_ =	shalt  }
0x5f: {  	_ =	shalt  }
0x60: {  	_ =	shalt  }
0x61: {  	_ =	shalt  }
0x62: {  	_ =	shalt  }
0x63: {  	_ =	shalt  }
0x64: {  	_ =	shalt  }
0x65: {  	_ =	shalt  }
0x66: {  	_ =	shalt  }
0x67: {  	_ =	shalt  }
0x68: {  	_ =	shalt  }
0x69: {  	_ =	shalt  }
0x6a: {  	_ =	shalt  }
0x6b: {  	_ =	shalt  }
0x6c: {  	_ =	shalt  }
0x6d: {  	_ =	shalt  }
0x6e: {  	_ =	shalt  }
0x6f: {  	_ =	shalt  }
0x70: {  	_ =	shalt  }
0x71: {  	_ =	shalt  }
0x72: {  	_ =	shalt  }
0x73: {  	_ =	shalt  }
0x74: {  	_ =	shalt  }
0x75: {  	_ =	shalt  }
0x76: {  	_ =	shalt  }
0x77: {  	_ =	shalt  }
0x78: {  	_ =	shalt  }
0x79: {  	_ =	shalt  }
0x7a: {  	_ =	shalt  }
0x7b: {  	_ =	shalt  }
0x7c: {  	_ =	shalt  }
0x7d: {  	_ =	shalt  }
0x7e: {  	_ =	shalt  }
0x7f: {  	_ =	shalt  }
0x80: {  	_ =	shalt  }
0x81: {  	_ =	shalt  }
0x82: {  	_ =	shalt  }
0x83: {  	_ =	shalt  }
0x84: {  	_ =	shalt  }
0x85: {  	_ =	shalt  }
0x86: {  	_ =	shalt  }
0x87: {  	_ =	shalt  }
.Lfunc_end0:
.L_simem_size_0:
called_computation.2_lowered:
.L_overlay_start_0:
0x88: {  	s2 =	sld [smem:$0x3FD9]  }
0x89: {  	s3 =	sld [smem:$0x3FFE];
	_ =	sdelay $0x1  }
0x8a: {  	s1 =	srdreg.scid  }
0x8b: {  	s0 =	sand.u32 $0x1, s1  }
0x8c: {  	s14 =	sshll.u32 s0, $0xA;
	s2 =	sadd.s32 s3, s2  }
0x8d: {  	s2 =	sadd.s32 s2, s14  }
0x8e: {  	[smem:$0x3FB8] =	sst s2  }
0x8f: {  	_ = 	snop  }
0x90: {  	s2 =	sld [smem:$0x3FD0];
	_ =	sdelay $0x2  }
0x91: {  	s15 =	simm.s32 $0xB;
	s4 =	simm.s32 $0x10  }
0x92: {  	[smem:s4], [sflag:s15] =	dma.local [hbm:s2], $0x1  }
0x93: {  	_ =	swait.eq [sflag:s15], $0x1  }
0x94: {  	[sflag:s15] =	ssyncset.done $0x0  }
0x95: {  	s16 =	sld [smem:$0x11];
	[sflag:s15] =	ssyncadd.s32 $0xFFFFFFFF  }
0x96: {  	s17 =	sld [smem:$0x12];
	(tm) =	ssettm $0x1  }
0x97: {  	s18 =	sld [smem:$0x3FFB];
	_ =	sdelay $0x3  }
0x98: {  	_ =	strace s18  }
0x99: {  	s4 =	sld [smem:$0x3FFC];
	_ =	sdelay $0x3  }
0x9a: {  	_ =	strace s4  }
0x9b: {  	s4 =	sld [smem:$0x3FFD];
	_ =	sdelay $0x3  }
0x9c: {  	_ =	strace s4  }
0x9d: {  	_ =	strace $0x8FFFFFFF  }
0x9e: {  	s19 =	sld [smem:$0x3FDB];
	_ =	sdelay $0x1  }
0x9f: {  	s5 =	simm.s32 $_scs_section_size  }
0xa0: {  	s6 =	simm.s32 $_size__tile_overlayer_lowered;
	s7 =	simm.s32 $_tile_overlayer_lowered  }
0xa1: {  	s22 =	simm.s32 $0x1BFF;
	s21 =	sshll.u32 s7, $0x1;
	s4 =	sadd.s32 s5, s19  }
0xa2: {  	s8 =	simm.s32 $0x0;
	s20 =	sshll.u32 s6, $0x1;
	s6 =	sadd.s32 s21, s4  }
0xa3: {  	[timem:s8], [sflag:s22] =	dma.local [hbm:s6], s20  }
0xa4: {  	_ =	swait.ge [sflag:s22], s20  }
0xa5: {  	s5 =	ssub.s32 $0x0, s20;
	[sflag:s22] =	ssyncset.done $0x0  }
0xa6: {  	[sflag:s22] =	ssyncadd.s32 s5;
	_ =	sdelay $0x1  }
0xa7: {  	s23 =	simm.s32 $0x1B8B  }
0xa8: {  	_ =	swait.ge [sflag:s23], $0x1  }
0xa9: {  	[sflag:s23] =	ssyncset.done $0x0  }
0xaa: {  	s25 =	simm.s32 $0x1B8E;
	s24 =	sld [smem:$0x3FFE];
	[sflag:s23] =	ssyncadd.s32 $0xFFFFFFFF  }
0xab: {  	s26 =	simm.s32 $execute0_lowered;
	[smem:$0x3FD2] =	sst s25  }
0xac: {  	s6 =	sshll.u32 s26, $0x1;
	_ =	strace $0x80000049;
	[dreg:$0x1] =	wrdreg $0xFFFFFFFF  }
0xad: {  	s28 =	simm.s32 $_size_execute0_lowered;
	s4 =	sadd.s32 s4, s6;
	[dreg:$0x0] =	wrdreg $0x0  }
0xae: {  	s6 =	sshll.u32 s28, $0x1;
	[dreg:$0x2] =	wrdreg s4  }
0xaf: {  	[dreg:$0x3] =	wrdreg s6  }
0xb0: {  	[dreg:$0x4] =	wrdreg $0xC0  }
0xb1: {  	_ =	task [dreg:s8], $0x5FFFF  }
0xb2: {  	[dreg:$0x1] =	wrdreg $0xFFFFFFFF  }
0xb3: {  	[dreg:$0x0] =	wrdreg $0x60  }
0xb4: {  	[dreg:$0x2] =	wrdreg s24  }
0xb5: {  	[dreg:$0x3] =	wrdreg s16  }
0xb6: {  	[dreg:$0x4] =	wrdreg s17  }
0xb7: {  	[dreg:$0x5] =	wrdreg $0xC000  }
0xb8: {  	[dreg:$0x6] =	wrdreg $0xA  }
0xb9: {  	_ =	task.clear_ibuf [dreg:s8], $0x7FFFF;
	_ =	strace $0x90000049  }
0xba: {  	s29 =	simm.s32 $0xA;
	_ =	strace $0x8000004B  }
0xbb: {  	_ =	swait.ge [sflag:s29], $0x1  }
0xbc: {  	[sflag:s29] =	ssyncadd.s32 $0xFFFFFFFF  }
0xbd: {  	_ =	strace $0x9000004B  }
0xbe: {  	_ =	sfence  }
0xbf: {  	s30 =	sld [smem:$0x0];
	_ =	sdelay $0x2  }
0xc0: {  	s31 =	sshll.u32 s1, $0xD;
	s1 =	sshrl.u32 s1, $0x2  }
0xc1: {  	s3 =	sand.u32 $0x4000, s31;
	s1 =	sadd.s32 s1, s30  }
0xc2: {  	s0 =	sor.u32 s3, s0;
	s1 =	sshll.u32 s1, $0x11  }
0xc3: {  	s0 =	sor.u32 s1, s0  }
0xc4: {  	s0 =	sadd.s32 $0x8F2B, s0  }
0xc5: {  	[sflag:s0] =	ssyncadd.remote.s32 $0x1  }
0xc6: {  	_ =	sfence.sel $0xFFFF  }
0xc7: {  	[dreg:$0x0] =	wrdreg $0xFFFFFFFF;
	(pc) =	sbr.abs _section_cstart, $3  }
0xc8: {  	[dreg:$0x1] =	wrdreg $0xFFFFFFFF  }
0xc9: {  	_ =	task.clear_ibuf [dreg:s8], $0x2FFFF;
	_ =	strace $0x9FFFFFFF  }
0xca: {  	(tm) =	ssettm $0x7FFFFFFF  }
0xcb: {  	_ =	shalt  }
tec
execute0_lowered:
.L_overlay_start_1:
0x0: {  	(tag) =	ssettag $0x1  }
0x1: {  	s0 =	rddreg [dreg:$0x0]  }
0x2: {  	s1 =	rddreg [dreg:$0x1]  }
0x3: {  	s4 =	rddreg [dreg:$0x2]  }
0x4: {  	s2 =	rddreg [dreg:$0x3]  }
0x5: {  	s3 =	simm.s32 $0x0;
	s5 =	srdreg.scid;
	s13 =	stileid.u32  }
0x6: {  	s28 =	simm.s32 $0x800;
	[smem:$0x7FF] =	sst s3;
	s8 =	sadd.s32 $0x6B800, s0  }
0x7: {  	s9 =	sand.u32 $0x1, s5;
	s10 =	sadd.s32 $0x1D9400, s0;
	s11 =	smul.u32 $0x3E80, s13  }
0x8: {  	s5 =	sadd.s32 $0x4F400, s0;
	s15 =	smul.u32 $0x6400, s13;
	s6 =	ssub.s32 $0x2, s9  }
0x9: {  	_ =	strace $0x8000004A;
	s12 =	smul.u32 $0x3E800, s9;
	s7 =	sshrl.u32 s6, $0x1  }
0xa: {  	s9 =	smul.u32 $0x64000, s9;
	s0 =	ssub.s32 s6, s7;
	s6 =	sadd.s32 s11, s2  }
0xb: {  	s7 =	sshll.u32 s13, $0x6;
	s11 =	sadd.s32 s11, s12;
	s14 =	sadd.s32 $0xC80, s6  }
0xc: {  	s20 =	sadd.s32 s15, s9;
	s16 =	sadd.s32 $0x1900, s6;
	[dreg:$0x5] =	wrdreg s14  }
0xd: {  	s11 =	sshrl.u32 s11, $0x3;
	s17 =	sadd.s32 $0x2580, s6;
	[dreg:$0x6] =	wrdreg s16  }
0xe: {  	s18 =	sadd.s32 $0x3200, s6;
	s22 =	sshrl.u32 s20, $0x3;
	[dreg:$0x7] =	wrdreg s17  }
0xf: {  	s0 =	smax.u32 s0, $0x1;
	s11 =	sadd.s32 s4, s11;
	[dreg:$0x8] =	wrdreg s18  }
0x10: {  	s12 =	sadd.s32 $0xC8000, s20;
	[dreg:$0xd] =	wrdreg s0;
	s19 =	sadd.s32 $0x190, s11  }
0x11: {  	s24 =	sadd.s32 $0x190000, s20;
	s21 =	sadd.s32 $0x320, s11;
	[dreg:$0x9] =	wrdreg s19  }
0x12: {  	s16 =	sadd.s32 s22, s10;
	s23 =	sadd.s32 $0x4B0, s11;
	[dreg:$0xa] =	wrdreg s21  }
0x13: {  	s12 =	sshrl.u32 s12, $0x3;
	s25 =	sadd.s32 $0x640, s11;
	[dreg:$0xb] =	wrdreg s23  }
0x14: {  	s17 =	sadd.s32 s22, s8;
	s26 =	sadd.s32 $0xFA00, s11;
	[dreg:$0xc] =	wrdreg s25  }
0x15: {  	s9 =	sshrl.u32 s24, $0x3;
	s31 =	sadd.s32 $0xFB90, s11;
	[dreg:$0xe] =	wrdreg s26  }
0x16: {  	s4 =	sadd.s32 $0x258000, s20;
	s13 =	sadd.s32 $0x1F720, s11;
	[dreg:$0xf] =	wrdreg s31  }
0x17: {  	s4 =	sshrl.u32 s4, $0x3;
	s14 =	sadd.s32 $0x1F8B0, s11;
	[dreg:$0x15] =	wrdreg s13  }
0x18: {  	s15 =	sadd.s32 $0x1FA40, s11;
	s24 =	sadd.s32 $0x2EE00, s11;
	[dreg:$0x16] =	wrdreg s14  }
0x19: {  	s19 =	sadd.s32 s12, s8;
	s22 =	sadd.s32 s4, s10;
	[dreg:$0x17] =	wrdreg s15  }
0x1a: {  	s23 =	sadd.s32 s4, s8;
	s4 =	sadd.s32 $0xFD20, s11;
	[dreg:$0x18] =	wrdreg s24  }
0x1b: {  	s21 =	sadd.s32 s9, s8;
	s8 =	sadd.s32 $0xFEB0, s11;
	[dreg:$0x10] =	wrdreg s4  }
0x1c: {  	s20 =	sadd.s32 s9, s10;
	s9 =	sadd.s32 $0x10040, s11;
	[dreg:$0x11] =	wrdreg s8  }
0x1d: {  	s18 =	sadd.s32 s12, s10;
	s10 =	sadd.s32 $0x1F400, s11;
	[dreg:$0x12] =	wrdreg s9  }
0x1e: {  	s29 =	simm.s32 $0x1;
	s12 =	sadd.s32 $0x1F590, s11;
	[dreg:$0x13] =	wrdreg s10  }
0x1f: {  	s30 =	simm.s32 $0x0;
	s25 =	sadd.s32 $0x2EF90, s11;
	[dreg:$0x14] =	wrdreg s12  }
0x20: {  	s7 =	sor.u32 $0x1C02, s7;
	s26 =	sadd.s32 $0x2F120, s11;
	[dreg:$0x19] =	wrdreg s25  }
0x21: {  	s31 =	sadd.s32 $0x2F2B0, s11;
	s24 =	sadd.s32 $0x2F440, s11;
	[dreg:$0x1a] =	wrdreg s26  }
0x22: {  	[dreg:$0x1b] =	wrdreg s31;
	s25 =	simm.s32 $0x2;
	s26 =	simm.s32 $0x400  }
.LBB2_1:
0x23: {  	s31 =	sshrl.u32 s6, $0x3  }
0x24: {  	[spmem:s31], [sflag:s7] =	dma.local [hbm:s5], $0x190  }
0x25: {  	_ =	swait.ge [sflag:s25], $0x190  }
0x26: {  	[sflag:s25] =	ssyncset.done $0x0;
	s0 =	rddreg [dreg:$0x5]  }
0x27: {  	[sflag:s25] =	ssyncadd.s32 $0xFFFFFE70;
	s0 =	sshrl.u32 s0, $0x3  }
0x28: {  	[spmem:s0], [sflag:s7] =	dma.local [hbm:s5], $0x190  }
0x29: {  	_ =	swait.ge [sflag:s25], $0x190  }
0x2a: {  	[sflag:s25] =	ssyncset.done $0x0;
	s4 =	rddreg [dreg:$0x6]  }
0x2b: {  	[sflag:s25] =	ssyncadd.s32 $0xFFFFFE70;
	s4 =	sshrl.u32 s4, $0x3  }
0x2c: {  	[spmem:s4], [sflag:s7] =	dma.local [hbm:s5], $0x190  }
0x2d: {  	_ =	swait.ge [sflag:s25], $0x190  }
0x2e: {  	[sflag:s25] =	ssyncset.done $0x0;
	s8 =	rddreg [dreg:$0x7]  }
0x2f: {  	[sflag:s25] =	ssyncadd.s32 $0xFFFFFE70;
	s8 =	sshrl.u32 s8, $0x3  }
0x30: {  	[spmem:s8], [sflag:s7] =	dma.local [hbm:s5], $0x190  }
0x31: {  	_ =	swait.ge [sflag:s25], $0x190  }
0x32: {  	[sflag:s25] =	ssyncset.done $0x0;
	s9 =	rddreg [dreg:$0x8]  }
0x33: {  	[sflag:s25] =	ssyncadd.s32 $0xFFFFFE70;
	s9 =	sshrl.u32 s9, $0x3  }
0x34: {  	[spmem:s9], [sflag:s7] =	dma.local [hbm:s5], $0x190  }
0x35: {  	_ =	swait.ge [sflag:s25], $0x190  }
0x36: {  	[sflag:s25] =	ssyncset.done $0x0  }
0x37: {  	[sflag:s25] =	ssyncadd.s32 $0xFFFFFE70  }
0x38: {  	s10 =	sadd.s32 $0x0, s17;
	[bflag:$0x0] =	sbarrier.arrive $0xFFFF  }
0x39: {  	[tilespmem:s3], [sflag:$0x2] =	stream.linear.gather [hbm4b:s10+s3], $0x400, $0x38;
	[tilespmem:$0x4A80] =	vst v63  }
0x3a: {  	_ =	swait.ge [sflag:s25], $0x400  }
0x3b: {  	[sflag:s25] =	ssyncset.done $0x0  }
0x3c: {  	s15 =	sadd.s32 $0x0, s16;
	[sflag:s25] =	ssyncadd.s32 $0xFFFFFC00  }
0x3d: {  	[tilespmem:s26], [sflag:$0x2] =	stream.linear.gather [hbm4b:s15+s3], $0x400, $0x38;
	[tilespmem:$0x4A80] =	vst v63  }
0x3e: {  	_ =	swait.ge [sflag:s25], $0x400  }
0x3f: {  	[sflag:s25] =	ssyncset.done $0x0  }
0x40: {  	[sflag:s25] =	ssyncadd.s32 $0xFFFFFC00  }
0x41: {  	[tilespmem:s28], [sflag:$0x1] =	stream.indirect.gather [hbm4b:s1+s26], $0x1, s3, s26, $0xb8;
	[tilespmem:$0x4A80] =	vst v63  }
0x42: {  	_ =	swait.ge [sflag:s29], $0x400  }
0x43: {  	[sflag:s29] =	ssyncset.done $0x0  }
0x44: {  	[sflag:s29] =	ssyncadd.s32 $0xFFFFFC00  }
0x45: {  	[spmem:s2] =	stream.indirect.scatter.add.f32 [tilespmem:s28], [sflag:$0x2], $0x1, s26, s26, $0xb8;
	[tilespmem:$0x4A80] =	vst v63  }
0x46: {  	_ =	swait.ge [sflag:s25], $0x400  }
0x47: {  	s12 =	simm.s32 $0x100;
	s10 =	simm.s32 $0x80;
	[sflag:s25] =	ssyncset.done $0x0  }
.LBB2_2:
0x48: {  	s13 =	sadd.s32 s10, s17  }
0x49: {  	[sflag:s25] =	ssyncadd.s32 $0xFFFFFC00;
	s14 =	smov.u32 s12;
	s15 =	sadd.s32 $0x80, s12  }
0x4a: {  	[tilespmem:s3], [sflag:$0x2] =	stream.linear.gather [hbm4b:s13+s3], $0x400, $0x38;
	[tilespmem:$0x4A80] =	vst v63  }
0x4b: {  	p0 =	sne.s32 s12, $0xC00;
	_ =	swait.ge [sflag:s25], $0x400  }
0x4c: {  	[sflag:s25] =	ssyncset.done $0x0  }
0x4d: {  	s12 =	sadd.s32 s10, s16;
	s10 =	smov.u32 s14;
	[sflag:s25] =	ssyncadd.s32 $0xFFFFFC00  }
0x4e: {  	[tilespmem:s26], [sflag:$0x2] =	stream.linear.gather [hbm4b:s12+s3], $0x400, $0x38;
	[tilespmem:$0x4A80] =	vst v63  }
0x4f: {  	_ =	swait.ge [sflag:s25], $0x400  }
0x50: {  	[sflag:s25] =	ssyncset.done $0x0  }
0x51: {  	[sflag:s25] =	ssyncadd.s32 $0xFFFFFC00  }
0x52: {  	[tilespmem:s28], [sflag:$0x1] =	stream.indirect.gather [hbm4b:s1+s26], $0x1, s3, s26, $0xb8;
	[tilespmem:$0x4A80] =	vst v63  }
0x53: {  	_ =	swait.ge [sflag:s29], $0x400  }
.Ltmp0:
0x54: {  	[sflag:s29] =	ssyncset.done $0x0;
	(pc) =	sbr.rel @p0 .LBB2_2-.Ltmp0, $4  }
0x55: {  	[sflag:s29] =	ssyncadd.s32 $0xFFFFFC00  }
0x56: {  	[spmem:s2] =	stream.indirect.scatter.add.f32 [tilespmem:s28], [sflag:$0x2], $0x1, s26, s26, $0xb8;
	[tilespmem:$0x4A80] =	vst v63  }
0x57: {  	_ =	swait.ge [sflag:s25], $0x400  }
0x58: {  	s12 =	smov.u32 s15;
	[sflag:s25] =	ssyncset.done $0x0  }
0x59: {  	s12 =	sadd.s32 s10, s17;
	[sflag:s25] =	ssyncadd.s32 $0xFFFFFC00  }
0x5a: {  	[tilespmem:s3], [sflag:$0x2] =	stream.linear.gather [hbm4b:s12+s3], $0x400, $0x38;
	[tilespmem:$0x4A80] =	vst v63  }
0x5b: {  	_ =	swait.ge [sflag:s25], $0x400  }
0x5c: {  	[sflag:s25] =	ssyncset.done $0x0  }
0x5d: {  	s13 =	sadd.s32 s10, s16;
	[sflag:s25] =	ssyncadd.s32 $0xFFFFFC00  }
0x5e: {  	[tilespmem:s26], [sflag:$0x2] =	stream.linear.gather [hbm4b:s13+s3], $0x400, $0x38;
	[tilespmem:$0x4A80] =	vst v63  }
0x5f: {  	_ =	swait.ge [sflag:s25], $0x400  }
0x60: {  	[sflag:s25] =	ssyncset.done $0x0  }
0x61: {  	[sflag:s25] =	ssyncadd.s32 $0xFFFFFC00  }
0x62: {  	[tilespmem:s28], [sflag:$0x1] =	stream.indirect.gather [hbm4b:s1+s26], $0x1, s3, s26, $0xb8;
	[tilespmem:$0x4A80] =	vst v63  }
0x63: {  	_ =	swait.ge [sflag:s29], $0x400  }
0x64: {  	[sflag:s29] =	ssyncset.done $0x0  }
0x65: {  	[sflag:s29] =	ssyncadd.s32 $0xFFFFFC00  }
0x66: {  	[spmem:s2] =	stream.indirect.scatter.add.f32 [tilespmem:s28], [sflag:$0x2], $0x1, s26, s26, $0xb8;
	[tilespmem:$0x4A80] =	vst v63  }
0x67: {  	_ =	swait.ge [sflag:s25], $0x400  }
0x68: {  	[sflag:s25] =	ssyncset.done $0x0  }
0x69: {  	[sflag:s25] =	ssyncadd.s32 $0xFFFFFC00  }
0x6a: {  	[bflag:$0x0] =	sbarrier.arrive $0xFFFF  }
0x6b: {  	[hbm:s11], [sflag:s7] =	dma.local [spmem:s31], $0x190  }
0x6c: {  	_ =	swait.ge [sflag:s25], $0x190  }
0x6d: {  	[sflag:s25] =	ssyncset.done $0x0  }
0x6e: {  	s14 =	rddreg [dreg:$0x9];
	[sflag:s25] =	ssyncadd.s32 $0xFFFFFE70  }
0x6f: {  	[hbm:s14], [sflag:s7] =	dma.local [spmem:s0], $0x190  }
0x70: {  	_ =	swait.ge [sflag:s25], $0x190  }
0x71: {  	[sflag:s25] =	ssyncset.done $0x0  }
0x72: {  	s15 =	rddreg [dreg:$0xa];
	[sflag:s25] =	ssyncadd.s32 $0xFFFFFE70  }
0x73: {  	[hbm:s15], [sflag:s7] =	dma.local [spmem:s4], $0x190  }
0x74: {  	_ =	swait.ge [sflag:s25], $0x190  }
0x75: {  	[sflag:s25] =	ssyncset.done $0x0  }
0x76: {  	s12 =	rddreg [dreg:$0xb];
	[sflag:s25] =	ssyncadd.s32 $0xFFFFFE70  }
0x77: {  	[hbm:s12], [sflag:s7] =	dma.local [spmem:s8], $0x190  }
0x78: {  	_ =	swait.ge [sflag:s25], $0x190  }
0x79: {  	[sflag:s25] =	ssyncset.done $0x0  }
0x7a: {  	s13 =	rddreg [dreg:$0xc];
	[sflag:s25] =	ssyncadd.s32 $0xFFFFFE70  }
0x7b: {  	[hbm:s13], [sflag:s7] =	dma.local [spmem:s9], $0x190  }
0x7c: {  	_ =	swait.ge [sflag:s25], $0x190  }
0x7d: {  	[sflag:s25] =	ssyncset.done $0x0  }
0x7e: {  	[sflag:s25] =	ssyncadd.s32 $0xFFFFFE70  }
0x7f: {  	[spmem:s31], [sflag:s7] =	dma.local [hbm:s5], $0x190  }
0x80: {  	_ =	swait.ge [sflag:s25], $0x190  }
0x81: {  	[sflag:s25] =	ssyncset.done $0x0  }
0x82: {  	[sflag:s25] =	ssyncadd.s32 $0xFFFFFE70  }
0x83: {  	[spmem:s0], [sflag:s7] =	dma.local [hbm:s5], $0x190  }
0x84: {  	_ =	swait.ge [sflag:s25], $0x190  }
0x85: {  	[sflag:s25] =	ssyncset.done $0x0  }
0x86: {  	[sflag:s25] =	ssyncadd.s32 $0xFFFFFE70  }
0x87: {  	[spmem:s4], [sflag:s7] =	dma.local [hbm:s5], $0x190  }
0x88: {  	_ =	swait.ge [sflag:s25], $0x190  }
0x89: {  	[sflag:s25] =	ssyncset.done $0x0  }
0x8a: {  	[sflag:s25] =	ssyncadd.s32 $0xFFFFFE70  }
0x8b: {  	[spmem:s8], [sflag:s7] =	dma.local [hbm:s5], $0x190  }
0x8c: {  	_ =	swait.ge [sflag:s25], $0x190  }
0x8d: {  	[sflag:s25] =	ssyncset.done $0x0  }
0x8e: {  	[sflag:s25] =	ssyncadd.s32 $0xFFFFFE70  }
0x8f: {  	[spmem:s9], [sflag:s7] =	dma.local [hbm:s5], $0x190  }
0x90: {  	_ =	swait.ge [sflag:s25], $0x190  }
0x91: {  	[sflag:s25] =	ssyncset.done $0x0  }
0x92: {  	[sflag:s25] =	ssyncadd.s32 $0xFFFFFE70  }
0x93: {  	s14 =	sadd.s32 $0x0, s19;
	[bflag:$0x0] =	sbarrier.arrive $0xFFFF  }
0x94: {  	[tilespmem:s3], [sflag:$0x2] =	stream.linear.gather [hbm4b:s14+s3], $0x400, $0x38;
	[tilespmem:$0x4A80] =	vst v63  }
0x95: {  	_ =	swait.ge [sflag:s25], $0x400  }
0x96: {  	[sflag:s25] =	ssyncset.done $0x0  }
0x97: {  	s15 =	sadd.s32 $0x0, s18;
	[sflag:s25] =	ssyncadd.s32 $0xFFFFFC00  }
0x98: {  	[tilespmem:s26], [sflag:$0x2] =	stream.linear.gather [hbm4b:s15+s3], $0x400, $0x38;
	[tilespmem:$0x4A80] =	vst v63  }
0x99: {  	_ =	swait.ge [sflag:s25], $0x400  }
0x9a: {  	[sflag:s25] =	ssyncset.done $0x0  }
0x9b: {  	[sflag:s25] =	ssyncadd.s32 $0xFFFFFC00  }
0x9c: {  	[tilespmem:s28], [sflag:$0x1] =	stream.indirect.gather [hbm4b:s1+s26], $0x1, s3, s26, $0xb8;
	[tilespmem:$0x4A80] =	vst v63  }
0x9d: {  	_ =	swait.ge [sflag:s29], $0x400  }
0x9e: {  	[sflag:s29] =	ssyncset.done $0x0  }
0x9f: {  	[sflag:s29] =	ssyncadd.s32 $0xFFFFFC00  }
0xa0: {  	[spmem:s2] =	stream.indirect.scatter.add.f32 [tilespmem:s28], [sflag:$0x2], $0x1, s26, s26, $0xb8;
	[tilespmem:$0x4A80] =	vst v63  }
0xa1: {  	_ =	swait.ge [sflag:s25], $0x400  }
0xa2: {  	s10 =	simm.s32 $0x80;
	s12 =	simm.s32 $0x100;
	[sflag:s25] =	ssyncset.done $0x0  }
.LBB2_4:
0xa3: {  	s13 =	sadd.s32 s10, s19  }
0xa4: {  	[sflag:s25] =	ssyncadd.s32 $0xFFFFFC00;
	s14 =	smov.u32 s12;
	s15 =	sadd.s32 $0x80, s12  }
0xa5: {  	[tilespmem:s3], [sflag:$0x2] =	stream.linear.gather [hbm4b:s13+s3], $0x400, $0x38;
	[tilespmem:$0x4A80] =	vst v63  }
0xa6: {  	p0 =	sne.s32 s12, $0xC00;
	_ =	swait.ge [sflag:s25], $0x400  }
0xa7: {  	[sflag:s25] =	ssyncset.done $0x0  }
0xa8: {  	s12 =	sadd.s32 s10, s18;
	s10 =	smov.u32 s14;
	[sflag:s25] =	ssyncadd.s32 $0xFFFFFC00  }
0xa9: {  	[tilespmem:s26], [sflag:$0x2] =	stream.linear.gather [hbm4b:s12+s3], $0x400, $0x38;
	[tilespmem:$0x4A80] =	vst v63  }
0xaa: {  	_ =	swait.ge [sflag:s25], $0x400  }
0xab: {  	[sflag:s25] =	ssyncset.done $0x0  }
0xac: {  	[sflag:s25] =	ssyncadd.s32 $0xFFFFFC00  }
0xad: {  	[tilespmem:s28], [sflag:$0x1] =	stream.indirect.gather [hbm4b:s1+s26], $0x1, s3, s26, $0xb8;
	[tilespmem:$0x4A80] =	vst v63  }
0xae: {  	_ =	swait.ge [sflag:s29], $0x400  }
.Ltmp1:
0xaf: {  	[sflag:s29] =	ssyncset.done $0x0;
	(pc) =	sbr.rel @p0 .LBB2_4-.Ltmp1, $4  }
0xb0: {  	[sflag:s29] =	ssyncadd.s32 $0xFFFFFC00  }
0xb1: {  	[spmem:s2] =	stream.indirect.scatter.add.f32 [tilespmem:s28], [sflag:$0x2], $0x1, s26, s26, $0xb8;
	[tilespmem:$0x4A80] =	vst v63  }
0xb2: {  	_ =	swait.ge [sflag:s25], $0x400  }
0xb3: {  	s12 =	smov.u32 s15;
	[sflag:s25] =	ssyncset.done $0x0  }
0xb4: {  	s12 =	sadd.s32 s10, s19;
	[sflag:s25] =	ssyncadd.s32 $0xFFFFFC00  }
0xb5: {  	[tilespmem:s3], [sflag:$0x2] =	stream.linear.gather [hbm4b:s12+s3], $0x400, $0x38;
	[tilespmem:$0x4A80] =	vst v63  }
0xb6: {  	_ =	swait.ge [sflag:s25], $0x400  }
0xb7: {  	[sflag:s25] =	ssyncset.done $0x0  }
0xb8: {  	s12 =	sadd.s32 s10, s18;
	[sflag:s25] =	ssyncadd.s32 $0xFFFFFC00  }
0xb9: {  	[tilespmem:s26], [sflag:$0x2] =	stream.linear.gather [hbm4b:s12+s3], $0x400, $0x38;
	[tilespmem:$0x4A80] =	vst v63  }
0xba: {  	_ =	swait.ge [sflag:s25], $0x400  }
0xbb: {  	[sflag:s25] =	ssyncset.done $0x0  }
0xbc: {  	[sflag:s25] =	ssyncadd.s32 $0xFFFFFC00  }
0xbd: {  	[tilespmem:s28], [sflag:$0x1] =	stream.indirect.gather [hbm4b:s1+s26], $0x1, s3, s26, $0xb8;
	[tilespmem:$0x4A80] =	vst v63  }
0xbe: {  	_ =	swait.ge [sflag:s29], $0x400  }
0xbf: {  	[sflag:s29] =	ssyncset.done $0x0  }
0xc0: {  	[sflag:s29] =	ssyncadd.s32 $0xFFFFFC00  }
0xc1: {  	[spmem:s2] =	stream.indirect.scatter.add.f32 [tilespmem:s28], [sflag:$0x2], $0x1, s26, s26, $0xb8;
	[tilespmem:$0x4A80] =	vst v63  }
0xc2: {  	_ =	swait.ge [sflag:s25], $0x400  }
0xc3: {  	[sflag:s25] =	ssyncset.done $0x0  }
0xc4: {  	[sflag:s25] =	ssyncadd.s32 $0xFFFFFC00  }
0xc5: {  	[bflag:$0x0] =	sbarrier.arrive $0xFFFF  }
0xc6: {  	s13 =	rddreg [dreg:$0xe]  }
0xc7: {  	[hbm:s13], [sflag:s7] =	dma.local [spmem:s31], $0x190  }
0xc8: {  	_ =	swait.ge [sflag:s25], $0x190  }
0xc9: {  	[sflag:s25] =	ssyncset.done $0x0  }
0xca: {  	s14 =	rddreg [dreg:$0xf];
	[sflag:s25] =	ssyncadd.s32 $0xFFFFFE70  }
0xcb: {  	[hbm:s14], [sflag:s7] =	dma.local [spmem:s0], $0x190  }
0xcc: {  	_ =	swait.ge [sflag:s25], $0x190  }
0xcd: {  	[sflag:s25] =	ssyncset.done $0x0  }
0xce: {  	s15 =	rddreg [dreg:$0x10];
	[sflag:s25] =	ssyncadd.s32 $0xFFFFFE70  }
0xcf: {  	[hbm:s15], [sflag:s7] =	dma.local [spmem:s4], $0x190  }
0xd0: {  	_ =	swait.ge [sflag:s25], $0x190  }
0xd1: {  	[sflag:s25] =	ssyncset.done $0x0  }
0xd2: {  	s12 =	rddreg [dreg:$0x11];
	[sflag:s25] =	ssyncadd.s32 $0xFFFFFE70  }
0xd3: {  	[hbm:s12], [sflag:s7] =	dma.local [spmem:s8], $0x190  }
0xd4: {  	_ =	swait.ge [sflag:s25], $0x190  }
0xd5: {  	[sflag:s25] =	ssyncset.done $0x0  }
0xd6: {  	s13 =	rddreg [dreg:$0x12];
	[sflag:s25] =	ssyncadd.s32 $0xFFFFFE70  }
0xd7: {  	[hbm:s13], [sflag:s7] =	dma.local [spmem:s9], $0x190  }
0xd8: {  	_ =	swait.ge [sflag:s25], $0x190  }
0xd9: {  	[sflag:s25] =	ssyncset.done $0x0  }
0xda: {  	[sflag:s25] =	ssyncadd.s32 $0xFFFFFE70  }
0xdb: {  	[spmem:s31], [sflag:s7] =	dma.local [hbm:s5], $0x190  }
0xdc: {  	_ =	swait.ge [sflag:s25], $0x190  }
0xdd: {  	[sflag:s25] =	ssyncset.done $0x0  }
0xde: {  	[sflag:s25] =	ssyncadd.s32 $0xFFFFFE70  }
0xdf: {  	[spmem:s0], [sflag:s7] =	dma.local [hbm:s5], $0x190  }
0xe0: {  	_ =	swait.ge [sflag:s25], $0x190  }
0xe1: {  	[sflag:s25] =	ssyncset.done $0x0  }
0xe2: {  	[sflag:s25] =	ssyncadd.s32 $0xFFFFFE70  }
0xe3: {  	[spmem:s4], [sflag:s7] =	dma.local [hbm:s5], $0x190  }
0xe4: {  	_ =	swait.ge [sflag:s25], $0x190  }
0xe5: {  	[sflag:s25] =	ssyncset.done $0x0  }
0xe6: {  	[sflag:s25] =	ssyncadd.s32 $0xFFFFFE70  }
0xe7: {  	[spmem:s8], [sflag:s7] =	dma.local [hbm:s5], $0x190  }
0xe8: {  	_ =	swait.ge [sflag:s25], $0x190  }
0xe9: {  	[sflag:s25] =	ssyncset.done $0x0  }
0xea: {  	[sflag:s25] =	ssyncadd.s32 $0xFFFFFE70  }
0xeb: {  	[spmem:s9], [sflag:s7] =	dma.local [hbm:s5], $0x190  }
0xec: {  	_ =	swait.ge [sflag:s25], $0x190  }
0xed: {  	[sflag:s25] =	ssyncset.done $0x0  }
0xee: {  	[sflag:s25] =	ssyncadd.s32 $0xFFFFFE70  }
0xef: {  	s14 =	sadd.s32 $0x0, s21;
	[bflag:$0x0] =	sbarrier.arrive $0xFFFF  }
0xf0: {  	[tilespmem:s3], [sflag:$0x2] =	stream.linear.gather [hbm4b:s14+s3], $0x400, $0x38;
	[tilespmem:$0x4A80] =	vst v63  }
0xf1: {  	_ =	swait.ge [sflag:s25], $0x400  }
0xf2: {  	[sflag:s25] =	ssyncset.done $0x0  }
0xf3: {  	s15 =	sadd.s32 $0x0, s20;
	[sflag:s25] =	ssyncadd.s32 $0xFFFFFC00  }
0xf4: {  	[tilespmem:s26], [sflag:$0x2] =	stream.linear.gather [hbm4b:s15+s3], $0x400, $0x38;
	[tilespmem:$0x4A80] =	vst v63  }
0xf5: {  	_ =	swait.ge [sflag:s25], $0x400  }
0xf6: {  	[sflag:s25] =	ssyncset.done $0x0  }
0xf7: {  	[sflag:s25] =	ssyncadd.s32 $0xFFFFFC00  }
0xf8: {  	[tilespmem:s28], [sflag:$0x1] =	stream.indirect.gather [hbm4b:s1+s26], $0x1, s3, s26, $0xb8;
	[tilespmem:$0x4A80] =	vst v63  }
0xf9: {  	_ =	swait.ge [sflag:s29], $0x400  }
0xfa: {  	[sflag:s29] =	ssyncset.done $0x0  }
0xfb: {  	[sflag:s29] =	ssyncadd.s32 $0xFFFFFC00  }
0xfc: {  	[spmem:s2] =	stream.indirect.scatter.add.f32 [tilespmem:s28], [sflag:$0x2], $0x1, s26, s26, $0xb8;
	[tilespmem:$0x4A80] =	vst v63  }
0xfd: {  	_ =	swait.ge [sflag:s25], $0x400  }
0xfe: {  	s10 =	simm.s32 $0x80;
	s12 =	simm.s32 $0x100;
	[sflag:s25] =	ssyncset.done $0x0  }
.LBB2_6:
0xff: {  	s13 =	sadd.s32 s10, s21  }
0x100: {  	[sflag:s25] =	ssyncadd.s32 $0xFFFFFC00;
	s14 =	smov.u32 s12;
	s15 =	sadd.s32 $0x80, s12  }
0x101: {  	[tilespmem:s3], [sflag:$0x2] =	stream.linear.gather [hbm4b:s13+s3], $0x400, $0x38;
	[tilespmem:$0x4A80] =	vst v63  }
0x102: {  	p0 =	sne.s32 s12, $0xC00;
	_ =	swait.ge [sflag:s25], $0x400  }
0x103: {  	[sflag:s25] =	ssyncset.done $0x0  }
0x104: {  	s12 =	sadd.s32 s10, s20;
	s10 =	smov.u32 s14;
	[sflag:s25] =	ssyncadd.s32 $0xFFFFFC00  }
0x105: {  	[tilespmem:s26], [sflag:$0x2] =	stream.linear.gather [hbm4b:s12+s3], $0x400, $0x38;
	[tilespmem:$0x4A80] =	vst v63  }
0x106: {  	_ =	swait.ge [sflag:s25], $0x400  }
0x107: {  	[sflag:s25] =	ssyncset.done $0x0  }
0x108: {  	[sflag:s25] =	ssyncadd.s32 $0xFFFFFC00  }
0x109: {  	[tilespmem:s28], [sflag:$0x1] =	stream.indirect.gather [hbm4b:s1+s26], $0x1, s3, s26, $0xb8;
	[tilespmem:$0x4A80] =	vst v63  }
0x10a: {  	_ =	swait.ge [sflag:s29], $0x400  }
.Ltmp2:
0x10b: {  	[sflag:s29] =	ssyncset.done $0x0;
	(pc) =	sbr.rel @p0 .LBB2_6-.Ltmp2, $4  }
0x10c: {  	[sflag:s29] =	ssyncadd.s32 $0xFFFFFC00  }
0x10d: {  	[spmem:s2] =	stream.indirect.scatter.add.f32 [tilespmem:s28], [sflag:$0x2], $0x1, s26, s26, $0xb8;
	[tilespmem:$0x4A80] =	vst v63  }
0x10e: {  	_ =	swait.ge [sflag:s25], $0x400  }
0x10f: {  	s12 =	smov.u32 s15;
	[sflag:s25] =	ssyncset.done $0x0  }
0x110: {  	s12 =	sadd.s32 s10, s21;
	[sflag:s25] =	ssyncadd.s32 $0xFFFFFC00  }
0x111: {  	[tilespmem:s3], [sflag:$0x2] =	stream.linear.gather [hbm4b:s12+s3], $0x400, $0x38;
	[tilespmem:$0x4A80] =	vst v63  }
0x112: {  	_ =	swait.ge [sflag:s25], $0x400  }
0x113: {  	[sflag:s25] =	ssyncset.done $0x0  }
0x114: {  	s12 =	sadd.s32 s10, s20;
	[sflag:s25] =	ssyncadd.s32 $0xFFFFFC00  }
0x115: {  	[tilespmem:s26], [sflag:$0x2] =	stream.linear.gather [hbm4b:s12+s3], $0x400, $0x38;
	[tilespmem:$0x4A80] =	vst v63  }
0x116: {  	_ =	swait.ge [sflag:s25], $0x400  }
0x117: {  	[sflag:s25] =	ssyncset.done $0x0  }
0x118: {  	[sflag:s25] =	ssyncadd.s32 $0xFFFFFC00  }
0x119: {  	[tilespmem:s28], [sflag:$0x1] =	stream.indirect.gather [hbm4b:s1+s26], $0x1, s3, s26, $0xb8;
	[tilespmem:$0x4A80] =	vst v63  }
0x11a: {  	_ =	swait.ge [sflag:s29], $0x400  }
0x11b: {  	[sflag:s29] =	ssyncset.done $0x0  }
0x11c: {  	[sflag:s29] =	ssyncadd.s32 $0xFFFFFC00  }
0x11d: {  	[spmem:s2] =	stream.indirect.scatter.add.f32 [tilespmem:s28], [sflag:$0x2], $0x1, s26, s26, $0xb8;
	[tilespmem:$0x4A80] =	vst v63  }
0x11e: {  	_ =	swait.ge [sflag:s25], $0x400  }
0x11f: {  	[sflag:s25] =	ssyncset.done $0x0  }
0x120: {  	[sflag:s25] =	ssyncadd.s32 $0xFFFFFC00  }
0x121: {  	[bflag:$0x0] =	sbarrier.arrive $0xFFFF  }
0x122: {  	s13 =	rddreg [dreg:$0x13]  }
0x123: {  	[hbm:s13], [sflag:s7] =	dma.local [spmem:s31], $0x190  }
0x124: {  	_ =	swait.ge [sflag:s25], $0x190  }
0x125: {  	[sflag:s25] =	ssyncset.done $0x0  }
0x126: {  	s14 =	rddreg [dreg:$0x14];
	[sflag:s25] =	ssyncadd.s32 $0xFFFFFE70  }
0x127: {  	[hbm:s14], [sflag:s7] =	dma.local [spmem:s0], $0x190  }
0x128: {  	_ =	swait.ge [sflag:s25], $0x190  }
0x129: {  	[sflag:s25] =	ssyncset.done $0x0  }
0x12a: {  	s15 =	rddreg [dreg:$0x15];
	[sflag:s25] =	ssyncadd.s32 $0xFFFFFE70  }
0x12b: {  	[hbm:s15], [sflag:s7] =	dma.local [spmem:s4], $0x190  }
0x12c: {  	_ =	swait.ge [sflag:s25], $0x190  }
0x12d: {  	[sflag:s25] =	ssyncset.done $0x0  }
0x12e: {  	s12 =	rddreg [dreg:$0x16];
	[sflag:s25] =	ssyncadd.s32 $0xFFFFFE70  }
0x12f: {  	[hbm:s12], [sflag:s7] =	dma.local [spmem:s8], $0x190  }
0x130: {  	_ =	swait.ge [sflag:s25], $0x190  }
0x131: {  	[sflag:s25] =	ssyncset.done $0x0  }
0x132: {  	s13 =	rddreg [dreg:$0x17];
	[sflag:s25] =	ssyncadd.s32 $0xFFFFFE70  }
0x133: {  	[hbm:s13], [sflag:s7] =	dma.local [spmem:s9], $0x190  }
0x134: {  	_ =	swait.ge [sflag:s25], $0x190  }
0x135: {  	[sflag:s25] =	ssyncset.done $0x0  }
0x136: {  	[sflag:s25] =	ssyncadd.s32 $0xFFFFFE70  }
0x137: {  	[spmem:s31], [sflag:s7] =	dma.local [hbm:s5], $0x190  }
0x138: {  	_ =	swait.ge [sflag:s25], $0x190  }
0x139: {  	[sflag:s25] =	ssyncset.done $0x0  }
0x13a: {  	[sflag:s25] =	ssyncadd.s32 $0xFFFFFE70  }
0x13b: {  	[spmem:s0], [sflag:s7] =	dma.local [hbm:s5], $0x190  }
0x13c: {  	_ =	swait.ge [sflag:s25], $0x190  }
0x13d: {  	[sflag:s25] =	ssyncset.done $0x0  }
0x13e: {  	[sflag:s25] =	ssyncadd.s32 $0xFFFFFE70  }
0x13f: {  	[spmem:s4], [sflag:s7] =	dma.local [hbm:s5], $0x190  }
0x140: {  	_ =	swait.ge [sflag:s25], $0x190  }
0x141: {  	[sflag:s25] =	ssyncset.done $0x0  }
0x142: {  	[sflag:s25] =	ssyncadd.s32 $0xFFFFFE70  }
0x143: {  	[spmem:s8], [sflag:s7] =	dma.local [hbm:s5], $0x190  }
0x144: {  	_ =	swait.ge [sflag:s25], $0x190  }
0x145: {  	[sflag:s25] =	ssyncset.done $0x0  }
0x146: {  	[sflag:s25] =	ssyncadd.s32 $0xFFFFFE70  }
0x147: {  	[spmem:s9], [sflag:s7] =	dma.local [hbm:s5], $0x190  }
0x148: {  	_ =	swait.ge [sflag:s25], $0x190  }
0x149: {  	[sflag:s25] =	ssyncset.done $0x0  }
0x14a: {  	[sflag:s25] =	ssyncadd.s32 $0xFFFFFE70  }
0x14b: {  	s14 =	sadd.s32 $0x0, s23;
	[bflag:$0x0] =	sbarrier.arrive $0xFFFF  }
0x14c: {  	[tilespmem:s3], [sflag:$0x2] =	stream.linear.gather [hbm4b:s14+s3], $0x400, $0x38;
	[tilespmem:$0x4A80] =	vst v63  }
0x14d: {  	_ =	swait.ge [sflag:s25], $0x400  }
0x14e: {  	[sflag:s25] =	ssyncset.done $0x0  }
0x14f: {  	s15 =	sadd.s32 $0x0, s22;
	[sflag:s25] =	ssyncadd.s32 $0xFFFFFC00  }
0x150: {  	[tilespmem:s26], [sflag:$0x2] =	stream.linear.gather [hbm4b:s15+s3], $0x400, $0x38;
	[tilespmem:$0x4A80] =	vst v63  }
0x151: {  	_ =	swait.ge [sflag:s25], $0x400  }
0x152: {  	[sflag:s25] =	ssyncset.done $0x0  }
0x153: {  	[sflag:s25] =	ssyncadd.s32 $0xFFFFFC00  }
0x154: {  	[tilespmem:s28], [sflag:$0x1] =	stream.indirect.gather [hbm4b:s1+s26], $0x1, s3, s26, $0xb8;
	[tilespmem:$0x4A80] =	vst v63  }
0x155: {  	_ =	swait.ge [sflag:s29], $0x400  }
0x156: {  	[sflag:s29] =	ssyncset.done $0x0  }
0x157: {  	[sflag:s29] =	ssyncadd.s32 $0xFFFFFC00  }
0x158: {  	[spmem:s2] =	stream.indirect.scatter.add.f32 [tilespmem:s28], [sflag:$0x2], $0x1, s26, s26, $0xb8;
	[tilespmem:$0x4A80] =	vst v63  }
0x159: {  	_ =	swait.ge [sflag:s25], $0x400  }
0x15a: {  	s10 =	simm.s32 $0x80;
	s12 =	simm.s32 $0x100;
	[sflag:s25] =	ssyncset.done $0x0  }
.LBB2_8:
0x15b: {  	s13 =	sadd.s32 s10, s23  }
0x15c: {  	[sflag:s25] =	ssyncadd.s32 $0xFFFFFC00;
	s14 =	smov.u32 s12;
	s15 =	sadd.s32 $0x80, s12  }
0x15d: {  	[tilespmem:s3], [sflag:$0x2] =	stream.linear.gather [hbm4b:s13+s3], $0x400, $0x38;
	[tilespmem:$0x4A80] =	vst v63  }
0x15e: {  	p0 =	sne.s32 s12, $0xC00;
	_ =	swait.ge [sflag:s25], $0x400  }
0x15f: {  	[sflag:s25] =	ssyncset.done $0x0  }
0x160: {  	s12 =	sadd.s32 s10, s22;
	s10 =	smov.u32 s14;
	[sflag:s25] =	ssyncadd.s32 $0xFFFFFC00  }
0x161: {  	[tilespmem:s26], [sflag:$0x2] =	stream.linear.gather [hbm4b:s12+s3], $0x400, $0x38;
	[tilespmem:$0x4A80] =	vst v63  }
0x162: {  	_ =	swait.ge [sflag:s25], $0x400  }
0x163: {  	[sflag:s25] =	ssyncset.done $0x0  }
0x164: {  	[sflag:s25] =	ssyncadd.s32 $0xFFFFFC00  }
0x165: {  	[tilespmem:s28], [sflag:$0x1] =	stream.indirect.gather [hbm4b:s1+s26], $0x1, s3, s26, $0xb8;
	[tilespmem:$0x4A80] =	vst v63  }
0x166: {  	_ =	swait.ge [sflag:s29], $0x400  }
.Ltmp3:
0x167: {  	[sflag:s29] =	ssyncset.done $0x0;
	(pc) =	sbr.rel @p0 .LBB2_8-.Ltmp3, $4  }
0x168: {  	[sflag:s29] =	ssyncadd.s32 $0xFFFFFC00  }
0x169: {  	[spmem:s2] =	stream.indirect.scatter.add.f32 [tilespmem:s28], [sflag:$0x2], $0x1, s26, s26, $0xb8;
	[tilespmem:$0x4A80] =	vst v63  }
0x16a: {  	_ =	swait.ge [sflag:s25], $0x400  }
0x16b: {  	s12 =	smov.u32 s15;
	[sflag:s25] =	ssyncset.done $0x0  }
0x16c: {  	s12 =	sadd.s32 s10, s23;
	[sflag:s25] =	ssyncadd.s32 $0xFFFFFC00  }
0x16d: {  	[tilespmem:s3], [sflag:$0x2] =	stream.linear.gather [hbm4b:s12+s3], $0x400, $0x38;
	[tilespmem:$0x4A80] =	vst v63  }
0x16e: {  	_ =	swait.ge [sflag:s25], $0x400  }
0x16f: {  	[sflag:s25] =	ssyncset.done $0x0  }
0x170: {  	s15 =	sadd.s32 s10, s22;
	[sflag:s25] =	ssyncadd.s32 $0xFFFFFC00  }
0x171: {  	[tilespmem:s26], [sflag:$0x2] =	stream.linear.gather [hbm4b:s15+s3], $0x400, $0x38;
	[tilespmem:$0x4A80] =	vst v63  }
0x172: {  	_ =	swait.ge [sflag:s25], $0x400  }
0x173: {  	[sflag:s25] =	ssyncset.done $0x0  }
0x174: {  	[sflag:s25] =	ssyncadd.s32 $0xFFFFFC00  }
0x175: {  	[tilespmem:s28], [sflag:$0x1] =	stream.indirect.gather [hbm4b:s1+s26], $0x1, s3, s26, $0xb8;
	[tilespmem:$0x4A80] =	vst v63  }
0x176: {  	_ =	swait.ge [sflag:s29], $0x400  }
0x177: {  	[sflag:s29] =	ssyncset.done $0x0  }
0x178: {  	[sflag:s29] =	ssyncadd.s32 $0xFFFFFC00  }
0x179: {  	[spmem:s2] =	stream.indirect.scatter.add.f32 [tilespmem:s28], [sflag:$0x2], $0x1, s26, s26, $0xb8;
	[tilespmem:$0x4A80] =	vst v63  }
0x17a: {  	_ =	swait.ge [sflag:s25], $0x400  }
0x17b: {  	[sflag:s25] =	ssyncset.done $0x0  }
0x17c: {  	[sflag:s25] =	ssyncadd.s32 $0xFFFFFC00  }
0x17d: {  	[bflag:$0x0] =	sbarrier.arrive $0xFFFF  }
0x17e: {  	s12 =	rddreg [dreg:$0x18]  }
0x17f: {  	[hbm:s12], [sflag:s7] =	dma.local [spmem:s31], $0x190  }
0x180: {  	_ =	swait.ge [sflag:s25], $0x190  }
0x181: {  	[sflag:s25] =	ssyncset.done $0x0  }
0x182: {  	s13 =	rddreg [dreg:$0x19];
	[sflag:s25] =	ssyncadd.s32 $0xFFFFFE70  }
0x183: {  	[hbm:s13], [sflag:s7] =	dma.local [spmem:s0], $0x190  }
0x184: {  	_ =	swait.ge [sflag:s25], $0x190  }
0x185: {  	[sflag:s25] =	ssyncset.done $0x0  }
0x186: {  	s14 =	rddreg [dreg:$0x1a];
	[sflag:s25] =	ssyncadd.s32 $0xFFFFFE70  }
0x187: {  	[hbm:s14], [sflag:s7] =	dma.local [spmem:s4], $0x190  }
0x188: {  	_ =	swait.ge [sflag:s25], $0x190  }
0x189: {  	[sflag:s25] =	ssyncset.done $0x0  }
0x18a: {  	s15 =	rddreg [dreg:$0x1b];
	[sflag:s25] =	ssyncadd.s32 $0xFFFFFE70  }
0x18b: {  	[hbm:s15], [sflag:s7] =	dma.local [spmem:s8], $0x190  }
0x18c: {  	_ =	swait.ge [sflag:s25], $0x190  }
0x18d: {  	[sflag:s25] =	ssyncset.done $0x0  }
0x18e: {  	[sflag:s25] =	ssyncadd.s32 $0xFFFFFE70  }
0x18f: {  	[hbm:s24], [sflag:s7] =	dma.local [spmem:s9], $0x190  }
0x190: {  	_ =	swait.ge [sflag:s25], $0x190  }
0x191: {  	s30 =	sadd.s32 $0x1, s30;
	s31 =	rddreg [dreg:$0xd]  }
0x192: {  	p0 =	sne.s32 s30, s31  }
.Ltmp4:
0x193: {  	_ = 	snop;
	(pc) =	sbr.rel @p0 .LBB2_1-.Ltmp4, $3  }
0x194: {  	_ =	sdelay $0x1  }
0x195: {  	[sflag:s25] =	ssyncset.done $0x0  }
0x196: {  	[sflag:s25] =	ssyncadd.s32 $0xFFFFFE70  }
0x197: {  	_ =	sfence.sel $0x180000  }
0x198: {  	[bflag:$0x0] =	sbarrier.arrive $0xFFFF  }
0x199: {  	_ =	strace $0x9000004A  }
0x19a: {  	s0 =	stileid.u32;
	[bflag:$0x2] =	sbarrier.arrive $0xFFFF  }
0x19b: {  	p0 =	sne.s32 s0, $0x0;
	s0 =	rddreg [dreg:$0x4]  }
0x19c: {  	s0 =	sadd.s32 @!p0 $0x100000, s0  }
0x19d: {  	[sflag:s0] =	ssyncadd.tile.s32 @!p0 $0x1;
	_ =	shalt  }
.Lfunc_end2:
_tile_overlayer_lowered:
.L_overlay_start_2:
0x19e: {  	(tag) =	ssettag $0x2  }
0x19f: {  	s0 =	rddreg [dreg:$0x0];
	s2 =	stileid.u32  }
0x1a0: {  	s1 =	rddreg [dreg:$0x1];
	p0 =	sne.s32 s2, $0x0  }
0x1a1: {  	s3 =	rddreg [dreg:$0x2];
	[bflag:$0x3] =	sbarrier.arrive $0xFFFF;
	s2 =	simm.s32 @!p0 $0x1C02  }
0x1a2: {  	[timem:s3], [sflag:s2] =	dma.local @!p0 [hbm:s0], s1  }
0x1a3: {  	s0 =	simm.s32 @!p0 $0x2  }
0x1a4: {  	_ =	swait.ge @!p0 [sflag:s0], s1  }
0x1a5: {  	s1 =	ssub.s32 @!p0 $0x0, s1;
	[sflag:s0] =	ssyncset.done @!p0 $0x0  }
0x1a6: {  	[sflag:s0] =	ssyncadd.s32 @!p0 s1  }
0x1a7: {  	[bflag:$0x3] =	sbarrier.arrive $0xFFFF  }
0x1a8: {  	_ =	shalt  }

// kernel: kernel.18.cloned.1.call-start
scs
__scs_entry_jumppad:
0x0: {  	(pc) =	sbr.rel $0x88, $3  }
0x1: {  	(tag) =	ssettag $0x0;
	lr =	simm.s32 $0x1  }
0x2: {  	[smem:$0x3F91] =	sst lr;
	_ =	strace $0xD0000000  }
0x3: {  	_ = 	snop  }
0x4: {  	_ = 	snop  }
0x5: {  	_ = 	snop  }
0x6: {  	_ = 	snop  }
0x7: {  	_ = 	snop  }
__scs_overlays_trampoline_lowered:
0x8: {  	[smem:$0x3FA0] =	sst s0  }
0x9: {  	[smem:$0x3FA1] =	sst s1  }
0xa: {  	[smem:$0x3FA2] =	sst s2  }
0xb: {  	[smem:$0x3FA3] =	sst s3  }
0xc: {  	[smem:$0x3FA4] =	sst s4  }
0xd: {  	[smem:$0x3FA5] =	sst s5  }
0xe: {  	[smem:$0x3FA6] =	sst s6  }
0xf: {  	[smem:$0x3FA7] =	sst s7  }
0x10: {  	[smem:$0x3FA8] =	sst s8  }
0x11: {  	[smem:$0x3FA9] =	sst s9;
	s0 =	simm.s32 @!p0 $0x0  }
0x12: {  	s1 =	sld [smem:$0x3F8F];
	s0 =	simm.s32 @p0 $0x1  }
0x13: {  	[smem:$0x3FAA] =	sst s0;
	s0 =	simm.s32 @!p1 $0x0  }
0x14: {  	s2 =	sld [smem:$0x3F8E];
	s0 =	simm.s32 @p1 $0x1  }
0x15: {  	[smem:$0x3FAB] =	sst s0;
	s0 =	simm.s32 @!p2 $0x0  }
0x16: {  	s3 =	sld [smem:$0x3FDB];
	s0 =	simm.s32 @p2 $0x1  }
0x17: {  	s4 =	simm.s32 $0x1BF5;
	[smem:$0x3FAD] =	sst s0  }
0x18: {  	s0 =	sld [smem:$0x3F90];
	_ =	swait.ge [sflag:s4], $0x0  }
0x19: {  	s7 =	sld [smem:$0x3F91]  }
0x1a: {  	s8 =	sadd.s32 $0xFFFFE003, lr  }
0x1b: {  	s9 =	sadd.s32 $0xFFFFFEF7, lr;
	s5 =	simm.s32 $0xFFFFFFFF;
	p2 =	slt.u32 s8, $0xFFFFF086  }
0x1c: {  	p1 =	slt.u32 s9, $0xF7A;
	s5 =	simm.s32 @!p2 $0x0  }
0x1d: {  	s5 =	simm.s32 @p1 $0x1;
	p0 =	seq.s32 s7, s2  }
0x1e: {  	s7 =	smul.u32 @!p0 $0xF7A, s2;
	p2 =	seq.s32 @!p0 s5, $0x0  }
0x1f: {  	s9 =	smul.u32 $0xF7A, s1;
	s8 =	simm.s32 @!p0 $0x1BF5;
	p2 =	por !p2, p0  }
0x20: {  	[sflag:s8] =	ssyncset.s32 @!p0 $0xFFFFF086;
	s6 =	sadd.s32 @!p0 s3, s7;
	s7 =	simm.s32 @!p0 $0x108  }
0x21: {  	s3 =	sadd.s32 s3, s9;
	s6 =	sadd.s32 @!p0 $0x88, s6;
	s7 =	simm.s32 @p2 $0x1082  }
0x22: {  	[simem:s7], [sflag:s8] =	dma.local @!p0 [hbm:s6], $0xF7A  }
0x23: {  	s9 =	sor.u32 $0xD0000000, s2;
	s6 =	simm.s32 $0x108;
	_ =	swait.ge @!p0 [sflag:s8], $0x0  }
0x24: {  	s3 =	sadd.s32 $0x88, s3;
	s6 =	simm.s32 @!p1 $0x1082;
	[sflag:s4] =	ssyncset.s32 $0xFFFFF086  }
0x25: {  	[simem:s6], [sflag:s4] =	dma.local [hbm:s3], $0xF7A  }
0x26: {  	[smem:$0x3F91] =	sst s1;
	(tag) =	ssettag s2;
	_ =	strace s9  }
0x27: {  	s1 =	sld [smem:$0x3FA1]  }
0x28: {  	s2 =	sld [smem:$0x3FA2]  }
0x29: {  	s4 =	sld [smem:$0x3FA4]  }
0x2a: {  	p0 =	seq.s32 s5, $0x0;
	s5 =	sld [smem:$0x3FA5]  }
0x2b: {  	s6 =	sld [smem:$0x3FA6]  }
0x2c: {  	s7 =	sld [smem:$0x3FA7]  }
0x2d: {  	s3 =	simm.s32 $0x108;
	s8 =	sld [smem:$0x3FA8]  }
0x2e: {  	s3 =	simm.s32 @!p0 $0x1082;
	s9 =	sld [smem:$0x3FA9]  }
0x2f: {  	lr =	sadd.s32 s0, s3;
	s0 =	sld [smem:$0x3FA0]  }
0x30: {  	s3 =	sld [smem:$0x3FA3]  }
0x31: {  	[smem:$0x3FAC] =	sst s10  }
0x32: {  	s10 =	sld [smem:$0x3FAA];
	_ =	sdelay $0x3  }
0x33: {  	p0 =	seq.s32 s10, $0x1;
	s10 =	sld [smem:$0x3FAC];
	_ =	sdelay $0x3  }
0x34: {  	[smem:$0x3FAC] =	sst s10  }
0x35: {  	s10 =	sld [smem:$0x3FAB];
	_ =	sdelay $0x3  }
0x36: {  	p1 =	seq.s32 s10, $0x1;
	s10 =	sld [smem:$0x3FAC];
	_ =	sdelay $0x3  }
0x37: {  	[smem:$0x3FAC] =	sst s10  }
0x38: {  	s10 =	sld [smem:$0x3FAD]  }
0x39: {  	_ = 	snop;
	(pc) =	sbr.ind lr, $3  }
0x3a: {  	_ = 	snop  }
0x3b: {  	_ = 	snop  }
0x3c: {  	p2 =	seq.s32 s10, $0x1;
	s10 =	sld [smem:$0x3FAC]  }
0x3d: {  	_ =	shalt  }
0x3e: {  	_ =	shalt  }
0x3f: {  	_ =	shalt  }
0x40: {  	_ =	shalt  }
0x41: {  	_ =	shalt  }
0x42: {  	_ =	shalt  }
0x43: {  	_ =	shalt  }
0x44: {  	_ =	shalt  }
0x45: {  	_ =	shalt  }
0x46: {  	_ =	shalt  }
0x47: {  	_ =	shalt  }
0x48: {  	_ =	shalt  }
0x49: {  	_ =	shalt  }
0x4a: {  	_ =	shalt  }
0x4b: {  	_ =	shalt  }
0x4c: {  	_ =	shalt  }
0x4d: {  	_ =	shalt  }
0x4e: {  	_ =	shalt  }
0x4f: {  	_ =	shalt  }
0x50: {  	_ =	shalt  }
0x51: {  	_ =	shalt  }
0x52: {  	_ =	shalt  }
0x53: {  	_ =	shalt  }
0x54: {  	_ =	shalt  }
0x55: {  	_ =	shalt  }
0x56: {  	_ =	shalt  }
0x57: {  	_ =	shalt  }
0x58: {  	_ =	shalt  }
0x59: {  	_ =	shalt  }
0x5a: {  	_ =	shalt  }
0x5b: {  	_ =	shalt  }
0x5c: {  	_ =	shalt  }
0x5d: {  	_ =	shalt  }
0x5e: {  	_ =	shalt  }
0x5f: {  	_ =	shalt  }
0x60: {  	_ =	shalt  }
0x61: {  	_ =	shalt  }
0x62: {  	_ =	shalt  }
0x63: {  	_ =	shalt  }
0x64: {  	_ =	shalt  }
0x65: {  	_ =	shalt  }
0x66: {  	_ =	shalt  }
0x67: {  	_ =	shalt  }
0x68: {  	_ =	shalt  }
0x69: {  	_ =	shalt  }
0x6a: {  	_ =	shalt  }
0x6b: {  	_ =	shalt  }
0x6c: {  	_ =	shalt  }
0x6d: {  	_ =	shalt  }
0x6e: {  	_ =	shalt  }
0x6f: {  	_ =	shalt  }
0x70: {  	_ =	shalt  }
0x71: {  	_ =	shalt  }
0x72: {  	_ =	shalt  }
0x73: {  	_ =	shalt  }
0x74: {  	_ =	shalt  }
0x75: {  	_ =	shalt  }
0x76: {  	_ =	shalt  }
0x77: {  	_ =	shalt  }
0x78: {  	_ =	shalt  }
0x79: {  	_ =	shalt  }
0x7a: {  	_ =	shalt  }
0x7b: {  	_ =	shalt  }
0x7c: {  	_ =	shalt  }
0x7d: {  	_ =	shalt  }
0x7e: {  	_ =	shalt  }
0x7f: {  	_ =	shalt  }
0x80: {  	_ =	shalt  }
0x81: {  	_ =	shalt  }
0x82: {  	_ =	shalt  }
0x83: {  	_ =	shalt  }
0x84: {  	_ =	shalt  }
0x85: {  	_ =	shalt  }
0x86: {  	_ =	shalt  }
0x87: {  	_ =	shalt  }
.Lfunc_end0:
.L_simem_size_0:
called_computation.3_lowered:
.L_overlay_start_0:
0x88: {  	s2 =	sld [smem:$0x3FD9]  }
0x89: {  	s3 =	sld [smem:$0x3FFE];
	_ =	sdelay $0x1  }
0x8a: {  	s1 =	srdreg.scid  }
0x8b: {  	s0 =	sand.u32 $0x1, s1  }
0x8c: {  	s14 =	sshll.u32 s0, $0xA;
	s2 =	sadd.s32 s3, s2  }
0x8d: {  	s2 =	sadd.s32 s2, s14  }
0x8e: {  	[smem:$0x3FB8] =	sst s2  }
0x8f: {  	_ = 	snop  }
0x90: {  	s2 =	sld [smem:$0x3FD0];
	_ =	sdelay $0x1  }
0x91: {  	s15 =	sld [smem:$0x3FC9]  }
0x92: {  	s5 =	simm.s32 $0xB;
	s6 =	simm.s32 $0x10;
	s4 =	sld [smem:$0x3FC8]  }
0x93: {  	[smem:s6], [sflag:s5] =	dma.local [hbm:s2], $0x1  }
0x94: {  	_ =	swait.eq [sflag:s5], $0x1  }
0x95: {  	s16 =	sld [smem:$0x10];
	[sflag:s5] =	ssyncset.done $0x0  }
0x96: {  	s17 =	sld [smem:$0x11];
	[sflag:s5] =	ssyncadd.s32 $0xFFFFFFFF  }
0x97: {  	s18 =	sld [smem:$0x12];
	(tm) =	ssettm $0x1  }
0x98: {  	s7 =	sld [smem:$0x3FFB];
	_ =	sdelay $0x3  }
0x99: {  	_ =	strace s7  }
0x9a: {  	s7 =	sld [smem:$0x3FFC];
	_ =	sdelay $0x3  }
0x9b: {  	_ =	strace s7  }
0x9c: {  	s7 =	sld [smem:$0x3FFD];
	_ =	sdelay $0x3  }
0x9d: {  	_ =	strace s7  }
0x9e: {  	_ =	strace $0x8FFFFFFF  }
0x9f: {  	s19 =	sld [smem:$0x3FDB];
	_ =	sdelay $0x1  }
0xa0: {  	s8 =	simm.s32 $_scs_section_size  }
0xa1: {  	s9 =	simm.s32 $_size__tile_overlayer_lowered;
	s10 =	simm.s32 $_tile_overlayer_lowered  }
0xa2: {  	s22 =	simm.s32 $0x1BFF;
	s21 =	sshll.u32 s10, $0x1;
	s7 =	sadd.s32 s8, s19  }
0xa3: {  	s11 =	simm.s32 $0x0;
	s20 =	sshll.u32 s9, $0x1;
	s9 =	sadd.s32 s21, s7  }
0xa4: {  	[timem:s11], [sflag:s22] =	dma.local [hbm:s9], s20  }
0xa5: {  	_ =	swait.ge [sflag:s22], s20  }
0xa6: {  	s8 =	ssub.s32 $0x0, s20;
	[sflag:s22] =	ssyncset.done $0x0  }
0xa7: {  	[sflag:s22] =	ssyncadd.s32 s8;
	_ =	sdelay $0x1  }
0xa8: {  	s23 =	simm.s32 $0x1B8B  }
0xa9: {  	_ =	swait.ge [sflag:s23], $0x1  }
0xaa: {  	[sflag:s23] =	ssyncset.done $0x0  }
0xab: {  	s25 =	simm.s32 $0x1B8E;
	s24 =	sld [smem:$0x3FFE];
	[sflag:s23] =	ssyncadd.s32 $0xFFFFFFFF  }
0xac: {  	s26 =	simm.s32 $execute0_lowered;
	[smem:$0x3FD2] =	sst s25  }
0xad: {  	s9 =	sshll.u32 s26, $0x1;
	_ =	strace $0x8000004F;
	[dreg:$0x1] =	wrdreg $0xFFFFFFFF  }
0xae: {  	s28 =	simm.s32 $_size_execute0_lowered;
	s7 =	sadd.s32 s7, s9;
	[dreg:$0x0] =	wrdreg $0x0  }
0xaf: {  	s9 =	sshll.u32 s28, $0x1;
	[dreg:$0x2] =	wrdreg s7  }
0xb0: {  	[dreg:$0x3] =	wrdreg s9  }
0xb1: {  	[dreg:$0x4] =	wrdreg $0xC0  }
0xb2: {  	_ =	task [dreg:s11], $0x5FFFF  }
0xb3: {  	[dreg:$0x1] =	wrdreg $0xFFFFFFFF  }
0xb4: {  	[dreg:$0x0] =	wrdreg $0x60  }
0xb5: {  	[dreg:$0x2] =	wrdreg s18  }
0xb6: {  	[dreg:$0x3] =	wrdreg s24  }
0xb7: {  	[dreg:$0x4] =	wrdreg s15  }
0xb8: {  	[dreg:$0x5] =	wrdreg s4  }
0xb9: {  	[dreg:$0x6] =	wrdreg s16  }
0xba: {  	[dreg:$0x7] =	wrdreg s17  }
0xbb: {  	[dreg:$0x8] =	wrdreg $0x9  }
0xbc: {  	_ =	task.clear_ibuf [dreg:s11], $0x9FFFF;
	_ =	strace $0x9000004F  }
0xbd: {  	s29 =	simm.s32 $0x9;
	_ =	strace $0x80000051  }
0xbe: {  	_ =	swait.ge [sflag:s29], $0x1  }
0xbf: {  	[sflag:s29] =	ssyncadd.s32 $0xFFFFFFFF  }
0xc0: {  	_ =	strace $0x90000051  }
0xc1: {  	_ =	sfence  }
0xc2: {  	s30 =	sld [smem:$0x0];
	_ =	sdelay $0x2  }
0xc3: {  	s31 =	sshll.u32 s1, $0xD;
	s1 =	sshrl.u32 s1, $0x2  }
0xc4: {  	s3 =	sand.u32 $0x4000, s31;
	s1 =	sadd.s32 s1, s30  }
0xc5: {  	s0 =	sor.u32 s3, s0;
	s1 =	sshll.u32 s1, $0x11  }
0xc6: {  	s0 =	sor.u32 s1, s0  }
0xc7: {  	s0 =	sadd.s32 $0x8F2B, s0  }
0xc8: {  	[sflag:s0] =	ssyncadd.remote.s32 $0x1  }
0xc9: {  	_ =	sfence.sel $0xFFFF  }
0xca: {  	[dreg:$0x0] =	wrdreg $0xFFFFFFFF;
	(pc) =	sbr.abs _section_cstart, $3  }
0xcb: {  	[dreg:$0x1] =	wrdreg $0xFFFFFFFF  }
0xcc: {  	_ =	task.clear_ibuf [dreg:s11], $0x2FFFF;
	_ =	strace $0x9FFFFFFF  }
0xcd: {  	(tm) =	ssettm $0x7FFFFFFF  }
tec
execute0_lowered:
.L_overlay_start_1:
0x0: {  	(tag) =	ssettag $0x1  }
0x1: {  	s0 =	rddreg [dreg:$0x0]  }
0x2: {  	s10 =	rddreg [dreg:$0x1]  }
0x3: {  	s4 =	rddreg [dreg:$0x2]  }
0x4: {  	s9 =	rddreg [dreg:$0x3];
	s2 =	srdreg.scid  }
0x5: {  	s8 =	rddreg [dreg:$0x4];
	s1 =	stileid.u32;
	s11 =	sand.u32 $0x1, s2  }
0x6: {  	s12 =	rddreg [dreg:$0x5];
	s5 =	sshll.u32 s1, $0x8;
	s6 =	sshll.u32 s11, $0x7  }
0x7: {  	s3 =	simm.s32 $0x0;
	s2 =	rddreg [dreg:$0x6];
	s13 =	sor.u32 s6, s5  }
0x8: {  	[smem:$0x7FF] =	sst s3;
	s14 =	sshrl.u32 s13, $0x3  }
0x9: {  	_ =	strace $0x80000050;
	s5 =	sadd.s32 s4, s14;
	s4 =	simm.s32 $0x2  }
0xa: {  	[tilespmem:s3], [sflag:$0x2] =	stream.linear.gather [hbm4b:s5+s3], $0x80, $0x38;
	[tilespmem:$0x4080] =	vst v63  }
0xb: {  	_ =	swait.ge [sflag:s4], $0x80  }
0xc: {  	[sflag:s4] =	ssyncset.done $0x0  }
0xd: {  	s7 =	simm.s32 $0x1;
	s6 =	simm.s32 $0x80;
	[sflag:s4] =	ssyncadd.s32 $0xFFFFFF80  }
0xe: {  	[tilespmem:s6], [sflag:$0x1] =	stream.indirect.gather [hbm4b:s0+s6], $0x80, s3, s6, $0xb8;
	[tilespmem:$0x4080] =	vst v63  }
0xf: {  	_ =	swait.ge [sflag:s7], $0x4000  }
0x10: {  	s13 =	sshll.u32 s13, $0x4;
	[sflag:s7] =	ssyncset.done $0x0  }
0x11: {  	s8 =	sadd.s32 s8, s13;
	[sflag:s7] =	ssyncadd.s32 $0xFFFFC000  }
0x12: {  	[hbm4b:s8+s3] =	stream.linear.scatter [tilespmem:s6], [sflag:$0x2], $0x4000, $0x38;
	[tilespmem:$0x4080] =	vst v63  }
0x13: {  	_ =	swait.ge [sflag:s4], $0x4000  }
0x14: {  	[sflag:s4] =	ssyncset.done $0x0  }
0x15: {  	s11 =	ssub.s32 $0x2, s11;
	s9 =	sadd.s32 s9, s14;
	[sflag:s4] =	ssyncadd.s32 $0xFFFFC000  }
0x16: {  	[tilespmem:s3], [sflag:$0x2] =	stream.linear.gather [hbm4b:s9+s3], $0x80, $0x38;
	[tilespmem:$0x4080] =	vst v63  }
0x17: {  	s30 =	sshrl.u32 s11, $0x1;
	_ =	swait.ge [sflag:s4], $0x80  }
0x18: {  	s14 =	ssub.s32 s11, s30;
	[sflag:s4] =	ssyncset.done $0x0  }
0x19: {  	s10 =	sadd.s32 $0x4400, s10;
	s31 =	smax.u32 s14, $0x1;
	[sflag:s4] =	ssyncadd.s32 $0xFFFFFF80  }
0x1a: {  	[tilespmem:s6], [sflag:$0x1] =	stream.indirect.gather [hbm4b:s10+s6], $0x80, s3, s6, $0xb8;
	[tilespmem:$0x4080] =	vst v63  }
0x1b: {  	p0 =	sne.s32 s31, $0x1;
	_ =	swait.ge [sflag:s7], $0x4000  }
.Ltmp0:
0x1c: {  	[sflag:s7] =	ssyncset.done $0x0;
	(pc) =	sbr.rel @!p0 .LBB2_2-.Ltmp0, $4  }
0x1d: {  	s11 =	sadd.s32 s12, s13;
	[sflag:s7] =	ssyncadd.s32 $0xFFFFC000  }
0x1e: {  	[hbm4b:s11+s3] =	stream.linear.scatter [tilespmem:s6], [sflag:$0x2], $0x4000, $0x38;
	[tilespmem:$0x4080] =	vst v63  }
0x1f: {  	_ =	swait.ge [sflag:s4], $0x4000  }
0x20: {  	s12 =	sadd.s32 $0xFFFFFFFF, s31;
	[sflag:s4] =	ssyncset.done $0x0  }
.LBB2_1:
0x21: {  	p0 =	sne.s32 s12, $0x1;
	s12 =	sadd.s32 $0xFFFFFFFF, s12;
	[sflag:s4] =	ssyncadd.s32 $0xFFFFC000  }
0x22: {  	[tilespmem:s3], [sflag:$0x2] =	stream.linear.gather [hbm4b:s5+s3], $0x80, $0x38;
	[tilespmem:$0x4080] =	vst v63  }
0x23: {  	_ =	swait.ge [sflag:s4], $0x80  }
0x24: {  	[sflag:s4] =	ssyncset.done $0x0  }
0x25: {  	[sflag:s4] =	ssyncadd.s32 $0xFFFFFF80  }
0x26: {  	[tilespmem:s6], [sflag:$0x1] =	stream.indirect.gather [hbm4b:s0+s6], $0x80, s3, s6, $0xb8;
	[tilespmem:$0x4080] =	vst v63  }
0x27: {  	_ =	swait.ge [sflag:s7], $0x4000  }
0x28: {  	[sflag:s7] =	ssyncset.done $0x0  }
0x29: {  	[sflag:s7] =	ssyncadd.s32 $0xFFFFC000  }
0x2a: {  	[hbm4b:s8+s3] =	stream.linear.scatter [tilespmem:s6], [sflag:$0x2], $0x4000, $0x38;
	[tilespmem:$0x4080] =	vst v63  }
0x2b: {  	_ =	swait.ge [sflag:s4], $0x4000  }
0x2c: {  	[sflag:s4] =	ssyncset.done $0x0  }
0x2d: {  	[sflag:s4] =	ssyncadd.s32 $0xFFFFC000  }
0x2e: {  	[tilespmem:s3], [sflag:$0x2] =	stream.linear.gather [hbm4b:s9+s3], $0x80, $0x38;
	[tilespmem:$0x4080] =	vst v63  }
0x2f: {  	_ =	swait.ge [sflag:s4], $0x80  }
0x30: {  	[sflag:s4] =	ssyncset.done $0x0  }
0x31: {  	[sflag:s4] =	ssyncadd.s32 $0xFFFFFF80  }
0x32: {  	[tilespmem:s6], [sflag:$0x1] =	stream.indirect.gather [hbm4b:s10+s6], $0x80, s3, s6, $0xb8;
	[tilespmem:$0x4080] =	vst v63  }
0x33: {  	_ =	swait.ge [sflag:s7], $0x4000  }
.Ltmp1:
0x34: {  	[sflag:s7] =	ssyncset.done $0x0;
	(pc) =	sbr.rel @p0 .LBB2_1-.Ltmp1, $4  }
0x35: {  	[sflag:s7] =	ssyncadd.s32 $0xFFFFC000  }
0x36: {  	[hbm4b:s11+s3] =	stream.linear.scatter [tilespmem:s6], [sflag:$0x2], $0x4000, $0x38;
	[tilespmem:$0x4080] =	vst v63  }
0x37: {  	_ =	swait.ge [sflag:s4], $0x4000  }
0x38: {  	[sflag:s4] =	ssyncset.done $0x0  }
.LBB2_2:
0x39: {  	[sflag:s4] =	ssyncadd.s32 $0xFFFFC000  }
0x3a: {  	_ =	sfence.sel $0x180000  }
0x3b: {  	[bflag:$0x0] =	sbarrier.arrive $0xFFFF  }
0x3c: {  	p0 =	sne.s32 s1, $0x0;
	_ =	strace $0x90000050  }
0x3d: {  	s0 =	sadd.s32 @!p0 $0x100000, s2;
	[bflag:$0x2] =	sbarrier.arrive $0xFFFF  }
0x3e: {  	[sflag:s0] =	ssyncadd.tile.s32 @!p0 $0x1;
	_ =	shalt  }
.Lfunc_end2:
_tile_overlayer_lowered:
.L_overlay_start_2:
0x3f: {  	(tag) =	ssettag $0x2  }
0x40: {  	s0 =	rddreg [dreg:$0x0];
	s2 =	stileid.u32  }
0x41: {  	s1 =	rddreg [dreg:$0x1];
	p0 =	sne.s32 s2, $0x0  }
0x42: {  	s3 =	rddreg [dreg:$0x2];
	[bflag:$0x3] =	sbarrier.arrive $0xFFFF;
	s2 =	simm.s32 @!p0 $0x1C02  }
0x43: {  	[timem:s3], [sflag:s2] =	dma.local @!p0 [hbm:s0], s1  }
0x44: {  	s0 =	simm.s32 @!p0 $0x2  }
0x45: {  	_ =	swait.ge @!p0 [sflag:s0], s1  }
0x46: {  	s1 =	ssub.s32 @!p0 $0x0, s1;
	[sflag:s0] =	ssyncset.done @!p0 $0x0  }
0x47: {  	[sflag:s0] =	ssyncadd.s32 @!p0 s1  }
0x48: {  	[bflag:$0x3] =	sbarrier.arrive $0xFFFF  }
0x49: {  	_ =	shalt  }

// kernel: kernel.9.cloned.1.call-start
scs
__scs_entry_jumppad:
0x0: {  	(pc) =	sbr.rel $0x88, $3  }
0x1: {  	(tag) =	ssettag $0x0;
	lr =	simm.s32 $0x1  }
0x2: {  	[smem:$0x3F91] =	sst lr;
	_ =	strace $0xD0000000  }
0x3: {  	_ = 	snop  }
0x4: {  	_ = 	snop  }
0x5: {  	_ = 	snop  }
0x6: {  	_ = 	snop  }
0x7: {  	_ = 	snop  }
__scs_overlays_trampoline_lowered:
0x8: {  	[smem:$0x3FA0] =	sst s0  }
0x9: {  	[smem:$0x3FA1] =	sst s1  }
0xa: {  	[smem:$0x3FA2] =	sst s2  }
0xb: {  	[smem:$0x3FA3] =	sst s3  }
0xc: {  	[smem:$0x3FA4] =	sst s4  }
0xd: {  	[smem:$0x3FA5] =	sst s5  }
0xe: {  	[smem:$0x3FA6] =	sst s6  }
0xf: {  	[smem:$0x3FA7] =	sst s7  }
0x10: {  	[smem:$0x3FA8] =	sst s8  }
0x11: {  	[smem:$0x3FA9] =	sst s9;
	s0 =	simm.s32 @!p0 $0x0  }
0x12: {  	s1 =	sld [smem:$0x3F8F];
	s0 =	simm.s32 @p0 $0x1  }
0x13: {  	[smem:$0x3FAA] =	sst s0;
	s0 =	simm.s32 @!p1 $0x0  }
0x14: {  	s2 =	sld [smem:$0x3F8E];
	s0 =	simm.s32 @p1 $0x1  }
0x15: {  	[smem:$0x3FAB] =	sst s0;
	s0 =	simm.s32 @!p2 $0x0  }
0x16: {  	s3 =	sld [smem:$0x3FDB];
	s0 =	simm.s32 @p2 $0x1  }
0x17: {  	s4 =	simm.s32 $0x1BF5;
	[smem:$0x3FAD] =	sst s0  }
0x18: {  	s0 =	sld [smem:$0x3F90];
	_ =	swait.ge [sflag:s4], $0x0  }
0x19: {  	s7 =	sld [smem:$0x3F91]  }
0x1a: {  	s8 =	sadd.s32 $0xFFFFE003, lr  }
0x1b: {  	s9 =	sadd.s32 $0xFFFFFEF7, lr;
	s5 =	simm.s32 $0xFFFFFFFF;
	p2 =	slt.u32 s8, $0xFFFFF086  }
0x1c: {  	p1 =	slt.u32 s9, $0xF7A;
	s5 =	simm.s32 @!p2 $0x0  }
0x1d: {  	s5 =	simm.s32 @p1 $0x1;
	p0 =	seq.s32 s7, s2  }
0x1e: {  	s7 =	smul.u32 @!p0 $0xF7A, s2;
	p2 =	seq.s32 @!p0 s5, $0x0  }
0x1f: {  	s9 =	smul.u32 $0xF7A, s1;
	s8 =	simm.s32 @!p0 $0x1BF5;
	p2 =	por !p2, p0  }
0x20: {  	[sflag:s8] =	ssyncset.s32 @!p0 $0xFFFFF086;
	s6 =	sadd.s32 @!p0 s3, s7;
	s7 =	simm.s32 @!p0 $0x108  }
0x21: {  	s3 =	sadd.s32 s3, s9;
	s6 =	sadd.s32 @!p0 $0x88, s6;
	s7 =	simm.s32 @p2 $0x1082  }
0x22: {  	[simem:s7], [sflag:s8] =	dma.local @!p0 [hbm:s6], $0xF7A  }
0x23: {  	s9 =	sor.u32 $0xD0000000, s2;
	s6 =	simm.s32 $0x108;
	_ =	swait.ge @!p0 [sflag:s8], $0x0  }
0x24: {  	s3 =	sadd.s32 $0x88, s3;
	s6 =	simm.s32 @!p1 $0x1082;
	[sflag:s4] =	ssyncset.s32 $0xFFFFF086  }
0x25: {  	[simem:s6], [sflag:s4] =	dma.local [hbm:s3], $0xF7A  }
0x26: {  	[smem:$0x3F91] =	sst s1;
	(tag) =	ssettag s2;
	_ =	strace s9  }
0x27: {  	s1 =	sld [smem:$0x3FA1]  }
0x28: {  	s2 =	sld [smem:$0x3FA2]  }
0x29: {  	s4 =	sld [smem:$0x3FA4]  }
0x2a: {  	p0 =	seq.s32 s5, $0x0;
	s5 =	sld [smem:$0x3FA5]  }
0x2b: {  	s6 =	sld [smem:$0x3FA6]  }
0x2c: {  	s7 =	sld [smem:$0x3FA7]  }
0x2d: {  	s3 =	simm.s32 $0x108;
	s8 =	sld [smem:$0x3FA8]  }
0x2e: {  	s3 =	simm.s32 @!p0 $0x1082;
	s9 =	sld [smem:$0x3FA9]  }
0x2f: {  	lr =	sadd.s32 s0, s3;
	s0 =	sld [smem:$0x3FA0]  }
0x30: {  	s3 =	sld [smem:$0x3FA3]  }
0x31: {  	[smem:$0x3FAC] =	sst s10  }
0x32: {  	s10 =	sld [smem:$0x3FAA];
	_ =	sdelay $0x3  }
0x33: {  	p0 =	seq.s32 s10, $0x1;
	s10 =	sld [smem:$0x3FAC];
	_ =	sdelay $0x3  }
0x34: {  	[smem:$0x3FAC] =	sst s10  }
0x35: {  	s10 =	sld [smem:$0x3FAB];
	_ =	sdelay $0x3  }
0x36: {  	p1 =	seq.s32 s10, $0x1;
	s10 =	sld [smem:$0x3FAC];
	_ =	sdelay $0x3  }
0x37: {  	[smem:$0x3FAC] =	sst s10  }
0x38: {  	s10 =	sld [smem:$0x3FAD]  }
0x39: {  	_ = 	snop;
	(pc) =	sbr.ind lr, $3  }
0x3a: {  	_ = 	snop  }
0x3b: {  	_ = 	snop  }
0x3c: {  	p2 =	seq.s32 s10, $0x1;
	s10 =	sld [smem:$0x3FAC]  }
0x3d: {  	_ =	shalt  }
0x3e: {  	_ =	shalt  }
0x3f: {  	_ =	shalt  }
0x40: {  	_ =	shalt  }
0x41: {  	_ =	shalt  }
0x42: {  	_ =	shalt  }
0x43: {  	_ =	shalt  }
0x44: {  	_ =	shalt  }
0x45: {  	_ =	shalt  }
0x46: {  	_ =	shalt  }
0x47: {  	_ =	shalt  }
0x48: {  	_ =	shalt  }
0x49: {  	_ =	shalt  }
0x4a: {  	_ =	shalt  }
0x4b: {  	_ =	shalt  }
0x4c: {  	_ =	shalt  }
0x4d: {  	_ =	shalt  }
0x4e: {  	_ =	shalt  }
0x4f: {  	_ =	shalt  }
0x50: {  	_ =	shalt  }
0x51: {  	_ =	shalt  }
0x52: {  	_ =	shalt  }
0x53: {  	_ =	shalt  }
0x54: {  	_ =	shalt  }
0x55: {  	_ =	shalt  }
0x56: {  	_ =	shalt  }
0x57: {  	_ =	shalt  }
0x58: {  	_ =	shalt  }
0x59: {  	_ =	shalt  }
0x5a: {  	_ =	shalt  }
0x5b: {  	_ =	shalt  }
0x5c: {  	_ =	shalt  }
0x5d: {  	_ =	shalt  }
0x5e: {  	_ =	shalt  }
0x5f: {  	_ =	shalt  }
0x60: {  	_ =	shalt  }
0x61: {  	_ =	shalt  }
0x62: {  	_ =	shalt  }
0x63: {  	_ =	shalt  }
0x64: {  	_ =	shalt  }
0x65: {  	_ =	shalt  }
0x66: {  	_ =	shalt  }
0x67: {  	_ =	shalt  }
0x68: {  	_ =	shalt  }
0x69: {  	_ =	shalt  }
0x6a: {  	_ =	shalt  }
0x6b: {  	_ =	shalt  }
0x6c: {  	_ =	shalt  }
0x6d: {  	_ =	shalt  }
0x6e: {  	_ =	shalt  }
0x6f: {  	_ =	shalt  }
0x70: {  	_ =	shalt  }
0x71: {  	_ =	shalt  }
0x72: {  	_ =	shalt  }
0x73: {  	_ =	shalt  }
0x74: {  	_ =	shalt  }
0x75: {  	_ =	shalt  }
0x76: {  	_ =	shalt  }
0x77: {  	_ =	shalt  }
0x78: {  	_ =	shalt  }
0x79: {  	_ =	shalt  }
0x7a: {  	_ =	shalt  }
0x7b: {  	_ =	shalt  }
0x7c: {  	_ =	shalt  }
0x7d: {  	_ =	shalt  }
0x7e: {  	_ =	shalt  }
0x7f: {  	_ =	shalt  }
0x80: {  	_ =	shalt  }
0x81: {  	_ =	shalt  }
0x82: {  	_ =	shalt  }
0x83: {  	_ =	shalt  }
0x84: {  	_ =	shalt  }
0x85: {  	_ =	shalt  }
0x86: {  	_ =	shalt  }
0x87: {  	_ =	shalt  }
.Lfunc_end0:
.L_simem_size_0:
called_computation_lowered:
.L_overlay_start_0:
0x88: {  	s2 =	sld [smem:$0x3FD9]  }
0x89: {  	s3 =	sld [smem:$0x3FFE];
	_ =	sdelay $0x1  }
0x8a: {  	s1 =	srdreg.scid  }
0x8b: {  	s0 =	sand.u32 $0x1, s1  }
0x8c: {  	s16 =	sshll.u32 s0, $0xA;
	s2 =	sadd.s32 s3, s2  }
0x8d: {  	s2 =	sadd.s32 s2, s16  }
0x8e: {  	[smem:$0x3FB8] =	sst s2  }
0x8f: {  	_ = 	snop  }
0x90: {  	(tm) =	ssettm $0x1  }
0x91: {  	s17 =	sld [smem:$0x3FFB];
	_ =	sdelay $0x3  }
0x92: {  	_ =	strace s17  }
0x93: {  	s2 =	sld [smem:$0x3FFC];
	_ =	sdelay $0x3  }
0x94: {  	_ =	strace s2  }
0x95: {  	s2 =	sld [smem:$0x3FFD];
	_ =	sdelay $0x3  }
0x96: {  	_ =	strace s2  }
0x97: {  	_ =	strace $0x8FFFFFFF  }
0x98: {  	s18 =	sld [smem:$0x3FDB];
	_ =	sdelay $0x1  }
0x99: {  	s19 =	simm.s32 $_scs_section_size  }
0x9a: {  	s4 =	simm.s32 $_size__tile_overlayer_lowered;
	s5 =	simm.s32 $_tile_overlayer_lowered  }
0x9b: {  	s22 =	simm.s32 $0x1BFF;
	s21 =	sshll.u32 s5, $0x1;
	s2 =	sadd.s32 s19, s18  }
0x9c: {  	s6 =	simm.s32 $0x0;
	s20 =	sshll.u32 s4, $0x1;
	s4 =	sadd.s32 s21, s2  }
0x9d: {  	[timem:s6], [sflag:s22] =	dma.local [hbm:s4], s20  }
0x9e: {  	_ =	swait.ge [sflag:s22], s20  }
0x9f: {  	s3 =	ssub.s32 $0x0, s20;
	[sflag:s22] =	ssyncset.done $0x0  }
0xa0: {  	[sflag:s22] =	ssyncadd.s32 s3;
	_ =	sdelay $0x1  }
0xa1: {  	s23 =	simm.s32 $0x1B8B  }
0xa2: {  	_ =	swait.ge [sflag:s23], $0x1  }
0xa3: {  	[sflag:s23] =	ssyncset.done $0x0  }
0xa4: {  	s25 =	simm.s32 $0x1B8E;
	s24 =	sld [smem:$0x3FFE];
	[sflag:s23] =	ssyncadd.s32 $0xFFFFFFFF  }
0xa5: {  	s26 =	simm.s32 $execute0_lowered;
	[smem:$0x3FD2] =	sst s25  }
0xa6: {  	s4 =	sshll.u32 s26, $0x1;
	_ =	strace $0x80000046;
	[dreg:$0x1] =	wrdreg $0xFFFFFFFF  }
0xa7: {  	s28 =	simm.s32 $_size_execute0_lowered;
	s2 =	sadd.s32 s2, s4;
	[dreg:$0x0] =	wrdreg $0x0  }
0xa8: {  	s4 =	sshll.u32 s28, $0x1;
	[dreg:$0x2] =	wrdreg s2  }
0xa9: {  	[dreg:$0x3] =	wrdreg s4  }
0xaa: {  	[dreg:$0x4] =	wrdreg $0xC0  }
0xab: {  	_ =	task [dreg:s6], $0x5FFFF  }
0xac: {  	[dreg:$0x1] =	wrdreg $0xFFFFFFFF  }
0xad: {  	[dreg:$0x0] =	wrdreg $0x60  }
0xae: {  	[dreg:$0x2] =	wrdreg s24  }
0xaf: {  	[dreg:$0x3] =	wrdreg $0x8000  }
0xb0: {  	[dreg:$0x4] =	wrdreg $0x9  }
0xb1: {  	_ =	task.clear_ibuf [dreg:s6], $0x5FFFF;
	_ =	strace $0x90000046  }
0xb2: {  	s29 =	simm.s32 $0x9;
	_ =	strace $0x80000048  }
0xb3: {  	_ =	swait.ge [sflag:s29], $0x1  }
0xb4: {  	[sflag:s29] =	ssyncadd.s32 $0xFFFFFFFF  }
0xb5: {  	_ =	strace $0x90000048  }
0xb6: {  	_ =	sfence  }
0xb7: {  	s30 =	sld [smem:$0x0];
	_ =	sdelay $0x2  }
0xb8: {  	s31 =	sshll.u32 s1, $0xD;
	s1 =	sshrl.u32 s1, $0x2  }
0xb9: {  	s3 =	sand.u32 $0x4000, s31;
	s1 =	sadd.s32 s1, s30  }
0xba: {  	s0 =	sor.u32 s3, s0;
	s1 =	sshll.u32 s1, $0x11  }
0xbb: {  	s0 =	sor.u32 s1, s0  }
0xbc: {  	s0 =	sadd.s32 $0x8F2B, s0  }
0xbd: {  	[sflag:s0] =	ssyncadd.remote.s32 $0x1  }
0xbe: {  	_ =	sfence.sel $0xFFFF  }
0xbf: {  	[dreg:$0x0] =	wrdreg $0xFFFFFFFF;
	(pc) =	sbr.abs _section_cstart, $3  }
0xc0: {  	[dreg:$0x1] =	wrdreg $0xFFFFFFFF  }
0xc1: {  	_ =	task.clear_ibuf [dreg:s6], $0x2FFFF;
	_ =	strace $0x9FFFFFFF  }
0xc2: {  	(tm) =	ssettm $0x7FFFFFFF  }
0xc3: {  	_ =	shalt  }
tec
execute0_lowered:
.L_overlay_start_1:
0x0: {  	(tag) =	ssettag $0x1  }
0x1: {  	s0 =	srdreg.scid;
	s5 =	rddreg [dreg:$0x0]  }
0x2: {  	s2 =	rddreg [dreg:$0x1];
	s4 =	sand.u32 $0x1, s0  }
0x3: {  	s0 =	stileid.u32;
	s6 =	smul.u32 $0x64000, s4  }
0x4: {  	s1 =	rddreg [dreg:$0x2];
	s3 =	simm.s32 $0x0;
	s7 =	smul.u32 $0x6400, s0  }
0x5: {  	s11 =	simm.s32 $0x400;
	[smem:$0x7FF] =	sst s3;
	s8 =	smul.u32 $0xC80, s0  }
0x6: {  	s12 =	simm.s32 $0x0;
	s26 =	smul.u32 $0xC800, s4;
	_ =	strace $0x80000047  }
0x7: {  	s29 =	ssub.s32 $0x2, s4;
	s4 =	sadd.s32 $0x4F400, s5;
	s30 =	sshll.u32 s0, $0x6  }
0x8: {  	s10 =	sshrl.u32 s29, $0x1;
	s6 =	sadd.s32 s7, s6;
	s28 =	sadd.s32 s8, s26  }
0x9: {  	s7 =	ssub.s32 s29, s10;
	s31 =	sadd.s32 s8, s2;
	s6 =	sshrl.u32 s6, $0x3  }
0xa: {  	s10 =	simm.s32 $0x1;
	s9 =	sadd.s32 s6, s5;
	s6 =	sshrl.u32 s28, $0x3  }
0xb: {  	s7 =	smax.u32 s7, $0x1;
	s6 =	sadd.s32 s6, s5;
	s5 =	sor.u32 $0x1C01, s30  }
0xc: {  	v0 =	vimm.f32 $1.000000000e+00;
	s8 =	sadd.s32 $0x1D400, s9;
	s9 =	sshrl.u32 s31, $0x3;
	s6 =	sadd.s32 $0x4F600, s6  }
.LBB2_1:
0xd: {  	[spmem:s9], [sflag:s5] =	dma.local [hbm:s4], $0x190  }
0xe: {  	_ =	swait.ge [sflag:s10], $0x190  }
0xf: {  	[sflag:s10] =	ssyncset.done $0x0  }
0x10: {  	[sflag:s10] =	ssyncadd.s32 $0xFFFFFE70  }
0x11: {  	[tilespmem:$0x400] =	vst v0  }
0x12: {  	[tilespmem:$0x410] =	vst v0  }
0x13: {  	[tilespmem:$0x420] =	vst v0  }
0x14: {  	[tilespmem:$0x430] =	vst v0  }
0x15: {  	[tilespmem:$0x440] =	vst v0  }
0x16: {  	[tilespmem:$0x450] =	vst v0  }
0x17: {  	[tilespmem:$0x460] =	vst v0  }
0x18: {  	[tilespmem:$0x470] =	vst v0  }
0x19: {  	[tilespmem:$0x480] =	vst v0  }
0x1a: {  	[tilespmem:$0x490] =	vst v0  }
0x1b: {  	[tilespmem:$0x4A0] =	vst v0  }
0x1c: {  	[tilespmem:$0x4B0] =	vst v0  }
0x1d: {  	[tilespmem:$0x4C0] =	vst v0  }
0x1e: {  	[tilespmem:$0x4D0] =	vst v0  }
0x1f: {  	[tilespmem:$0x4E0] =	vst v0  }
0x20: {  	[tilespmem:$0x4F0] =	vst v0  }
0x21: {  	[tilespmem:$0x500] =	vst v0  }
0x22: {  	[tilespmem:$0x510] =	vst v0  }
0x23: {  	[tilespmem:$0x520] =	vst v0  }
0x24: {  	[tilespmem:$0x530] =	vst v0  }
0x25: {  	[tilespmem:$0x540] =	vst v0  }
0x26: {  	[tilespmem:$0x550] =	vst v0  }
0x27: {  	[tilespmem:$0x560] =	vst v0  }
0x28: {  	[tilespmem:$0x570] =	vst v0  }
0x29: {  	[tilespmem:$0x580] =	vst v0  }
0x2a: {  	[tilespmem:$0x590] =	vst v0  }
0x2b: {  	[tilespmem:$0x5A0] =	vst v0  }
0x2c: {  	[tilespmem:$0x5B0] =	vst v0  }
0x2d: {  	[tilespmem:$0x5C0] =	vst v0  }
0x2e: {  	[tilespmem:$0x5D0] =	vst v0  }
0x2f: {  	[tilespmem:$0x5E0] =	vst v0  }
0x30: {  	[tilespmem:$0x5F0] =	vst v0  }
0x31: {  	[tilespmem:$0x600] =	vst v0  }
0x32: {  	[tilespmem:$0x610] =	vst v0  }
0x33: {  	[tilespmem:$0x620] =	vst v0  }
0x34: {  	[tilespmem:$0x630] =	vst v0  }
0x35: {  	[tilespmem:$0x640] =	vst v0  }
0x36: {  	[tilespmem:$0x650] =	vst v0  }
0x37: {  	[tilespmem:$0x660] =	vst v0  }
0x38: {  	[tilespmem:$0x670] =	vst v0  }
0x39: {  	[tilespmem:$0x680] =	vst v0  }
0x3a: {  	[tilespmem:$0x690] =	vst v0  }
0x3b: {  	[tilespmem:$0x6A0] =	vst v0  }
0x3c: {  	[tilespmem:$0x6B0] =	vst v0  }
0x3d: {  	[tilespmem:$0x6C0] =	vst v0  }
0x3e: {  	[tilespmem:$0x6D0] =	vst v0  }
0x3f: {  	[tilespmem:$0x6E0] =	vst v0  }
0x40: {  	[tilespmem:$0x6F0] =	vst v0  }
0x41: {  	[tilespmem:$0x700] =	vst v0  }
0x42: {  	[tilespmem:$0x710] =	vst v0  }
0x43: {  	[tilespmem:$0x720] =	vst v0  }
0x44: {  	[tilespmem:$0x730] =	vst v0  }
0x45: {  	[tilespmem:$0x740] =	vst v0  }
0x46: {  	[tilespmem:$0x750] =	vst v0  }
0x47: {  	[tilespmem:$0x760] =	vst v0  }
0x48: {  	[tilespmem:$0x770] =	vst v0  }
0x49: {  	[tilespmem:$0x780] =	vst v0  }
0x4a: {  	[tilespmem:$0x790] =	vst v0  }
0x4b: {  	[tilespmem:$0x7A0] =	vst v0  }
0x4c: {  	[tilespmem:$0x7B0] =	vst v0  }
0x4d: {  	[tilespmem:$0x7C0] =	vst v0  }
0x4e: {  	[tilespmem:$0x7D0] =	vst v0  }
0x4f: {  	[tilespmem:$0x7E0] =	vst v0  }
0x50: {  	[tilespmem:$0x7F0] =	vst v0  }
0x51: {  	s13 =	sadd.s32 $0x0, s8;
	[bflag:$0x0] =	sbarrier.arrive $0xFFFF  }
0x52: {  	[tilespmem:s3], [sflag:$0x1] =	stream.linear.gather [hbm4b:s13+s3], $0x400, $0x38;
	[tilespmem:$0x1480] =	vst v63  }
0x53: {  	_ =	swait.ge [sflag:s10], $0x400  }
0x54: {  	[sflag:s10] =	ssyncset.done $0x0  }
0x55: {  	[sflag:s10] =	ssyncadd.s32 $0xFFFFFC00  }
0x56: {  	[spmem:s2] =	stream.indirect.scatter.add.f32 [tilespmem:s11], [sflag:$0x1], $0x1, s3, s11, $0xb8;
	[tilespmem:$0x1480] =	vst v63  }
0x57: {  	_ =	swait.ge [sflag:s10], $0x400  }
0x58: {  	s14 =	simm.s32 $0x100;
	s13 =	simm.s32 $0x80;
	[sflag:s10] =	ssyncset.done $0x0  }
.LBB2_2:
0x59: {  	s15 =	sadd.s32 s13, s8  }
0x5a: {  	[sflag:s10] =	ssyncadd.s32 $0xFFFFFC00;
	s13 =	smov.u32 s14;
	s16 =	sadd.s32 $0x80, s14  }
0x5b: {  	[tilespmem:s3], [sflag:$0x1] =	stream.linear.gather [hbm4b:s15+s3], $0x400, $0x38;
	[tilespmem:$0x1480] =	vst v63  }
0x5c: {  	p0 =	sne.s32 s14, $0xC00;
	_ =	swait.ge [sflag:s10], $0x400  }
.Ltmp0:
0x5d: {  	[sflag:s10] =	ssyncset.done $0x0;
	(pc) =	sbr.rel @p0 .LBB2_2-.Ltmp0, $4  }
0x5e: {  	[sflag:s10] =	ssyncadd.s32 $0xFFFFFC00  }
0x5f: {  	[spmem:s2] =	stream.indirect.scatter.add.f32 [tilespmem:s11], [sflag:$0x1], $0x1, s3, s11, $0xb8;
	[tilespmem:$0x1480] =	vst v63  }
0x60: {  	_ =	swait.ge [sflag:s10], $0x400  }
0x61: {  	s14 =	smov.u32 s16;
	[sflag:s10] =	ssyncset.done $0x0  }
0x62: {  	s13 =	sadd.s32 s13, s8;
	[sflag:s10] =	ssyncadd.s32 $0xFFFFFC00  }
0x63: {  	[tilespmem:s3], [sflag:$0x1] =	stream.linear.gather [hbm4b:s13+s3], $0x400, $0x38;
	[tilespmem:$0x1480] =	vst v63  }
0x64: {  	_ =	swait.ge [sflag:s10], $0x400  }
0x65: {  	[sflag:s10] =	ssyncset.done $0x0  }
0x66: {  	[sflag:s10] =	ssyncadd.s32 $0xFFFFFC00  }
0x67: {  	[spmem:s2] =	stream.indirect.scatter.add.f32 [tilespmem:s11], [sflag:$0x1], $0x1, s3, s11, $0xb8;
	[tilespmem:$0x1480] =	vst v63  }
0x68: {  	_ =	swait.ge [sflag:s10], $0x400  }
0x69: {  	s12 =	sadd.s32 $0x1, s12;
	[sflag:s10] =	ssyncset.done $0x0  }
0x6a: {  	p0 =	sne.s32 s12, s7;
	[sflag:s10] =	ssyncadd.s32 $0xFFFFFC00  }
.Ltmp1:
0x6b: {  	[bflag:$0x0] =	sbarrier.arrive $0xFFFF;
	(pc) =	sbr.rel @p0 .LBB2_1-.Ltmp1, $4  }
0x6c: {  	[hbm:s6], [sflag:s5] =	dma.local [spmem:s9], $0x190  }
0x6d: {  	_ =	swait.ge [sflag:s10], $0x190  }
0x6e: {  	[sflag:s10] =	ssyncset.done $0x0  }
0x6f: {  	[sflag:s10] =	ssyncadd.s32 $0xFFFFFE70  }
0x70: {  	_ =	sfence.sel $0x180000  }
0x71: {  	[bflag:$0x0] =	sbarrier.arrive $0xFFFF  }
0x72: {  	p0 =	sne.s32 s0, $0x0;
	_ =	strace $0x90000047  }
0x73: {  	s0 =	sadd.s32 @!p0 $0x100000, s1;
	[bflag:$0x2] =	sbarrier.arrive $0xFFFF  }
0x74: {  	[sflag:s0] =	ssyncadd.tile.s32 @!p0 $0x1;
	_ =	shalt  }
.Lfunc_end2:
_tile_overlayer_lowered:
.L_overlay_start_2:
0x75: {  	(tag) =	ssettag $0x2  }
0x76: {  	s0 =	rddreg [dreg:$0x0];
	s2 =	stileid.u32  }
0x77: {  	s1 =	rddreg [dreg:$0x1];
	p0 =	sne.s32 s2, $0x0  }
0x78: {  	s3 =	rddreg [dreg:$0x2];
	[bflag:$0x3] =	sbarrier.arrive $0xFFFF;
	s2 =	simm.s32 @!p0 $0x1C01  }
0x79: {  	[timem:s3], [sflag:s2] =	dma.local @!p0 [hbm:s0], s1  }
0x7a: {  	s0 =	simm.s32 @!p0 $0x1  }
0x7b: {  	_ =	swait.ge @!p0 [sflag:s0], s1  }
0x7c: {  	s1 =	ssub.s32 @!p0 $0x0, s1;
	[sflag:s0] =	ssyncset.done @!p0 $0x0  }
0x7d: {  	[sflag:s0] =	ssyncadd.s32 @!p0 s1  }
0x7e: {  	[bflag:$0x3] =	sbarrier.arrive $0xFFFF  }
0x7f: {  	_ =	shalt  }

</sc_bundles>
